<compile_context>
chip_gen: v7x
topology: tpu7x:2x2x1
jax: 0.10.2.dev20260603
libtpu: 0.0.44.dev20260713+nightly
codegen_flags: <defaults>
</compile_context>

<pallas_src>
import functools

import jax
import jax.numpy as jnp
from jax import lax
from jax.experimental import pallas as pl
from jax.experimental.pallas import tpu as pltpu
from jax.experimental.pallas import tpu_sc as plsc

_N = 10000
_E = 320000
_D = 128
_G = 64

_NSC = 2
_NT = 16
_NW = _NSC * _NT
_EPW = _E // _NW
_CH = 80
_NCH = _EPW // _CH
_NPAD = 10240
_RPT = _NPAD // _NT


@functools.lru_cache(maxsize=1)
def _get_sc_aggregate():
    mesh = plsc.VectorSubcoreMesh(core_axis_name="c", subcore_axis_name="s")
    return functools.partial(
        pl.kernel,
        mesh=mesh,
        out_type=jax.ShapeDtypeStruct((_NSC, _NPAD, _D), jnp.float32),
        scratch_types=[
            pltpu.VMEM((1, 2, _CH), jnp.int32),
            pltpu.VMEM((1, _CH, _D), jnp.float32),
            pltpu.VMEM((1, _CH, _D), jnp.float32),
            pltpu.VMEM_SHARED((_NPAD, _D), jnp.float32),
            pltpu.SemaphoreType.DMA,
        ],
    )(_sc_aggregate_body)


def _sc_aggregate_body(h_hbm, e_hbm, sd_hbm, out_hbm,
                       sdb, rows, erows, agg, sem):
    c = lax.axis_index("c")
    s = lax.axis_index("s")
    wid = s * _NSC + c

    zero = jnp.zeros((16,), jnp.float32)

    def zrow(r, _):
        for j in range(_D // 16):
            erows[0, r, pl.ds(j * 16, 16)] = zero
        return 0

    lax.fori_loop(0, _CH, zrow, 0)
    for k in range(_RPT // _CH):
        pltpu.sync_copy(erows.at[0], agg.at[pl.ds(s * _RPT + k * _CH, _CH)])
    plsc.subcore_barrier()

    def chunk(i, _):
        pltpu.sync_copy(sd_hbm.at[wid, i], sdb.at[0])
        pltpu.async_copy(h_hbm.at[sdb.at[0, 0]], rows.at[0], sem).wait()
        pltpu.sync_copy(e_hbm.at[pl.ds(wid * _EPW + i * _CH, _CH)],
                        erows.at[0])

        def rbody(r, _):
            for j in range(_D // 16):
                v = (rows[0, r, pl.ds(j * 16, 16)]
                     + erows[0, r, pl.ds(j * 16, 16)])
                rows[0, r, pl.ds(j * 16, 16)] = jnp.maximum(v, 0.0)
            return 0

        lax.fori_loop(0, _CH, rbody, 0)
        pltpu.sync_copy(rows.at[0], agg.at[sdb.at[0, 1]], add=True)
        return 0

    lax.fori_loop(0, _NCH, chunk, 0)
    plsc.subcore_barrier()
    pltpu.sync_copy(agg.at[pl.ds(s * _RPT, _RPT)],
                    out_hbm.at[c, pl.ds(s * _RPT, _RPT)])


@functools.lru_cache(maxsize=1)
def _get_sc_refresh():
    mesh = plsc.VectorSubcoreMesh(core_axis_name="c", subcore_axis_name="s")
    return functools.partial(
        pl.kernel,
        mesh=mesh,
        out_type=[jax.ShapeDtypeStruct((_N, _D), jnp.float32)
                  for _ in range(3)],
        scratch_types=[pltpu.VMEM((104, _D), jnp.float32)],
    )(_sc_refresh_body)


def _sc_refresh_body(a_hbm, b_hbm, c_hbm, ao_hbm, bo_hbm, co_hbm, buf):
    c = lax.axis_index("c")
    s = lax.axis_index("s")

    @pl.when(c == 0)
    def _copy():
        for src, dst in ((a_hbm, ao_hbm), (b_hbm, bo_hbm), (c_hbm, co_hbm)):
            def chunk(k, _):
                base = s * 624 + k * 104
                pltpu.sync_copy(src.at[pl.ds(base, 104)], buf)
                pltpu.sync_copy(buf, dst.at[pl.ds(base, 104)])
                return 0

            lax.fori_loop(0, 6, chunk, 0)

            @pl.when(s == 15)
            def _tail():
                pltpu.sync_copy(src.at[pl.ds(9984, 16)],
                                buf.at[pl.ds(0, 16)])
                pltpu.sync_copy(buf.at[pl.ds(0, 16)],
                                dst.at[pl.ds(9984, 16)])


def _edge_embed(edge_attr, W, b):
    BE = 2000

    def body(ea_ref, w_ref, b_ref, o_ref):
        o_ref[...] = (
            jnp.dot(ea_ref[...], w_ref[...], preferred_element_type=jnp.float32)
            + b_ref[...]
        )

    return pl.pallas_call(
        body,
        grid=(_E // BE,),
        in_specs=[
            pl.BlockSpec((BE, 16), lambda i: (i, 0)),
            pl.BlockSpec((16, _D), lambda i: (0, 0)),
            pl.BlockSpec((_D,), lambda i: (0,)),
        ],
        out_specs=pl.BlockSpec((BE, _D), lambda i: (i, 0)),
        out_shape=jax.ShapeDtypeStruct((_E, _D), jnp.float32),
    )(edge_attr, W, b)


def _node_mlp(h, agg, carry, W1, b1, W2, b2):
    BR = 1000

    def body(h_ref, a_ref, c_ref, w1_ref, b1_ref, w2_ref, b2_ref,
             o_ref, p_ref, q_ref):
        z = h_ref[...] + a_ref[0] + a_ref[1]
        z = jnp.maximum(
            jnp.dot(z, w1_ref[...], preferred_element_type=jnp.float32)
            + b1_ref[...],
            0.0,
        )
        o_ref[...] = (
            jnp.dot(z, w2_ref[...], preferred_element_type=jnp.float32)
            + b2_ref[...]
        )
        p_ref[...] = h_ref[...]
        q_ref[...] = c_ref[...]

    return pl.pallas_call(
        body,
        grid=(_N // BR,),
        in_specs=[
            pl.BlockSpec((BR, _D), lambda i: (i, 0)),
            pl.BlockSpec((_NSC, BR, _D), lambda i: (0, i, 0)),
            pl.BlockSpec((BR, _D), lambda i: (i, 0)),
            pl.BlockSpec((_D, _D), lambda i: (0, 0)),
            pl.BlockSpec((_D,), lambda i: (0,)),
            pl.BlockSpec((_D, _D), lambda i: (0, 0)),
            pl.BlockSpec((_D,), lambda i: (0,)),
        ],
        out_specs=[
            pl.BlockSpec((BR, _D), lambda i: (i, 0)),
            pl.BlockSpec((BR, _D), lambda i: (i, 0)),
            pl.BlockSpec((BR, _D), lambda i: (i, 0)),
        ],
        out_shape=[
            jax.ShapeDtypeStruct((_N, _D), jnp.float32),
            jax.ShapeDtypeStruct((_N, _D), jnp.float32),
            jax.ShapeDtypeStruct((_N, _D), jnp.float32),
        ],
    )(h, agg, carry, W1, b1, W2, b2)


def _pool_classify(h1, h2, h3, batch3, W_jk, b_jk, W_fc1, b_fc1,
                   gamma, beta, W_fc2, b_fc2):
    BR = 1000
    NB = _N // BR

    def body(h1_ref, h2_ref, h3_ref, b_ref, wjk_ref, bjk_ref, wf1_ref,
             bf1_ref, g_ref, be_ref, wf2_ref, bf2_ref, o_ref):
        dn = (((0,), (0,)), ((), ()))
        pooled = [jnp.zeros((_G, _D), jnp.float32) for _ in range(3)]
        cnt = jnp.zeros((_G, _D), jnp.float32)
        for blk in range(NB):
            bvec = b_ref[blk, 0, :]
            oh = (bvec[:, None] == lax.broadcasted_iota(
                jnp.int32, (BR, _G), 1)).astype(jnp.float32)
            for idx, href in enumerate((h1_ref, h2_ref, h3_ref)):
                hb = href[pl.ds(blk * BR, BR), :]
                pooled[idx] = pooled[idx] + lax.dot_general(
                    oh, hb, dn, preferred_element_type=jnp.float32)
            cnt = cnt + lax.dot_general(
                oh, jnp.ones((BR, _D), jnp.float32), dn,
                preferred_element_type=jnp.float32)
        cntc = jnp.maximum(cnt[:, 0:1], 1.0)
        pcat = jnp.concatenate(pooled, axis=1)
        t = (pcat / cntc) @ wjk_ref[...] + bjk_ref[...]
        t = jnp.dot(t, wf1_ref[...], preferred_element_type=jnp.float32)
        t = t + bf1_ref[...]
        mu = jnp.mean(t, axis=0, keepdims=True)
        var = jnp.mean((t - mu) ** 2, axis=0, keepdims=True)
        t = (t - mu) / jnp.sqrt(var + 1e-5) * g_ref[...] + be_ref[...]
        t = jnp.where(t >= 0.0, t, 0.01 * t)
        logits = (
            jnp.dot(t, wf2_ref[...], preferred_element_type=jnp.float32)
            + bf2_ref[...]
        )
        m = jnp.max(logits, axis=1, keepdims=True)
        sh = logits - m
        lse = jnp.log(jnp.sum(jnp.exp(sh), axis=1, keepdims=True))
        o_ref[...] = sh - lse

    return pl.pallas_call(
        body,
        grid=(1,),
        in_specs=[
            pl.BlockSpec((_N, _D), lambda i: (0, 0)),
            pl.BlockSpec((_N, _D), lambda i: (0, 0)),
            pl.BlockSpec((_N, _D), lambda i: (0, 0)),
            pl.BlockSpec((NB, 1, BR), lambda i: (0, 0, 0)),
            pl.BlockSpec((3 * _D, _D), lambda i: (0, 0)),
            pl.BlockSpec((_D,), lambda i: (0,)),
            pl.BlockSpec((_D, 32), lambda i: (0, 0)),
            pl.BlockSpec((32,), lambda i: (0,)),
            pl.BlockSpec((32,), lambda i: (0,)),
            pl.BlockSpec((32,), lambda i: (0,)),
            pl.BlockSpec((32, 2), lambda i: (0, 0)),
            pl.BlockSpec((2,), lambda i: (0,)),
        ],
        out_specs=pl.BlockSpec((_G, 2), lambda i: (0, 0)),
        out_shape=jax.ShapeDtypeStruct((_G, 2), jnp.float32),
    )(h1, h2, h3, batch3, W_jk, b_jk, W_fc1, b_fc1, gamma, beta, W_fc2, b_fc2)


def kernel(x, edge_index, edge_attr, batch, params):
    sd4 = jnp.stack([edge_index[0].reshape(_NW, _NCH, _CH),
                     edge_index[1].reshape(_NW, _NCH, _CH)], axis=2)

    layers = params["layers"]
    es = [_edge_embed(edge_attr, lyr["W_e"], lyr["b_e"]) for lyr in layers]

    sc_aggregate = _get_sc_aggregate()
    batch3 = batch.reshape(_N // 1000, 1, 1000)
    agg = sc_aggregate(x, es[0], sd4)
    h1, _, _ = _node_mlp(x, agg, x, layers[0]["W1"], layers[0]["b1"],
                         layers[0]["W2"], layers[0]["b2"])
    agg = sc_aggregate(h1, es[1], sd4)
    h2, h1b, _ = _node_mlp(h1, agg, x, layers[1]["W1"], layers[1]["b1"],
                           layers[1]["W2"], layers[1]["b2"])
    agg = sc_aggregate(h2, es[2], sd4)
    h3, h2b, h1c = _node_mlp(h2, agg, h1b, layers[2]["W1"], layers[2]["b1"],
                             layers[2]["W2"], layers[2]["b2"])
    h1f, h2f, h3f = _get_sc_refresh()(h1c, h2b, h3)

    return _pool_classify(
        h1f, h2f, h3f, batch3,
        params["W_jk"], params["b_jk"],
        params["W_fc1"], params["b_fc1"],
        params["gamma"], params["beta"],
        params["W_fc2"], params["b_fc2"],
    )

# --- scband reference (transcript-rebuilt; emitter-appended) ---
"""Pipeline reference for scband-gnnclassifier-3195455668905 (READ-ONLY COPY).

The authoritative reference and input builder live on the scoring server;
editing this copy changes nothing except your own understanding.
"""

import jax, jax.numpy as jnp
import numpy as np

N = 10000
E = 320000
IN = 128
HID = 128
EDGE = 16
L = 3
NC = 2
G = 64


def setup_inputs(seed: int = 0) -> dict:
    key = jax.random.key(seed)
    ks = jax.random.split(key, 40)
    x = jax.random.normal(ks[0], (N, IN), dtype=jnp.float32)
    edge_index = jax.random.randint(ks[1], (2, E), 0, N, dtype=jnp.int32)
    edge_attr = jax.random.normal(ks[2], (E, EDGE), dtype=jnp.float32)
    batch = jnp.sort(jax.random.randint(ks[3], (N,), 0, G, dtype=jnp.int32))
    layers = []
    d_in = IN
    kidx = 4
    for l in range(L):
        layers.append({
            'W_e': jax.random.normal(ks[kidx], (EDGE, d_in), dtype=jnp.float32) * 0.1,
            'b_e': jnp.zeros((d_in,), jnp.float32),
            'W1': jax.random.normal(ks[kidx + 1], (d_in, HID), dtype=jnp.float32) * (1.0 / np.sqrt(d_in)),
            'b1': jnp.zeros((HID,), jnp.float32),
            'W2': jax.random.normal(ks[kidx + 2], (HID, HID), dtype=jnp.float32) * (1.0 / np.sqrt(HID)),
            'b2': jnp.zeros((HID,), jnp.float32),
        })
        kidx += 3
        d_in = HID
    params = {
        'layers': layers,
        'W_jk': jax.random.normal(ks[kidx], (L * HID, HID), dtype=jnp.float32) * (1.0 / np.sqrt(L * HID)),
        'b_jk': jnp.zeros((HID,), jnp.float32),
        'W_fc1': jax.random.normal(ks[kidx + 1], (HID, 32), dtype=jnp.float32) * (1.0 / np.sqrt(HID)),
        'b_fc1': jnp.zeros((32,), jnp.float32),
        'gamma': jnp.ones((32,), jnp.float32),
        'beta': jnp.zeros((32,), jnp.float32),
        'W_fc2': jax.random.normal(ks[kidx + 2], (32, NC), dtype=jnp.float32) * (1.0 / np.sqrt(32)),
        'b_fc2': jnp.zeros((NC,), jnp.float32),
    }
    return {'x': x, 'edge_index': edge_index, 'edge_attr': edge_attr, 'batch': batch, 'params': params}


def _forward(x, edge_index, edge_attr, batch, params):
    src = edge_index[0]
    dst = edge_index[1]
    xs = []
    h = x
    for layer in params['layers']:
        # GINEConv: msg = relu(x_src + lin(edge_attr)); aggr = sum at dst
        e = edge_attr @ layer['W_e'] + layer['b_e']
        msg = jax.nn.relu(h[src] + e)
        agg = jax.ops.segment_sum(msg, dst, num_segments=N)
        z = (1.0 + 0.0) * h + agg  # eps = 0 (train_eps=False default)
        z = jax.nn.relu(z @ layer['W1'] + layer['b1'])
        h = z @ layer['W2'] + layer['b2']
        xs.append(h)
    # JumpingKnowledge 'cat' + final linear projection to hidden_channels
    hcat = jnp.concatenate(xs, axis=1)
    h = hcat @ params['W_jk'] + params['b_jk']
    # global_mean_pool over graphs
    sums = jax.ops.segment_sum(h, batch, num_segments=G)
    cnt = jax.ops.segment_sum(jnp.ones((h.shape[0], 1), jnp.float32), batch, num_segments=G)
    t = sums / jnp.maximum(cnt, 1.0)
    # dropout p=0.0 -> identity
    t = t @ params['W_fc1'] + params['b_fc1']
    # BatchNorm1d(track_running_stats=False): always uses batch stats
    mu = jnp.mean(t, axis=0)
    var = jnp.var(t, axis=0)
    t = (t - mu) / jnp.sqrt(var + 1e-5) * params['gamma'] + params['beta']
    # LeakyReLU (default slope 0.01)
    t = jnp.where(t >= 0, t, 0.01 * t)
    out = t @ params['W_fc2'] + params['b_fc2']
    return jax.nn.log_softmax(out, axis=1)


def reference(x, edge_index, edge_attr, batch, params):
    return _forward(x, edge_index, edge_attr, batch, params)

if __name__ == "__main__":
    import jax
    _d = setup_inputs()
    print(jax.jit(kernel)(*tuple(_d.values())))

</pallas_src>

<mosaic_0001>
#map = affine_map<(d0, d1) -> (0, 0)>
#map1 = affine_map<(d0, d1) -> (0, 0, 0, 0)>
#map2 = affine_map<(d0, d1) -> (0, 0, 0)>
module attributes {stable_mosaic.version = 14 : i64} {
  func.func @_sc_aggregate_body(%arg0: i32, %arg1: i32, %arg2: memref<10000x128xf32, #tpu.memory_space<hbm>>, %arg3: memref<320000x128xf32, #tpu.memory_space<hbm>>, %arg4: memref<32x125x2x80xi32, #tpu.memory_space<hbm>>, %arg5: memref<2x10240x128xf32, #tpu.memory_space<hbm>>, %arg6: memref<1x2x80xi32, #tpu.memory_space<vmem>>, %arg7: memref<1x80x128xf32, #tpu.memory_space<vmem>>, %arg8: memref<1x80x128xf32, #tpu.memory_space<vmem>>, %arg9: memref<10240x128xf32, #tpu.memory_space<vmem_shared>>, %arg10: memref<!tpu.dma_semaphore, #tpu.memory_space<semaphore_mem>>) attributes {dimension_semantics = [#tpu.dimension_semantics<core_parallel>, #tpu.dimension_semantics<subcore_parallel>], iteration_bounds = array<i64: 2, 16>, scalar_prefetch = 0 : i64, scratch_operands = 5 : i64, tpu.core_type = #tpu.core_type<sc_vector_subcore>, window_params = [{transform_indices = #map}, {transform_indices = #map}, {transform_indices = #map1}, {transform_indices = #map2}]} {
    %mul3A = arith.constant 2 : i32
    %mul3A_0 = arith.muli %arg1, %mul3A : i32
    %add3A = arith.addi %mul3A_0, %arg0 : i32
    %broadcast_in_dim3A = arith.constant 0.000000e+00 : f32
    %broadcast_in_dim3A_1 = vector.broadcast %broadcast_in_dim3A : f32 to vector<16xf32>
    %scan3A = arith.constant 0 : i32
    %scan3A_2 = arith.constant 0 : i32
    %scan3A_3 = arith.constant 80 : i32
    %scan3A_4 = arith.addi %scan3A_2, %scan3A_3 : i32
    %scan3A_5 = arith.constant 1 : i32
    %scan3A_6 = scf.for %scan3A_59 = %scan3A_2 to %scan3A_4 step %scan3A_5 iter_args(%scan3A_60 = %scan3A) -> (i32)  : i32 {
      %swap3A = arith.constant 0 : i32
      %swap3A_61 = arith.index_cast %swap3A : i32 to index
      %swap3A_62 = arith.index_cast %scan3A_59 : i32 to index
      %swap3A_63 = arith.constant 0 : index
      %swap3A_64 = tpu.vector_load %arg8[%swap3A_61, %swap3A_62, %swap3A_63] {strides = array<i32>} : memref<1x80x128xf32, #tpu.memory_space<vmem>>, vector<1x1x16xf32>,
      %swap3A_65 = vector.shape_cast %swap3A_64 : vector<1x1x16xf32> to vector<16xf32>
      %swap3A_66 = vector.shape_cast %broadcast_in_dim3A_1 : vector<16xf32> to vector<1x1x16xf32>
      tpu.vector_store %arg8[%swap3A_61, %swap3A_62, %swap3A_63], %swap3A_66 {strides = array<i32>} : memref<1x80x128xf32, #tpu.memory_space<vmem>>, vector<1x1x16xf32>,
      %swap3A_67 = arith.constant 0 : i32
      %swap3A_68 = arith.index_cast %swap3A_67 : i32 to index
      %swap3A_69 = arith.index_cast %scan3A_59 : i32 to index
      %swap3A_70 = arith.constant 16 : index
      %swap3A_71 = tpu.vector_load %arg8[%swap3A_68, %swap3A_69, %swap3A_70] {strides = array<i32>} : memref<1x80x128xf32, #tpu.memory_space<vmem>>, vector<1x1x16xf32>,
      %swap3A_72 = vector.shape_cast %swap3A_71 : vector<1x1x16xf32> to vector<16xf32>
      %swap3A_73 = vector.shape_cast %broadcast_in_dim3A_1 : vector<16xf32> to vector<1x1x16xf32>
      tpu.vector_store %arg8[%swap3A_68, %swap3A_69, %swap3A_70], %swap3A_73 {strides = array<i32>} : memref<1x80x128xf32, #tpu.memory_space<vmem>>, vector<1x1x16xf32>,
      %swap3A_74 = arith.constant 0 : i32
      %swap3A_75 = arith.index_cast %swap3A_74 : i32 to index
      %swap3A_76 = arith.index_cast %scan3A_59 : i32 to index
      %swap3A_77 = arith.constant 32 : index
      %swap3A_78 = tpu.vector_load %arg8[%swap3A_75, %swap3A_76, %swap3A_77] {strides = array<i32>} : memref<1x80x128xf32, #tpu.memory_space<vmem>>, vector<1x1x16xf32>,
      %swap3A_79 = vector.shape_cast %swap3A_78 : vector<1x1x16xf32> to vector<16xf32>
      %swap3A_80 = vector.shape_cast %broadcast_in_dim3A_1 : vector<16xf32> to vector<1x1x16xf32>
      tpu.vector_store %arg8[%swap3A_75, %swap3A_76, %swap3A_77], %swap3A_80 {strides = array<i32>} : memref<1x80x128xf32, #tpu.memory_space<vmem>>, vector<1x1x16xf32>,
      %swap3A_81 = arith.constant 0 : i32
      %swap3A_82 = arith.index_cast %swap3A_81 : i32 to index
      %swap3A_83 = arith.index_cast %scan3A_59 : i32 to index
      %swap3A_84 = arith.constant 48 : index
      %swap3A_85 = tpu.vector_load %arg8[%swap3A_82, %swap3A_83, %swap3A_84] {strides = array<i32>} : memref<1x80x128xf32, #tpu.memory_space<vmem>>, vector<1x1x16xf32>,
      %swap3A_86 = vector.shape_cast %swap3A_85 : vector<1x1x16xf32> to vector<16xf32>
      %swap3A_87 = vector.shape_cast %broadcast_in_dim3A_1 : vector<16xf32> to vector<1x1x16xf32>
      tpu.vector_store %arg8[%swap3A_82, %swap3A_83, %swap3A_84], %swap3A_87 {strides = array<i32>} : memref<1x80x128xf32, #tpu.memory_space<vmem>>, vector<1x1x16xf32>,
      %swap3A_88 = arith.constant 0 : i32
      %swap3A_89 = arith.index_cast %swap3A_88 : i32 to index
      %swap3A_90 = arith.index_cast %scan3A_59 : i32 to index
      %swap3A_91 = arith.constant 64 : index
      %swap3A_92 = tpu.vector_load %arg8[%swap3A_89, %swap3A_90, %swap3A_91] {strides = array<i32>} : memref<1x80x128xf32, #tpu.memory_space<vmem>>, vector<1x1x16xf32>,
      %swap3A_93 = vector.shape_cast %swap3A_92 : vector<1x1x16xf32> to vector<16xf32>
      %swap3A_94 = vector.shape_cast %broadcast_in_dim3A_1 : vector<16xf32> to vector<1x1x16xf32>
      tpu.vector_store %arg8[%swap3A_89, %swap3A_90, %swap3A_91], %swap3A_94 {strides = array<i32>} : memref<1x80x128xf32, #tpu.memory_space<vmem>>, vector<1x1x16xf32>,
      %swap3A_95 = arith.constant 0 : i32
      %swap3A_96 = arith.index_cast %swap3A_95 : i32 to index
      %swap3A_97 = arith.index_cast %scan3A_59 : i32 to index
      %swap3A_98 = arith.constant 80 : index
      %swap3A_99 = tpu.vector_load %arg8[%swap3A_96, %swap3A_97, %swap3A_98] {strides = array<i32>} : memref<1x80x128xf32, #tpu.memory_space<vmem>>, vector<1x1x16xf32>,
      %swap3A_100 = vector.shape_cast %swap3A_99 : vector<1x1x16xf32> to vector<16xf32>
      %swap3A_101 = vector.shape_cast %broadcast_in_dim3A_1 : vector<16xf32> to vector<1x1x16xf32>
      tpu.vector_store %arg8[%swap3A_96, %swap3A_97, %swap3A_98], %swap3A_101 {strides = array<i32>} : memref<1x80x128xf32, #tpu.memory_space<vmem>>, vector<1x1x16xf32>,
      %swap3A_102 = arith.constant 0 : i32
      %swap3A_103 = arith.index_cast %swap3A_102 : i32 to index
      %swap3A_104 = arith.index_cast %scan3A_59 : i32 to index
      %swap3A_105 = arith.constant 96 : index
      %swap3A_106 = tpu.vector_load %arg8[%swap3A_103, %swap3A_104, %swap3A_105] {strides = array<i32>} : memref<1x80x128xf32, #tpu.memory_space<vmem>>, vector<1x1x16xf32>,
      %swap3A_107 = vector.shape_cast %swap3A_106 : vector<1x1x16xf32> to vector<16xf32>
      %swap3A_108 = vector.shape_cast %broadcast_in_dim3A_1 : vector<16xf32> to vector<1x1x16xf32>
      tpu.vector_store %arg8[%swap3A_103, %swap3A_104, %swap3A_105], %swap3A_108 {strides = array<i32>} : memref<1x80x128xf32, #tpu.memory_space<vmem>>, vector<1x1x16xf32>,
      %swap3A_109 = arith.constant 0 : i32
      %swap3A_110 = arith.index_cast %swap3A_109 : i32 to index
      %swap3A_111 = arith.index_cast %scan3A_59 : i32 to index
      %swap3A_112 = arith.constant 112 : index
      %swap3A_113 = tpu.vector_load %arg8[%swap3A_110, %swap3A_111, %swap3A_112] {strides = array<i32>} : memref<1x80x128xf32, #tpu.memory_space<vmem>>, vector<1x1x16xf32>,
      %swap3A_114 = vector.shape_cast %swap3A_113 : vector<1x1x16xf32> to vector<16xf32>
      %swap3A_115 = vector.shape_cast %broadcast_in_dim3A_1 : vector<16xf32> to vector<1x1x16xf32>
      tpu.vector_store %arg8[%swap3A_110, %swap3A_111, %swap3A_112], %swap3A_115 {strides = array<i32>} : memref<1x80x128xf32, #tpu.memory_space<vmem>>, vector<1x1x16xf32>,
      %scan3A_116 = arith.constant 0 : i32
      scf.yield %scan3A_116 : i32
    }
    %scan3A_7 = arith.constant 80 : i32
    %mul3A_8 = arith.constant 640 : i32
    %mul3A_9 = arith.muli %arg1, %mul3A_8 : i32
    %add3A_10 = arith.constant 0 : i32
    %add3A_11 = arith.addi %mul3A_9, %add3A_10 : i32
    %run_scoped3A = arith.constant 0 : i32
    "tpu.region"() ({
      %run_scoped3A_59 = tpu.sem_alloc : memref<!tpu.dma_semaphore, #tpu.memory_space<semaphore_mem>>
      %dma_start3A = arith.constant 0 : i32
      %dma_start3A_60 = arith.constant 0 : i32
      %dma_start3A_61 = tpu.memref_slice %arg8[%run_scoped3A, %dma_start3A, %dma_start3A_60] : memref<1x80x128xf32, #tpu.memory_space<vmem>> -> memref<1x80x128xf32, #tpu.memory_space<vmem>>
      %dma_start3A_62 = tpu.memref_squeeze %dma_start3A_61 : memref<1x80x128xf32, #tpu.memory_space<vmem>> -> memref<80x128xf32, #tpu.memory_space<vmem>>
      %dma_start3A_63 = arith.constant 0 : i32
      %dma_start3A_64 = tpu.memref_slice %arg9[%add3A_11, %dma_start3A_63] : memref<10240x128xf32, #tpu.memory_space<vmem_shared>> -> memref<80x128xf32, #tpu.memory_space<vmem_shared>>
      %dma_start3A_65 = arith.constant 0 : i32
      %dma_start3A_66 = tpu.memref_slice %arg9[%add3A_11, %dma_start3A_65] : memref<10240x128xf32, #tpu.memory_space<vmem_shared>> -> memref<80x128xf32, #tpu.memory_space<vmem_shared>>
      %dma_start3A_67 = arith.constant 0 : i32
      %dma_start3A_68 = arith.constant 0 : i32
      %dma_start3A_69 = tpu.memref_slice %arg8[%run_scoped3A, %dma_start3A_67, %dma_start3A_68] : memref<1x80x128xf32, #tpu.memory_space<vmem>> -> memref<1x80x128xf32, #tpu.memory_space<vmem>>
      %dma_start3A_70 = tpu.memref_squeeze %dma_start3A_69 : memref<1x80x128xf32, #tpu.memory_space<vmem>> -> memref<80x128xf32, #tpu.memory_space<vmem>>
      tpu.enqueue_dma source(%dma_start3A_70 : memref<80x128xf32, #tpu.memory_space<vmem>>) target(%dma_start3A_66 : memref<80x128xf32, #tpu.memory_space<vmem_shared>>) target_semaphore(%run_scoped3A_59 : memref<!tpu.dma_semaphore, #tpu.memory_space<semaphore_mem>>)
      %dma_wait3A = arith.constant 0 : i32
      %dma_wait3A_71 = arith.constant 0 : i32
      %dma_wait3A_72 = tpu.memref_slice %arg8[%run_scoped3A, %dma_wait3A, %dma_wait3A_71] : memref<1x80x128xf32, #tpu.memory_space<vmem>> -> memref<1x80x128xf32, #tpu.memory_space<vmem>>
      %dma_wait3A_73 = tpu.memref_squeeze %dma_wait3A_72 : memref<1x80x128xf32, #tpu.memory_space<vmem>> -> memref<80x128xf32, #tpu.memory_space<vmem>>
      %dma_wait3A_74 = arith.constant 0 : i32
      %dma_wait3A_75 = tpu.memref_slice %arg9[%add3A_11, %dma_wait3A_74] : memref<10240x128xf32, #tpu.memory_space<vmem_shared>> -> memref<80x128xf32, #tpu.memory_space<vmem_shared>>
      %dma_wait3A_76 = arith.constant 0 : i32
      %dma_wait3A_77 = tpu.memref_slice %arg9[%add3A_11, %dma_wait3A_76] : memref<10240x128xf32, #tpu.memory_space<vmem_shared>> -> memref<80x128xf32, #tpu.memory_space<vmem_shared>>
      %dma_wait3A_78 = arith.constant 0 : i32
      %dma_wait3A_79 = arith.constant 0 : i32
      %dma_wait3A_80 = tpu.memref_slice %arg8[%run_scoped3A, %dma_wait3A_78, %dma_wait3A_79] : memref<1x80x128xf32, #tpu.memory_space<vmem>> -> memref<1x80x128xf32, #tpu.memory_space<vmem>>
      %dma_wait3A_81 = tpu.memref_squeeze %dma_wait3A_80 : memref<1x80x128xf32, #tpu.memory_space<vmem>> -> memref<80x128xf32, #tpu.memory_space<vmem>>
      tpu.wait_dma2 semaphore(%run_scoped3A_59 : memref<!tpu.dma_semaphore, #tpu.memory_space<semaphore_mem>>) src(%dma_wait3A_81 : memref<80x128xf32, #tpu.memory_space<vmem>>) dst(%dma_wait3A_77 : memref<80x128xf32, #tpu.memory_space<vmem_shared>>)
      tpu.yield
    }) : () -> ()
    %mul3A_12 = arith.constant 640 : i32
    %mul3A_13 = arith.muli %arg1, %mul3A_12 : i32
    %add3A_14 = arith.constant 80 : i32
    %add3A_15 = arith.addi %mul3A_13, %add3A_14 : i32
    %run_scoped3A_16 = arith.constant 0 : i32
    "tpu.region"() ({
      %run_scoped3A_59 = tpu.sem_alloc : memref<!tpu.dma_semaphore, #tpu.memory_space<semaphore_mem>>
      %dma_start3A = arith.constant 0 : i32
      %dma_start3A_60 = arith.constant 0 : i32
      %dma_start3A_61 = tpu.memref_slice %arg8[%run_scoped3A_16, %dma_start3A, %dma_start3A_60] : memref<1x80x128xf32, #tpu.memory_space<vmem>> -> memref<1x80x128xf32, #tpu.memory_space<vmem>>
      %dma_start3A_62 = tpu.memref_squeeze %dma_start3A_61 : memref<1x80x128xf32, #tpu.memory_space<vmem>> -> memref<80x128xf32, #tpu.memory_space<vmem>>
      %dma_start3A_63 = arith.constant 0 : i32
      %dma_start3A_64 = tpu.memref_slice %arg9[%add3A_15, %dma_start3A_63] : memref<10240x128xf32, #tpu.memory_space<vmem_shared>> -> memref<80x128xf32, #tpu.memory_space<vmem_shared>>
      %dma_start3A_65 = arith.constant 0 : i32
      %dma_start3A_66 = tpu.memref_slice %arg9[%add3A_15, %dma_start3A_65] : memref<10240x128xf32, #tpu.memory_space<vmem_shared>> -> memref<80x128xf32, #tpu.memory_space<vmem_shared>>
      %dma_start3A_67 = arith.constant 0 : i32
      %dma_start3A_68 = arith.constant 0 : i32
      %dma_start3A_69 = tpu.memref_slice %arg8[%run_scoped3A_16, %dma_start3A_67, %dma_start3A_68] : memref<1x80x128xf32, #tpu.memory_space<vmem>> -> memref<1x80x128xf32, #tpu.memory_space<vmem>>
      %dma_start3A_70 = tpu.memref_squeeze %dma_start3A_69 : memref<1x80x128xf32, #tpu.memory_space<vmem>> -> memref<80x128xf32, #tpu.memory_space<vmem>>
      tpu.enqueue_dma source(%dma_start3A_70 : memref<80x128xf32, #tpu.memory_space<vmem>>) target(%dma_start3A_66 : memref<80x128xf32, #tpu.memory_space<vmem_shared>>) target_semaphore(%run_scoped3A_59 : memref<!tpu.dma_semaphore, #tpu.memory_space<semaphore_mem>>)
      %dma_wait3A = arith.constant 0 : i32
      %dma_wait3A_71 = arith.constant 0 : i32
      %dma_wait3A_72 = tpu.memref_slice %arg8[%run_scoped3A_16, %dma_wait3A, %dma_wait3A_71] : memref<1x80x128xf32, #tpu.memory_space<vmem>> -> memref<1x80x128xf32, #tpu.memory_space<vmem>>
      %dma_wait3A_73 = tpu.memref_squeeze %dma_wait3A_72 : memref<1x80x128xf32, #tpu.memory_space<vmem>> -> memref<80x128xf32, #tpu.memory_space<vmem>>
      %dma_wait3A_74 = arith.constant 0 : i32
      %dma_wait3A_75 = tpu.memref_slice %arg9[%add3A_15, %dma_wait3A_74] : memref<10240x128xf32, #tpu.memory_space<vmem_shared>> -> memref<80x128xf32, #tpu.memory_space<vmem_shared>>
      %dma_wait3A_76 = arith.constant 0 : i32
      %dma_wait3A_77 = tpu.memref_slice %arg9[%add3A_15, %dma_wait3A_76] : memref<10240x128xf32, #tpu.memory_space<vmem_shared>> -> memref<80x128xf32, #tpu.memory_space<vmem_shared>>
      %dma_wait3A_78 = arith.constant 0 : i32
      %dma_wait3A_79 = arith.constant 0 : i32
      %dma_wait3A_80 = tpu.memref_slice %arg8[%run_scoped3A_16, %dma_wait3A_78, %dma_wait3A_79] : memref<1x80x128xf32, #tpu.memory_space<vmem>> -> memref<1x80x128xf32, #tpu.memory_space<vmem>>
      %dma_wait3A_81 = tpu.memref_squeeze %dma_wait3A_80 : memref<1x80x128xf32, #tpu.memory_space<vmem>> -> memref<80x128xf32, #tpu.memory_space<vmem>>
      tpu.wait_dma2 semaphore(%run_scoped3A_59 : memref<!tpu.dma_semaphore, #tpu.memory_space<semaphore_mem>>) src(%dma_wait3A_81 : memref<80x128xf32, #tpu.memory_space<vmem>>) dst(%dma_wait3A_77 : memref<80x128xf32, #tpu.memory_space<vmem_shared>>)
      tpu.yield
    }) : () -> ()
    %mul3A_17 = arith.constant 640 : i32
    %mul3A_18 = arith.muli %arg1, %mul3A_17 : i32
    %add3A_19 = arith.constant 160 : i32
    %add3A_20 = arith.addi %mul3A_18, %add3A_19 : i32
    %run_scoped3A_21 = arith.constant 0 : i32
    "tpu.region"() ({
      %run_scoped3A_59 = tpu.sem_alloc : memref<!tpu.dma_semaphore, #tpu.memory_space<semaphore_mem>>
      %dma_start3A = arith.constant 0 : i32
      %dma_start3A_60 = arith.constant 0 : i32
      %dma_start3A_61 = tpu.memref_slice %arg8[%run_scoped3A_21, %dma_start3A, %dma_start3A_60] : memref<1x80x128xf32, #tpu.memory_space<vmem>> -> memref<1x80x128xf32, #tpu.memory_space<vmem>>
      %dma_start3A_62 = tpu.memref_squeeze %dma_start3A_61 : memref<1x80x128xf32, #tpu.memory_space<vmem>> -> memref<80x128xf32, #tpu.memory_space<vmem>>
      %dma_start3A_63 = arith.constant 0 : i32
      %dma_start3A_64 = tpu.memref_slice %arg9[%add3A_20, %dma_start3A_63] : memref<10240x128xf32, #tpu.memory_space<vmem_shared>> -> memref<80x128xf32, #tpu.memory_space<vmem_shared>>
      %dma_start3A_65 = arith.constant 0 : i32
      %dma_start3A_66 = tpu.memref_slice %arg9[%add3A_20, %dma_start3A_65] : memref<10240x128xf32, #tpu.memory_space<vmem_shared>> -> memref<80x128xf32, #tpu.memory_space<vmem_shared>>
      %dma_start3A_67 = arith.constant 0 : i32
      %dma_start3A_68 = arith.constant 0 : i32
      %dma_start3A_69 = tpu.memref_slice %arg8[%run_scoped3A_21, %dma_start3A_67, %dma_start3A_68] : memref<1x80x128xf32, #tpu.memory_space<vmem>> -> memref<1x80x128xf32, #tpu.memory_space<vmem>>
      %dma_start3A_70 = tpu.memref_squeeze %dma_start3A_69 : memref<1x80x128xf32, #tpu.memory_space<vmem>> -> memref<80x128xf32, #tpu.memory_space<vmem>>
      tpu.enqueue_dma source(%dma_start3A_70 : memref<80x128xf32, #tpu.memory_space<vmem>>) target(%dma_start3A_66 : memref<80x128xf32, #tpu.memory_space<vmem_shared>>) target_semaphore(%run_scoped3A_59 : memref<!tpu.dma_semaphore, #tpu.memory_space<semaphore_mem>>)
      %dma_wait3A = arith.constant 0 : i32
      %dma_wait3A_71 = arith.constant 0 : i32
      %dma_wait3A_72 = tpu.memref_slice %arg8[%run_scoped3A_21, %dma_wait3A, %dma_wait3A_71] : memref<1x80x128xf32, #tpu.memory_space<vmem>> -> memref<1x80x128xf32, #tpu.memory_space<vmem>>
      %dma_wait3A_73 = tpu.memref_squeeze %dma_wait3A_72 : memref<1x80x128xf32, #tpu.memory_space<vmem>> -> memref<80x128xf32, #tpu.memory_space<vmem>>
      %dma_wait3A_74 = arith.constant 0 : i32
      %dma_wait3A_75 = tpu.memref_slice %arg9[%add3A_20, %dma_wait3A_74] : memref<10240x128xf32, #tpu.memory_space<vmem_shared>> -> memref<80x128xf32, #tpu.memory_space<vmem_shared>>
      %dma_wait3A_76 = arith.constant 0 : i32
      %dma_wait3A_77 = tpu.memref_slice %arg9[%add3A_20, %dma_wait3A_76] : memref<10240x128xf32, #tpu.memory_space<vmem_shared>> -> memref<80x128xf32, #tpu.memory_space<vmem_shared>>
      %dma_wait3A_78 = arith.constant 0 : i32
      %dma_wait3A_79 = arith.constant 0 : i32
      %dma_wait3A_80 = tpu.memref_slice %arg8[%run_scoped3A_21, %dma_wait3A_78, %dma_wait3A_79] : memref<1x80x128xf32, #tpu.memory_space<vmem>> -> memref<1x80x128xf32, #tpu.memory_space<vmem>>
      %dma_wait3A_81 = tpu.memref_squeeze %dma_wait3A_80 : memref<1x80x128xf32, #tpu.memory_space<vmem>> -> memref<80x128xf32, #tpu.memory_space<vmem>>
      tpu.wait_dma2 semaphore(%run_scoped3A_59 : memref<!tpu.dma_semaphore, #tpu.memory_space<semaphore_mem>>) src(%dma_wait3A_81 : memref<80x128xf32, #tpu.memory_space<vmem>>) dst(%dma_wait3A_77 : memref<80x128xf32, #tpu.memory_space<vmem_shared>>)
      tpu.yield
    }) : () -> ()
    %mul3A_22 = arith.constant 640 : i32
    %mul3A_23 = arith.muli %arg1, %mul3A_22 : i32
    %add3A_24 = arith.constant 240 : i32
    %add3A_25 = arith.addi %mul3A_23, %add3A_24 : i32
    %run_scoped3A_26 = arith.constant 0 : i32
    "tpu.region"() ({
      %run_scoped3A_59 = tpu.sem_alloc : memref<!tpu.dma_semaphore, #tpu.memory_space<semaphore_mem>>
      %dma_start3A = arith.constant 0 : i32
      %dma_start3A_60 = arith.constant 0 : i32
      %dma_start3A_61 = tpu.memref_slice %arg8[%run_scoped3A_26, %dma_start3A, %dma_start3A_60] : memref<1x80x128xf32, #tpu.memory_space<vmem>> -> memref<1x80x128xf32, #tpu.memory_space<vmem>>
      %dma_start3A_62 = tpu.memref_squeeze %dma_start3A_61 : memref<1x80x128xf32, #tpu.memory_space<vmem>> -> memref<80x128xf32, #tpu.memory_space<vmem>>
      %dma_start3A_63 = arith.constant 0 : i32
      %dma_start3A_64 = tpu.memref_slice %arg9[%add3A_25, %dma_start3A_63] : memref<10240x128xf32, #tpu.memory_space<vmem_shared>> -> memref<80x128xf32, #tpu.memory_space<vmem_shared>>
      %dma_start3A_65 = arith.constant 0 : i32
      %dma_start3A_66 = tpu.memref_slice %arg9[%add3A_25, %dma_start3A_65] : memref<10240x128xf32, #tpu.memory_space<vmem_shared>> -> memref<80x128xf32, #tpu.memory_space<vmem_shared>>
      %dma_start3A_67 = arith.constant 0 : i32
      %dma_start3A_68 = arith.constant 0 : i32
      %dma_start3A_69 = tpu.memref_slice %arg8[%run_scoped3A_26, %dma_start3A_67, %dma_start3A_68] : memref<1x80x128xf32, #tpu.memory_space<vmem>> -> memref<1x80x128xf32, #tpu.memory_space<vmem>>
      %dma_start3A_70 = tpu.memref_squeeze %dma_start3A_69 : memref<1x80x128xf32, #tpu.memory_space<vmem>> -> memref<80x128xf32, #tpu.memory_space<vmem>>
      tpu.enqueue_dma source(%dma_start3A_70 : memref<80x128xf32, #tpu.memory_space<vmem>>) target(%dma_start3A_66 : memref<80x128xf32, #tpu.memory_space<vmem_shared>>) target_semaphore(%run_scoped3A_59 : memref<!tpu.dma_semaphore, #tpu.memory_space<semaphore_mem>>)
      %dma_wait3A = arith.constant 0 : i32
      %dma_wait3A_71 = arith.constant 0 : i32
      %dma_wait3A_72 = tpu.memref_slice %arg8[%run_scoped3A_26, %dma_wait3A, %dma_wait3A_71] : memref<1x80x128xf32, #tpu.memory_space<vmem>> -> memref<1x80x128xf32, #tpu.memory_space<vmem>>
      %dma_wait3A_73 = tpu.memref_squeeze %dma_wait3A_72 : memref<1x80x128xf32, #tpu.memory_space<vmem>> -> memref<80x128xf32, #tpu.memory_space<vmem>>
      %dma_wait3A_74 = arith.constant 0 : i32
      %dma_wait3A_75 = tpu.memref_slice %arg9[%add3A_25, %dma_wait3A_74] : memref<10240x128xf32, #tpu.memory_space<vmem_shared>> -> memref<80x128xf32, #tpu.memory_space<vmem_shared>>
      %dma_wait3A_76 = arith.constant 0 : i32
      %dma_wait3A_77 = tpu.memref_slice %arg9[%add3A_25, %dma_wait3A_76] : memref<10240x128xf32, #tpu.memory_space<vmem_shared>> -> memref<80x128xf32, #tpu.memory_space<vmem_shared>>
      %dma_wait3A_78 = arith.constant 0 : i32
      %dma_wait3A_79 = arith.constant 0 : i32
      %dma_wait3A_80 = tpu.memref_slice %arg8[%run_scoped3A_26, %dma_wait3A_78, %dma_wait3A_79] : memref<1x80x128xf32, #tpu.memory_space<vmem>> -> memref<1x80x128xf32, #tpu.memory_space<vmem>>
      %dma_wait3A_81 = tpu.memref_squeeze %dma_wait3A_80 : memref<1x80x128xf32, #tpu.memory_space<vmem>> -> memref<80x128xf32, #tpu.memory_space<vmem>>
      tpu.wait_dma2 semaphore(%run_scoped3A_59 : memref<!tpu.dma_semaphore, #tpu.memory_space<semaphore_mem>>) src(%dma_wait3A_81 : memref<80x128xf32, #tpu.memory_space<vmem>>) dst(%dma_wait3A_77 : memref<80x128xf32, #tpu.memory_space<vmem_shared>>)
      tpu.yield
    }) : () -> ()
    %mul3A_27 = arith.constant 640 : i32
    %mul3A_28 = arith.muli %arg1, %mul3A_27 : i32
    %add3A_29 = arith.constant 320 : i32
    %add3A_30 = arith.addi %mul3A_28, %add3A_29 : i32
    %run_scoped3A_31 = arith.constant 0 : i32
    "tpu.region"() ({
      %run_scoped3A_59 = tpu.sem_alloc : memref<!tpu.dma_semaphore, #tpu.memory_space<semaphore_mem>>
      %dma_start3A = arith.constant 0 : i32
      %dma_start3A_60 = arith.constant 0 : i32
      %dma_start3A_61 = tpu.memref_slice %arg8[%run_scoped3A_31, %dma_start3A, %dma_start3A_60] : memref<1x80x128xf32, #tpu.memory_space<vmem>> -> memref<1x80x128xf32, #tpu.memory_space<vmem>>
      %dma_start3A_62 = tpu.memref_squeeze %dma_start3A_61 : memref<1x80x128xf32, #tpu.memory_space<vmem>> -> memref<80x128xf32, #tpu.memory_space<vmem>>
      %dma_start3A_63 = arith.constant 0 : i32
      %dma_start3A_64 = tpu.memref_slice %arg9[%add3A_30, %dma_start3A_63] : memref<10240x128xf32, #tpu.memory_space<vmem_shared>> -> memref<80x128xf32, #tpu.memory_space<vmem_shared>>
      %dma_start3A_65 = arith.constant 0 : i32
      %dma_start3A_66 = tpu.memref_slice %arg9[%add3A_30, %dma_start3A_65] : memref<10240x128xf32, #tpu.memory_space<vmem_shared>> -> memref<80x128xf32, #tpu.memory_space<vmem_shared>>
      %dma_start3A_67 = arith.constant 0 : i32
      %dma_start3A_68 = arith.constant 0 : i32
      %dma_start3A_69 = tpu.memref_slice %arg8[%run_scoped3A_31, %dma_start3A_67, %dma_start3A_68] : memref<1x80x128xf32, #tpu.memory_space<vmem>> -> memref<1x80x128xf32, #tpu.memory_space<vmem>>
      %dma_start3A_70 = tpu.memref_squeeze %dma_start3A_69 : memref<1x80x128xf32, #tpu.memory_space<vmem>> -> memref<80x128xf32, #tpu.memory_space<vmem>>
      tpu.enqueue_dma source(%dma_start3A_70 : memref<80x128xf32, #tpu.memory_space<vmem>>) target(%dma_start3A_66 : memref<80x128xf32, #tpu.memory_space<vmem_shared>>) target_semaphore(%run_scoped3A_59 : memref<!tpu.dma_semaphore, #tpu.memory_space<semaphore_mem>>)
      %dma_wait3A = arith.constant 0 : i32
      %dma_wait3A_71 = arith.constant 0 : i32
      %dma_wait3A_72 = tpu.memref_slice %arg8[%run_scoped3A_31, %dma_wait3A, %dma_wait3A_71] : memref<1x80x128xf32, #tpu.memory_space<vmem>> -> memref<1x80x128xf32, #tpu.memory_space<vmem>>
      %dma_wait3A_73 = tpu.memref_squeeze %dma_wait3A_72 : memref<1x80x128xf32, #tpu.memory_space<vmem>> -> memref<80x128xf32, #tpu.memory_space<vmem>>
      %dma_wait3A_74 = arith.constant 0 : i32
      %dma_wait3A_75 = tpu.memref_slice %arg9[%add3A_30, %dma_wait3A_74] : memref<10240x128xf32, #tpu.memory_space<vmem_shared>> -> memref<80x128xf32, #tpu.memory_space<vmem_shared>>
      %dma_wait3A_76 = arith.constant 0 : i32
      %dma_wait3A_77 = tpu.memref_slice %arg9[%add3A_30, %dma_wait3A_76] : memref<10240x128xf32, #tpu.memory_space<vmem_shared>> -> memref<80x128xf32, #tpu.memory_space<vmem_shared>>
      %dma_wait3A_78 = arith.constant 0 : i32
      %dma_wait3A_79 = arith.constant 0 : i32
      %dma_wait3A_80 = tpu.memref_slice %arg8[%run_scoped3A_31, %dma_wait3A_78, %dma_wait3A_79] : memref<1x80x128xf32, #tpu.memory_space<vmem>> -> memref<1x80x128xf32, #tpu.memory_space<vmem>>
      %dma_wait3A_81 = tpu.memref_squeeze %dma_wait3A_80 : memref<1x80x128xf32, #tpu.memory_space<vmem>> -> memref<80x128xf32, #tpu.memory_space<vmem>>
      tpu.wait_dma2 semaphore(%run_scoped3A_59 : memref<!tpu.dma_semaphore, #tpu.memory_space<semaphore_mem>>) src(%dma_wait3A_81 : memref<80x128xf32, #tpu.memory_space<vmem>>) dst(%dma_wait3A_77 : memref<80x128xf32, #tpu.memory_space<vmem_shared>>)
      tpu.yield
    }) : () -> ()
    %mul3A_32 = arith.constant 640 : i32
    %mul3A_33 = arith.muli %arg1, %mul3A_32 : i32
    %add3A_34 = arith.constant 400 : i32
    %add3A_35 = arith.addi %mul3A_33, %add3A_34 : i32
    %run_scoped3A_36 = arith.constant 0 : i32
    "tpu.region"() ({
      %run_scoped3A_59 = tpu.sem_alloc : memref<!tpu.dma_semaphore, #tpu.memory_space<semaphore_mem>>
      %dma_start3A = arith.constant 0 : i32
      %dma_start3A_60 = arith.constant 0 : i32
      %dma_start3A_61 = tpu.memref_slice %arg8[%run_scoped3A_36, %dma_start3A, %dma_start3A_60] : memref<1x80x128xf32, #tpu.memory_space<vmem>> -> memref<1x80x128xf32, #tpu.memory_space<vmem>>
      %dma_start3A_62 = tpu.memref_squeeze %dma_start3A_61 : memref<1x80x128xf32, #tpu.memory_space<vmem>> -> memref<80x128xf32, #tpu.memory_space<vmem>>
      %dma_start3A_63 = arith.constant 0 : i32
      %dma_start3A_64 = tpu.memref_slice %arg9[%add3A_35, %dma_start3A_63] : memref<10240x128xf32, #tpu.memory_space<vmem_shared>> -> memref<80x128xf32, #tpu.memory_space<vmem_shared>>
      %dma_start3A_65 = arith.constant 0 : i32
      %dma_start3A_66 = tpu.memref_slice %arg9[%add3A_35, %dma_start3A_65] : memref<10240x128xf32, #tpu.memory_space<vmem_shared>> -> memref<80x128xf32, #tpu.memory_space<vmem_shared>>
      %dma_start3A_67 = arith.constant 0 : i32
      %dma_start3A_68 = arith.constant 0 : i32
      %dma_start3A_69 = tpu.memref_slice %arg8[%run_scoped3A_36, %dma_start3A_67, %dma_start3A_68] : memref<1x80x128xf32, #tpu.memory_space<vmem>> -> memref<1x80x128xf32, #tpu.memory_space<vmem>>
      %dma_start3A_70 = tpu.memref_squeeze %dma_start3A_69 : memref<1x80x128xf32, #tpu.memory_space<vmem>> -> memref<80x128xf32, #tpu.memory_space<vmem>>
      tpu.enqueue_dma source(%dma_start3A_70 : memref<80x128xf32, #tpu.memory_space<vmem>>) target(%dma_start3A_66 : memref<80x128xf32, #tpu.memory_space<vmem_shared>>) target_semaphore(%run_scoped3A_59 : memref<!tpu.dma_semaphore, #tpu.memory_space<semaphore_mem>>)
      %dma_wait3A = arith.constant 0 : i32
      %dma_wait3A_71 = arith.constant 0 : i32
      %dma_wait3A_72 = tpu.memref_slice %arg8[%run_scoped3A_36, %dma_wait3A, %dma_wait3A_71] : memref<1x80x128xf32, #tpu.memory_space<vmem>> -> memref<1x80x128xf32, #tpu.memory_space<vmem>>
      %dma_wait3A_73 = tpu.memref_squeeze %dma_wait3A_72 : memref<1x80x128xf32, #tpu.memory_space<vmem>> -> memref<80x128xf32, #tpu.memory_space<vmem>>
      %dma_wait3A_74 = arith.constant 0 : i32
      %dma_wait3A_75 = tpu.memref_slice %arg9[%add3A_35, %dma_wait3A_74] : memref<10240x128xf32, #tpu.memory_space<vmem_shared>> -> memref<80x128xf32, #tpu.memory_space<vmem_shared>>
      %dma_wait3A_76 = arith.constant 0 : i32
      %dma_wait3A_77 = tpu.memref_slice %arg9[%add3A_35, %dma_wait3A_76] : memref<10240x128xf32, #tpu.memory_space<vmem_shared>> -> memref<80x128xf32, #tpu.memory_space<vmem_shared>>
      %dma_wait3A_78 = arith.constant 0 : i32
      %dma_wait3A_79 = arith.constant 0 : i32
      %dma_wait3A_80 = tpu.memref_slice %arg8[%run_scoped3A_36, %dma_wait3A_78, %dma_wait3A_79] : memref<1x80x128xf32, #tpu.memory_space<vmem>> -> memref<1x80x128xf32, #tpu.memory_space<vmem>>
      %dma_wait3A_81 = tpu.memref_squeeze %dma_wait3A_80 : memref<1x80x128xf32, #tpu.memory_space<vmem>> -> memref<80x128xf32, #tpu.memory_space<vmem>>
      tpu.wait_dma2 semaphore(%run_scoped3A_59 : memref<!tpu.dma_semaphore, #tpu.memory_space<semaphore_mem>>) src(%dma_wait3A_81 : memref<80x128xf32, #tpu.memory_space<vmem>>) dst(%dma_wait3A_77 : memref<80x128xf32, #tpu.memory_space<vmem_shared>>)
      tpu.yield
    }) : () -> ()
    %mul3A_37 = arith.constant 640 : i32
    %mul3A_38 = arith.muli %arg1, %mul3A_37 : i32
    %add3A_39 = arith.constant 480 : i32
    %add3A_40 = arith.addi %mul3A_38, %add3A_39 : i32
    %run_scoped3A_41 = arith.constant 0 : i32
    "tpu.region"() ({
      %run_scoped3A_59 = tpu.sem_alloc : memref<!tpu.dma_semaphore, #tpu.memory_space<semaphore_mem>>
      %dma_start3A = arith.constant 0 : i32
      %dma_start3A_60 = arith.constant 0 : i32
      %dma_start3A_61 = tpu.memref_slice %arg8[%run_scoped3A_41, %dma_start3A, %dma_start3A_60] : memref<1x80x128xf32, #tpu.memory_space<vmem>> -> memref<1x80x128xf32, #tpu.memory_space<vmem>>
      %dma_start3A_62 = tpu.memref_squeeze %dma_start3A_61 : memref<1x80x128xf32, #tpu.memory_space<vmem>> -> memref<80x128xf32, #tpu.memory_space<vmem>>
      %dma_start3A_63 = arith.constant 0 : i32
      %dma_start3A_64 = tpu.memref_slice %arg9[%add3A_40, %dma_start3A_63] : memref<10240x128xf32, #tpu.memory_space<vmem_shared>> -> memref<80x128xf32, #tpu.memory_space<vmem_shared>>
      %dma_start3A_65 = arith.constant 0 : i32
      %dma_start3A_66 = tpu.memref_slice %arg9[%add3A_40, %dma_start3A_65] : memref<10240x128xf32, #tpu.memory_space<vmem_shared>> -> memref<80x128xf32, #tpu.memory_space<vmem_shared>>
      %dma_start3A_67 = arith.constant 0 : i32
      %dma_start3A_68 = arith.constant 0 : i32
      %dma_start3A_69 = tpu.memref_slice %arg8[%run_scoped3A_41, %dma_start3A_67, %dma_start3A_68] : memref<1x80x128xf32, #tpu.memory_space<vmem>> -> memref<1x80x128xf32, #tpu.memory_space<vmem>>
      %dma_start3A_70 = tpu.memref_squeeze %dma_start3A_69 : memref<1x80x128xf32, #tpu.memory_space<vmem>> -> memref<80x128xf32, #tpu.memory_space<vmem>>
      tpu.enqueue_dma source(%dma_start3A_70 : memref<80x128xf32, #tpu.memory_space<vmem>>) target(%dma_start3A_66 : memref<80x128xf32, #tpu.memory_space<vmem_shared>>) target_semaphore(%run_scoped3A_59 : memref<!tpu.dma_semaphore, #tpu.memory_space<semaphore_mem>>)
      %dma_wait3A = arith.constant 0 : i32
      %dma_wait3A_71 = arith.constant 0 : i32
      %dma_wait3A_72 = tpu.memref_slice %arg8[%run_scoped3A_41, %dma_wait3A, %dma_wait3A_71] : memref<1x80x128xf32, #tpu.memory_space<vmem>> -> memref<1x80x128xf32, #tpu.memory_space<vmem>>
      %dma_wait3A_73 = tpu.memref_squeeze %dma_wait3A_72 : memref<1x80x128xf32, #tpu.memory_space<vmem>> -> memref<80x128xf32, #tpu.memory_space<vmem>>
      %dma_wait3A_74 = arith.constant 0 : i32
      %dma_wait3A_75 = tpu.memref_slice %arg9[%add3A_40, %dma_wait3A_74] : memref<10240x128xf32, #tpu.memory_space<vmem_shared>> -> memref<80x128xf32, #tpu.memory_space<vmem_shared>>
      %dma_wait3A_76 = arith.constant 0 : i32
      %dma_wait3A_77 = tpu.memref_slice %arg9[%add3A_40, %dma_wait3A_76] : memref<10240x128xf32, #tpu.memory_space<vmem_shared>> -> memref<80x128xf32, #tpu.memory_space<vmem_shared>>
      %dma_wait3A_78 = arith.constant 0 : i32
      %dma_wait3A_79 = arith.constant 0 : i32
      %dma_wait3A_80 = tpu.memref_slice %arg8[%run_scoped3A_41, %dma_wait3A_78, %dma_wait3A_79] : memref<1x80x128xf32, #tpu.memory_space<vmem>> -> memref<1x80x128xf32, #tpu.memory_space<vmem>>
      %dma_wait3A_81 = tpu.memref_squeeze %dma_wait3A_80 : memref<1x80x128xf32, #tpu.memory_space<vmem>> -> memref<80x128xf32, #tpu.memory_space<vmem>>
      tpu.wait_dma2 semaphore(%run_scoped3A_59 : memref<!tpu.dma_semaphore, #tpu.memory_space<semaphore_mem>>) src(%dma_wait3A_81 : memref<80x128xf32, #tpu.memory_space<vmem>>) dst(%dma_wait3A_77 : memref<80x128xf32, #tpu.memory_space<vmem_shared>>)
      tpu.yield
    }) : () -> ()
    %mul3A_42 = arith.constant 640 : i32
    %mul3A_43 = arith.muli %arg1, %mul3A_42 : i32
    %add3A_44 = arith.constant 560 : i32
    %add3A_45 = arith.addi %mul3A_43, %add3A_44 : i32
    %run_scoped3A_46 = arith.constant 0 : i32
    "tpu.region"() ({
      %run_scoped3A_59 = tpu.sem_alloc : memref<!tpu.dma_semaphore, #tpu.memory_space<semaphore_mem>>
      %dma_start3A = arith.constant 0 : i32
      %dma_start3A_60 = arith.constant 0 : i32
      %dma_start3A_61 = tpu.memref_slice %arg8[%run_scoped3A_46, %dma_start3A, %dma_start3A_60] : memref<1x80x128xf32, #tpu.memory_space<vmem>> -> memref<1x80x128xf32, #tpu.memory_space<vmem>>
      %dma_start3A_62 = tpu.memref_squeeze %dma_start3A_61 : memref<1x80x128xf32, #tpu.memory_space<vmem>> -> memref<80x128xf32, #tpu.memory_space<vmem>>
      %dma_start3A_63 = arith.constant 0 : i32
      %dma_start3A_64 = tpu.memref_slice %arg9[%add3A_45, %dma_start3A_63] : memref<10240x128xf32, #tpu.memory_space<vmem_shared>> -> memref<80x128xf32, #tpu.memory_space<vmem_shared>>
      %dma_start3A_65 = arith.constant 0 : i32
      %dma_start3A_66 = tpu.memref_slice %arg9[%add3A_45, %dma_start3A_65] : memref<10240x128xf32, #tpu.memory_space<vmem_shared>> -> memref<80x128xf32, #tpu.memory_space<vmem_shared>>
      %dma_start3A_67 = arith.constant 0 : i32
      %dma_start3A_68 = arith.constant 0 : i32
      %dma_start3A_69 = tpu.memref_slice %arg8[%run_scoped3A_46, %dma_start3A_67, %dma_start3A_68] : memref<1x80x128xf32, #tpu.memory_space<vmem>> -> memref<1x80x128xf32, #tpu.memory_space<vmem>>
      %dma_start3A_70 = tpu.memref_squeeze %dma_start3A_69 : memref<1x80x128xf32, #tpu.memory_space<vmem>> -> memref<80x128xf32, #tpu.memory_space<vmem>>
      tpu.enqueue_dma source(%dma_start3A_70 : memref<80x128xf32, #tpu.memory_space<vmem>>) target(%dma_start3A_66 : memref<80x128xf32, #tpu.memory_space<vmem_shared>>) target_semaphore(%run_scoped3A_59 : memref<!tpu.dma_semaphore, #tpu.memory_space<semaphore_mem>>)
      %dma_wait3A = arith.constant 0 : i32
      %dma_wait3A_71 = arith.constant 0 : i32
      %dma_wait3A_72 = tpu.memref_slice %arg8[%run_scoped3A_46, %dma_wait3A, %dma_wait3A_71] : memref<1x80x128xf32, #tpu.memory_space<vmem>> -> memref<1x80x128xf32, #tpu.memory_space<vmem>>
      %dma_wait3A_73 = tpu.memref_squeeze %dma_wait3A_72 : memref<1x80x128xf32, #tpu.memory_space<vmem>> -> memref<80x128xf32, #tpu.memory_space<vmem>>
      %dma_wait3A_74 = arith.constant 0 : i32
      %dma_wait3A_75 = tpu.memref_slice %arg9[%add3A_45, %dma_wait3A_74] : memref<10240x128xf32, #tpu.memory_space<vmem_shared>> -> memref<80x128xf32, #tpu.memory_space<vmem_shared>>
      %dma_wait3A_76 = arith.constant 0 : i32
      %dma_wait3A_77 = tpu.memref_slice %arg9[%add3A_45, %dma_wait3A_76] : memref<10240x128xf32, #tpu.memory_space<vmem_shared>> -> memref<80x128xf32, #tpu.memory_space<vmem_shared>>
      %dma_wait3A_78 = arith.constant 0 : i32
      %dma_wait3A_79 = arith.constant 0 : i32
      %dma_wait3A_80 = tpu.memref_slice %arg8[%run_scoped3A_46, %dma_wait3A_78, %dma_wait3A_79] : memref<1x80x128xf32, #tpu.memory_space<vmem>> -> memref<1x80x128xf32, #tpu.memory_space<vmem>>
      %dma_wait3A_81 = tpu.memref_squeeze %dma_wait3A_80 : memref<1x80x128xf32, #tpu.memory_space<vmem>> -> memref<80x128xf32, #tpu.memory_space<vmem>>
      tpu.wait_dma2 semaphore(%run_scoped3A_59 : memref<!tpu.dma_semaphore, #tpu.memory_space<semaphore_mem>>) src(%dma_wait3A_81 : memref<80x128xf32, #tpu.memory_space<vmem>>) dst(%dma_wait3A_77 : memref<80x128xf32, #tpu.memory_space<vmem_shared>>)
      tpu.yield
    }) : () -> ()
    %barrier3A = arith.constant 0 : index
    tpu.barrier barrier_id(%barrier3A)
    %scan3A_47 = arith.constant 0 : i32
    %scan3A_48 = arith.constant 0 : i32
    %scan3A_49 = arith.constant 125 : i32
    %scan3A_50 = arith.addi %scan3A_48, %scan3A_49 : i32
    %scan3A_51 = arith.constant 1 : i32
    %scan3A_52 = scf.for %scan3A_59 = %scan3A_48 to %scan3A_50 step %scan3A_51 iter_args(%scan3A_60 = %scan3A_47) -> (i32)  : i32 {
      %run_scoped3A_61 = arith.constant 0 : i32
      "tpu.region"() ({
        %run_scoped3A_103 = tpu.sem_alloc : memref<!tpu.dma_semaphore, #tpu.memory_space<semaphore_mem>>
        %dma_start3A_104 = arith.constant 0 : i32
        %dma_start3A_105 = arith.constant 0 : i32
        %dma_start3A_106 = tpu.memref_slice %arg6[%run_scoped3A_61, %dma_start3A_104, %dma_start3A_105] : memref<1x2x80xi32, #tpu.memory_space<vmem>> -> memref<1x2x80xi32, #tpu.memory_space<vmem>>
        %dma_start3A_107 = tpu.memref_squeeze %dma_start3A_106 : memref<1x2x80xi32, #tpu.memory_space<vmem>> -> memref<2x80xi32, #tpu.memory_space<vmem>>
        %dma_start3A_108 = arith.constant 0 : i32
        %dma_start3A_109 = arith.constant 0 : i32
        %dma_start3A_110 = tpu.memref_slice %arg4[%add3A, %scan3A_59, %dma_start3A_108, %dma_start3A_109] : memref<32x125x2x80xi32, #tpu.memory_space<hbm>> -> memref<1x1x2x80xi32, #tpu.memory_space<hbm>>
        %dma_start3A_111 = tpu.memref_squeeze %dma_start3A_110 : memref<1x1x2x80xi32, #tpu.memory_space<hbm>> -> memref<2x80xi32, #tpu.memory_space<hbm>>
        %dma_start3A_112 = arith.constant 0 : i32
        %dma_start3A_113 = arith.constant 0 : i32
        %dma_start3A_114 = tpu.memref_slice %arg6[%run_scoped3A_61, %dma_start3A_112, %dma_start3A_113] : memref<1x2x80xi32, #tpu.memory_space<vmem>> -> memref<1x2x80xi32, #tpu.memory_space<vmem>>
        %dma_start3A_115 = tpu.memref_squeeze %dma_start3A_114 : memref<1x2x80xi32, #tpu.memory_space<vmem>> -> memref<2x80xi32, #tpu.memory_space<vmem>>
        %dma_start3A_116 = arith.constant 0 : i32
        %dma_start3A_117 = arith.constant 0 : i32
        %dma_start3A_118 = tpu.memref_slice %arg4[%add3A, %scan3A_59, %dma_start3A_116, %dma_start3A_117] : memref<32x125x2x80xi32, #tpu.memory_space<hbm>> -> memref<1x1x2x80xi32, #tpu.memory_space<hbm>>
        %dma_start3A_119 = tpu.memref_squeeze %dma_start3A_118 : memref<1x1x2x80xi32, #tpu.memory_space<hbm>> -> memref<2x80xi32, #tpu.memory_space<hbm>>
        tpu.enqueue_dma source(%dma_start3A_119 : memref<2x80xi32, #tpu.memory_space<hbm>>) target(%dma_start3A_115 : memref<2x80xi32, #tpu.memory_space<vmem>>) target_semaphore(%run_scoped3A_103 : memref<!tpu.dma_semaphore, #tpu.memory_space<semaphore_mem>>)
        %dma_wait3A_120 = arith.constant 0 : i32
        %dma_wait3A_121 = arith.constant 0 : i32
        %dma_wait3A_122 = tpu.memref_slice %arg6[%run_scoped3A_61, %dma_wait3A_120, %dma_wait3A_121] : memref<1x2x80xi32, #tpu.memory_space<vmem>> -> memref<1x2x80xi32, #tpu.memory_space<vmem>>
        %dma_wait3A_123 = tpu.memref_squeeze %dma_wait3A_122 : memref<1x2x80xi32, #tpu.memory_space<vmem>> -> memref<2x80xi32, #tpu.memory_space<vmem>>
        %dma_wait3A_124 = arith.constant 0 : i32
        %dma_wait3A_125 = arith.constant 0 : i32
        %dma_wait3A_126 = tpu.memref_slice %arg4[%add3A, %scan3A_59, %dma_wait3A_124, %dma_wait3A_125] : memref<32x125x2x80xi32, #tpu.memory_space<hbm>> -> memref<1x1x2x80xi32, #tpu.memory_space<hbm>>
        %dma_wait3A_127 = tpu.memref_squeeze %dma_wait3A_126 : memref<1x1x2x80xi32, #tpu.memory_space<hbm>> -> memref<2x80xi32, #tpu.memory_space<hbm>>
        %dma_wait3A_128 = arith.constant 0 : i32
        %dma_wait3A_129 = arith.constant 0 : i32
        %dma_wait3A_130 = tpu.memref_slice %arg6[%run_scoped3A_61, %dma_wait3A_128, %dma_wait3A_129] : memref<1x2x80xi32, #tpu.memory_space<vmem>> -> memref<1x2x80xi32, #tpu.memory_space<vmem>>
        %dma_wait3A_131 = tpu.memref_squeeze %dma_wait3A_130 : memref<1x2x80xi32, #tpu.memory_space<vmem>> -> memref<2x80xi32, #tpu.memory_space<vmem>>
        %dma_wait3A_132 = arith.constant 0 : i32
        %dma_wait3A_133 = arith.constant 0 : i32
        %dma_wait3A_134 = tpu.memref_slice %arg4[%add3A, %scan3A_59, %dma_wait3A_132, %dma_wait3A_133] : memref<32x125x2x80xi32, #tpu.memory_space<hbm>> -> memref<1x1x2x80xi32, #tpu.memory_space<hbm>>
        %dma_wait3A_135 = tpu.memref_squeeze %dma_wait3A_134 : memref<1x1x2x80xi32, #tpu.memory_space<hbm>> -> memref<2x80xi32, #tpu.memory_space<hbm>>
        tpu.wait_dma2 semaphore(%run_scoped3A_103 : memref<!tpu.dma_semaphore, #tpu.memory_space<semaphore_mem>>) src(%dma_wait3A_135 : memref<2x80xi32, #tpu.memory_space<hbm>>) dst(%dma_wait3A_131 : memref<2x80xi32, #tpu.memory_space<vmem>>)
        tpu.yield
      }) : () -> ()
      %dma_start3A = arith.constant 0 : i32
      %dma_start3A_62 = arith.constant 0 : i32
      %dma_start3A_63 = arith.constant 0 : i32
      %dma_start3A_64 = arith.constant 0 : i32
      %dma_start3A_65 = arith.constant 0 : i32
      %dma_start3A_66 = tpu.memref_slice %arg7[%dma_start3A_63, %dma_start3A_64, %dma_start3A_65] : memref<1x80x128xf32, #tpu.memory_space<vmem>> -> memref<1x80x128xf32, #tpu.memory_space<vmem>>
      %dma_start3A_67 = tpu.memref_squeeze %dma_start3A_66 : memref<1x80x128xf32, #tpu.memory_space<vmem>> -> memref<80x128xf32, #tpu.memory_space<vmem>>
      %dma_start3A_68 = arith.constant 0 : i32
      %dma_start3A_69 = tpu.memref_slice %arg6[%dma_start3A, %dma_start3A_62, %dma_start3A_68] : memref<1x2x80xi32, #tpu.memory_space<vmem>> -> memref<1x1x80xi32, #tpu.memory_space<vmem>>
      %dma_start3A_70 = tpu.memref_squeeze %dma_start3A_69 : memref<1x1x80xi32, #tpu.memory_space<vmem>> -> memref<80xi32, #tpu.memory_space<vmem>>
      %dma_start3A_71 = arith.constant 0 : i32
      %dma_start3A_72 = arith.constant 0 : i32
      %dma_start3A_73 = tpu.memref_slice %arg2[%dma_start3A_71, %dma_start3A_72] : memref<10000x128xf32, #tpu.memory_space<hbm>> -> memref<10000x128xf32, #tpu.memory_space<hbm>>
      tpu.enqueue_indirect_dma source(%dma_start3A_73 : memref<10000x128xf32, #tpu.memory_space<hbm>>) target(%dma_start3A_67 : memref<80x128xf32, #tpu.memory_space<vmem>>) offsets(%dma_start3A_70 : memref<80xi32, #tpu.memory_space<vmem>>) semaphore(%arg10 : memref<!tpu.dma_semaphore, #tpu.memory_space<semaphore_mem>>)
      %dma_wait3A = arith.constant 0 : i32
      %dma_wait3A_74 = arith.constant 0 : i32
      %dma_wait3A_75 = arith.constant 0 : i32
      %dma_wait3A_76 = arith.constant 0 : i32
      %dma_wait3A_77 = arith.constant 0 : i32
      %dma_wait3A_78 = tpu.memref_slice %arg7[%dma_wait3A_75, %dma_wait3A_76, %dma_wait3A_77] : memref<1x80x128xf32, #tpu.memory_space<vmem>> -> memref<1x80x128xf32, #tpu.memory_space<vmem>>
      %dma_wait3A_79 = tpu.memref_squeeze %dma_wait3A_78 : memref<1x80x128xf32, #tpu.memory_space<vmem>> -> memref<80x128xf32, #tpu.memory_space<vmem>>
      %dma_wait3A_80 = arith.constant 0 : i32
      %dma_wait3A_81 = tpu.memref_slice %arg6[%dma_wait3A, %dma_wait3A_74, %dma_wait3A_80] : memref<1x2x80xi32, #tpu.memory_space<vmem>> -> memref<1x1x80xi32, #tpu.memory_space<vmem>>
      %dma_wait3A_82 = tpu.memref_squeeze %dma_wait3A_81 : memref<1x1x80xi32, #tpu.memory_space<vmem>> -> memref<80xi32, #tpu.memory_space<vmem>>
      %dma_wait3A_83 = arith.constant 0 : i32
      %dma_wait3A_84 = arith.constant 0 : i32
      %dma_wait3A_85 = tpu.memref_slice %arg2[%dma_wait3A_83, %dma_wait3A_84] : memref<10000x128xf32, #tpu.memory_space<hbm>> -> memref<10000x128xf32, #tpu.memory_space<hbm>>
      tpu.wait_indirect_dma semaphore(%arg10 : memref<!tpu.dma_semaphore, #tpu.memory_space<semaphore_mem>>) src(%dma_wait3A_85 : memref<10000x128xf32, #tpu.memory_space<hbm>>) dst(%dma_wait3A_79 : memref<80x128xf32, #tpu.memory_space<vmem>>)
      %mul3A_86 = arith.constant 10000 : i32
      %mul3A_87 = arith.muli %add3A, %mul3A_86 : i32
      %mul3A_88 = arith.constant 80 : i32
      %mul3A_89 = arith.muli %scan3A_59, %mul3A_88 : i32
      %add3A_90 = arith.addi %mul3A_87, %mul3A_89 : i32
      %run_scoped3A_91 = arith.constant 0 : i32
      "tpu.region"() ({
        %run_scoped3A_103 = tpu.sem_alloc : memref<!tpu.dma_semaphore, #tpu.memory_space<semaphore_mem>>
        %dma_start3A_104 = arith.constant 0 : i32
        %dma_start3A_105 = arith.constant 0 : i32
        %dma_start3A_106 = tpu.memref_slice %arg8[%run_scoped3A_91, %dma_start3A_104, %dma_start3A_105] : memref<1x80x128xf32, #tpu.memory_space<vmem>> -> memref<1x80x128xf32, #tpu.memory_space<vmem>>
        %dma_start3A_107 = tpu.memref_squeeze %dma_start3A_106 : memref<1x80x128xf32, #tpu.memory_space<vmem>> -> memref<80x128xf32, #tpu.memory_space<vmem>>
        %dma_start3A_108 = arith.constant 0 : i32
        %dma_start3A_109 = tpu.memref_slice %arg3[%add3A_90, %dma_start3A_108] : memref<320000x128xf32, #tpu.memory_space<hbm>> -> memref<80x128xf32, #tpu.memory_space<hbm>>
        %dma_start3A_110 = arith.constant 0 : i32
        %dma_start3A_111 = arith.constant 0 : i32
        %dma_start3A_112 = tpu.memref_slice %arg8[%run_scoped3A_91, %dma_start3A_110, %dma_start3A_111] : memref<1x80x128xf32, #tpu.memory_space<vmem>> -> memref<1x80x128xf32, #tpu.memory_space<vmem>>
        %dma_start3A_113 = tpu.memref_squeeze %dma_start3A_112 : memref<1x80x128xf32, #tpu.memory_space<vmem>> -> memref<80x128xf32, #tpu.memory_space<vmem>>
        %dma_start3A_114 = arith.constant 0 : i32
        %dma_start3A_115 = tpu.memref_slice %arg3[%add3A_90, %dma_start3A_114] : memref<320000x128xf32, #tpu.memory_space<hbm>> -> memref<80x128xf32, #tpu.memory_space<hbm>>
        tpu.enqueue_dma source(%dma_start3A_115 : memref<80x128xf32, #tpu.memory_space<hbm>>) target(%dma_start3A_113 : memref<80x128xf32, #tpu.memory_space<vmem>>) target_semaphore(%run_scoped3A_103 : memref<!tpu.dma_semaphore, #tpu.memory_space<semaphore_mem>>)
        %dma_wait3A_116 = arith.constant 0 : i32
        %dma_wait3A_117 = arith.constant 0 : i32
        %dma_wait3A_118 = tpu.memref_slice %arg8[%run_scoped3A_91, %dma_wait3A_116, %dma_wait3A_117] : memref<1x80x128xf32, #tpu.memory_space<vmem>> -> memref<1x80x128xf32, #tpu.memory_space<vmem>>
        %dma_wait3A_119 = tpu.memref_squeeze %dma_wait3A_118 : memref<1x80x128xf32, #tpu.memory_space<vmem>> -> memref<80x128xf32, #tpu.memory_space<vmem>>
        %dma_wait3A_120 = arith.constant 0 : i32
        %dma_wait3A_121 = tpu.memref_slice %arg3[%add3A_90, %dma_wait3A_120] : memref<320000x128xf32, #tpu.memory_space<hbm>> -> memref<80x128xf32, #tpu.memory_space<hbm>>
        %dma_wait3A_122 = arith.constant 0 : i32
        %dma_wait3A_123 = arith.constant 0 : i32
        %dma_wait3A_124 = tpu.memref_slice %arg8[%run_scoped3A_91, %dma_wait3A_122, %dma_wait3A_123] : memref<1x80x128xf32, #tpu.memory_space<vmem>> -> memref<1x80x128xf32, #tpu.memory_space<vmem>>
        %dma_wait3A_125 = tpu.memref_squeeze %dma_wait3A_124 : memref<1x80x128xf32, #tpu.memory_space<vmem>> -> memref<80x128xf32, #tpu.memory_space<vmem>>
        %dma_wait3A_126 = arith.constant 0 : i32
        %dma_wait3A_127 = tpu.memref_slice %arg3[%add3A_90, %dma_wait3A_126] : memref<320000x128xf32, #tpu.memory_space<hbm>> -> memref<80x128xf32, #tpu.memory_space<hbm>>
        tpu.wait_dma2 semaphore(%run_scoped3A_103 : memref<!tpu.dma_semaphore, #tpu.memory_space<semaphore_mem>>) src(%dma_wait3A_127 : memref<80x128xf32, #tpu.memory_space<hbm>>) dst(%dma_wait3A_125 : memref<80x128xf32, #tpu.memory_space<vmem>>)
        tpu.yield
      }) : () -> ()
      %scan3A_92 = arith.constant 0 : i32
      %scan3A_93 = arith.constant 0 : i32
      %scan3A_94 = arith.constant 80 : i32
      %scan3A_95 = arith.addi %scan3A_93, %scan3A_94 : i32
      %scan3A_96 = arith.constant 1 : i32
      %scan3A_97 = scf.for %scan3A_103 = %scan3A_93 to %scan3A_95 step %scan3A_96 iter_args(%scan3A_104 = %scan3A_92) -> (i32)  : i32 {
        %get3A = arith.constant 0 : i32
        %get3A_105 = arith.index_cast %get3A : i32 to index
        %get3A_106 = arith.index_cast %scan3A_103 : i32 to index
        %get3A_107 = arith.constant 0 : index
        %get3A_108 = tpu.vector_load %arg7[%get3A_105, %get3A_106, %get3A_107] {strides = array<i32>} : memref<1x80x128xf32, #tpu.memory_space<vmem>>, vector<1x1x16xf32>,
        %get3A_109 = vector.shape_cast %get3A_108 : vector<1x1x16xf32> to vector<16xf32>
        %get3A_110 = arith.constant 0 : i32
        %get3A_111 = arith.index_cast %get3A_110 : i32 to index
        %get3A_112 = arith.index_cast %scan3A_103 : i32 to index
        %get3A_113 = arith.constant 0 : index
        %get3A_114 = tpu.vector_load %arg8[%get3A_111, %get3A_112, %get3A_113] {strides = array<i32>} : memref<1x80x128xf32, #tpu.memory_space<vmem>>, vector<1x1x16xf32>,
        %get3A_115 = vector.shape_cast %get3A_114 : vector<1x1x16xf32> to vector<16xf32>
        %add3A_116 = arith.addf %get3A_109, %get3A_115 : vector<16xf32>
        %max3A = arith.constant 0.000000e+00 : f32
        %max3A_117 = vector.broadcast %max3A : f32 to vector<16xf32>
        %max3A_118 = arith.maximumf %add3A_116, %max3A_117 : vector<16xf32>
        %swap3A = arith.constant 0 : i32
        %swap3A_119 = arith.index_cast %swap3A : i32 to index
        %swap3A_120 = arith.index_cast %scan3A_103 : i32 to index
        %swap3A_121 = arith.constant 0 : index
        %swap3A_122 = tpu.vector_load %arg7[%swap3A_119, %swap3A_120, %swap3A_121] {strides = array<i32>} : memref<1x80x128xf32, #tpu.memory_space<vmem>>, vector<1x1x16xf32>,
        %swap3A_123 = vector.shape_cast %swap3A_122 : vector<1x1x16xf32> to vector<16xf32>
        %swap3A_124 = vector.shape_cast %max3A_118 : vector<16xf32> to vector<1x1x16xf32>
        tpu.vector_store %arg7[%swap3A_119, %swap3A_120, %swap3A_121], %swap3A_124 {strides = array<i32>} : memref<1x80x128xf32, #tpu.memory_space<vmem>>, vector<1x1x16xf32>,
        %get3A_125 = arith.constant 0 : i32
        %get3A_126 = arith.index_cast %get3A_125 : i32 to index
        %get3A_127 = arith.index_cast %scan3A_103 : i32 to index
        %get3A_128 = arith.constant 16 : index
        %get3A_129 = tpu.vector_load %arg7[%get3A_126, %get3A_127, %get3A_128] {strides = array<i32>} : memref<1x80x128xf32, #tpu.memory_space<vmem>>, vector<1x1x16xf32>,
        %get3A_130 = vector.shape_cast %get3A_129 : vector<1x1x16xf32> to vector<16xf32>
        %get3A_131 = arith.constant 0 : i32
        %get3A_132 = arith.index_cast %get3A_131 : i32 to index
        %get3A_133 = arith.index_cast %scan3A_103 : i32 to index
        %get3A_134 = arith.constant 16 : index
        %get3A_135 = tpu.vector_load %arg8[%get3A_132, %get3A_133, %get3A_134] {strides = array<i32>} : memref<1x80x128xf32, #tpu.memory_space<vmem>>, vector<1x1x16xf32>,
        %get3A_136 = vector.shape_cast %get3A_135 : vector<1x1x16xf32> to vector<16xf32>
        %add3A_137 = arith.addf %get3A_130, %get3A_136 : vector<16xf32>
        %max3A_138 = arith.constant 0.000000e+00 : f32
        %max3A_139 = vector.broadcast %max3A_138 : f32 to vector<16xf32>
        %max3A_140 = arith.maximumf %add3A_137, %max3A_139 : vector<16xf32>
        %swap3A_141 = arith.constant 0 : i32
        %swap3A_142 = arith.index_cast %swap3A_141 : i32 to index
        %swap3A_143 = arith.index_cast %scan3A_103 : i32 to index
        %swap3A_144 = arith.constant 16 : index
        %swap3A_145 = tpu.vector_load %arg7[%swap3A_142, %swap3A_143, %swap3A_144] {strides = array<i32>} : memref<1x80x128xf32, #tpu.memory_space<vmem>>, vector<1x1x16xf32>,
        %swap3A_146 = vector.shape_cast %swap3A_145 : vector<1x1x16xf32> to vector<16xf32>
        %swap3A_147 = vector.shape_cast %max3A_140 : vector<16xf32> to vector<1x1x16xf32>
        tpu.vector_store %arg7[%swap3A_142, %swap3A_143, %swap3A_144], %swap3A_147 {strides = array<i32>} : memref<1x80x128xf32, #tpu.memory_space<vmem>>, vector<1x1x16xf32>,
        %get3A_148 = arith.constant 0 : i32
        %get3A_149 = arith.index_cast %get3A_148 : i32 to index
        %get3A_150 = arith.index_cast %scan3A_103 : i32 to index
        %get3A_151 = arith.constant 32 : index
        %get3A_152 = tpu.vector_load %arg7[%get3A_149, %get3A_150, %get3A_151] {strides = array<i32>} : memref<1x80x128xf32, #tpu.memory_space<vmem>>, vector<1x1x16xf32>,
        %get3A_153 = vector.shape_cast %get3A_152 : vector<1x1x16xf32> to vector<16xf32>
        %get3A_154 = arith.constant 0 : i32
        %get3A_155 = arith.index_cast %get3A_154 : i32 to index
        %get3A_156 = arith.index_cast %scan3A_103 : i32 to index
        %get3A_157 = arith.constant 32 : index
        %get3A_158 = tpu.vector_load %arg8[%get3A_155, %get3A_156, %get3A_157] {strides = array<i32>} : memref<1x80x128xf32, #tpu.memory_space<vmem>>, vector<1x1x16xf32>,
        %get3A_159 = vector.shape_cast %get3A_158 : vector<1x1x16xf32> to vector<16xf32>
        %add3A_160 = arith.addf %get3A_153, %get3A_159 : vector<16xf32>
        %max3A_161 = arith.constant 0.000000e+00 : f32
        %max3A_162 = vector.broadcast %max3A_161 : f32 to vector<16xf32>
        %max3A_163 = arith.maximumf %add3A_160, %max3A_162 : vector<16xf32>
        %swap3A_164 = arith.constant 0 : i32
        %swap3A_165 = arith.index_cast %swap3A_164 : i32 to index
        %swap3A_166 = arith.index_cast %scan3A_103 : i32 to index
        %swap3A_167 = arith.constant 32 : index
        %swap3A_168 = tpu.vector_load %arg7[%swap3A_165, %swap3A_166, %swap3A_167] {strides = array<i32>} : memref<1x80x128xf32, #tpu.memory_space<vmem>>, vector<1x1x16xf32>,
        %swap3A_169 = vector.shape_cast %swap3A_168 : vector<1x1x16xf32> to vector<16xf32>
        %swap3A_170 = vector.shape_cast %max3A_163 : vector<16xf32> to vector<1x1x16xf32>
        tpu.vector_store %arg7[%swap3A_165, %swap3A_166, %swap3A_167], %swap3A_170 {strides = array<i32>} : memref<1x80x128xf32, #tpu.memory_space<vmem>>, vector<1x1x16xf32>,
        %get3A_171 = arith.constant 0 : i32
        %get3A_172 = arith.index_cast %get3A_171 : i32 to index
        %get3A_173 = arith.index_cast %scan3A_103 : i32 to index
        %get3A_174 = arith.constant 48 : index
        %get3A_175 = tpu.vector_load %arg7[%get3A_172, %get3A_173, %get3A_174] {strides = array<i32>} : memref<1x80x128xf32, #tpu.memory_space<vmem>>, vector<1x1x16xf32>,
        %get3A_176 = vector.shape_cast %get3A_175 : vector<1x1x16xf32> to vector<16xf32>
        %get3A_177 = arith.constant 0 : i32
        %get3A_178 = arith.index_cast %get3A_177 : i32 to index
        %get3A_179 = arith.index_cast %scan3A_103 : i32 to index
        %get3A_180 = arith.constant 48 : index
        %get3A_181 = tpu.vector_load %arg8[%get3A_178, %get3A_179, %get3A_180] {strides = array<i32>} : memref<1x80x128xf32, #tpu.memory_space<vmem>>, vector<1x1x16xf32>,
        %get3A_182 = vector.shape_cast %get3A_181 : vector<1x1x16xf32> to vector<16xf32>
        %add3A_183 = arith.addf %get3A_176, %get3A_182 : vector<16xf32>
        %max3A_184 = arith.constant 0.000000e+00 : f32
        %max3A_185 = vector.broadcast %max3A_184 : f32 to vector<16xf32>
        %max3A_186 = arith.maximumf %add3A_183, %max3A_185 : vector<16xf32>
        %swap3A_187 = arith.constant 0 : i32
        %swap3A_188 = arith.index_cast %swap3A_187 : i32 to index
        %swap3A_189 = arith.index_cast %scan3A_103 : i32 to index
        %swap3A_190 = arith.constant 48 : index
        %swap3A_191 = tpu.vector_load %arg7[%swap3A_188, %swap3A_189, %swap3A_190] {strides = array<i32>} : memref<1x80x128xf32, #tpu.memory_space<vmem>>, vector<1x1x16xf32>,
        %swap3A_192 = vector.shape_cast %swap3A_191 : vector<1x1x16xf32> to vector<16xf32>
        %swap3A_193 = vector.shape_cast %max3A_186 : vector<16xf32> to vector<1x1x16xf32>
        tpu.vector_store %arg7[%swap3A_188, %swap3A_189, %swap3A_190], %swap3A_193 {strides = array<i32>} : memref<1x80x128xf32, #tpu.memory_space<vmem>>, vector<1x1x16xf32>,
        %get3A_194 = arith.constant 0 : i32
        %get3A_195 = arith.index_cast %get3A_194 : i32 to index
        %get3A_196 = arith.index_cast %scan3A_103 : i32 to index
        %get3A_197 = arith.constant 64 : index
        %get3A_198 = tpu.vector_load %arg7[%get3A_195, %get3A_196, %get3A_197] {strides = array<i32>} : memref<1x80x128xf32, #tpu.memory_space<vmem>>, vector<1x1x16xf32>,
        %get3A_199 = vector.shape_cast %get3A_198 : vector<1x1x16xf32> to vector<16xf32>
        %get3A_200 = arith.constant 0 : i32
        %get3A_201 = arith.index_cast %get3A_200 : i32 to index
        %get3A_202 = arith.index_cast %scan3A_103 : i32 to index
        %get3A_203 = arith.constant 64 : index
        %get3A_204 = tpu.vector_load %arg8[%get3A_201, %get3A_202, %get3A_203] {strides = array<i32>} : memref<1x80x128xf32, #tpu.memory_space<vmem>>, vector<1x1x16xf32>,
        %get3A_205 = vector.shape_cast %get3A_204 : vector<1x1x16xf32> to vector<16xf32>
        %add3A_206 = arith.addf %get3A_199, %get3A_205 : vector<16xf32>
        %max3A_207 = arith.constant 0.000000e+00 : f32
        %max3A_208 = vector.broadcast %max3A_207 : f32 to vector<16xf32>
        %max3A_209 = arith.maximumf %add3A_206, %max3A_208 : vector<16xf32>
        %swap3A_210 = arith.constant 0 : i32
        %swap3A_211 = arith.index_cast %swap3A_210 : i32 to index
        %swap3A_212 = arith.index_cast %scan3A_103 : i32 to index
        %swap3A_213 = arith.constant 64 : index
        %swap3A_214 = tpu.vector_load %arg7[%swap3A_211, %swap3A_212, %swap3A_213] {strides = array<i32>} : memref<1x80x128xf32, #tpu.memory_space<vmem>>, vector<1x1x16xf32>,
        %swap3A_215 = vector.shape_cast %swap3A_214 : vector<1x1x16xf32> to vector<16xf32>
        %swap3A_216 = vector.shape_cast %max3A_209 : vector<16xf32> to vector<1x1x16xf32>
        tpu.vector_store %arg7[%swap3A_211, %swap3A_212, %swap3A_213], %swap3A_216 {strides = array<i32>} : memref<1x80x128xf32, #tpu.memory_space<vmem>>, vector<1x1x16xf32>,
        %get3A_217 = arith.constant 0 : i32
        %get3A_218 = arith.index_cast %get3A_217 : i32 to index
        %get3A_219 = arith.index_cast %scan3A_103 : i32 to index
        %get3A_220 = arith.constant 80 : index
        %get3A_221 = tpu.vector_load %arg7[%get3A_218, %get3A_219, %get3A_220] {strides = array<i32>} : memref<1x80x128xf32, #tpu.memory_space<vmem>>, vector<1x1x16xf32>,
        %get3A_222 = vector.shape_cast %get3A_221 : vector<1x1x16xf32> to vector<16xf32>
        %get3A_223 = arith.constant 0 : i32
        %get3A_224 = arith.index_cast %get3A_223 : i32 to index
        %get3A_225 = arith.index_cast %scan3A_103 : i32 to index
        %get3A_226 = arith.constant 80 : index
        %get3A_227 = tpu.vector_load %arg8[%get3A_224, %get3A_225, %get3A_226] {strides = array<i32>} : memref<1x80x128xf32, #tpu.memory_space<vmem>>, vector<1x1x16xf32>,
        %get3A_228 = vector.shape_cast %get3A_227 : vector<1x1x16xf32> to vector<16xf32>
        %add3A_229 = arith.addf %get3A_222, %get3A_228 : vector<16xf32>
        %max3A_230 = arith.constant 0.000000e+00 : f32
        %max3A_231 = vector.broadcast %max3A_230 : f32 to vector<16xf32>
        %max3A_232 = arith.maximumf %add3A_229, %max3A_231 : vector<16xf32>
        %swap3A_233 = arith.constant 0 : i32
        %swap3A_234 = arith.index_cast %swap3A_233 : i32 to index
        %swap3A_235 = arith.index_cast %scan3A_103 : i32 to index
        %swap3A_236 = arith.constant 80 : index
        %swap3A_237 = tpu.vector_load %arg7[%swap3A_234, %swap3A_235, %swap3A_236] {strides = array<i32>} : memref<1x80x128xf32, #tpu.memory_space<vmem>>, vector<1x1x16xf32>,
        %swap3A_238 = vector.shape_cast %swap3A_237 : vector<1x1x16xf32> to vector<16xf32>
        %swap3A_239 = vector.shape_cast %max3A_232 : vector<16xf32> to vector<1x1x16xf32>
        tpu.vector_store %arg7[%swap3A_234, %swap3A_235, %swap3A_236], %swap3A_239 {strides = array<i32>} : memref<1x80x128xf32, #tpu.memory_space<vmem>>, vector<1x1x16xf32>,
        %get3A_240 = arith.constant 0 : i32
        %get3A_241 = arith.index_cast %get3A_240 : i32 to index
        %get3A_242 = arith.index_cast %scan3A_103 : i32 to index
        %get3A_243 = arith.constant 96 : index
        %get3A_244 = tpu.vector_load %arg7[%get3A_241, %get3A_242, %get3A_243] {strides = array<i32>} : memref<1x80x128xf32, #tpu.memory_space<vmem>>, vector<1x1x16xf32>,
        %get3A_245 = vector.shape_cast %get3A_244 : vector<1x1x16xf32> to vector<16xf32>
        %get3A_246 = arith.constant 0 : i32
        %get3A_247 = arith.index_cast %get3A_246 : i32 to index
        %get3A_248 = arith.index_cast %scan3A_103 : i32 to index
        %get3A_249 = arith.constant 96 : index
        %get3A_250 = tpu.vector_load %arg8[%get3A_247, %get3A_248, %get3A_249] {strides = array<i32>} : memref<1x80x128xf32, #tpu.memory_space<vmem>>, vector<1x1x16xf32>,
        %get3A_251 = vector.shape_cast %get3A_250 : vector<1x1x16xf32> to vector<16xf32>
        %add3A_252 = arith.addf %get3A_245, %get3A_251 : vector<16xf32>
        %max3A_253 = arith.constant 0.000000e+00 : f32
        %max3A_254 = vector.broadcast %max3A_253 : f32 to vector<16xf32>
        %max3A_255 = arith.maximumf %add3A_252, %max3A_254 : vector<16xf32>
        %swap3A_256 = arith.constant 0 : i32
        %swap3A_257 = arith.index_cast %swap3A_256 : i32 to index
        %swap3A_258 = arith.index_cast %scan3A_103 : i32 to index
        %swap3A_259 = arith.constant 96 : index
        %swap3A_260 = tpu.vector_load %arg7[%swap3A_257, %swap3A_258, %swap3A_259] {strides = array<i32>} : memref<1x80x128xf32, #tpu.memory_space<vmem>>, vector<1x1x16xf32>,
        %swap3A_261 = vector.shape_cast %swap3A_260 : vector<1x1x16xf32> to vector<16xf32>
        %swap3A_262 = vector.shape_cast %max3A_255 : vector<16xf32> to vector<1x1x16xf32>
        tpu.vector_store %arg7[%swap3A_257, %swap3A_258, %swap3A_259], %swap3A_262 {strides = array<i32>} : memref<1x80x128xf32, #tpu.memory_space<vmem>>, vector<1x1x16xf32>,
        %get3A_263 = arith.constant 0 : i32
        %get3A_264 = arith.index_cast %get3A_263 : i32 to index
        %get3A_265 = arith.index_cast %scan3A_103 : i32 to index
        %get3A_266 = arith.constant 112 : index
        %get3A_267 = tpu.vector_load %arg7[%get3A_264, %get3A_265, %get3A_266] {strides = array<i32>} : memref<1x80x128xf32, #tpu.memory_space<vmem>>, vector<1x1x16xf32>,
        %get3A_268 = vector.shape_cast %get3A_267 : vector<1x1x16xf32> to vector<16xf32>
        %get3A_269 = arith.constant 0 : i32
        %get3A_270 = arith.index_cast %get3A_269 : i32 to index
        %get3A_271 = arith.index_cast %scan3A_103 : i32 to index
        %get3A_272 = arith.constant 112 : index
        %get3A_273 = tpu.vector_load %arg8[%get3A_270, %get3A_271, %get3A_272] {strides = array<i32>} : memref<1x80x128xf32, #tpu.memory_space<vmem>>, vector<1x1x16xf32>,
        %get3A_274 = vector.shape_cast %get3A_273 : vector<1x1x16xf32> to vector<16xf32>
        %add3A_275 = arith.addf %get3A_268, %get3A_274 : vector<16xf32>
        %max3A_276 = arith.constant 0.000000e+00 : f32
        %max3A_277 = vector.broadcast %max3A_276 : f32 to vector<16xf32>
        %max3A_278 = arith.maximumf %add3A_275, %max3A_277 : vector<16xf32>
        %swap3A_279 = arith.constant 0 : i32
        %swap3A_280 = arith.index_cast %swap3A_279 : i32 to index
        %swap3A_281 = arith.index_cast %scan3A_103 : i32 to index
        %swap3A_282 = arith.constant 112 : index
        %swap3A_283 = tpu.vector_load %arg7[%swap3A_280, %swap3A_281, %swap3A_282] {strides = array<i32>} : memref<1x80x128xf32, #tpu.memory_space<vmem>>, vector<1x1x16xf32>,
        %swap3A_284 = vector.shape_cast %swap3A_283 : vector<1x1x16xf32> to vector<16xf32>
        %swap3A_285 = vector.shape_cast %max3A_278 : vector<16xf32> to vector<1x1x16xf32>
        tpu.vector_store %arg7[%swap3A_280, %swap3A_281, %swap3A_282], %swap3A_285 {strides = array<i32>} : memref<1x80x128xf32, #tpu.memory_space<vmem>>, vector<1x1x16xf32>,
        %scan3A_286 = arith.constant 0 : i32
        scf.yield %scan3A_286 : i32
      }
      %scan3A_98 = arith.constant 80 : i32
      %run_scoped3A_99 = arith.constant 0 : i32
      %run_scoped3A_100 = arith.constant 0 : i32
      %run_scoped3A_101 = arith.constant 1 : i32
      "tpu.region"() ({
        %run_scoped3A_103 = tpu.sem_alloc : memref<!tpu.dma_semaphore, #tpu.memory_space<semaphore_mem>>
        %dma_start3A_104 = arith.constant 0 : i32
        %dma_start3A_105 = arith.constant 0 : i32
        %dma_start3A_106 = tpu.memref_slice %arg7[%run_scoped3A_99, %dma_start3A_104, %dma_start3A_105] : memref<1x80x128xf32, #tpu.memory_space<vmem>> -> memref<1x80x128xf32, #tpu.memory_space<vmem>>
        %dma_start3A_107 = tpu.memref_squeeze %dma_start3A_106 : memref<1x80x128xf32, #tpu.memory_space<vmem>> -> memref<80x128xf32, #tpu.memory_space<vmem>>
        %dma_start3A_108 = arith.constant 0 : i32
        %dma_start3A_109 = tpu.memref_slice %arg6[%run_scoped3A_100, %run_scoped3A_101, %dma_start3A_108] : memref<1x2x80xi32, #tpu.memory_space<vmem>> -> memref<1x1x80xi32, #tpu.memory_space<vmem>>
        %dma_start3A_110 = tpu.memref_squeeze %dma_start3A_109 : memref<1x1x80xi32, #tpu.memory_space<vmem>> -> memref<80xi32, #tpu.memory_space<vmem>>
        %dma_start3A_111 = arith.constant 0 : i32
        %dma_start3A_112 = arith.constant 0 : i32
        %dma_start3A_113 = tpu.memref_slice %arg9[%dma_start3A_111, %dma_start3A_112] : memref<10240x128xf32, #tpu.memory_space<vmem_shared>> -> memref<10240x128xf32, #tpu.memory_space<vmem_shared>>
        tpu.enqueue_indirect_dma source(%dma_start3A_107 : memref<80x128xf32, #tpu.memory_space<vmem>>) target(%dma_start3A_113 : memref<10240x128xf32, #tpu.memory_space<vmem_shared>>) offsets(%dma_start3A_110 : memref<80xi32, #tpu.memory_space<vmem>>) semaphore(%run_scoped3A_103 : memref<!tpu.dma_semaphore, #tpu.memory_space<semaphore_mem>>) {add = true}
        %dma_wait3A_114 = arith.constant 0 : i32
        %dma_wait3A_115 = arith.constant 0 : i32
        %dma_wait3A_116 = tpu.memref_slice %arg7[%run_scoped3A_99, %dma_wait3A_114, %dma_wait3A_115] : memref<1x80x128xf32, #tpu.memory_space<vmem>> -> memref<1x80x128xf32, #tpu.memory_space<vmem>>
        %dma_wait3A_117 = tpu.memref_squeeze %dma_wait3A_116 : memref<1x80x128xf32, #tpu.memory_space<vmem>> -> memref<80x128xf32, #tpu.memory_space<vmem>>
        %dma_wait3A_118 = arith.constant 0 : i32
        %dma_wait3A_119 = tpu.memref_slice %arg6[%run_scoped3A_100, %run_scoped3A_101, %dma_wait3A_118] : memref<1x2x80xi32, #tpu.memory_space<vmem>> -> memref<1x1x80xi32, #tpu.memory_space<vmem>>
        %dma_wait3A_120 = tpu.memref_squeeze %dma_wait3A_119 : memref<1x1x80xi32, #tpu.memory_space<vmem>> -> memref<80xi32, #tpu.memory_space<vmem>>
        %dma_wait3A_121 = arith.constant 0 : i32
        %dma_wait3A_122 = arith.constant 0 : i32
        %dma_wait3A_123 = tpu.memref_slice %arg9[%dma_wait3A_121, %dma_wait3A_122] : memref<10240x128xf32, #tpu.memory_space<vmem_shared>> -> memref<10240x128xf32, #tpu.memory_space<vmem_shared>>
        tpu.wait_indirect_dma semaphore(%run_scoped3A_103 : memref<!tpu.dma_semaphore, #tpu.memory_space<semaphore_mem>>) src(%dma_wait3A_117 : memref<80x128xf32, #tpu.memory_space<vmem>>) dst(%dma_wait3A_123 : memref<10240x128xf32, #tpu.memory_space<vmem_shared>>)
        tpu.yield
      }) : () -> ()
      %scan3A_102 = arith.constant 0 : i32
      scf.yield %scan3A_102 : i32
    }
    %scan3A_53 = arith.constant 125 : i32
    %barrier3A_54 = arith.constant 0 : index
    tpu.barrier barrier_id(%barrier3A_54)
    %mul3A_55 = arith.constant 640 : i32
    %mul3A_56 = arith.muli %arg1, %mul3A_55 : i32
    %mul3A_57 = arith.constant 640 : i32
    %mul3A_58 = arith.muli %arg1, %mul3A_57 : i32
    "tpu.region"() ({
      %run_scoped3A_59 = tpu.sem_alloc : memref<!tpu.dma_semaphore, #tpu.memory_space<semaphore_mem>>
      %dma_start3A = arith.constant 0 : i32
      %dma_start3A_60 = tpu.memref_slice %arg5[%arg0, %mul3A_58, %dma_start3A] : memref<2x10240x128xf32, #tpu.memory_space<hbm>> -> memref<1x640x128xf32, #tpu.memory_space<hbm>>
      %dma_start3A_61 = tpu.memref_squeeze %dma_start3A_60 : memref<1x640x128xf32, #tpu.memory_space<hbm>> -> memref<640x128xf32, #tpu.memory_space<hbm>>
      %dma_start3A_62 = arith.constant 0 : i32
      %dma_start3A_63 = tpu.memref_slice %arg9[%mul3A_56, %dma_start3A_62] : memref<10240x128xf32, #tpu.memory_space<vmem_shared>> -> memref<640x128xf32, #tpu.memory_space<vmem_shared>>
      tpu.enqueue_dma source(%dma_start3A_63 : memref<640x128xf32, #tpu.memory_space<vmem_shared>>) target(%dma_start3A_61 : memref<640x128xf32, #tpu.memory_space<hbm>>) target_semaphore(%run_scoped3A_59 : memref<!tpu.dma_semaphore, #tpu.memory_space<semaphore_mem>>)
      %dma_wait3A = arith.constant 0 : i32
      %dma_wait3A_64 = tpu.memref_slice %arg5[%arg0, %mul3A_58, %dma_wait3A] : memref<2x10240x128xf32, #tpu.memory_space<hbm>> -> memref<1x640x128xf32, #tpu.memory_space<hbm>>
      %dma_wait3A_65 = tpu.memref_squeeze %dma_wait3A_64 : memref<1x640x128xf32, #tpu.memory_space<hbm>> -> memref<640x128xf32, #tpu.memory_space<hbm>>
      %dma_wait3A_66 = arith.constant 0 : i32
      %dma_wait3A_67 = tpu.memref_slice %arg9[%mul3A_56, %dma_wait3A_66] : memref<10240x128xf32, #tpu.memory_space<vmem_shared>> -> memref<640x128xf32, #tpu.memory_space<vmem_shared>>
      tpu.wait_dma2 semaphore(%run_scoped3A_59 : memref<!tpu.dma_semaphore, #tpu.memory_space<semaphore_mem>>) src(%dma_wait3A_67 : memref<640x128xf32, #tpu.memory_space<vmem_shared>>) dst(%dma_wait3A_65 : memref<640x128xf32, #tpu.memory_space<hbm>>)
      tpu.yield
    }) : () -> ()
    return
  }
}

#map = affine_map<(d0, d1) -> (0, 0)>
module attributes {stable_mosaic.version = 14 : i64} {
  func.func @_sc_refresh_body(%arg0: i32, %arg1: i32, %arg2: memref<10000x128xf32, #tpu.memory_space<hbm>>, %arg3: memref<10000x128xf32, #tpu.memory_space<hbm>>, %arg4: memref<10000x128xf32, #tpu.memory_space<hbm>>, %arg5: memref<10000x128xf32, #tpu.memory_space<hbm>>, %arg6: memref<10000x128xf32, #tpu.memory_space<hbm>>, %arg7: memref<10000x128xf32, #tpu.memory_space<hbm>>, %arg8: memref<104x128xf32, #tpu.memory_space<vmem>>) attributes {dimension_semantics = [#tpu.dimension_semantics<core_parallel>, #tpu.dimension_semantics<subcore_parallel>], iteration_bounds = array<i64: 2, 16>, scalar_prefetch = 0 : i64, scratch_operands = 1 : i64, tpu.core_type = #tpu.core_type<sc_vector_subcore>, window_params = [{transform_indices = #map}, {transform_indices = #map}, {transform_indices = #map}, {transform_indices = #map}, {transform_indices = #map}, {transform_indices = #map}]} {
    %eq3A = arith.constant 0 : i32
    %eq3A_0 = arith.cmpi eq, %arg0, %eq3A : i32
    %convert_element_type3A = arith.extui %eq3A_0 : i1 to i32
    %cond3A = arith.constant 0 : i32
    %cond3A_1 = arith.cmpi ne, %convert_element_type3A, %cond3A : i32
    scf.if %cond3A_1 {
      %scan3A = arith.constant 0 : i32
      %scan3A_2 = arith.constant 0 : i32
      %scan3A_3 = arith.constant 6 : i32
      %scan3A_4 = arith.addi %scan3A_2, %scan3A_3 : i32
      %scan3A_5 = arith.constant 1 : i32
      %scan3A_6 = scf.for %scan3A_37 = %scan3A_2 to %scan3A_4 step %scan3A_5 iter_args(%scan3A_38 = %scan3A) -> (i32)  : i32 {
        %mul3A = arith.constant 624 : i32
        %mul3A_39 = arith.muli %arg1, %mul3A : i32
        %mul3A_40 = arith.constant 104 : i32
        %mul3A_41 = arith.muli %scan3A_37, %mul3A_40 : i32
        %add3A = arith.addi %mul3A_39, %mul3A_41 : i32
        "tpu.region"() ({
          %run_scoped3A = tpu.sem_alloc : memref<!tpu.dma_semaphore, #tpu.memory_space<semaphore_mem>>
          %dma_start3A = arith.constant 0 : i32
          %dma_start3A_43 = tpu.memref_slice %arg2[%add3A, %dma_start3A] : memref<10000x128xf32, #tpu.memory_space<hbm>> -> memref<104x128xf32, #tpu.memory_space<hbm>>
          %dma_start3A_44 = arith.constant 0 : i32
          %dma_start3A_45 = tpu.memref_slice %arg2[%add3A, %dma_start3A_44] : memref<10000x128xf32, #tpu.memory_space<hbm>> -> memref<104x128xf32, #tpu.memory_space<hbm>>
          tpu.enqueue_dma source(%dma_start3A_45 : memref<104x128xf32, #tpu.memory_space<hbm>>) target(%arg8 : memref<104x128xf32, #tpu.memory_space<vmem>>) target_semaphore(%run_scoped3A : memref<!tpu.dma_semaphore, #tpu.memory_space<semaphore_mem>>)
          %dma_wait3A = arith.constant 0 : i32
          %dma_wait3A_46 = tpu.memref_slice %arg2[%add3A, %dma_wait3A] : memref<10000x128xf32, #tpu.memory_space<hbm>> -> memref<104x128xf32, #tpu.memory_space<hbm>>
          %dma_wait3A_47 = arith.constant 0 : i32
          %dma_wait3A_48 = tpu.memref_slice %arg2[%add3A, %dma_wait3A_47] : memref<10000x128xf32, #tpu.memory_space<hbm>> -> memref<104x128xf32, #tpu.memory_space<hbm>>
          tpu.wait_dma2 semaphore(%run_scoped3A : memref<!tpu.dma_semaphore, #tpu.memory_space<semaphore_mem>>) src(%dma_wait3A_48 : memref<104x128xf32, #tpu.memory_space<hbm>>) dst(%arg8 : memref<104x128xf32, #tpu.memory_space<vmem>>)
          tpu.yield
        }) : () -> ()
        "tpu.region"() ({
          %run_scoped3A = tpu.sem_alloc : memref<!tpu.dma_semaphore, #tpu.memory_space<semaphore_mem>>
          %dma_start3A = arith.constant 0 : i32
          %dma_start3A_43 = tpu.memref_slice %arg5[%add3A, %dma_start3A] : memref<10000x128xf32, #tpu.memory_space<hbm>> -> memref<104x128xf32, #tpu.memory_space<hbm>>
          %dma_start3A_44 = arith.constant 0 : i32
          %dma_start3A_45 = tpu.memref_slice %arg5[%add3A, %dma_start3A_44] : memref<10000x128xf32, #tpu.memory_space<hbm>> -> memref<104x128xf32, #tpu.memory_space<hbm>>
          tpu.enqueue_dma source(%arg8 : memref<104x128xf32, #tpu.memory_space<vmem>>) target(%dma_start3A_45 : memref<104x128xf32, #tpu.memory_space<hbm>>) target_semaphore(%run_scoped3A : memref<!tpu.dma_semaphore, #tpu.memory_space<semaphore_mem>>)
          %dma_wait3A = arith.constant 0 : i32
          %dma_wait3A_46 = tpu.memref_slice %arg5[%add3A, %dma_wait3A] : memref<10000x128xf32, #tpu.memory_space<hbm>> -> memref<104x128xf32, #tpu.memory_space<hbm>>
          %dma_wait3A_47 = arith.constant 0 : i32
          %dma_wait3A_48 = tpu.memref_slice %arg5[%add3A, %dma_wait3A_47] : memref<10000x128xf32, #tpu.memory_space<hbm>> -> memref<104x128xf32, #tpu.memory_space<hbm>>
          tpu.wait_dma2 semaphore(%run_scoped3A : memref<!tpu.dma_semaphore, #tpu.memory_space<semaphore_mem>>) src(%arg8 : memref<104x128xf32, #tpu.memory_space<vmem>>) dst(%dma_wait3A_48 : memref<104x128xf32, #tpu.memory_space<hbm>>)
          tpu.yield
        }) : () -> ()
        %scan3A_42 = arith.constant 0 : i32
        scf.yield %scan3A_42 : i32
      }
      %scan3A_7 = arith.constant 6 : i32
      %eq3A_8 = arith.constant 15 : i32
      %eq3A_9 = arith.cmpi eq, %arg1, %eq3A_8 : i32
      %convert_element_type3A_10 = arith.extui %eq3A_9 : i1 to i32
      %cond3A_11 = arith.constant 0 : i32
      %cond3A_12 = arith.cmpi ne, %convert_element_type3A_10, %cond3A_11 : i32
      scf.if %cond3A_12 {
        "tpu.region"() ({
          %run_scoped3A = tpu.sem_alloc : memref<!tpu.dma_semaphore, #tpu.memory_space<semaphore_mem>>
          %dma_start3A = arith.constant 0 : i32
          %dma_start3A_37 = arith.constant 0 : i32
          %dma_start3A_38 = tpu.memref_slice %arg8[%dma_start3A, %dma_start3A_37] : memref<104x128xf32, #tpu.memory_space<vmem>> -> memref<16x128xf32, #tpu.memory_space<vmem>>
          %dma_start3A_39 = arith.constant 9984 : i32
          %dma_start3A_40 = arith.constant 0 : i32
          %dma_start3A_41 = tpu.memref_slice %arg2[%dma_start3A_39, %dma_start3A_40] : memref<10000x128xf32, #tpu.memory_space<hbm>> -> memref<16x128xf32, #tpu.memory_space<hbm>>
          %dma_start3A_42 = arith.constant 0 : i32
          %dma_start3A_43 = arith.constant 0 : i32
          %dma_start3A_44 = tpu.memref_slice %arg8[%dma_start3A_42, %dma_start3A_43] : memref<104x128xf32, #tpu.memory_space<vmem>> -> memref<16x128xf32, #tpu.memory_space<vmem>>
          %dma_start3A_45 = arith.constant 9984 : i32
          %dma_start3A_46 = arith.constant 0 : i32
          %dma_start3A_47 = tpu.memref_slice %arg2[%dma_start3A_45, %dma_start3A_46] : memref<10000x128xf32, #tpu.memory_space<hbm>> -> memref<16x128xf32, #tpu.memory_space<hbm>>
          tpu.enqueue_dma source(%dma_start3A_47 : memref<16x128xf32, #tpu.memory_space<hbm>>) target(%dma_start3A_44 : memref<16x128xf32, #tpu.memory_space<vmem>>) target_semaphore(%run_scoped3A : memref<!tpu.dma_semaphore, #tpu.memory_space<semaphore_mem>>)
          %dma_wait3A = arith.constant 0 : i32
          %dma_wait3A_48 = arith.constant 0 : i32
          %dma_wait3A_49 = tpu.memref_slice %arg8[%dma_wait3A, %dma_wait3A_48] : memref<104x128xf32, #tpu.memory_space<vmem>> -> memref<16x128xf32, #tpu.memory_space<vmem>>
          %dma_wait3A_50 = arith.constant 9984 : i32
          %dma_wait3A_51 = arith.constant 0 : i32
          %dma_wait3A_52 = tpu.memref_slice %arg2[%dma_wait3A_50, %dma_wait3A_51] : memref<10000x128xf32, #tpu.memory_space<hbm>> -> memref<16x128xf32, #tpu.memory_space<hbm>>
          %dma_wait3A_53 = arith.constant 0 : i32
          %dma_wait3A_54 = arith.constant 0 : i32
          %dma_wait3A_55 = tpu.memref_slice %arg8[%dma_wait3A_53, %dma_wait3A_54] : memref<104x128xf32, #tpu.memory_space<vmem>> -> memref<16x128xf32, #tpu.memory_space<vmem>>
          %dma_wait3A_56 = arith.constant 9984 : i32
          %dma_wait3A_57 = arith.constant 0 : i32
          %dma_wait3A_58 = tpu.memref_slice %arg2[%dma_wait3A_56, %dma_wait3A_57] : memref<10000x128xf32, #tpu.memory_space<hbm>> -> memref<16x128xf32, #tpu.memory_space<hbm>>
          tpu.wait_dma2 semaphore(%run_scoped3A : memref<!tpu.dma_semaphore, #tpu.memory_space<semaphore_mem>>) src(%dma_wait3A_58 : memref<16x128xf32, #tpu.memory_space<hbm>>) dst(%dma_wait3A_55 : memref<16x128xf32, #tpu.memory_space<vmem>>)
          tpu.yield
        }) : () -> ()
        "tpu.region"() ({
          %run_scoped3A = tpu.sem_alloc : memref<!tpu.dma_semaphore, #tpu.memory_space<semaphore_mem>>
          %dma_start3A = arith.constant 0 : i32
          %dma_start3A_37 = arith.constant 0 : i32
          %dma_start3A_38 = tpu.memref_slice %arg8[%dma_start3A, %dma_start3A_37] : memref<104x128xf32, #tpu.memory_space<vmem>> -> memref<16x128xf32, #tpu.memory_space<vmem>>
          %dma_start3A_39 = arith.constant 9984 : i32
          %dma_start3A_40 = arith.constant 0 : i32
          %dma_start3A_41 = tpu.memref_slice %arg5[%dma_start3A_39, %dma_start3A_40] : memref<10000x128xf32, #tpu.memory_space<hbm>> -> memref<16x128xf32, #tpu.memory_space<hbm>>
          %dma_start3A_42 = arith.constant 9984 : i32
          %dma_start3A_43 = arith.constant 0 : i32
          %dma_start3A_44 = tpu.memref_slice %arg5[%dma_start3A_42, %dma_start3A_43] : memref<10000x128xf32, #tpu.memory_space<hbm>> -> memref<16x128xf32, #tpu.memory_space<hbm>>
          %dma_start3A_45 = arith.constant 0 : i32
          %dma_start3A_46 = arith.constant 0 : i32
          %dma_start3A_47 = tpu.memref_slice %arg8[%dma_start3A_45, %dma_start3A_46] : memref<104x128xf32, #tpu.memory_space<vmem>> -> memref<16x128xf32, #tpu.memory_space<vmem>>
          tpu.enqueue_dma source(%dma_start3A_47 : memref<16x128xf32, #tpu.memory_space<vmem>>) target(%dma_start3A_44 : memref<16x128xf32, #tpu.memory_space<hbm>>) target_semaphore(%run_scoped3A : memref<!tpu.dma_semaphore, #tpu.memory_space<semaphore_mem>>)
          %dma_wait3A = arith.constant 0 : i32
          %dma_wait3A_48 = arith.constant 0 : i32
          %dma_wait3A_49 = tpu.memref_slice %arg8[%dma_wait3A, %dma_wait3A_48] : memref<104x128xf32, #tpu.memory_space<vmem>> -> memref<16x128xf32, #tpu.memory_space<vmem>>
          %dma_wait3A_50 = arith.constant 9984 : i32
          %dma_wait3A_51 = arith.constant 0 : i32
          %dma_wait3A_52 = tpu.memref_slice %arg5[%dma_wait3A_50, %dma_wait3A_51] : memref<10000x128xf32, #tpu.memory_space<hbm>> -> memref<16x128xf32, #tpu.memory_space<hbm>>
          %dma_wait3A_53 = arith.constant 9984 : i32
          %dma_wait3A_54 = arith.constant 0 : i32
          %dma_wait3A_55 = tpu.memref_slice %arg5[%dma_wait3A_53, %dma_wait3A_54] : memref<10000x128xf32, #tpu.memory_space<hbm>> -> memref<16x128xf32, #tpu.memory_space<hbm>>
          %dma_wait3A_56 = arith.constant 0 : i32
          %dma_wait3A_57 = arith.constant 0 : i32
          %dma_wait3A_58 = tpu.memref_slice %arg8[%dma_wait3A_56, %dma_wait3A_57] : memref<104x128xf32, #tpu.memory_space<vmem>> -> memref<16x128xf32, #tpu.memory_space<vmem>>
          tpu.wait_dma2 semaphore(%run_scoped3A : memref<!tpu.dma_semaphore, #tpu.memory_space<semaphore_mem>>) src(%dma_wait3A_58 : memref<16x128xf32, #tpu.memory_space<vmem>>) dst(%dma_wait3A_55 : memref<16x128xf32, #tpu.memory_space<hbm>>)
          tpu.yield
        }) : () -> ()
      } else {
      }
      %scan3A_13 = arith.constant 0 : i32
      %scan3A_14 = arith.constant 0 : i32
      %scan3A_15 = arith.constant 6 : i32
      %scan3A_16 = arith.addi %scan3A_14, %scan3A_15 : i32
      %scan3A_17 = arith.constant 1 : i32
      %scan3A_18 = scf.for %scan3A_37 = %scan3A_14 to %scan3A_16 step %scan3A_17 iter_args(%scan3A_38 = %scan3A_13) -> (i32)  : i32 {
        %mul3A = arith.constant 624 : i32
        %mul3A_39 = arith.muli %arg1, %mul3A : i32
        %mul3A_40 = arith.constant 104 : i32
        %mul3A_41 = arith.muli %scan3A_37, %mul3A_40 : i32
        %add3A = arith.addi %mul3A_39, %mul3A_41 : i32
        "tpu.region"() ({
          %run_scoped3A = tpu.sem_alloc : memref<!tpu.dma_semaphore, #tpu.memory_space<semaphore_mem>>
          %dma_start3A = arith.constant 0 : i32
          %dma_start3A_43 = tpu.memref_slice %arg3[%add3A, %dma_start3A] : memref<10000x128xf32, #tpu.memory_space<hbm>> -> memref<104x128xf32, #tpu.memory_space<hbm>>
          %dma_start3A_44 = arith.constant 0 : i32
          %dma_start3A_45 = tpu.memref_slice %arg3[%add3A, %dma_start3A_44] : memref<10000x128xf32, #tpu.memory_space<hbm>> -> memref<104x128xf32, #tpu.memory_space<hbm>>
          tpu.enqueue_dma source(%dma_start3A_45 : memref<104x128xf32, #tpu.memory_space<hbm>>) target(%arg8 : memref<104x128xf32, #tpu.memory_space<vmem>>) target_semaphore(%run_scoped3A : memref<!tpu.dma_semaphore, #tpu.memory_space<semaphore_mem>>)
          %dma_wait3A = arith.constant 0 : i32
          %dma_wait3A_46 = tpu.memref_slice %arg3[%add3A, %dma_wait3A] : memref<10000x128xf32, #tpu.memory_space<hbm>> -> memref<104x128xf32, #tpu.memory_space<hbm>>
          %dma_wait3A_47 = arith.constant 0 : i32
          %dma_wait3A_48 = tpu.memref_slice %arg3[%add3A, %dma_wait3A_47] : memref<10000x128xf32, #tpu.memory_space<hbm>> -> memref<104x128xf32, #tpu.memory_space<hbm>>
          tpu.wait_dma2 semaphore(%run_scoped3A : memref<!tpu.dma_semaphore, #tpu.memory_space<semaphore_mem>>) src(%dma_wait3A_48 : memref<104x128xf32, #tpu.memory_space<hbm>>) dst(%arg8 : memref<104x128xf32, #tpu.memory_space<vmem>>)
          tpu.yield
        }) : () -> ()
        "tpu.region"() ({
          %run_scoped3A = tpu.sem_alloc : memref<!tpu.dma_semaphore, #tpu.memory_space<semaphore_mem>>
          %dma_start3A = arith.constant 0 : i32
          %dma_start3A_43 = tpu.memref_slice %arg6[%add3A, %dma_start3A] : memref<10000x128xf32, #tpu.memory_space<hbm>> -> memref<104x128xf32, #tpu.memory_space<hbm>>
          %dma_start3A_44 = arith.constant 0 : i32
          %dma_start3A_45 = tpu.memref_slice %arg6[%add3A, %dma_start3A_44] : memref<10000x128xf32, #tpu.memory_space<hbm>> -> memref<104x128xf32, #tpu.memory_space<hbm>>
          tpu.enqueue_dma source(%arg8 : memref<104x128xf32, #tpu.memory_space<vmem>>) target(%dma_start3A_45 : memref<104x128xf32, #tpu.memory_space<hbm>>) target_semaphore(%run_scoped3A : memref<!tpu.dma_semaphore, #tpu.memory_space<semaphore_mem>>)
          %dma_wait3A = arith.constant 0 : i32
          %dma_wait3A_46 = tpu.memref_slice %arg6[%add3A, %dma_wait3A] : memref<10000x128xf32, #tpu.memory_space<hbm>> -> memref<104x128xf32, #tpu.memory_space<hbm>>
          %dma_wait3A_47 = arith.constant 0 : i32
          %dma_wait3A_48 = tpu.memref_slice %arg6[%add3A, %dma_wait3A_47] : memref<10000x128xf32, #tpu.memory_space<hbm>> -> memref<104x128xf32, #tpu.memory_space<hbm>>
          tpu.wait_dma2 semaphore(%run_scoped3A : memref<!tpu.dma_semaphore, #tpu.memory_space<semaphore_mem>>) src(%arg8 : memref<104x128xf32, #tpu.memory_space<vmem>>) dst(%dma_wait3A_48 : memref<104x128xf32, #tpu.memory_space<hbm>>)
          tpu.yield
        }) : () -> ()
        %scan3A_42 = arith.constant 0 : i32
        scf.yield %scan3A_42 : i32
      }
      %scan3A_19 = arith.constant 6 : i32
      %eq3A_20 = arith.constant 15 : i32
      %eq3A_21 = arith.cmpi eq, %arg1, %eq3A_20 : i32
      %convert_element_type3A_22 = arith.extui %eq3A_21 : i1 to i32
      %cond3A_23 = arith.constant 0 : i32
      %cond3A_24 = arith.cmpi ne, %convert_element_type3A_22, %cond3A_23 : i32
      scf.if %cond3A_24 {
        "tpu.region"() ({
          %run_scoped3A = tpu.sem_alloc : memref<!tpu.dma_semaphore, #tpu.memory_space<semaphore_mem>>
          %dma_start3A = arith.constant 0 : i32
          %dma_start3A_37 = arith.constant 0 : i32
          %dma_start3A_38 = tpu.memref_slice %arg8[%dma_start3A, %dma_start3A_37] : memref<104x128xf32, #tpu.memory_space<vmem>> -> memref<16x128xf32, #tpu.memory_space<vmem>>
          %dma_start3A_39 = arith.constant 9984 : i32
          %dma_start3A_40 = arith.constant 0 : i32
          %dma_start3A_41 = tpu.memref_slice %arg3[%dma_start3A_39, %dma_start3A_40] : memref<10000x128xf32, #tpu.memory_space<hbm>> -> memref<16x128xf32, #tpu.memory_space<hbm>>
          %dma_start3A_42 = arith.constant 0 : i32
          %dma_start3A_43 = arith.constant 0 : i32
          %dma_start3A_44 = tpu.memref_slice %arg8[%dma_start3A_42, %dma_start3A_43] : memref<104x128xf32, #tpu.memory_space<vmem>> -> memref<16x128xf32, #tpu.memory_space<vmem>>
          %dma_start3A_45 = arith.constant 9984 : i32
          %dma_start3A_46 = arith.constant 0 : i32
          %dma_start3A_47 = tpu.memref_slice %arg3[%dma_start3A_45, %dma_start3A_46] : memref<10000x128xf32, #tpu.memory_space<hbm>> -> memref<16x128xf32, #tpu.memory_space<hbm>>
          tpu.enqueue_dma source(%dma_start3A_47 : memref<16x128xf32, #tpu.memory_space<hbm>>) target(%dma_start3A_44 : memref<16x128xf32, #tpu.memory_space<vmem>>) target_semaphore(%run_scoped3A : memref<!tpu.dma_semaphore, #tpu.memory_space<semaphore_mem>>)
          %dma_wait3A = arith.constant 0 : i32
          %dma_wait3A_48 = arith.constant 0 : i32
          %dma_wait3A_49 = tpu.memref_slice %arg8[%dma_wait3A, %dma_wait3A_48] : memref<104x128xf32, #tpu.memory_space<vmem>> -> memref<16x128xf32, #tpu.memory_space<vmem>>
          %dma_wait3A_50 = arith.constant 9984 : i32
          %dma_wait3A_51 = arith.constant 0 : i32
          %dma_wait3A_52 = tpu.memref_slice %arg3[%dma_wait3A_50, %dma_wait3A_51] : memref<10000x128xf32, #tpu.memory_space<hbm>> -> memref<16x128xf32, #tpu.memory_space<hbm>>
          %dma_wait3A_53 = arith.constant 0 : i32
          %dma_wait3A_54 = arith.constant 0 : i32
          %dma_wait3A_55 = tpu.memref_slice %arg8[%dma_wait3A_53, %dma_wait3A_54] : memref<104x128xf32, #tpu.memory_space<vmem>> -> memref<16x128xf32, #tpu.memory_space<vmem>>
          %dma_wait3A_56 = arith.constant 9984 : i32
          %dma_wait3A_57 = arith.constant 0 : i32
          %dma_wait3A_58 = tpu.memref_slice %arg3[%dma_wait3A_56, %dma_wait3A_57] : memref<10000x128xf32, #tpu.memory_space<hbm>> -> memref<16x128xf32, #tpu.memory_space<hbm>>
          tpu.wait_dma2 semaphore(%run_scoped3A : memref<!tpu.dma_semaphore, #tpu.memory_space<semaphore_mem>>) src(%dma_wait3A_58 : memref<16x128xf32, #tpu.memory_space<hbm>>) dst(%dma_wait3A_55 : memref<16x128xf32, #tpu.memory_space<vmem>>)
          tpu.yield
        }) : () -> ()
        "tpu.region"() ({
          %run_scoped3A = tpu.sem_alloc : memref<!tpu.dma_semaphore, #tpu.memory_space<semaphore_mem>>
          %dma_start3A = arith.constant 0 : i32
          %dma_start3A_37 = arith.constant 0 : i32
          %dma_start3A_38 = tpu.memref_slice %arg8[%dma_start3A, %dma_start3A_37] : memref<104x128xf32, #tpu.memory_space<vmem>> -> memref<16x128xf32, #tpu.memory_space<vmem>>
          %dma_start3A_39 = arith.constant 9984 : i32
          %dma_start3A_40 = arith.constant 0 : i32
          %dma_start3A_41 = tpu.memref_slice %arg6[%dma_start3A_39, %dma_start3A_40] : memref<10000x128xf32, #tpu.memory_space<hbm>> -> memref<16x128xf32, #tpu.memory_space<hbm>>
          %dma_start3A_42 = arith.constant 9984 : i32
          %dma_start3A_43 = arith.constant 0 : i32
          %dma_start3A_44 = tpu.memref_slice %arg6[%dma_start3A_42, %dma_start3A_43] : memref<10000x128xf32, #tpu.memory_space<hbm>> -> memref<16x128xf32, #tpu.memory_space<hbm>>
          %dma_start3A_45 = arith.constant 0 : i32
          %dma_start3A_46 = arith.constant 0 : i32
          %dma_start3A_47 = tpu.memref_slice %arg8[%dma_start3A_45, %dma_start3A_46] : memref<104x128xf32, #tpu.memory_space<vmem>> -> memref<16x128xf32, #tpu.memory_space<vmem>>
          tpu.enqueue_dma source(%dma_start3A_47 : memref<16x128xf32, #tpu.memory_space<vmem>>) target(%dma_start3A_44 : memref<16x128xf32, #tpu.memory_space<hbm>>) target_semaphore(%run_scoped3A : memref<!tpu.dma_semaphore, #tpu.memory_space<semaphore_mem>>)
          %dma_wait3A = arith.constant 0 : i32
          %dma_wait3A_48 = arith.constant 0 : i32
          %dma_wait3A_49 = tpu.memref_slice %arg8[%dma_wait3A, %dma_wait3A_48] : memref<104x128xf32, #tpu.memory_space<vmem>> -> memref<16x128xf32, #tpu.memory_space<vmem>>
          %dma_wait3A_50 = arith.constant 9984 : i32
          %dma_wait3A_51 = arith.constant 0 : i32
          %dma_wait3A_52 = tpu.memref_slice %arg6[%dma_wait3A_50, %dma_wait3A_51] : memref<10000x128xf32, #tpu.memory_space<hbm>> -> memref<16x128xf32, #tpu.memory_space<hbm>>
          %dma_wait3A_53 = arith.constant 9984 : i32
          %dma_wait3A_54 = arith.constant 0 : i32
          %dma_wait3A_55 = tpu.memref_slice %arg6[%dma_wait3A_53, %dma_wait3A_54] : memref<10000x128xf32, #tpu.memory_space<hbm>> -> memref<16x128xf32, #tpu.memory_space<hbm>>
          %dma_wait3A_56 = arith.constant 0 : i32
          %dma_wait3A_57 = arith.constant 0 : i32
          %dma_wait3A_58 = tpu.memref_slice %arg8[%dma_wait3A_56, %dma_wait3A_57] : memref<104x128xf32, #tpu.memory_space<vmem>> -> memref<16x128xf32, #tpu.memory_space<vmem>>
          tpu.wait_dma2 semaphore(%run_scoped3A : memref<!tpu.dma_semaphore, #tpu.memory_space<semaphore_mem>>) src(%dma_wait3A_58 : memref<16x128xf32, #tpu.memory_space<vmem>>) dst(%dma_wait3A_55 : memref<16x128xf32, #tpu.memory_space<hbm>>)
          tpu.yield
        }) : () -> ()
      } else {
      }
      %scan3A_25 = arith.constant 0 : i32
      %scan3A_26 = arith.constant 0 : i32
      %scan3A_27 = arith.constant 6 : i32
      %scan3A_28 = arith.addi %scan3A_26, %scan3A_27 : i32
      %scan3A_29 = arith.constant 1 : i32
      %scan3A_30 = scf.for %scan3A_37 = %scan3A_26 to %scan3A_28 step %scan3A_29 iter_args(%scan3A_38 = %scan3A_25) -> (i32)  : i32 {
        %mul3A = arith.constant 624 : i32
        %mul3A_39 = arith.muli %arg1, %mul3A : i32
        %mul3A_40 = arith.constant 104 : i32
        %mul3A_41 = arith.muli %scan3A_37, %mul3A_40 : i32
        %add3A = arith.addi %mul3A_39, %mul3A_41 : i32
        "tpu.region"() ({
          %run_scoped3A = tpu.sem_alloc : memref<!tpu.dma_semaphore, #tpu.memory_space<semaphore_mem>>
          %dma_start3A = arith.constant 0 : i32
          %dma_start3A_43 = tpu.memref_slice %arg4[%add3A, %dma_start3A] : memref<10000x128xf32, #tpu.memory_space<hbm>> -> memref<104x128xf32, #tpu.memory_space<hbm>>
          %dma_start3A_44 = arith.constant 0 : i32
          %dma_start3A_45 = tpu.memref_slice %arg4[%add3A, %dma_start3A_44] : memref<10000x128xf32, #tpu.memory_space<hbm>> -> memref<104x128xf32, #tpu.memory_space<hbm>>
          tpu.enqueue_dma source(%dma_start3A_45 : memref<104x128xf32, #tpu.memory_space<hbm>>) target(%arg8 : memref<104x128xf32, #tpu.memory_space<vmem>>) target_semaphore(%run_scoped3A : memref<!tpu.dma_semaphore, #tpu.memory_space<semaphore_mem>>)
          %dma_wait3A = arith.constant 0 : i32
          %dma_wait3A_46 = tpu.memref_slice %arg4[%add3A, %dma_wait3A] : memref<10000x128xf32, #tpu.memory_space<hbm>> -> memref<104x128xf32, #tpu.memory_space<hbm>>
          %dma_wait3A_47 = arith.constant 0 : i32
          %dma_wait3A_48 = tpu.memref_slice %arg4[%add3A, %dma_wait3A_47] : memref<10000x128xf32, #tpu.memory_space<hbm>> -> memref<104x128xf32, #tpu.memory_space<hbm>>
          tpu.wait_dma2 semaphore(%run_scoped3A : memref<!tpu.dma_semaphore, #tpu.memory_space<semaphore_mem>>) src(%dma_wait3A_48 : memref<104x128xf32, #tpu.memory_space<hbm>>) dst(%arg8 : memref<104x128xf32, #tpu.memory_space<vmem>>)
          tpu.yield
        }) : () -> ()
        "tpu.region"() ({
          %run_scoped3A = tpu.sem_alloc : memref<!tpu.dma_semaphore, #tpu.memory_space<semaphore_mem>>
          %dma_start3A = arith.constant 0 : i32
          %dma_start3A_43 = tpu.memref_slice %arg7[%add3A, %dma_start3A] : memref<10000x128xf32, #tpu.memory_space<hbm>> -> memref<104x128xf32, #tpu.memory_space<hbm>>
          %dma_start3A_44 = arith.constant 0 : i32
          %dma_start3A_45 = tpu.memref_slice %arg7[%add3A, %dma_start3A_44] : memref<10000x128xf32, #tpu.memory_space<hbm>> -> memref<104x128xf32, #tpu.memory_space<hbm>>
          tpu.enqueue_dma source(%arg8 : memref<104x128xf32, #tpu.memory_space<vmem>>) target(%dma_start3A_45 : memref<104x128xf32, #tpu.memory_space<hbm>>) target_semaphore(%run_scoped3A : memref<!tpu.dma_semaphore, #tpu.memory_space<semaphore_mem>>)
          %dma_wait3A = arith.constant 0 : i32
          %dma_wait3A_46 = tpu.memref_slice %arg7[%add3A, %dma_wait3A] : memref<10000x128xf32, #tpu.memory_space<hbm>> -> memref<104x128xf32, #tpu.memory_space<hbm>>
          %dma_wait3A_47 = arith.constant 0 : i32
          %dma_wait3A_48 = tpu.memref_slice %arg7[%add3A, %dma_wait3A_47] : memref<10000x128xf32, #tpu.memory_space<hbm>> -> memref<104x128xf32, #tpu.memory_space<hbm>>
          tpu.wait_dma2 semaphore(%run_scoped3A : memref<!tpu.dma_semaphore, #tpu.memory_space<semaphore_mem>>) src(%arg8 : memref<104x128xf32, #tpu.memory_space<vmem>>) dst(%dma_wait3A_48 : memref<104x128xf32, #tpu.memory_space<hbm>>)
          tpu.yield
        }) : () -> ()
        %scan3A_42 = arith.constant 0 : i32
        scf.yield %scan3A_42 : i32
      }
      %scan3A_31 = arith.constant 6 : i32
      %eq3A_32 = arith.constant 15 : i32
      %eq3A_33 = arith.cmpi eq, %arg1, %eq3A_32 : i32
      %convert_element_type3A_34 = arith.extui %eq3A_33 : i1 to i32
      %cond3A_35 = arith.constant 0 : i32
      %cond3A_36 = arith.cmpi ne, %convert_element_type3A_34, %cond3A_35 : i32
      scf.if %cond3A_36 {
        "tpu.region"() ({
          %run_scoped3A = tpu.sem_alloc : memref<!tpu.dma_semaphore, #tpu.memory_space<semaphore_mem>>
          %dma_start3A = arith.constant 0 : i32
          %dma_start3A_37 = arith.constant 0 : i32
          %dma_start3A_38 = tpu.memref_slice %arg8[%dma_start3A, %dma_start3A_37] : memref<104x128xf32, #tpu.memory_space<vmem>> -> memref<16x128xf32, #tpu.memory_space<vmem>>
          %dma_start3A_39 = arith.constant 9984 : i32
          %dma_start3A_40 = arith.constant 0 : i32
          %dma_start3A_41 = tpu.memref_slice %arg4[%dma_start3A_39, %dma_start3A_40] : memref<10000x128xf32, #tpu.memory_space<hbm>> -> memref<16x128xf32, #tpu.memory_space<hbm>>
          %dma_start3A_42 = arith.constant 0 : i32
          %dma_start3A_43 = arith.constant 0 : i32
          %dma_start3A_44 = tpu.memref_slice %arg8[%dma_start3A_42, %dma_start3A_43] : memref<104x128xf32, #tpu.memory_space<vmem>> -> memref<16x128xf32, #tpu.memory_space<vmem>>
          %dma_start3A_45 = arith.constant 9984 : i32
          %dma_start3A_46 = arith.constant 0 : i32
          %dma_start3A_47 = tpu.memref_slice %arg4[%dma_start3A_45, %dma_start3A_46] : memref<10000x128xf32, #tpu.memory_space<hbm>> -> memref<16x128xf32, #tpu.memory_space<hbm>>
          tpu.enqueue_dma source(%dma_start3A_47 : memref<16x128xf32, #tpu.memory_space<hbm>>) target(%dma_start3A_44 : memref<16x128xf32, #tpu.memory_space<vmem>>) target_semaphore(%run_scoped3A : memref<!tpu.dma_semaphore, #tpu.memory_space<semaphore_mem>>)
          %dma_wait3A = arith.constant 0 : i32
          %dma_wait3A_48 = arith.constant 0 : i32
          %dma_wait3A_49 = tpu.memref_slice %arg8[%dma_wait3A, %dma_wait3A_48] : memref<104x128xf32, #tpu.memory_space<vmem>> -> memref<16x128xf32, #tpu.memory_space<vmem>>
          %dma_wait3A_50 = arith.constant 9984 : i32
          %dma_wait3A_51 = arith.constant 0 : i32
          %dma_wait3A_52 = tpu.memref_slice %arg4[%dma_wait3A_50, %dma_wait3A_51] : memref<10000x128xf32, #tpu.memory_space<hbm>> -> memref<16x128xf32, #tpu.memory_space<hbm>>
          %dma_wait3A_53 = arith.constant 0 : i32
          %dma_wait3A_54 = arith.constant 0 : i32
          %dma_wait3A_55 = tpu.memref_slice %arg8[%dma_wait3A_53, %dma_wait3A_54] : memref<104x128xf32, #tpu.memory_space<vmem>> -> memref<16x128xf32, #tpu.memory_space<vmem>>
          %dma_wait3A_56 = arith.constant 9984 : i32
          %dma_wait3A_57 = arith.constant 0 : i32
          %dma_wait3A_58 = tpu.memref_slice %arg4[%dma_wait3A_56, %dma_wait3A_57] : memref<10000x128xf32, #tpu.memory_space<hbm>> -> memref<16x128xf32, #tpu.memory_space<hbm>>
          tpu.wait_dma2 semaphore(%run_scoped3A : memref<!tpu.dma_semaphore, #tpu.memory_space<semaphore_mem>>) src(%dma_wait3A_58 : memref<16x128xf32, #tpu.memory_space<hbm>>) dst(%dma_wait3A_55 : memref<16x128xf32, #tpu.memory_space<vmem>>)
          tpu.yield
        }) : () -> ()
        "tpu.region"() ({
          %run_scoped3A = tpu.sem_alloc : memref<!tpu.dma_semaphore, #tpu.memory_space<semaphore_mem>>
          %dma_start3A = arith.constant 0 : i32
          %dma_start3A_37 = arith.constant 0 : i32
          %dma_start3A_38 = tpu.memref_slice %arg8[%dma_start3A, %dma_start3A_37] : memref<104x128xf32, #tpu.memory_space<vmem>> -> memref<16x128xf32, #tpu.memory_space<vmem>>
          %dma_start3A_39 = arith.constant 9984 : i32
          %dma_start3A_40 = arith.constant 0 : i32
          %dma_start3A_41 = tpu.memref_slice %arg7[%dma_start3A_39, %dma_start3A_40] : memref<10000x128xf32, #tpu.memory_space<hbm>> -> memref<16x128xf32, #tpu.memory_space<hbm>>
          %dma_start3A_42 = arith.constant 9984 : i32
          %dma_start3A_43 = arith.constant 0 : i32
          %dma_start3A_44 = tpu.memref_slice %arg7[%dma_start3A_42, %dma_start3A_43] : memref<10000x128xf32, #tpu.memory_space<hbm>> -> memref<16x128xf32, #tpu.memory_space<hbm>>
          %dma_start3A_45 = arith.constant 0 : i32
          %dma_start3A_46 = arith.constant 0 : i32
          %dma_start3A_47 = tpu.memref_slice %arg8[%dma_start3A_45, %dma_start3A_46] : memref<104x128xf32, #tpu.memory_space<vmem>> -> memref<16x128xf32, #tpu.memory_space<vmem>>
          tpu.enqueue_dma source(%dma_start3A_47 : memref<16x128xf32, #tpu.memory_space<vmem>>) target(%dma_start3A_44 : memref<16x128xf32, #tpu.memory_space<hbm>>) target_semaphore(%run_scoped3A : memref<!tpu.dma_semaphore, #tpu.memory_space<semaphore_mem>>)
          %dma_wait3A = arith.constant 0 : i32
          %dma_wait3A_48 = arith.constant 0 : i32
          %dma_wait3A_49 = tpu.memref_slice %arg8[%dma_wait3A, %dma_wait3A_48] : memref<104x128xf32, #tpu.memory_space<vmem>> -> memref<16x128xf32, #tpu.memory_space<vmem>>
          %dma_wait3A_50 = arith.constant 9984 : i32
          %dma_wait3A_51 = arith.constant 0 : i32
          %dma_wait3A_52 = tpu.memref_slice %arg7[%dma_wait3A_50, %dma_wait3A_51] : memref<10000x128xf32, #tpu.memory_space<hbm>> -> memref<16x128xf32, #tpu.memory_space<hbm>>
          %dma_wait3A_53 = arith.constant 9984 : i32
          %dma_wait3A_54 = arith.constant 0 : i32
          %dma_wait3A_55 = tpu.memref_slice %arg7[%dma_wait3A_53, %dma_wait3A_54] : memref<10000x128xf32, #tpu.memory_space<hbm>> -> memref<16x128xf32, #tpu.memory_space<hbm>>
          %dma_wait3A_56 = arith.constant 0 : i32
          %dma_wait3A_57 = arith.constant 0 : i32
          %dma_wait3A_58 = tpu.memref_slice %arg8[%dma_wait3A_56, %dma_wait3A_57] : memref<104x128xf32, #tpu.memory_space<vmem>> -> memref<16x128xf32, #tpu.memory_space<vmem>>
          tpu.wait_dma2 semaphore(%run_scoped3A : memref<!tpu.dma_semaphore, #tpu.memory_space<semaphore_mem>>) src(%dma_wait3A_58 : memref<16x128xf32, #tpu.memory_space<vmem>>) dst(%dma_wait3A_55 : memref<16x128xf32, #tpu.memory_space<hbm>>)
          tpu.yield
        }) : () -> ()
      } else {
      }
    } else {
    }
    return
  }
}

#map = affine_map<(d0, d1) -> (0, 0)>
#map1 = affine_map<(d0, d1) -> (0, 0, 0, 0)>
#map2 = affine_map<(d0, d1) -> (0, 0, 0)>
module attributes {stable_mosaic.version = 14 : i64} {
  func.func @_sc_aggregate_body(%arg0: i32, %arg1: i32, %arg2: memref<10000x128xf32, #tpu.memory_space<hbm>>, %arg3: memref<320000x128xf32, #tpu.memory_space<hbm>>, %arg4: memref<32x125x2x80xi32, #tpu.memory_space<hbm>>, %arg5: memref<2x10240x128xf32, #tpu.memory_space<hbm>>, %arg6: memref<1x2x80xi32, #tpu.memory_space<vmem>>, %arg7: memref<1x80x128xf32, #tpu.memory_space<vmem>>, %arg8: memref<1x80x128xf32, #tpu.memory_space<vmem>>, %arg9: memref<10240x128xf32, #tpu.memory_space<vmem_shared>>, %arg10: memref<!tpu.dma_semaphore, #tpu.memory_space<semaphore_mem>>) attributes {dimension_semantics = [#tpu.dimension_semantics<core_parallel>, #tpu.dimension_semantics<subcore_parallel>], iteration_bounds = array<i64: 2, 16>, scalar_prefetch = 0 : i64, scratch_operands = 5 : i64, tpu.core_type = #tpu.core_type<sc_vector_subcore>, window_params = [{transform_indices = #map}, {transform_indices = #map}, {transform_indices = #map1}, {transform_indices = #map2}]} {
    %mul3A = arith.constant 2 : i32
    %mul3A_0 = arith.muli %arg1, %mul3A : i32
    %add3A = arith.addi %mul3A_0, %arg0 : i32
    %broadcast_in_dim3A = arith.constant 0.000000e+00 : f32
    %broadcast_in_dim3A_1 = vector.broadcast %broadcast_in_dim3A : f32 to vector<16xf32>
    %scan3A = arith.constant 0 : i32
    %scan3A_2 = arith.constant 0 : i32
    %scan3A_3 = arith.constant 80 : i32
    %scan3A_4 = arith.addi %scan3A_2, %scan3A_3 : i32
    %scan3A_5 = arith.constant 1 : i32
    %scan3A_6 = scf.for %scan3A_59 = %scan3A_2 to %scan3A_4 step %scan3A_5 iter_args(%scan3A_60 = %scan3A) -> (i32)  : i32 {
      %swap3A = arith.constant 0 : i32
      %swap3A_61 = arith.index_cast %swap3A : i32 to index
      %swap3A_62 = arith.index_cast %scan3A_59 : i32 to index
      %swap3A_63 = arith.constant 0 : index
      %swap3A_64 = tpu.vector_load %arg8[%swap3A_61, %swap3A_62, %swap3A_63] {strides = array<i32>} : memref<1x80x128xf32, #tpu.memory_space<vmem>>, vector<1x1x16xf32>,
      %swap3A_65 = vector.shape_cast %swap3A_64 : vector<1x1x16xf32> to vector<16xf32>
      %swap3A_66 = vector.shape_cast %broadcast_in_dim3A_1 : vector<16xf32> to vector<1x1x16xf32>
      tpu.vector_store %arg8[%swap3A_61, %swap3A_62, %swap3A_63], %swap3A_66 {strides = array<i32>} : memref<1x80x128xf32, #tpu.memory_space<vmem>>, vector<1x1x16xf32>,
      %swap3A_67 = arith.constant 0 : i32
      %swap3A_68 = arith.index_cast %swap3A_67 : i32 to index
      %swap3A_69 = arith.index_cast %scan3A_59 : i32 to index
      %swap3A_70 = arith.constant 16 : index
      %swap3A_71 = tpu.vector_load %arg8[%swap3A_68, %swap3A_69, %swap3A_70] {strides = array<i32>} : memref<1x80x128xf32, #tpu.memory_space<vmem>>, vector<1x1x16xf32>,
      %swap3A_72 = vector.shape_cast %swap3A_71 : vector<1x1x16xf32> to vector<16xf32>
      %swap3A_73 = vector.shape_cast %broadcast_in_dim3A_1 : vector<16xf32> to vector<1x1x16xf32>
      tpu.vector_store %arg8[%swap3A_68, %swap3A_69, %swap3A_70], %swap3A_73 {strides = array<i32>} : memref<1x80x128xf32, #tpu.memory_space<vmem>>, vector<1x1x16xf32>,
      %swap3A_74 = arith.constant 0 : i32
      %swap3A_75 = arith.index_cast %swap3A_74 : i32 to index
      %swap3A_76 = arith.index_cast %scan3A_59 : i32 to index
      %swap3A_77 = arith.constant 32 : index
      %swap3A_78 = tpu.vector_load %arg8[%swap3A_75, %swap3A_76, %swap3A_77] {strides = array<i32>} : memref<1x80x128xf32, #tpu.memory_space<vmem>>, vector<1x1x16xf32>,
      %swap3A_79 = vector.shape_cast %swap3A_78 : vector<1x1x16xf32> to vector<16xf32>
      %swap3A_80 = vector.shape_cast %broadcast_in_dim3A_1 : vector<16xf32> to vector<1x1x16xf32>
      tpu.vector_store %arg8[%swap3A_75, %swap3A_76, %swap3A_77], %swap3A_80 {strides = array<i32>} : memref<1x80x128xf32, #tpu.memory_space<vmem>>, vector<1x1x16xf32>,
      %swap3A_81 = arith.constant 0 : i32
      %swap3A_82 = arith.index_cast %swap3A_81 : i32 to index
      %swap3A_83 = arith.index_cast %scan3A_59 : i32 to index
      %swap3A_84 = arith.constant 48 : index
      %swap3A_85 = tpu.vector_load %arg8[%swap3A_82, %swap3A_83, %swap3A_84] {strides = array<i32>} : memref<1x80x128xf32, #tpu.memory_space<vmem>>, vector<1x1x16xf32>,
      %swap3A_86 = vector.shape_cast %swap3A_85 : vector<1x1x16xf32> to vector<16xf32>
      %swap3A_87 = vector.shape_cast %broadcast_in_dim3A_1 : vector<16xf32> to vector<1x1x16xf32>
      tpu.vector_store %arg8[%swap3A_82, %swap3A_83, %swap3A_84], %swap3A_87 {strides = array<i32>} : memref<1x80x128xf32, #tpu.memory_space<vmem>>, vector<1x1x16xf32>,
      %swap3A_88 = arith.constant 0 : i32
      %swap3A_89 = arith.index_cast %swap3A_88 : i32 to index
      %swap3A_90 = arith.index_cast %scan3A_59 : i32 to index
      %swap3A_91 = arith.constant 64 : index
      %swap3A_92 = tpu.vector_load %arg8[%swap3A_89, %swap3A_90, %swap3A_91] {strides = array<i32>} : memref<1x80x128xf32, #tpu.memory_space<vmem>>, vector<1x1x16xf32>,
      %swap3A_93 = vector.shape_cast %swap3A_92 : vector<1x1x16xf32> to vector<16xf32>
      %swap3A_94 = vector.shape_cast %broadcast_in_dim3A_1 : vector<16xf32> to vector<1x1x16xf32>
      tpu.vector_store %arg8[%swap3A_89, %swap3A_90, %swap3A_91], %swap3A_94 {strides = array<i32>} : memref<1x80x128xf32, #tpu.memory_space<vmem>>, vector<1x1x16xf32>,
      %swap3A_95 = arith.constant 0 : i32
      %swap3A_96 = arith.index_cast %swap3A_95 : i32 to index
      %swap3A_97 = arith.index_cast %scan3A_59 : i32 to index
      %swap3A_98 = arith.constant 80 : index
      %swap3A_99 = tpu.vector_load %arg8[%swap3A_96, %swap3A_97, %swap3A_98] {strides = array<i32>} : memref<1x80x128xf32, #tpu.memory_space<vmem>>, vector<1x1x16xf32>,
      %swap3A_100 = vector.shape_cast %swap3A_99 : vector<1x1x16xf32> to vector<16xf32>
      %swap3A_101 = vector.shape_cast %broadcast_in_dim3A_1 : vector<16xf32> to vector<1x1x16xf32>
      tpu.vector_store %arg8[%swap3A_96, %swap3A_97, %swap3A_98], %swap3A_101 {strides = array<i32>} : memref<1x80x128xf32, #tpu.memory_space<vmem>>, vector<1x1x16xf32>,
      %swap3A_102 = arith.constant 0 : i32
      %swap3A_103 = arith.index_cast %swap3A_102 : i32 to index
      %swap3A_104 = arith.index_cast %scan3A_59 : i32 to index
      %swap3A_105 = arith.constant 96 : index
      %swap3A_106 = tpu.vector_load %arg8[%swap3A_103, %swap3A_104, %swap3A_105] {strides = array<i32>} : memref<1x80x128xf32, #tpu.memory_space<vmem>>, vector<1x1x16xf32>,
      %swap3A_107 = vector.shape_cast %swap3A_106 : vector<1x1x16xf32> to vector<16xf32>
      %swap3A_108 = vector.shape_cast %broadcast_in_dim3A_1 : vector<16xf32> to vector<1x1x16xf32>
      tpu.vector_store %arg8[%swap3A_103, %swap3A_104, %swap3A_105], %swap3A_108 {strides = array<i32>} : memref<1x80x128xf32, #tpu.memory_space<vmem>>, vector<1x1x16xf32>,
      %swap3A_109 = arith.constant 0 : i32
      %swap3A_110 = arith.index_cast %swap3A_109 : i32 to index
      %swap3A_111 = arith.index_cast %scan3A_59 : i32 to index
      %swap3A_112 = arith.constant 112 : index
      %swap3A_113 = tpu.vector_load %arg8[%swap3A_110, %swap3A_111, %swap3A_112] {strides = array<i32>} : memref<1x80x128xf32, #tpu.memory_space<vmem>>, vector<1x1x16xf32>,
      %swap3A_114 = vector.shape_cast %swap3A_113 : vector<1x1x16xf32> to vector<16xf32>
      %swap3A_115 = vector.shape_cast %broadcast_in_dim3A_1 : vector<16xf32> to vector<1x1x16xf32>
      tpu.vector_store %arg8[%swap3A_110, %swap3A_111, %swap3A_112], %swap3A_115 {strides = array<i32>} : memref<1x80x128xf32, #tpu.memory_space<vmem>>, vector<1x1x16xf32>,
      %scan3A_116 = arith.constant 0 : i32
      scf.yield %scan3A_116 : i32
    }
    %scan3A_7 = arith.constant 80 : i32
    %mul3A_8 = arith.constant 640 : i32
    %mul3A_9 = arith.muli %arg1, %mul3A_8 : i32
    %add3A_10 = arith.constant 0 : i32
    %add3A_11 = arith.addi %mul3A_9, %add3A_10 : i32
    %run_scoped3A = arith.constant 0 : i32
    "tpu.region"() ({
      %run_scoped3A_59 = tpu.sem_alloc : memref<!tpu.dma_semaphore, #tpu.memory_space<semaphore_mem>>
      %dma_start3A = arith.constant 0 : i32
      %dma_start3A_60 = arith.constant 0 : i32
      %dma_start3A_61 = tpu.memref_slice %arg8[%run_scoped3A, %dma_start3A, %dma_start3A_60] : memref<1x80x128xf32, #tpu.memory_space<vmem>> -> memref<1x80x128xf32, #tpu.memory_space<vmem>>
      %dma_start3A_62 = tpu.memref_squeeze %dma_start3A_61 : memref<1x80x128xf32, #tpu.memory_space<vmem>> -> memref<80x128xf32, #tpu.memory_space<vmem>>
      %dma_start3A_63 = arith.constant 0 : i32
      %dma_start3A_64 = tpu.memref_slice %arg9[%add3A_11, %dma_start3A_63] : memref<10240x128xf32, #tpu.memory_space<vmem_shared>> -> memref<80x128xf32, #tpu.memory_space<vmem_shared>>
      %dma_start3A_65 = arith.constant 0 : i32
      %dma_start3A_66 = tpu.memref_slice %arg9[%add3A_11, %dma_start3A_65] : memref<10240x128xf32, #tpu.memory_space<vmem_shared>> -> memref<80x128xf32, #tpu.memory_space<vmem_shared>>
      %dma_start3A_67 = arith.constant 0 : i32
      %dma_start3A_68 = arith.constant 0 : i32
      %dma_start3A_69 = tpu.memref_slice %arg8[%run_scoped3A, %dma_start3A_67, %dma_start3A_68] : memref<1x80x128xf32, #tpu.memory_space<vmem>> -> memref<1x80x128xf32, #tpu.memory_space<vmem>>
      %dma_start3A_70 = tpu.memref_squeeze %dma_start3A_69 : memref<1x80x128xf32, #tpu.memory_space<vmem>> -> memref<80x128xf32, #tpu.memory_space<vmem>>
      tpu.enqueue_dma source(%dma_start3A_70 : memref<80x128xf32, #tpu.memory_space<vmem>>) target(%dma_start3A_66 : memref<80x128xf32, #tpu.memory_space<vmem_shared>>) target_semaphore(%run_scoped3A_59 : memref<!tpu.dma_semaphore, #tpu.memory_space<semaphore_mem>>)
      %dma_wait3A = arith.constant 0 : i32
      %dma_wait3A_71 = arith.constant 0 : i32
      %dma_wait3A_72 = tpu.memref_slice %arg8[%run_scoped3A, %dma_wait3A, %dma_wait3A_71] : memref<1x80x128xf32, #tpu.memory_space<vmem>> -> memref<1x80x128xf32, #tpu.memory_space<vmem>>
      %dma_wait3A_73 = tpu.memref_squeeze %dma_wait3A_72 : memref<1x80x128xf32, #tpu.memory_space<vmem>> -> memref<80x128xf32, #tpu.memory_space<vmem>>
      %dma_wait3A_74 = arith.constant 0 : i32
      %dma_wait3A_75 = tpu.memref_slice %arg9[%add3A_11, %dma_wait3A_74] : memref<10240x128xf32, #tpu.memory_space<vmem_shared>> -> memref<80x128xf32, #tpu.memory_space<vmem_shared>>
      %dma_wait3A_76 = arith.constant 0 : i32
      %dma_wait3A_77 = tpu.memref_slice %arg9[%add3A_11, %dma_wait3A_76] : memref<10240x128xf32, #tpu.memory_space<vmem_shared>> -> memref<80x128xf32, #tpu.memory_space<vmem_shared>>
      %dma_wait3A_78 = arith.constant 0 : i32
      %dma_wait3A_79 = arith.constant 0 : i32
      %dma_wait3A_80 = tpu.memref_slice %arg8[%run_scoped3A, %dma_wait3A_78, %dma_wait3A_79] : memref<1x80x128xf32, #tpu.memory_space<vmem>> -> memref<1x80x128xf32, #tpu.memory_space<vmem>>
      %dma_wait3A_81 = tpu.memref_squeeze %dma_wait3A_80 : memref<1x80x128xf32, #tpu.memory_space<vmem>> -> memref<80x128xf32, #tpu.memory_space<vmem>>
      tpu.wait_dma2 semaphore(%run_scoped3A_59 : memref<!tpu.dma_semaphore, #tpu.memory_space<semaphore_mem>>) src(%dma_wait3A_81 : memref<80x128xf32, #tpu.memory_space<vmem>>) dst(%dma_wait3A_77 : memref<80x128xf32, #tpu.memory_space<vmem_shared>>)
      tpu.yield
    }) : () -> ()
    %mul3A_12 = arith.constant 640 : i32
    %mul3A_13 = arith.muli %arg1, %mul3A_12 : i32
    %add3A_14 = arith.constant 80 : i32
    %add3A_15 = arith.addi %mul3A_13, %add3A_14 : i32
    %run_scoped3A_16 = arith.constant 0 : i32
    "tpu.region"() ({
      %run_scoped3A_59 = tpu.sem_alloc : memref<!tpu.dma_semaphore, #tpu.memory_space<semaphore_mem>>
      %dma_start3A = arith.constant 0 : i32
      %dma_start3A_60 = arith.constant 0 : i32
      %dma_start3A_61 = tpu.memref_slice %arg8[%run_scoped3A_16, %dma_start3A, %dma_start3A_60] : memref<1x80x128xf32, #tpu.memory_space<vmem>> -> memref<1x80x128xf32, #tpu.memory_space<vmem>>
      %dma_start3A_62 = tpu.memref_squeeze %dma_start3A_61 : memref<1x80x128xf32, #tpu.memory_space<vmem>> -> memref<80x128xf32, #tpu.memory_space<vmem>>
      %dma_start3A_63 = arith.constant 0 : i32
      %dma_start3A_64 = tpu.memref_slice %arg9[%add3A_15, %dma_start3A_63] : memref<10240x128xf32, #tpu.memory_space<vmem_shared>> -> memref<80x128xf32, #tpu.memory_space<vmem_shared>>
      %dma_start3A_65 = arith.constant 0 : i32
      %dma_start3A_66 = tpu.memref_slice %arg9[%add3A_15, %dma_start3A_65] : memref<10240x128xf32, #tpu.memory_space<vmem_shared>> -> memref<80x128xf32, #tpu.memory_space<vmem_shared>>
      %dma_start3A_67 = arith.constant 0 : i32
      %dma_start3A_68 = arith.constant 0 : i32
      %dma_start3A_69 = tpu.memref_slice %arg8[%run_scoped3A_16, %dma_start3A_67, %dma_start3A_68] : memref<1x80x128xf32, #tpu.memory_space<vmem>> -> memref<1x80x128xf32, #tpu.memory_space<vmem>>
      %dma_start3A_70 = tpu.memref_squeeze %dma_start3A_69 : memref<1x80x128xf32, #tpu.memory_space<vmem>> -> memref<80x128xf32, #tpu.memory_space<vmem>>
      tpu.enqueue_dma source(%dma_start3A_70 : memref<80x128xf32, #tpu.memory_space<vmem>>) target(%dma_start3A_66 : memref<80x128xf32, #tpu.memory_space<vmem_shared>>) target_semaphore(%run_scoped3A_59 : memref<!tpu.dma_semaphore, #tpu.memory_space<semaphore_mem>>)
      %dma_wait3A = arith.constant 0 : i32
      %dma_wait3A_71 = arith.constant 0 : i32
      %dma_wait3A_72 = tpu.memref_slice %arg8[%run_scoped3A_16, %dma_wait3A, %dma_wait3A_71] : memref<1x80x128xf32, #tpu.memory_space<vmem>> -> memref<1x80x128xf32, #tpu.memory_space<vmem>>
      %dma_wait3A_73 = tpu.memref_squeeze %dma_wait3A_72 : memref<1x80x128xf32, #tpu.memory_space<vmem>> -> memref<80x128xf32, #tpu.memory_space<vmem>>
      %dma_wait3A_74 = arith.constant 0 : i32
      %dma_wait3A_75 = tpu.memref_slice %arg9[%add3A_15, %dma_wait3A_74] : memref<10240x128xf32, #tpu.memory_space<vmem_shared>> -> memref<80x128xf32, #tpu.memory_space<vmem_shared>>
      %dma_wait3A_76 = arith.constant 0 : i32
      %dma_wait3A_77 = tpu.memref_slice %arg9[%add3A_15, %dma_wait3A_76] : memref<10240x128xf32, #tpu.memory_space<vmem_shared>> -> memref<80x128xf32, #tpu.memory_space<vmem_shared>>
      %dma_wait3A_78 = arith.constant 0 : i32
      %dma_wait3A_79 = arith.constant 0 : i32
      %dma_wait3A_80 = tpu.memref_slice %arg8[%run_scoped3A_16, %dma_wait3A_78, %dma_wait3A_79] : memref<1x80x128xf32, #tpu.memory_space<vmem>> -> memref<1x80x128xf32, #tpu.memory_space<vmem>>
      %dma_wait3A_81 = tpu.memref_squeeze %dma_wait3A_80 : memref<1x80x128xf32, #tpu.memory_space<vmem>> -> memref<80x128xf32, #tpu.memory_space<vmem>>
      tpu.wait_dma2 semaphore(%run_scoped3A_59 : memref<!tpu.dma_semaphore, #tpu.memory_space<semaphore_mem>>) src(%dma_wait3A_81 : memref<80x128xf32, #tpu.memory_space<vmem>>) dst(%dma_wait3A_77 : memref<80x128xf32, #tpu.memory_space<vmem_shared>>)
      tpu.yield
    }) : () -> ()
    %mul3A_17 = arith.constant 640 : i32
    %mul3A_18 = arith.muli %arg1, %mul3A_17 : i32
    %add3A_19 = arith.constant 160 : i32
    %add3A_20 = arith.addi %mul3A_18, %add3A_19 : i32
    %run_scoped3A_21 = arith.constant 0 : i32
    "tpu.region"() ({
      %run_scoped3A_59 = tpu.sem_alloc : memref<!tpu.dma_semaphore, #tpu.memory_space<semaphore_mem>>
      %dma_start3A = arith.constant 0 : i32
      %dma_start3A_60 = arith.constant 0 : i32
      %dma_start3A_61 = tpu.memref_slice %arg8[%run_scoped3A_21, %dma_start3A, %dma_start3A_60] : memref<1x80x128xf32, #tpu.memory_space<vmem>> -> memref<1x80x128xf32, #tpu.memory_space<vmem>>
      %dma_start3A_62 = tpu.memref_squeeze %dma_start3A_61 : memref<1x80x128xf32, #tpu.memory_space<vmem>> -> memref<80x128xf32, #tpu.memory_space<vmem>>
      %dma_start3A_63 = arith.constant 0 : i32
      %dma_start3A_64 = tpu.memref_slice %arg9[%add3A_20, %dma_start3A_63] : memref<10240x128xf32, #tpu.memory_space<vmem_shared>> -> memref<80x128xf32, #tpu.memory_space<vmem_shared>>
      %dma_start3A_65 = arith.constant 0 : i32
      %dma_start3A_66 = tpu.memref_slice %arg9[%add3A_20, %dma_start3A_65] : memref<10240x128xf32, #tpu.memory_space<vmem_shared>> -> memref<80x128xf32, #tpu.memory_space<vmem_shared>>
      %dma_start3A_67 = arith.constant 0 : i32
      %dma_start3A_68 = arith.constant 0 : i32
      %dma_start3A_69 = tpu.memref_slice %arg8[%run_scoped3A_21, %dma_start3A_67, %dma_start3A_68] : memref<1x80x128xf32, #tpu.memory_space<vmem>> -> memref<1x80x128xf32, #tpu.memory_space<vmem>>
      %dma_start3A_70 = tpu.memref_squeeze %dma_start3A_69 : memref<1x80x128xf32, #tpu.memory_space<vmem>> -> memref<80x128xf32, #tpu.memory_space<vmem>>
      tpu.enqueue_dma source(%dma_start3A_70 : memref<80x128xf32, #tpu.memory_space<vmem>>) target(%dma_start3A_66 : memref<80x128xf32, #tpu.memory_space<vmem_shared>>) target_semaphore(%run_scoped3A_59 : memref<!tpu.dma_semaphore, #tpu.memory_space<semaphore_mem>>)
      %dma_wait3A = arith.constant 0 : i32
      %dma_wait3A_71 = arith.constant 0 : i32
      %dma_wait3A_72 = tpu.memref_slice %arg8[%run_scoped3A_21, %dma_wait3A, %dma_wait3A_71] : memref<1x80x128xf32, #tpu.memory_space<vmem>> -> memref<1x80x128xf32, #tpu.memory_space<vmem>>
      %dma_wait3A_73 = tpu.memref_squeeze %dma_wait3A_72 : memref<1x80x128xf32, #tpu.memory_space<vmem>> -> memref<80x128xf32, #tpu.memory_space<vmem>>
      %dma_wait3A_74 = arith.constant 0 : i32
      %dma_wait3A_75 = tpu.memref_slice %arg9[%add3A_20, %dma_wait3A_74] : memref<10240x128xf32, #tpu.memory_space<vmem_shared>> -> memref<80x128xf32, #tpu.memory_space<vmem_shared>>
      %dma_wait3A_76 = arith.constant 0 : i32
      %dma_wait3A_77 = tpu.memref_slice %arg9[%add3A_20, %dma_wait3A_76] : memref<10240x128xf32, #tpu.memory_space<vmem_shared>> -> memref<80x128xf32, #tpu.memory_space<vmem_shared>>
      %dma_wait3A_78 = arith.constant 0 : i32
      %dma_wait3A_79 = arith.constant 0 : i32
      %dma_wait3A_80 = tpu.memref_slice %arg8[%run_scoped3A_21, %dma_wait3A_78, %dma_wait3A_79] : memref<1x80x128xf32, #tpu.memory_space<vmem>> -> memref<1x80x128xf32, #tpu.memory_space<vmem>>
      %dma_wait3A_81 = tpu.memref_squeeze %dma_wait3A_80 : memref<1x80x128xf32, #tpu.memory_space<vmem>> -> memref<80x128xf32, #tpu.memory_space<vmem>>
      tpu.wait_dma2 semaphore(%run_scoped3A_59 : memref<!tpu.dma_semaphore, #tpu.memory_space<semaphore_mem>>) src(%dma_wait3A_81 : memref<80x128xf32, #tpu.memory_space<vmem>>) dst(%dma_wait3A_77 : memref<80x128xf32, #tpu.memory_space<vmem_shared>>)
      tpu.yield
    }) : () -> ()
    %mul3A_22 = arith.constant 640 : i32
    %mul3A_23 = arith.muli %arg1, %mul3A_22 : i32
    %add3A_24 = arith.constant 240 : i32
    %add3A_25 = arith.addi %mul3A_23, %add3A_24 : i32
    %run_scoped3A_26 = arith.constant 0 : i32
    "tpu.region"() ({
      %run_scoped3A_59 = tpu.sem_alloc : memref<!tpu.dma_semaphore, #tpu.memory_space<semaphore_mem>>
      %dma_start3A = arith.constant 0 : i32
      %dma_start3A_60 = arith.constant 0 : i32
      %dma_start3A_61 = tpu.memref_slice %arg8[%run_scoped3A_26, %dma_start3A, %dma_start3A_60] : memref<1x80x128xf32, #tpu.memory_space<vmem>> -> memref<1x80x128xf32, #tpu.memory_space<vmem>>
      %dma_start3A_62 = tpu.memref_squeeze %dma_start3A_61 : memref<1x80x128xf32, #tpu.memory_space<vmem>> -> memref<80x128xf32, #tpu.memory_space<vmem>>
      %dma_start3A_63 = arith.constant 0 : i32
      %dma_start3A_64 = tpu.memref_slice %arg9[%add3A_25, %dma_start3A_63] : memref<10240x128xf32, #tpu.memory_space<vmem_shared>> -> memref<80x128xf32, #tpu.memory_space<vmem_shared>>
      %dma_start3A_65 = arith.constant 0 : i32
      %dma_start3A_66 = tpu.memref_slice %arg9[%add3A_25, %dma_start3A_65] : memref<10240x128xf32, #tpu.memory_space<vmem_shared>> -> memref<80x128xf32, #tpu.memory_space<vmem_shared>>
      %dma_start3A_67 = arith.constant 0 : i32
      %dma_start3A_68 = arith.constant 0 : i32
      %dma_start3A_69 = tpu.memref_slice %arg8[%run_scoped3A_26, %dma_start3A_67, %dma_start3A_68] : memref<1x80x128xf32, #tpu.memory_space<vmem>> -> memref<1x80x128xf32, #tpu.memory_space<vmem>>
      %dma_start3A_70 = tpu.memref_squeeze %dma_start3A_69 : memref<1x80x128xf32, #tpu.memory_space<vmem>> -> memref<80x128xf32, #tpu.memory_space<vmem>>
      tpu.enqueue_dma source(%dma_start3A_70 : memref<80x128xf32, #tpu.memory_space<vmem>>) target(%dma_start3A_66 : memref<80x128xf32, #tpu.memory_space<vmem_shared>>) target_semaphore(%run_scoped3A_59 : memref<!tpu.dma_semaphore, #tpu.memory_space<semaphore_mem>>)
      %dma_wait3A = arith.constant 0 : i32
      %dma_wait3A_71 = arith.constant 0 : i32
      %dma_wait3A_72 = tpu.memref_slice %arg8[%run_scoped3A_26, %dma_wait3A, %dma_wait3A_71] : memref<1x80x128xf32, #tpu.memory_space<vmem>> -> memref<1x80x128xf32, #tpu.memory_space<vmem>>
      %dma_wait3A_73 = tpu.memref_squeeze %dma_wait3A_72 : memref<1x80x128xf32, #tpu.memory_space<vmem>> -> memref<80x128xf32, #tpu.memory_space<vmem>>
      %dma_wait3A_74 = arith.constant 0 : i32
      %dma_wait3A_75 = tpu.memref_slice %arg9[%add3A_25, %dma_wait3A_74] : memref<10240x128xf32, #tpu.memory_space<vmem_shared>> -> memref<80x128xf32, #tpu.memory_space<vmem_shared>>
      %dma_wait3A_76 = arith.constant 0 : i32
      %dma_wait3A_77 = tpu.memref_slice %arg9[%add3A_25, %dma_wait3A_76] : memref<10240x128xf32, #tpu.memory_space<vmem_shared>> -> memref<80x128xf32, #tpu.memory_space<vmem_shared>>
      %dma_wait3A_78 = arith.constant 0 : i32
      %dma_wait3A_79 = arith.constant 0 : i32
      %dma_wait3A_80 = tpu.memref_slice %arg8[%run_scoped3A_26, %dma_wait3A_78, %dma_wait3A_79] : memref<1x80x128xf32, #tpu.memory_space<vmem>> -> memref<1x80x128xf32, #tpu.memory_space<vmem>>
      %dma_wait3A_81 = tpu.memref_squeeze %dma_wait3A_80 : memref<1x80x128xf32, #tpu.memory_space<vmem>> -> memref<80x128xf32, #tpu.memory_space<vmem>>
      tpu.wait_dma2 semaphore(%run_scoped3A_59 : memref<!tpu.dma_semaphore, #tpu.memory_space<semaphore_mem>>) src(%dma_wait3A_81 : memref<80x128xf32, #tpu.memory_space<vmem>>) dst(%dma_wait3A_77 : memref<80x128xf32, #tpu.memory_space<vmem_shared>>)
      tpu.yield
    }) : () -> ()
    %mul3A_27 = arith.constant 640 : i32
    %mul3A_28 = arith.muli %arg1, %mul3A_27 : i32
    %add3A_29 = arith.constant 320 : i32
    %add3A_30 = arith.addi %mul3A_28, %add3A_29 : i32
    %run_scoped3A_31 = arith.constant 0 : i32
    "tpu.region"() ({
      %run_scoped3A_59 = tpu.sem_alloc : memref<!tpu.dma_semaphore, #tpu.memory_space<semaphore_mem>>
      %dma_start3A = arith.constant 0 : i32
      %dma_start3A_60 = arith.constant 0 : i32
      %dma_start3A_61 = tpu.memref_slice %arg8[%run_scoped3A_31, %dma_start3A, %dma_start3A_60] : memref<1x80x128xf32, #tpu.memory_space<vmem>> -> memref<1x80x128xf32, #tpu.memory_space<vmem>>
      %dma_start3A_62 = tpu.memref_squeeze %dma_start3A_61 : memref<1x80x128xf32, #tpu.memory_space<vmem>> -> memref<80x128xf32, #tpu.memory_space<vmem>>
      %dma_start3A_63 = arith.constant 0 : i32
      %dma_start3A_64 = tpu.memref_slice %arg9[%add3A_30, %dma_start3A_63] : memref<10240x128xf32, #tpu.memory_space<vmem_shared>> -> memref<80x128xf32, #tpu.memory_space<vmem_shared>>
      %dma_start3A_65 = arith.constant 0 : i32
      %dma_start3A_66 = tpu.memref_slice %arg9[%add3A_30, %dma_start3A_65] : memref<10240x128xf32, #tpu.memory_space<vmem_shared>> -> memref<80x128xf32, #tpu.memory_space<vmem_shared>>
      %dma_start3A_67 = arith.constant 0 : i32
      %dma_start3A_68 = arith.constant 0 : i32
      %dma_start3A_69 = tpu.memref_slice %arg8[%run_scoped3A_31, %dma_start3A_67, %dma_start3A_68] : memref<1x80x128xf32, #tpu.memory_space<vmem>> -> memref<1x80x128xf32, #tpu.memory_space<vmem>>
      %dma_start3A_70 = tpu.memref_squeeze %dma_start3A_69 : memref<1x80x128xf32, #tpu.memory_space<vmem>> -> memref<80x128xf32, #tpu.memory_space<vmem>>
      tpu.enqueue_dma source(%dma_start3A_70 : memref<80x128xf32, #tpu.memory_space<vmem>>) target(%dma_start3A_66 : memref<80x128xf32, #tpu.memory_space<vmem_shared>>) target_semaphore(%run_scoped3A_59 : memref<!tpu.dma_semaphore, #tpu.memory_space<semaphore_mem>>)
      %dma_wait3A = arith.constant 0 : i32
      %dma_wait3A_71 = arith.constant 0 : i32
      %dma_wait3A_72 = tpu.memref_slice %arg8[%run_scoped3A_31, %dma_wait3A, %dma_wait3A_71] : memref<1x80x128xf32, #tpu.memory_space<vmem>> -> memref<1x80x128xf32, #tpu.memory_space<vmem>>
      %dma_wait3A_73 = tpu.memref_squeeze %dma_wait3A_72 : memref<1x80x128xf32, #tpu.memory_space<vmem>> -> memref<80x128xf32, #tpu.memory_space<vmem>>
      %dma_wait3A_74 = arith.constant 0 : i32
      %dma_wait3A_75 = tpu.memref_slice %arg9[%add3A_30, %dma_wait3A_74] : memref<10240x128xf32, #tpu.memory_space<vmem_shared>> -> memref<80x128xf32, #tpu.memory_space<vmem_shared>>
      %dma_wait3A_76 = arith.constant 0 : i32
      %dma_wait3A_77 = tpu.memref_slice %arg9[%add3A_30, %dma_wait3A_76] : memref<10240x128xf32, #tpu.memory_space<vmem_shared>> -> memref<80x128xf32, #tpu.memory_space<vmem_shared>>
      %dma_wait3A_78 = arith.constant 0 : i32
      %dma_wait3A_79 = arith.constant 0 : i32
      %dma_wait3A_80 = tpu.memref_slice %arg8[%run_scoped3A_31, %dma_wait3A_78, %dma_wait3A_79] : memref<1x80x128xf32, #tpu.memory_space<vmem>> -> memref<1x80x128xf32, #tpu.memory_space<vmem>>
      %dma_wait3A_81 = tpu.memref_squeeze %dma_wait3A_80 : memref<1x80x128xf32, #tpu.memory_space<vmem>> -> memref<80x128xf32, #tpu.memory_space<vmem>>
      tpu.wait_dma2 semaphore(%run_scoped3A_59 : memref<!tpu.dma_semaphore, #tpu.memory_space<semaphore_mem>>) src(%dma_wait3A_81 : memref<80x128xf32, #tpu.memory_space<vmem>>) dst(%dma_wait3A_77 : memref<80x128xf32, #tpu.memory_space<vmem_shared>>)
      tpu.yield
    }) : () -> ()
    %mul3A_32 = arith.constant 640 : i32
    %mul3A_33 = arith.muli %arg1, %mul3A_32 : i32
    %add3A_34 = arith.constant 400 : i32
    %add3A_35 = arith.addi %mul3A_33, %add3A_34 : i32
    %run_scoped3A_36 = arith.constant 0 : i32
    "tpu.region"() ({
      %run_scoped3A_59 = tpu.sem_alloc : memref<!tpu.dma_semaphore, #tpu.memory_space<semaphore_mem>>
      %dma_start3A = arith.constant 0 : i32
      %dma_start3A_60 = arith.constant 0 : i32
      %dma_start3A_61 = tpu.memref_slice %arg8[%run_scoped3A_36, %dma_start3A, %dma_start3A_60] : memref<1x80x128xf32, #tpu.memory_space<vmem>> -> memref<1x80x128xf32, #tpu.memory_space<vmem>>
      %dma_start3A_62 = tpu.memref_squeeze %dma_start3A_61 : memref<1x80x128xf32, #tpu.memory_space<vmem>> -> memref<80x128xf32, #tpu.memory_space<vmem>>
      %dma_start3A_63 = arith.constant 0 : i32
      %dma_start3A_64 = tpu.memref_slice %arg9[%add3A_35, %dma_start3A_63] : memref<10240x128xf32, #tpu.memory_space<vmem_shared>> -> memref<80x128xf32, #tpu.memory_space<vmem_shared>>
      %dma_start3A_65 = arith.constant 0 : i32
      %dma_start3A_66 = tpu.memref_slice %arg9[%add3A_35, %dma_start3A_65] : memref<10240x128xf32, #tpu.memory_space<vmem_shared>> -> memref<80x128xf32, #tpu.memory_space<vmem_shared>>
      %dma_start3A_67 = arith.constant 0 : i32
      %dma_start3A_68 = arith.constant 0 : i32
      %dma_start3A_69 = tpu.memref_slice %arg8[%run_scoped3A_36, %dma_start3A_67, %dma_start3A_68] : memref<1x80x128xf32, #tpu.memory_space<vmem>> -> memref<1x80x128xf32, #tpu.memory_space<vmem>>
      %dma_start3A_70 = tpu.memref_squeeze %dma_start3A_69 : memref<1x80x128xf32, #tpu.memory_space<vmem>> -> memref<80x128xf32, #tpu.memory_space<vmem>>
      tpu.enqueue_dma source(%dma_start3A_70 : memref<80x128xf32, #tpu.memory_space<vmem>>) target(%dma_start3A_66 : memref<80x128xf32, #tpu.memory_space<vmem_shared>>) target_semaphore(%run_scoped3A_59 : memref<!tpu.dma_semaphore, #tpu.memory_space<semaphore_mem>>)
      %dma_wait3A = arith.constant 0 : i32
      %dma_wait3A_71 = arith.constant 0 : i32
      %dma_wait3A_72 = tpu.memref_slice %arg8[%run_scoped3A_36, %dma_wait3A, %dma_wait3A_71] : memref<1x80x128xf32, #tpu.memory_space<vmem>> -> memref<1x80x128xf32, #tpu.memory_space<vmem>>
      %dma_wait3A_73 = tpu.memref_squeeze %dma_wait3A_72 : memref<1x80x128xf32, #tpu.memory_space<vmem>> -> memref<80x128xf32, #tpu.memory_space<vmem>>
      %dma_wait3A_74 = arith.constant 0 : i32
      %dma_wait3A_75 = tpu.memref_slice %arg9[%add3A_35, %dma_wait3A_74] : memref<10240x128xf32, #tpu.memory_space<vmem_shared>> -> memref<80x128xf32, #tpu.memory_space<vmem_shared>>
      %dma_wait3A_76 = arith.constant 0 : i32
      %dma_wait3A_77 = tpu.memref_slice %arg9[%add3A_35, %dma_wait3A_76] : memref<10240x128xf32, #tpu.memory_space<vmem_shared>> -> memref<80x128xf32, #tpu.memory_space<vmem_shared>>
      %dma_wait3A_78 = arith.constant 0 : i32
      %dma_wait3A_79 = arith.constant 0 : i32
      %dma_wait3A_80 = tpu.memref_slice %arg8[%run_scoped3A_36, %dma_wait3A_78, %dma_wait3A_79] : memref<1x80x128xf32, #tpu.memory_space<vmem>> -> memref<1x80x128xf32, #tpu.memory_space<vmem>>
      %dma_wait3A_81 = tpu.memref_squeeze %dma_wait3A_80 : memref<1x80x128xf32, #tpu.memory_space<vmem>> -> memref<80x128xf32, #tpu.memory_space<vmem>>
      tpu.wait_dma2 semaphore(%run_scoped3A_59 : memref<!tpu.dma_semaphore, #tpu.memory_space<semaphore_mem>>) src(%dma_wait3A_81 : memref<80x128xf32, #tpu.memory_space<vmem>>) dst(%dma_wait3A_77 : memref<80x128xf32, #tpu.memory_space<vmem_shared>>)
      tpu.yield
    }) : () -> ()
    %mul3A_37 = arith.constant 640 : i32
    %mul3A_38 = arith.muli %arg1, %mul3A_37 : i32
    %add3A_39 = arith.constant 480 : i32
    %add3A_40 = arith.addi %mul3A_38, %add3A_39 : i32
    %run_scoped3A_41 = arith.constant 0 : i32
    "tpu.region"() ({
      %run_scoped3A_59 = tpu.sem_alloc : memref<!tpu.dma_semaphore, #tpu.memory_space<semaphore_mem>>
      %dma_start3A = arith.constant 0 : i32
      %dma_start3A_60 = arith.constant 0 : i32
      %dma_start3A_61 = tpu.memref_slice %arg8[%run_scoped3A_41, %dma_start3A, %dma_start3A_60] : memref<1x80x128xf32, #tpu.memory_space<vmem>> -> memref<1x80x128xf32, #tpu.memory_space<vmem>>
      %dma_start3A_62 = tpu.memref_squeeze %dma_start3A_61 : memref<1x80x128xf32, #tpu.memory_space<vmem>> -> memref<80x128xf32, #tpu.memory_space<vmem>>
      %dma_start3A_63 = arith.constant 0 : i32
      %dma_start3A_64 = tpu.memref_slice %arg9[%add3A_40, %dma_start3A_63] : memref<10240x128xf32, #tpu.memory_space<vmem_shared>> -> memref<80x128xf32, #tpu.memory_space<vmem_shared>>
      %dma_start3A_65 = arith.constant 0 : i32
      %dma_start3A_66 = tpu.memref_slice %arg9[%add3A_40, %dma_start3A_65] : memref<10240x128xf32, #tpu.memory_space<vmem_shared>> -> memref<80x128xf32, #tpu.memory_space<vmem_shared>>
      %dma_start3A_67 = arith.constant 0 : i32
      %dma_start3A_68 = arith.constant 0 : i32
      %dma_start3A_69 = tpu.memref_slice %arg8[%run_scoped3A_41, %dma_start3A_67, %dma_start3A_68] : memref<1x80x128xf32, #tpu.memory_space<vmem>> -> memref<1x80x128xf32, #tpu.memory_space<vmem>>
      %dma_start3A_70 = tpu.memref_squeeze %dma_start3A_69 : memref<1x80x128xf32, #tpu.memory_space<vmem>> -> memref<80x128xf32, #tpu.memory_space<vmem>>
      tpu.enqueue_dma source(%dma_start3A_70 : memref<80x128xf32, #tpu.memory_space<vmem>>) target(%dma_start3A_66 : memref<80x128xf32, #tpu.memory_space<vmem_shared>>) target_semaphore(%run_scoped3A_59 : memref<!tpu.dma_semaphore, #tpu.memory_space<semaphore_mem>>)
      %dma_wait3A = arith.constant 0 : i32
      %dma_wait3A_71 = arith.constant 0 : i32
      %dma_wait3A_72 = tpu.memref_slice %arg8[%run_scoped3A_41, %dma_wait3A, %dma_wait3A_71] : memref<1x80x128xf32, #tpu.memory_space<vmem>> -> memref<1x80x128xf32, #tpu.memory_space<vmem>>
      %dma_wait3A_73 = tpu.memref_squeeze %dma_wait3A_72 : memref<1x80x128xf32, #tpu.memory_space<vmem>> -> memref<80x128xf32, #tpu.memory_space<vmem>>
      %dma_wait3A_74 = arith.constant 0 : i32
      %dma_wait3A_75 = tpu.memref_slice %arg9[%add3A_40, %dma_wait3A_74] : memref<10240x128xf32, #tpu.memory_space<vmem_shared>> -> memref<80x128xf32, #tpu.memory_space<vmem_shared>>
      %dma_wait3A_76 = arith.constant 0 : i32
      %dma_wait3A_77 = tpu.memref_slice %arg9[%add3A_40, %dma_wait3A_76] : memref<10240x128xf32, #tpu.memory_space<vmem_shared>> -> memref<80x128xf32, #tpu.memory_space<vmem_shared>>
      %dma_wait3A_78 = arith.constant 0 : i32
      %dma_wait3A_79 = arith.constant 0 : i32
      %dma_wait3A_80 = tpu.memref_slice %arg8[%run_scoped3A_41, %dma_wait3A_78, %dma_wait3A_79] : memref<1x80x128xf32, #tpu.memory_space<vmem>> -> memref<1x80x128xf32, #tpu.memory_space<vmem>>
      %dma_wait3A_81 = tpu.memref_squeeze %dma_wait3A_80 : memref<1x80x128xf32, #tpu.memory_space<vmem>> -> memref<80x128xf32, #tpu.memory_space<vmem>>
      tpu.wait_dma2 semaphore(%run_scoped3A_59 : memref<!tpu.dma_semaphore, #tpu.memory_space<semaphore_mem>>) src(%dma_wait3A_81 : memref<80x128xf32, #tpu.memory_space<vmem>>) dst(%dma_wait3A_77 : memref<80x128xf32, #tpu.memory_space<vmem_shared>>)
      tpu.yield
    }) : () -> ()
    %mul3A_42 = arith.constant 640 : i32
    %mul3A_43 = arith.muli %arg1, %mul3A_42 : i32
    %add3A_44 = arith.constant 560 : i32
    %add3A_45 = arith.addi %mul3A_43, %add3A_44 : i32
    %run_scoped3A_46 = arith.constant 0 : i32
    "tpu.region"() ({
      %run_scoped3A_59 = tpu.sem_alloc : memref<!tpu.dma_semaphore, #tpu.memory_space<semaphore_mem>>
      %dma_start3A = arith.constant 0 : i32
      %dma_start3A_60 = arith.constant 0 : i32
      %dma_start3A_61 = tpu.memref_slice %arg8[%run_scoped3A_46, %dma_start3A, %dma_start3A_60] : memref<1x80x128xf32, #tpu.memory_space<vmem>> -> memref<1x80x128xf32, #tpu.memory_space<vmem>>
      %dma_start3A_62 = tpu.memref_squeeze %dma_start3A_61 : memref<1x80x128xf32, #tpu.memory_space<vmem>> -> memref<80x128xf32, #tpu.memory_space<vmem>>
      %dma_start3A_63 = arith.constant 0 : i32
      %dma_start3A_64 = tpu.memref_slice %arg9[%add3A_45, %dma_start3A_63] : memref<10240x128xf32, #tpu.memory_space<vmem_shared>> -> memref<80x128xf32, #tpu.memory_space<vmem_shared>>
      %dma_start3A_65 = arith.constant 0 : i32
      %dma_start3A_66 = tpu.memref_slice %arg9[%add3A_45, %dma_start3A_65] : memref<10240x128xf32, #tpu.memory_space<vmem_shared>> -> memref<80x128xf32, #tpu.memory_space<vmem_shared>>
      %dma_start3A_67 = arith.constant 0 : i32
      %dma_start3A_68 = arith.constant 0 : i32
      %dma_start3A_69 = tpu.memref_slice %arg8[%run_scoped3A_46, %dma_start3A_67, %dma_start3A_68] : memref<1x80x128xf32, #tpu.memory_space<vmem>> -> memref<1x80x128xf32, #tpu.memory_space<vmem>>
      %dma_start3A_70 = tpu.memref_squeeze %dma_start3A_69 : memref<1x80x128xf32, #tpu.memory_space<vmem>> -> memref<80x128xf32, #tpu.memory_space<vmem>>
      tpu.enqueue_dma source(%dma_start3A_70 : memref<80x128xf32, #tpu.memory_space<vmem>>) target(%dma_start3A_66 : memref<80x128xf32, #tpu.memory_space<vmem_shared>>) target_semaphore(%run_scoped3A_59 : memref<!tpu.dma_semaphore, #tpu.memory_space<semaphore_mem>>)
      %dma_wait3A = arith.constant 0 : i32
      %dma_wait3A_71 = arith.constant 0 : i32
      %dma_wait3A_72 = tpu.memref_slice %arg8[%run_scoped3A_46, %dma_wait3A, %dma_wait3A_71] : memref<1x80x128xf32, #tpu.memory_space<vmem>> -> memref<1x80x128xf32, #tpu.memory_space<vmem>>
      %dma_wait3A_73 = tpu.memref_squeeze %dma_wait3A_72 : memref<1x80x128xf32, #tpu.memory_space<vmem>> -> memref<80x128xf32, #tpu.memory_space<vmem>>
      %dma_wait3A_74 = arith.constant 0 : i32
      %dma_wait3A_75 = tpu.memref_slice %arg9[%add3A_45, %dma_wait3A_74] : memref<10240x128xf32, #tpu.memory_space<vmem_shared>> -> memref<80x128xf32, #tpu.memory_space<vmem_shared>>
      %dma_wait3A_76 = arith.constant 0 : i32
      %dma_wait3A_77 = tpu.memref_slice %arg9[%add3A_45, %dma_wait3A_76] : memref<10240x128xf32, #tpu.memory_space<vmem_shared>> -> memref<80x128xf32, #tpu.memory_space<vmem_shared>>
      %dma_wait3A_78 = arith.constant 0 : i32
      %dma_wait3A_79 = arith.constant 0 : i32
      %dma_wait3A_80 = tpu.memref_slice %arg8[%run_scoped3A_46, %dma_wait3A_78, %dma_wait3A_79] : memref<1x80x128xf32, #tpu.memory_space<vmem>> -> memref<1x80x128xf32, #tpu.memory_space<vmem>>
      %dma_wait3A_81 = tpu.memref_squeeze %dma_wait3A_80 : memref<1x80x128xf32, #tpu.memory_space<vmem>> -> memref<80x128xf32, #tpu.memory_space<vmem>>
      tpu.wait_dma2 semaphore(%run_scoped3A_59 : memref<!tpu.dma_semaphore, #tpu.memory_space<semaphore_mem>>) src(%dma_wait3A_81 : memref<80x128xf32, #tpu.memory_space<vmem>>) dst(%dma_wait3A_77 : memref<80x128xf32, #tpu.memory_space<vmem_shared>>)
      tpu.yield
    }) : () -> ()
    %barrier3A = arith.constant 0 : index
    tpu.barrier barrier_id(%barrier3A)
    %scan3A_47 = arith.constant 0 : i32
    %scan3A_48 = arith.constant 0 : i32
    %scan3A_49 = arith.constant 125 : i32
    %scan3A_50 = arith.addi %scan3A_48, %scan3A_49 : i32
    %scan3A_51 = arith.constant 1 : i32
    %scan3A_52 = scf.for %scan3A_59 = %scan3A_48 to %scan3A_50 step %scan3A_51 iter_args(%scan3A_60 = %scan3A_47) -> (i32)  : i32 {
      %run_scoped3A_61 = arith.constant 0 : i32
      "tpu.region"() ({
        %run_scoped3A_103 = tpu.sem_alloc : memref<!tpu.dma_semaphore, #tpu.memory_space<semaphore_mem>>
        %dma_start3A_104 = arith.constant 0 : i32
        %dma_start3A_105 = arith.constant 0 : i32
        %dma_start3A_106 = tpu.memref_slice %arg6[%run_scoped3A_61, %dma_start3A_104, %dma_start3A_105] : memref<1x2x80xi32, #tpu.memory_space<vmem>> -> memref<1x2x80xi32, #tpu.memory_space<vmem>>
        %dma_start3A_107 = tpu.memref_squeeze %dma_start3A_106 : memref<1x2x80xi32, #tpu.memory_space<vmem>> -> memref<2x80xi32, #tpu.memory_space<vmem>>
        %dma_start3A_108 = arith.constant 0 : i32
        %dma_start3A_109 = arith.constant 0 : i32
        %dma_start3A_110 = tpu.memref_slice %arg4[%add3A, %scan3A_59, %dma_start3A_108, %dma_start3A_109] : memref<32x125x2x80xi32, #tpu.memory_space<hbm>> -> memref<1x1x2x80xi32, #tpu.memory_space<hbm>>
        %dma_start3A_111 = tpu.memref_squeeze %dma_start3A_110 : memref<1x1x2x80xi32, #tpu.memory_space<hbm>> -> memref<2x80xi32, #tpu.memory_space<hbm>>
        %dma_start3A_112 = arith.constant 0 : i32
        %dma_start3A_113 = arith.constant 0 : i32
        %dma_start3A_114 = tpu.memref_slice %arg6[%run_scoped3A_61, %dma_start3A_112, %dma_start3A_113] : memref<1x2x80xi32, #tpu.memory_space<vmem>> -> memref<1x2x80xi32, #tpu.memory_space<vmem>>
        %dma_start3A_115 = tpu.memref_squeeze %dma_start3A_114 : memref<1x2x80xi32, #tpu.memory_space<vmem>> -> memref<2x80xi32, #tpu.memory_space<vmem>>
        %dma_start3A_116 = arith.constant 0 : i32
        %dma_start3A_117 = arith.constant 0 : i32
        %dma_start3A_118 = tpu.memref_slice %arg4[%add3A, %scan3A_59, %dma_start3A_116, %dma_start3A_117] : memref<32x125x2x80xi32, #tpu.memory_space<hbm>> -> memref<1x1x2x80xi32, #tpu.memory_space<hbm>>
        %dma_start3A_119 = tpu.memref_squeeze %dma_start3A_118 : memref<1x1x2x80xi32, #tpu.memory_space<hbm>> -> memref<2x80xi32, #tpu.memory_space<hbm>>
        tpu.enqueue_dma source(%dma_start3A_119 : memref<2x80xi32, #tpu.memory_space<hbm>>) target(%dma_start3A_115 : memref<2x80xi32, #tpu.memory_space<vmem>>) target_semaphore(%run_scoped3A_103 : memref<!tpu.dma_semaphore, #tpu.memory_space<semaphore_mem>>)
        %dma_wait3A_120 = arith.constant 0 : i32
        %dma_wait3A_121 = arith.constant 0 : i32
        %dma_wait3A_122 = tpu.memref_slice %arg6[%run_scoped3A_61, %dma_wait3A_120, %dma_wait3A_121] : memref<1x2x80xi32, #tpu.memory_space<vmem>> -> memref<1x2x80xi32, #tpu.memory_space<vmem>>
        %dma_wait3A_123 = tpu.memref_squeeze %dma_wait3A_122 : memref<1x2x80xi32, #tpu.memory_space<vmem>> -> memref<2x80xi32, #tpu.memory_space<vmem>>
        %dma_wait3A_124 = arith.constant 0 : i32
        %dma_wait3A_125 = arith.constant 0 : i32
        %dma_wait3A_126 = tpu.memref_slice %arg4[%add3A, %scan3A_59, %dma_wait3A_124, %dma_wait3A_125] : memref<32x125x2x80xi32, #tpu.memory_space<hbm>> -> memref<1x1x2x80xi32, #tpu.memory_space<hbm>>
        %dma_wait3A_127 = tpu.memref_squeeze %dma_wait3A_126 : memref<1x1x2x80xi32, #tpu.memory_space<hbm>> -> memref<2x80xi32, #tpu.memory_space<hbm>>
        %dma_wait3A_128 = arith.constant 0 : i32
        %dma_wait3A_129 = arith.constant 0 : i32
        %dma_wait3A_130 = tpu.memref_slice %arg6[%run_scoped3A_61, %dma_wait3A_128, %dma_wait3A_129] : memref<1x2x80xi32, #tpu.memory_space<vmem>> -> memref<1x2x80xi32, #tpu.memory_space<vmem>>
        %dma_wait3A_131 = tpu.memref_squeeze %dma_wait3A_130 : memref<1x2x80xi32, #tpu.memory_space<vmem>> -> memref<2x80xi32, #tpu.memory_space<vmem>>
        %dma_wait3A_132 = arith.constant 0 : i32
        %dma_wait3A_133 = arith.constant 0 : i32
        %dma_wait3A_134 = tpu.memref_slice %arg4[%add3A, %scan3A_59, %dma_wait3A_132, %dma_wait3A_133] : memref<32x125x2x80xi32, #tpu.memory_space<hbm>> -> memref<1x1x2x80xi32, #tpu.memory_space<hbm>>
        %dma_wait3A_135 = tpu.memref_squeeze %dma_wait3A_134 : memref<1x1x2x80xi32, #tpu.memory_space<hbm>> -> memref<2x80xi32, #tpu.memory_space<hbm>>
        tpu.wait_dma2 semaphore(%run_scoped3A_103 : memref<!tpu.dma_semaphore, #tpu.memory_space<semaphore_mem>>) src(%dma_wait3A_135 : memref<2x80xi32, #tpu.memory_space<hbm>>) dst(%dma_wait3A_131 : memref<2x80xi32, #tpu.memory_space<vmem>>)
        tpu.yield
      }) : () -> ()
      %dma_start3A = arith.constant 0 : i32
      %dma_start3A_62 = arith.constant 0 : i32
      %dma_start3A_63 = arith.constant 0 : i32
      %dma_start3A_64 = arith.constant 0 : i32
      %dma_start3A_65 = arith.constant 0 : i32
      %dma_start3A_66 = tpu.memref_slice %arg7[%dma_start3A_63, %dma_start3A_64, %dma_start3A_65] : memref<1x80x128xf32, #tpu.memory_space<vmem>> -> memref<1x80x128xf32, #tpu.memory_space<vmem>>
      %dma_start3A_67 = tpu.memref_squeeze %dma_start3A_66 : memref<1x80x128xf32, #tpu.memory_space<vmem>> -> memref<80x128xf32, #tpu.memory_space<vmem>>
      %dma_start3A_68 = arith.constant 0 : i32
      %dma_start3A_69 = tpu.memref_slice %arg6[%dma_start3A, %dma_start3A_62, %dma_start3A_68] : memref<1x2x80xi32, #tpu.memory_space<vmem>> -> memref<1x1x80xi32, #tpu.memory_space<vmem>>
      %dma_start3A_70 = tpu.memref_squeeze %dma_start3A_69 : memref<1x1x80xi32, #tpu.memory_space<vmem>> -> memref<80xi32, #tpu.memory_space<vmem>>
      %dma_start3A_71 = arith.constant 0 : i32
      %dma_start3A_72 = arith.constant 0 : i32
      %dma_start3A_73 = tpu.memref_slice %arg2[%dma_start3A_71, %dma_start3A_72] : memref<10000x128xf32, #tpu.memory_space<hbm>> -> memref<10000x128xf32, #tpu.memory_space<hbm>>
      tpu.enqueue_indirect_dma source(%dma_start3A_73 : memref<10000x128xf32, #tpu.memory_space<hbm>>) target(%dma_start3A_67 : memref<80x128xf32, #tpu.memory_space<vmem>>) offsets(%dma_start3A_70 : memref<80xi32, #tpu.memory_space<vmem>>) semaphore(%arg10 : memref<!tpu.dma_semaphore, #tpu.memory_space<semaphore_mem>>)
      %dma_wait3A = arith.constant 0 : i32
      %dma_wait3A_74 = arith.constant 0 : i32
      %dma_wait3A_75 = arith.constant 0 : i32
      %dma_wait3A_76 = arith.constant 0 : i32
      %dma_wait3A_77 = arith.constant 0 : i32
      %dma_wait3A_78 = tpu.memref_slice %arg7[%dma_wait3A_75, %dma_wait3A_76, %dma_wait3A_77] : memref<1x80x128xf32, #tpu.memory_space<vmem>> -> memref<1x80x128xf32, #tpu.memory_space<vmem>>
      %dma_wait3A_79 = tpu.memref_squeeze %dma_wait3A_78 : memref<1x80x128xf32, #tpu.memory_space<vmem>> -> memref<80x128xf32, #tpu.memory_space<vmem>>
      %dma_wait3A_80 = arith.constant 0 : i32
      %dma_wait3A_81 = tpu.memref_slice %arg6[%dma_wait3A, %dma_wait3A_74, %dma_wait3A_80] : memref<1x2x80xi32, #tpu.memory_space<vmem>> -> memref<1x1x80xi32, #tpu.memory_space<vmem>>
      %dma_wait3A_82 = tpu.memref_squeeze %dma_wait3A_81 : memref<1x1x80xi32, #tpu.memory_space<vmem>> -> memref<80xi32, #tpu.memory_space<vmem>>
      %dma_wait3A_83 = arith.constant 0 : i32
      %dma_wait3A_84 = arith.constant 0 : i32
      %dma_wait3A_85 = tpu.memref_slice %arg2[%dma_wait3A_83, %dma_wait3A_84] : memref<10000x128xf32, #tpu.memory_space<hbm>> -> memref<10000x128xf32, #tpu.memory_space<hbm>>
      tpu.wait_indirect_dma semaphore(%arg10 : memref<!tpu.dma_semaphore, #tpu.memory_space<semaphore_mem>>) src(%dma_wait3A_85 : memref<10000x128xf32, #tpu.memory_space<hbm>>) dst(%dma_wait3A_79 : memref<80x128xf32, #tpu.memory_space<vmem>>)
      %mul3A_86 = arith.constant 10000 : i32
      %mul3A_87 = arith.muli %add3A, %mul3A_86 : i32
      %mul3A_88 = arith.constant 80 : i32
      %mul3A_89 = arith.muli %scan3A_59, %mul3A_88 : i32
      %add3A_90 = arith.addi %mul3A_87, %mul3A_89 : i32
      %run_scoped3A_91 = arith.constant 0 : i32
      "tpu.region"() ({
        %run_scoped3A_103 = tpu.sem_alloc : memref<!tpu.dma_semaphore, #tpu.memory_space<semaphore_mem>>
        %dma_start3A_104 = arith.constant 0 : i32
        %dma_start3A_105 = arith.constant 0 : i32
        %dma_start3A_106 = tpu.memref_slice %arg8[%run_scoped3A_91, %dma_start3A_104, %dma_start3A_105] : memref<1x80x128xf32, #tpu.memory_space<vmem>> -> memref<1x80x128xf32, #tpu.memory_space<vmem>>
        %dma_start3A_107 = tpu.memref_squeeze %dma_start3A_106 : memref<1x80x128xf32, #tpu.memory_space<vmem>> -> memref<80x128xf32, #tpu.memory_space<vmem>>
        %dma_start3A_108 = arith.constant 0 : i32
        %dma_start3A_109 = tpu.memref_slice %arg3[%add3A_90, %dma_start3A_108] : memref<320000x128xf32, #tpu.memory_space<hbm>> -> memref<80x128xf32, #tpu.memory_space<hbm>>
        %dma_start3A_110 = arith.constant 0 : i32
        %dma_start3A_111 = arith.constant 0 : i32
        %dma_start3A_112 = tpu.memref_slice %arg8[%run_scoped3A_91, %dma_start3A_110, %dma_start3A_111] : memref<1x80x128xf32, #tpu.memory_space<vmem>> -> memref<1x80x128xf32, #tpu.memory_space<vmem>>
        %dma_start3A_113 = tpu.memref_squeeze %dma_start3A_112 : memref<1x80x128xf32, #tpu.memory_space<vmem>> -> memref<80x128xf32, #tpu.memory_space<vmem>>
        %dma_start3A_114 = arith.constant 0 : i32
        %dma_start3A_115 = tpu.memref_slice %arg3[%add3A_90, %dma_start3A_114] : memref<320000x128xf32, #tpu.memory_space<hbm>> -> memref<80x128xf32, #tpu.memory_space<hbm>>
        tpu.enqueue_dma source(%dma_start3A_115 : memref<80x128xf32, #tpu.memory_space<hbm>>) target(%dma_start3A_113 : memref<80x128xf32, #tpu.memory_space<vmem>>) target_semaphore(%run_scoped3A_103 : memref<!tpu.dma_semaphore, #tpu.memory_space<semaphore_mem>>)
        %dma_wait3A_116 = arith.constant 0 : i32
        %dma_wait3A_117 = arith.constant 0 : i32
        %dma_wait3A_118 = tpu.memref_slice %arg8[%run_scoped3A_91, %dma_wait3A_116, %dma_wait3A_117] : memref<1x80x128xf32, #tpu.memory_space<vmem>> -> memref<1x80x128xf32, #tpu.memory_space<vmem>>
        %dma_wait3A_119 = tpu.memref_squeeze %dma_wait3A_118 : memref<1x80x128xf32, #tpu.memory_space<vmem>> -> memref<80x128xf32, #tpu.memory_space<vmem>>
        %dma_wait3A_120 = arith.constant 0 : i32
        %dma_wait3A_121 = tpu.memref_slice %arg3[%add3A_90, %dma_wait3A_120] : memref<320000x128xf32, #tpu.memory_space<hbm>> -> memref<80x128xf32, #tpu.memory_space<hbm>>
        %dma_wait3A_122 = arith.constant 0 : i32
        %dma_wait3A_123 = arith.constant 0 : i32
        %dma_wait3A_124 = tpu.memref_slice %arg8[%run_scoped3A_91, %dma_wait3A_122, %dma_wait3A_123] : memref<1x80x128xf32, #tpu.memory_space<vmem>> -> memref<1x80x128xf32, #tpu.memory_space<vmem>>
        %dma_wait3A_125 = tpu.memref_squeeze %dma_wait3A_124 : memref<1x80x128xf32, #tpu.memory_space<vmem>> -> memref<80x128xf32, #tpu.memory_space<vmem>>
        %dma_wait3A_126 = arith.constant 0 : i32
        %dma_wait3A_127 = tpu.memref_slice %arg3[%add3A_90, %dma_wait3A_126] : memref<320000x128xf32, #tpu.memory_space<hbm>> -> memref<80x128xf32, #tpu.memory_space<hbm>>
        tpu.wait_dma2 semaphore(%run_scoped3A_103 : memref<!tpu.dma_semaphore, #tpu.memory_space<semaphore_mem>>) src(%dma_wait3A_127 : memref<80x128xf32, #tpu.memory_space<hbm>>) dst(%dma_wait3A_125 : memref<80x128xf32, #tpu.memory_space<vmem>>)
        tpu.yield
      }) : () -> ()
      %scan3A_92 = arith.constant 0 : i32
      %scan3A_93 = arith.constant 0 : i32
      %scan3A_94 = arith.constant 80 : i32
      %scan3A_95 = arith.addi %scan3A_93, %scan3A_94 : i32
      %scan3A_96 = arith.constant 1 : i32
      %scan3A_97 = scf.for %scan3A_103 = %scan3A_93 to %scan3A_95 step %scan3A_96 iter_args(%scan3A_104 = %scan3A_92) -> (i32)  : i32 {
        %get3A = arith.constant 0 : i32
        %get3A_105 = arith.index_cast %get3A : i32 to index
        %get3A_106 = arith.index_cast %scan3A_103 : i32 to index
        %get3A_107 = arith.constant 0 : index
        %get3A_108 = tpu.vector_load %arg7[%get3A_105, %get3A_106, %get3A_107] {strides = array<i32>} : memref<1x80x128xf32, #tpu.memory_space<vmem>>, vector<1x1x16xf32>,
        %get3A_109 = vector.shape_cast %get3A_108 : vector<1x1x16xf32> to vector<16xf32>
        %get3A_110 = arith.constant 0 : i32
        %get3A_111 = arith.index_cast %get3A_110 : i32 to index
        %get3A_112 = arith.index_cast %scan3A_103 : i32 to index
        %get3A_113 = arith.constant 0 : index
        %get3A_114 = tpu.vector_load %arg8[%get3A_111, %get3A_112, %get3A_113] {strides = array<i32>} : memref<1x80x128xf32, #tpu.memory_space<vmem>>, vector<1x1x16xf32>,
        %get3A_115 = vector.shape_cast %get3A_114 : vector<1x1x16xf32> to vector<16xf32>
        %add3A_116 = arith.addf %get3A_109, %get3A_115 : vector<16xf32>
        %max3A = arith.constant 0.000000e+00 : f32
        %max3A_117 = vector.broadcast %max3A : f32 to vector<16xf32>
        %max3A_118 = arith.maximumf %add3A_116, %max3A_117 : vector<16xf32>
        %swap3A = arith.constant 0 : i32
        %swap3A_119 = arith.index_cast %swap3A : i32 to index
        %swap3A_120 = arith.index_cast %scan3A_103 : i32 to index
        %swap3A_121 = arith.constant 0 : index
        %swap3A_122 = tpu.vector_load %arg7[%swap3A_119, %swap3A_120, %swap3A_121] {strides = array<i32>} : memref<1x80x128xf32, #tpu.memory_space<vmem>>, vector<1x1x16xf32>,
        %swap3A_123 = vector.shape_cast %swap3A_122 : vector<1x1x16xf32> to vector<16xf32>
        %swap3A_124 = vector.shape_cast %max3A_118 : vector<16xf32> to vector<1x1x16xf32>
        tpu.vector_store %arg7[%swap3A_119, %swap3A_120, %swap3A_121], %swap3A_124 {strides = array<i32>} : memref<1x80x128xf32, #tpu.memory_space<vmem>>, vector<1x1x16xf32>,
        %get3A_125 = arith.constant 0 : i32
        %get3A_126 = arith.index_cast %get3A_125 : i32 to index
        %get3A_127 = arith.index_cast %scan3A_103 : i32 to index
        %get3A_128 = arith.constant 16 : index
        %get3A_129 = tpu.vector_load %arg7[%get3A_126, %get3A_127, %get3A_128] {strides = array<i32>} : memref<1x80x128xf32, #tpu.memory_space<vmem>>, vector<1x1x16xf32>,
        %get3A_130 = vector.shape_cast %get3A_129 : vector<1x1x16xf32> to vector<16xf32>
        %get3A_131 = arith.constant 0 : i32
        %get3A_132 = arith.index_cast %get3A_131 : i32 to index
        %get3A_133 = arith.index_cast %scan3A_103 : i32 to index
        %get3A_134 = arith.constant 16 : index
        %get3A_135 = tpu.vector_load %arg8[%get3A_132, %get3A_133, %get3A_134] {strides = array<i32>} : memref<1x80x128xf32, #tpu.memory_space<vmem>>, vector<1x1x16xf32>,
        %get3A_136 = vector.shape_cast %get3A_135 : vector<1x1x16xf32> to vector<16xf32>
        %add3A_137 = arith.addf %get3A_130, %get3A_136 : vector<16xf32>
        %max3A_138 = arith.constant 0.000000e+00 : f32
        %max3A_139 = vector.broadcast %max3A_138 : f32 to vector<16xf32>
        %max3A_140 = arith.maximumf %add3A_137, %max3A_139 : vector<16xf32>
        %swap3A_141 = arith.constant 0 : i32
        %swap3A_142 = arith.index_cast %swap3A_141 : i32 to index
        %swap3A_143 = arith.index_cast %scan3A_103 : i32 to index
        %swap3A_144 = arith.constant 16 : index
        %swap3A_145 = tpu.vector_load %arg7[%swap3A_142, %swap3A_143, %swap3A_144] {strides = array<i32>} : memref<1x80x128xf32, #tpu.memory_space<vmem>>, vector<1x1x16xf32>,
        %swap3A_146 = vector.shape_cast %swap3A_145 : vector<1x1x16xf32> to vector<16xf32>
        %swap3A_147 = vector.shape_cast %max3A_140 : vector<16xf32> to vector<1x1x16xf32>
        tpu.vector_store %arg7[%swap3A_142, %swap3A_143, %swap3A_144], %swap3A_147 {strides = array<i32>} : memref<1x80x128xf32, #tpu.memory_space<vmem>>, vector<1x1x16xf32>,
        %get3A_148 = arith.constant 0 : i32
        %get3A_149 = arith.index_cast %get3A_148 : i32 to index
        %get3A_150 = arith.index_cast %scan3A_103 : i32 to index
        %get3A_151 = arith.constant 32 : index
        %get3A_152 = tpu.vector_load %arg7[%get3A_149, %get3A_150, %get3A_151] {strides = array<i32>} : memref<1x80x128xf32, #tpu.memory_space<vmem>>, vector<1x1x16xf32>,
        %get3A_153 = vector.shape_cast %get3A_152 : vector<1x1x16xf32> to vector<16xf32>
        %get3A_154 = arith.constant 0 : i32
        %get3A_155 = arith.index_cast %get3A_154 : i32 to index
        %get3A_156 = arith.index_cast %scan3A_103 : i32 to index
        %get3A_157 = arith.constant 32 : index
        %get3A_158 = tpu.vector_load %arg8[%get3A_155, %get3A_156, %get3A_157] {strides = array<i32>} : memref<1x80x128xf32, #tpu.memory_space<vmem>>, vector<1x1x16xf32>,
        %get3A_159 = vector.shape_cast %get3A_158 : vector<1x1x16xf32> to vector<16xf32>
        %add3A_160 = arith.addf %get3A_153, %get3A_159 : vector<16xf32>
        %max3A_161 = arith.constant 0.000000e+00 : f32
        %max3A_162 = vector.broadcast %max3A_161 : f32 to vector<16xf32>
        %max3A_163 = arith.maximumf %add3A_160, %max3A_162 : vector<16xf32>
        %swap3A_164 = arith.constant 0 : i32
        %swap3A_165 = arith.index_cast %swap3A_164 : i32 to index
        %swap3A_166 = arith.index_cast %scan3A_103 : i32 to index
        %swap3A_167 = arith.constant 32 : index
        %swap3A_168 = tpu.vector_load %arg7[%swap3A_165, %swap3A_166, %swap3A_167] {strides = array<i32>} : memref<1x80x128xf32, #tpu.memory_space<vmem>>, vector<1x1x16xf32>,
        %swap3A_169 = vector.shape_cast %swap3A_168 : vector<1x1x16xf32> to vector<16xf32>
        %swap3A_170 = vector.shape_cast %max3A_163 : vector<16xf32> to vector<1x1x16xf32>
        tpu.vector_store %arg7[%swap3A_165, %swap3A_166, %swap3A_167], %swap3A_170 {strides = array<i32>} : memref<1x80x128xf32, #tpu.memory_space<vmem>>, vector<1x1x16xf32>,
        %get3A_171 = arith.constant 0 : i32
        %get3A_172 = arith.index_cast %get3A_171 : i32 to index
        %get3A_173 = arith.index_cast %scan3A_103 : i32 to index
        %get3A_174 = arith.constant 48 : index
        %get3A_175 = tpu.vector_load %arg7[%get3A_172, %get3A_173, %get3A_174] {strides = array<i32>} : memref<1x80x128xf32, #tpu.memory_space<vmem>>, vector<1x1x16xf32>,
        %get3A_176 = vector.shape_cast %get3A_175 : vector<1x1x16xf32> to vector<16xf32>
        %get3A_177 = arith.constant 0 : i32
        %get3A_178 = arith.index_cast %get3A_177 : i32 to index
        %get3A_179 = arith.index_cast %scan3A_103 : i32 to index
        %get3A_180 = arith.constant 48 : index
        %get3A_181 = tpu.vector_load %arg8[%get3A_178, %get3A_179, %get3A_180] {strides = array<i32>} : memref<1x80x128xf32, #tpu.memory_space<vmem>>, vector<1x1x16xf32>,
        %get3A_182 = vector.shape_cast %get3A_181 : vector<1x1x16xf32> to vector<16xf32>
        %add3A_183 = arith.addf %get3A_176, %get3A_182 : vector<16xf32>
        %max3A_184 = arith.constant 0.000000e+00 : f32
        %max3A_185 = vector.broadcast %max3A_184 : f32 to vector<16xf32>
        %max3A_186 = arith.maximumf %add3A_183, %max3A_185 : vector<16xf32>
        %swap3A_187 = arith.constant 0 : i32
        %swap3A_188 = arith.index_cast %swap3A_187 : i32 to index
        %swap3A_189 = arith.index_cast %scan3A_103 : i32 to index
        %swap3A_190 = arith.constant 48 : index
        %swap3A_191 = tpu.vector_load %arg7[%swap3A_188, %swap3A_189, %swap3A_190] {strides = array<i32>} : memref<1x80x128xf32, #tpu.memory_space<vmem>>, vector<1x1x16xf32>,
        %swap3A_192 = vector.shape_cast %swap3A_191 : vector<1x1x16xf32> to vector<16xf32>
        %swap3A_193 = vector.shape_cast %max3A_186 : vector<16xf32> to vector<1x1x16xf32>
        tpu.vector_store %arg7[%swap3A_188, %swap3A_189, %swap3A_190], %swap3A_193 {strides = array<i32>} : memref<1x80x128xf32, #tpu.memory_space<vmem>>, vector<1x1x16xf32>,
        %get3A_194 = arith.constant 0 : i32
        %get3A_195 = arith.index_cast %get3A_194 : i32 to index
        %get3A_196 = arith.index_cast %scan3A_103 : i32 to index
        %get3A_197 = arith.constant 64 : index
        %get3A_198 = tpu.vector_load %arg7[%get3A_195, %get3A_196, %get3A_197] {strides = array<i32>} : memref<1x80x128xf32, #tpu.memory_space<vmem>>, vector<1x1x16xf32>,
        %get3A_199 = vector.shape_cast %get3A_198 : vector<1x1x16xf32> to vector<16xf32>
        %get3A_200 = arith.constant 0 : i32
        %get3A_201 = arith.index_cast %get3A_200 : i32 to index
        %get3A_202 = arith.index_cast %scan3A_103 : i32 to index
        %get3A_203 = arith.constant 64 : index
        %get3A_204 = tpu.vector_load %arg8[%get3A_201, %get3A_202, %get3A_203] {strides = array<i32>} : memref<1x80x128xf32, #tpu.memory_space<vmem>>, vector<1x1x16xf32>,
        %get3A_205 = vector.shape_cast %get3A_204 : vector<1x1x16xf32> to vector<16xf32>
        %add3A_206 = arith.addf %get3A_199, %get3A_205 : vector<16xf32>
        %max3A_207 = arith.constant 0.000000e+00 : f32
        %max3A_208 = vector.broadcast %max3A_207 : f32 to vector<16xf32>
        %max3A_209 = arith.maximumf %add3A_206, %max3A_208 : vector<16xf32>
        %swap3A_210 = arith.constant 0 : i32
        %swap3A_211 = arith.index_cast %swap3A_210 : i32 to index
        %swap3A_212 = arith.index_cast %scan3A_103 : i32 to index
        %swap3A_213 = arith.constant 64 : index
        %swap3A_214 = tpu.vector_load %arg7[%swap3A_211, %swap3A_212, %swap3A_213] {strides = array<i32>} : memref<1x80x128xf32, #tpu.memory_space<vmem>>, vector<1x1x16xf32>,
        %swap3A_215 = vector.shape_cast %swap3A_214 : vector<1x1x16xf32> to vector<16xf32>
        %swap3A_216 = vector.shape_cast %max3A_209 : vector<16xf32> to vector<1x1x16xf32>
        tpu.vector_store %arg7[%swap3A_211, %swap3A_212, %swap3A_213], %swap3A_216 {strides = array<i32>} : memref<1x80x128xf32, #tpu.memory_space<vmem>>, vector<1x1x16xf32>,
        %get3A_217 = arith.constant 0 : i32
        %get3A_218 = arith.index_cast %get3A_217 : i32 to index
        %get3A_219 = arith.index_cast %scan3A_103 : i32 to index
        %get3A_220 = arith.constant 80 : index
        %get3A_221 = tpu.vector_load %arg7[%get3A_218, %get3A_219, %get3A_220] {strides = array<i32>} : memref<1x80x128xf32, #tpu.memory_space<vmem>>, vector<1x1x16xf32>,
        %get3A_222 = vector.shape_cast %get3A_221 : vector<1x1x16xf32> to vector<16xf32>
        %get3A_223 = arith.constant 0 : i32
        %get3A_224 = arith.index_cast %get3A_223 : i32 to index
        %get3A_225 = arith.index_cast %scan3A_103 : i32 to index
        %get3A_226 = arith.constant 80 : index
        %get3A_227 = tpu.vector_load %arg8[%get3A_224, %get3A_225, %get3A_226] {strides = array<i32>} : memref<1x80x128xf32, #tpu.memory_space<vmem>>, vector<1x1x16xf32>,
        %get3A_228 = vector.shape_cast %get3A_227 : vector<1x1x16xf32> to vector<16xf32>
        %add3A_229 = arith.addf %get3A_222, %get3A_228 : vector<16xf32>
        %max3A_230 = arith.constant 0.000000e+00 : f32
        %max3A_231 = vector.broadcast %max3A_230 : f32 to vector<16xf32>
        %max3A_232 = arith.maximumf %add3A_229, %max3A_231 : vector<16xf32>
        %swap3A_233 = arith.constant 0 : i32
        %swap3A_234 = arith.index_cast %swap3A_233 : i32 to index
        %swap3A_235 = arith.index_cast %scan3A_103 : i32 to index
        %swap3A_236 = arith.constant 80 : index
        %swap3A_237 = tpu.vector_load %arg7[%swap3A_234, %swap3A_235, %swap3A_236] {strides = array<i32>} : memref<1x80x128xf32, #tpu.memory_space<vmem>>, vector<1x1x16xf32>,
        %swap3A_238 = vector.shape_cast %swap3A_237 : vector<1x1x16xf32> to vector<16xf32>
        %swap3A_239 = vector.shape_cast %max3A_232 : vector<16xf32> to vector<1x1x16xf32>
        tpu.vector_store %arg7[%swap3A_234, %swap3A_235, %swap3A_236], %swap3A_239 {strides = array<i32>} : memref<1x80x128xf32, #tpu.memory_space<vmem>>, vector<1x1x16xf32>,
        %get3A_240 = arith.constant 0 : i32
        %get3A_241 = arith.index_cast %get3A_240 : i32 to index
        %get3A_242 = arith.index_cast %scan3A_103 : i32 to index
        %get3A_243 = arith.constant 96 : index
        %get3A_244 = tpu.vector_load %arg7[%get3A_241, %get3A_242, %get3A_243] {strides = array<i32>} : memref<1x80x128xf32, #tpu.memory_space<vmem>>, vector<1x1x16xf32>,
        %get3A_245 = vector.shape_cast %get3A_244 : vector<1x1x16xf32> to vector<16xf32>
        %get3A_246 = arith.constant 0 : i32
        %get3A_247 = arith.index_cast %get3A_246 : i32 to index
        %get3A_248 = arith.index_cast %scan3A_103 : i32 to index
        %get3A_249 = arith.constant 96 : index
        %get3A_250 = tpu.vector_load %arg8[%get3A_247, %get3A_248, %get3A_249] {strides = array<i32>} : memref<1x80x128xf32, #tpu.memory_space<vmem>>, vector<1x1x16xf32>,
        %get3A_251 = vector.shape_cast %get3A_250 : vector<1x1x16xf32> to vector<16xf32>
        %add3A_252 = arith.addf %get3A_245, %get3A_251 : vector<16xf32>
        %max3A_253 = arith.constant 0.000000e+00 : f32
        %max3A_254 = vector.broadcast %max3A_253 : f32 to vector<16xf32>
        %max3A_255 = arith.maximumf %add3A_252, %max3A_254 : vector<16xf32>
        %swap3A_256 = arith.constant 0 : i32
        %swap3A_257 = arith.index_cast %swap3A_256 : i32 to index
        %swap3A_258 = arith.index_cast %scan3A_103 : i32 to index
        %swap3A_259 = arith.constant 96 : index
        %swap3A_260 = tpu.vector_load %arg7[%swap3A_257, %swap3A_258, %swap3A_259] {strides = array<i32>} : memref<1x80x128xf32, #tpu.memory_space<vmem>>, vector<1x1x16xf32>,
        %swap3A_261 = vector.shape_cast %swap3A_260 : vector<1x1x16xf32> to vector<16xf32>
        %swap3A_262 = vector.shape_cast %max3A_255 : vector<16xf32> to vector<1x1x16xf32>
        tpu.vector_store %arg7[%swap3A_257, %swap3A_258, %swap3A_259], %swap3A_262 {strides = array<i32>} : memref<1x80x128xf32, #tpu.memory_space<vmem>>, vector<1x1x16xf32>,
        %get3A_263 = arith.constant 0 : i32
        %get3A_264 = arith.index_cast %get3A_263 : i32 to index
        %get3A_265 = arith.index_cast %scan3A_103 : i32 to index
        %get3A_266 = arith.constant 112 : index
        %get3A_267 = tpu.vector_load %arg7[%get3A_264, %get3A_265, %get3A_266] {strides = array<i32>} : memref<1x80x128xf32, #tpu.memory_space<vmem>>, vector<1x1x16xf32>,
        %get3A_268 = vector.shape_cast %get3A_267 : vector<1x1x16xf32> to vector<16xf32>
        %get3A_269 = arith.constant 0 : i32
        %get3A_270 = arith.index_cast %get3A_269 : i32 to index
        %get3A_271 = arith.index_cast %scan3A_103 : i32 to index
        %get3A_272 = arith.constant 112 : index
        %get3A_273 = tpu.vector_load %arg8[%get3A_270, %get3A_271, %get3A_272] {strides = array<i32>} : memref<1x80x128xf32, #tpu.memory_space<vmem>>, vector<1x1x16xf32>,
        %get3A_274 = vector.shape_cast %get3A_273 : vector<1x1x16xf32> to vector<16xf32>
        %add3A_275 = arith.addf %get3A_268, %get3A_274 : vector<16xf32>
        %max3A_276 = arith.constant 0.000000e+00 : f32
        %max3A_277 = vector.broadcast %max3A_276 : f32 to vector<16xf32>
        %max3A_278 = arith.maximumf %add3A_275, %max3A_277 : vector<16xf32>
        %swap3A_279 = arith.constant 0 : i32
        %swap3A_280 = arith.index_cast %swap3A_279 : i32 to index
        %swap3A_281 = arith.index_cast %scan3A_103 : i32 to index
        %swap3A_282 = arith.constant 112 : index
        %swap3A_283 = tpu.vector_load %arg7[%swap3A_280, %swap3A_281, %swap3A_282] {strides = array<i32>} : memref<1x80x128xf32, #tpu.memory_space<vmem>>, vector<1x1x16xf32>,
        %swap3A_284 = vector.shape_cast %swap3A_283 : vector<1x1x16xf32> to vector<16xf32>
        %swap3A_285 = vector.shape_cast %max3A_278 : vector<16xf32> to vector<1x1x16xf32>
        tpu.vector_store %arg7[%swap3A_280, %swap3A_281, %swap3A_282], %swap3A_285 {strides = array<i32>} : memref<1x80x128xf32, #tpu.memory_space<vmem>>, vector<1x1x16xf32>,
        %scan3A_286 = arith.constant 0 : i32
        scf.yield %scan3A_286 : i32
      }
      %scan3A_98 = arith.constant 80 : i32
      %run_scoped3A_99 = arith.constant 0 : i32
      %run_scoped3A_100 = arith.constant 0 : i32
      %run_scoped3A_101 = arith.constant 1 : i32
      "tpu.region"() ({
        %run_scoped3A_103 = tpu.sem_alloc : memref<!tpu.dma_semaphore, #tpu.memory_space<semaphore_mem>>
        %dma_start3A_104 = arith.constant 0 : i32
        %dma_start3A_105 = arith.constant 0 : i32
        %dma_start3A_106 = tpu.memref_slice %arg7[%run_scoped3A_99, %dma_start3A_104, %dma_start3A_105] : memref<1x80x128xf32, #tpu.memory_space<vmem>> -> memref<1x80x128xf32, #tpu.memory_space<vmem>>
        %dma_start3A_107 = tpu.memref_squeeze %dma_start3A_106 : memref<1x80x128xf32, #tpu.memory_space<vmem>> -> memref<80x128xf32, #tpu.memory_space<vmem>>
        %dma_start3A_108 = arith.constant 0 : i32
        %dma_start3A_109 = tpu.memref_slice %arg6[%run_scoped3A_100, %run_scoped3A_101, %dma_start3A_108] : memref<1x2x80xi32, #tpu.memory_space<vmem>> -> memref<1x1x80xi32, #tpu.memory_space<vmem>>
        %dma_start3A_110 = tpu.memref_squeeze %dma_start3A_109 : memref<1x1x80xi32, #tpu.memory_space<vmem>> -> memref<80xi32, #tpu.memory_space<vmem>>
        %dma_start3A_111 = arith.constant 0 : i32
        %dma_start3A_112 = arith.constant 0 : i32
        %dma_start3A_113 = tpu.memref_slice %arg9[%dma_start3A_111, %dma_start3A_112] : memref<10240x128xf32, #tpu.memory_space<vmem_shared>> -> memref<10240x128xf32, #tpu.memory_space<vmem_shared>>
        tpu.enqueue_indirect_dma source(%dma_start3A_107 : memref<80x128xf32, #tpu.memory_space<vmem>>) target(%dma_start3A_113 : memref<10240x128xf32, #tpu.memory_space<vmem_shared>>) offsets(%dma_start3A_110 : memref<80xi32, #tpu.memory_space<vmem>>) semaphore(%run_scoped3A_103 : memref<!tpu.dma_semaphore, #tpu.memory_space<semaphore_mem>>) {add = true}
        %dma_wait3A_114 = arith.constant 0 : i32
        %dma_wait3A_115 = arith.constant 0 : i32
        %dma_wait3A_116 = tpu.memref_slice %arg7[%run_scoped3A_99, %dma_wait3A_114, %dma_wait3A_115] : memref<1x80x128xf32, #tpu.memory_space<vmem>> -> memref<1x80x128xf32, #tpu.memory_space<vmem>>
        %dma_wait3A_117 = tpu.memref_squeeze %dma_wait3A_116 : memref<1x80x128xf32, #tpu.memory_space<vmem>> -> memref<80x128xf32, #tpu.memory_space<vmem>>
        %dma_wait3A_118 = arith.constant 0 : i32
        %dma_wait3A_119 = tpu.memref_slice %arg6[%run_scoped3A_100, %run_scoped3A_101, %dma_wait3A_118] : memref<1x2x80xi32, #tpu.memory_space<vmem>> -> memref<1x1x80xi32, #tpu.memory_space<vmem>>
        %dma_wait3A_120 = tpu.memref_squeeze %dma_wait3A_119 : memref<1x1x80xi32, #tpu.memory_space<vmem>> -> memref<80xi32, #tpu.memory_space<vmem>>
        %dma_wait3A_121 = arith.constant 0 : i32
        %dma_wait3A_122 = arith.constant 0 : i32
        %dma_wait3A_123 = tpu.memref_slice %arg9[%dma_wait3A_121, %dma_wait3A_122] : memref<10240x128xf32, #tpu.memory_space<vmem_shared>> -> memref<10240x128xf32, #tpu.memory_space<vmem_shared>>
        tpu.wait_indirect_dma semaphore(%run_scoped3A_103 : memref<!tpu.dma_semaphore, #tpu.memory_space<semaphore_mem>>) src(%dma_wait3A_117 : memref<80x128xf32, #tpu.memory_space<vmem>>) dst(%dma_wait3A_123 : memref<10240x128xf32, #tpu.memory_space<vmem_shared>>)
        tpu.yield
      }) : () -> ()
      %scan3A_102 = arith.constant 0 : i32
      scf.yield %scan3A_102 : i32
    }
    %scan3A_53 = arith.constant 125 : i32
    %barrier3A_54 = arith.constant 0 : index
    tpu.barrier barrier_id(%barrier3A_54)
    %mul3A_55 = arith.constant 640 : i32
    %mul3A_56 = arith.muli %arg1, %mul3A_55 : i32
    %mul3A_57 = arith.constant 640 : i32
    %mul3A_58 = arith.muli %arg1, %mul3A_57 : i32
    "tpu.region"() ({
      %run_scoped3A_59 = tpu.sem_alloc : memref<!tpu.dma_semaphore, #tpu.memory_space<semaphore_mem>>
      %dma_start3A = arith.constant 0 : i32
      %dma_start3A_60 = tpu.memref_slice %arg5[%arg0, %mul3A_58, %dma_start3A] : memref<2x10240x128xf32, #tpu.memory_space<hbm>> -> memref<1x640x128xf32, #tpu.memory_space<hbm>>
      %dma_start3A_61 = tpu.memref_squeeze %dma_start3A_60 : memref<1x640x128xf32, #tpu.memory_space<hbm>> -> memref<640x128xf32, #tpu.memory_space<hbm>>
      %dma_start3A_62 = arith.constant 0 : i32
      %dma_start3A_63 = tpu.memref_slice %arg9[%mul3A_56, %dma_start3A_62] : memref<10240x128xf32, #tpu.memory_space<vmem_shared>> -> memref<640x128xf32, #tpu.memory_space<vmem_shared>>
      tpu.enqueue_dma source(%dma_start3A_63 : memref<640x128xf32, #tpu.memory_space<vmem_shared>>) target(%dma_start3A_61 : memref<640x128xf32, #tpu.memory_space<hbm>>) target_semaphore(%run_scoped3A_59 : memref<!tpu.dma_semaphore, #tpu.memory_space<semaphore_mem>>)
      %dma_wait3A = arith.constant 0 : i32
      %dma_wait3A_64 = tpu.memref_slice %arg5[%arg0, %mul3A_58, %dma_wait3A] : memref<2x10240x128xf32, #tpu.memory_space<hbm>> -> memref<1x640x128xf32, #tpu.memory_space<hbm>>
      %dma_wait3A_65 = tpu.memref_squeeze %dma_wait3A_64 : memref<1x640x128xf32, #tpu.memory_space<hbm>> -> memref<640x128xf32, #tpu.memory_space<hbm>>
      %dma_wait3A_66 = arith.constant 0 : i32
      %dma_wait3A_67 = tpu.memref_slice %arg9[%mul3A_56, %dma_wait3A_66] : memref<10240x128xf32, #tpu.memory_space<vmem_shared>> -> memref<640x128xf32, #tpu.memory_space<vmem_shared>>
      tpu.wait_dma2 semaphore(%run_scoped3A_59 : memref<!tpu.dma_semaphore, #tpu.memory_space<semaphore_mem>>) src(%dma_wait3A_67 : memref<640x128xf32, #tpu.memory_space<vmem_shared>>) dst(%dma_wait3A_65 : memref<640x128xf32, #tpu.memory_space<hbm>>)
      tpu.yield
    }) : () -> ()
    return
  }
}

#map = affine_map<(d0, d1) -> (0, 0)>
#map1 = affine_map<(d0, d1) -> (0, 0, 0, 0)>
#map2 = affine_map<(d0, d1) -> (0, 0, 0)>
module attributes {stable_mosaic.version = 14 : i64} {
  func.func @_sc_aggregate_body(%arg0: i32, %arg1: i32, %arg2: memref<10000x128xf32, #tpu.memory_space<hbm>>, %arg3: memref<320000x128xf32, #tpu.memory_space<hbm>>, %arg4: memref<32x125x2x80xi32, #tpu.memory_space<hbm>>, %arg5: memref<2x10240x128xf32, #tpu.memory_space<hbm>>, %arg6: memref<1x2x80xi32, #tpu.memory_space<vmem>>, %arg7: memref<1x80x128xf32, #tpu.memory_space<vmem>>, %arg8: memref<1x80x128xf32, #tpu.memory_space<vmem>>, %arg9: memref<10240x128xf32, #tpu.memory_space<vmem_shared>>, %arg10: memref<!tpu.dma_semaphore, #tpu.memory_space<semaphore_mem>>) attributes {dimension_semantics = [#tpu.dimension_semantics<core_parallel>, #tpu.dimension_semantics<subcore_parallel>], iteration_bounds = array<i64: 2, 16>, scalar_prefetch = 0 : i64, scratch_operands = 5 : i64, tpu.core_type = #tpu.core_type<sc_vector_subcore>, window_params = [{transform_indices = #map}, {transform_indices = #map}, {transform_indices = #map1}, {transform_indices = #map2}]} {
    %mul3A = arith.constant 2 : i32
    %mul3A_0 = arith.muli %arg1, %mul3A : i32
    %add3A = arith.addi %mul3A_0, %arg0 : i32
    %broadcast_in_dim3A = arith.constant 0.000000e+00 : f32
    %broadcast_in_dim3A_1 = vector.broadcast %broadcast_in_dim3A : f32 to vector<16xf32>
    %scan3A = arith.constant 0 : i32
    %scan3A_2 = arith.constant 0 : i32
    %scan3A_3 = arith.constant 80 : i32
    %scan3A_4 = arith.addi %scan3A_2, %scan3A_3 : i32
    %scan3A_5 = arith.constant 1 : i32
    %scan3A_6 = scf.for %scan3A_59 = %scan3A_2 to %scan3A_4 step %scan3A_5 iter_args(%scan3A_60 = %scan3A) -> (i32)  : i32 {
      %swap3A = arith.constant 0 : i32
      %swap3A_61 = arith.index_cast %swap3A : i32 to index
      %swap3A_62 = arith.index_cast %scan3A_59 : i32 to index
      %swap3A_63 = arith.constant 0 : index
      %swap3A_64 = tpu.vector_load %arg8[%swap3A_61, %swap3A_62, %swap3A_63] {strides = array<i32>} : memref<1x80x128xf32, #tpu.memory_space<vmem>>, vector<1x1x16xf32>,
      %swap3A_65 = vector.shape_cast %swap3A_64 : vector<1x1x16xf32> to vector<16xf32>
      %swap3A_66 = vector.shape_cast %broadcast_in_dim3A_1 : vector<16xf32> to vector<1x1x16xf32>
      tpu.vector_store %arg8[%swap3A_61, %swap3A_62, %swap3A_63], %swap3A_66 {strides = array<i32>} : memref<1x80x128xf32, #tpu.memory_space<vmem>>, vector<1x1x16xf32>,
      %swap3A_67 = arith.constant 0 : i32
      %swap3A_68 = arith.index_cast %swap3A_67 : i32 to index
      %swap3A_69 = arith.index_cast %scan3A_59 : i32 to index
      %swap3A_70 = arith.constant 16 : index
      %swap3A_71 = tpu.vector_load %arg8[%swap3A_68, %swap3A_69, %swap3A_70] {strides = array<i32>} : memref<1x80x128xf32, #tpu.memory_space<vmem>>, vector<1x1x16xf32>,
      %swap3A_72 = vector.shape_cast %swap3A_71 : vector<1x1x16xf32> to vector<16xf32>
      %swap3A_73 = vector.shape_cast %broadcast_in_dim3A_1 : vector<16xf32> to vector<1x1x16xf32>
      tpu.vector_store %arg8[%swap3A_68, %swap3A_69, %swap3A_70], %swap3A_73 {strides = array<i32>} : memref<1x80x128xf32, #tpu.memory_space<vmem>>, vector<1x1x16xf32>,
      %swap3A_74 = arith.constant 0 : i32
      %swap3A_75 = arith.index_cast %swap3A_74 : i32 to index
      %swap3A_76 = arith.index_cast %scan3A_59 : i32 to index
      %swap3A_77 = arith.constant 32 : index
      %swap3A_78 = tpu.vector_load %arg8[%swap3A_75, %swap3A_76, %swap3A_77] {strides = array<i32>} : memref<1x80x128xf32, #tpu.memory_space<vmem>>, vector<1x1x16xf32>,
      %swap3A_79 = vector.shape_cast %swap3A_78 : vector<1x1x16xf32> to vector<16xf32>
      %swap3A_80 = vector.shape_cast %broadcast_in_dim3A_1 : vector<16xf32> to vector<1x1x16xf32>
      tpu.vector_store %arg8[%swap3A_75, %swap3A_76, %swap3A_77], %swap3A_80 {strides = array<i32>} : memref<1x80x128xf32, #tpu.memory_space<vmem>>, vector<1x1x16xf32>,
      %swap3A_81 = arith.constant 0 : i32
      %swap3A_82 = arith.index_cast %swap3A_81 : i32 to index
      %swap3A_83 = arith.index_cast %scan3A_59 : i32 to index
      %swap3A_84 = arith.constant 48 : index
      %swap3A_85 = tpu.vector_load %arg8[%swap3A_82, %swap3A_83, %swap3A_84] {strides = array<i32>} : memref<1x80x128xf32, #tpu.memory_space<vmem>>, vector<1x1x16xf32>,
      %swap3A_86 = vector.shape_cast %swap3A_85 : vector<1x1x16xf32> to vector<16xf32>
      %swap3A_87 = vector.shape_cast %broadcast_in_dim3A_1 : vector<16xf32> to vector<1x1x16xf32>
      tpu.vector_store %arg8[%swap3A_82, %swap3A_83, %swap3A_84], %swap3A_87 {strides = array<i32>} : memref<1x80x128xf32, #tpu.memory_space<vmem>>, vector<1x1x16xf32>,
      %swap3A_88 = arith.constant 0 : i32
      %swap3A_89 = arith.index_cast %swap3A_88 : i32 to index
      %swap3A_90 = arith.index_cast %scan3A_59 : i32 to index
      %swap3A_91 = arith.constant 64 : index
      %swap3A_92 = tpu.vector_load %arg8[%swap3A_89, %swap3A_90, %swap3A_91] {strides = array<i32>} : memref<1x80x128xf32, #tpu.memory_space<vmem>>, vector<1x1x16xf32>,
      %swap3A_93 = vector.shape_cast %swap3A_92 : vector<1x1x16xf32> to vector<16xf32>
      %swap3A_94 = vector.shape_cast %broadcast_in_dim3A_1 : vector<16xf32> to vector<1x1x16xf32>
      tpu.vector_store %arg8[%swap3A_89, %swap3A_90, %swap3A_91], %swap3A_94 {strides = array<i32>} : memref<1x80x128xf32, #tpu.memory_space<vmem>>, vector<1x1x16xf32>,
      %swap3A_95 = arith.constant 0 : i32
      %swap3A_96 = arith.index_cast %swap3A_95 : i32 to index
      %swap3A_97 = arith.index_cast %scan3A_59 : i32 to index
      %swap3A_98 = arith.constant 80 : index
      %swap3A_99 = tpu.vector_load %arg8[%swap3A_96, %swap3A_97, %swap3A_98] {strides = array<i32>} : memref<1x80x128xf32, #tpu.memory_space<vmem>>, vector<1x1x16xf32>,
      %swap3A_100 = vector.shape_cast %swap3A_99 : vector<1x1x16xf32> to vector<16xf32>
      %swap3A_101 = vector.shape_cast %broadcast_in_dim3A_1 : vector<16xf32> to vector<1x1x16xf32>
      tpu.vector_store %arg8[%swap3A_96, %swap3A_97, %swap3A_98], %swap3A_101 {strides = array<i32>} : memref<1x80x128xf32, #tpu.memory_space<vmem>>, vector<1x1x16xf32>,
      %swap3A_102 = arith.constant 0 : i32
      %swap3A_103 = arith.index_cast %swap3A_102 : i32 to index
      %swap3A_104 = arith.index_cast %scan3A_59 : i32 to index
      %swap3A_105 = arith.constant 96 : index
      %swap3A_106 = tpu.vector_load %arg8[%swap3A_103, %swap3A_104, %swap3A_105] {strides = array<i32>} : memref<1x80x128xf32, #tpu.memory_space<vmem>>, vector<1x1x16xf32>,
      %swap3A_107 = vector.shape_cast %swap3A_106 : vector<1x1x16xf32> to vector<16xf32>
      %swap3A_108 = vector.shape_cast %broadcast_in_dim3A_1 : vector<16xf32> to vector<1x1x16xf32>
      tpu.vector_store %arg8[%swap3A_103, %swap3A_104, %swap3A_105], %swap3A_108 {strides = array<i32>} : memref<1x80x128xf32, #tpu.memory_space<vmem>>, vector<1x1x16xf32>,
      %swap3A_109 = arith.constant 0 : i32
      %swap3A_110 = arith.index_cast %swap3A_109 : i32 to index
      %swap3A_111 = arith.index_cast %scan3A_59 : i32 to index
      %swap3A_112 = arith.constant 112 : index
      %swap3A_113 = tpu.vector_load %arg8[%swap3A_110, %swap3A_111, %swap3A_112] {strides = array<i32>} : memref<1x80x128xf32, #tpu.memory_space<vmem>>, vector<1x1x16xf32>,
      %swap3A_114 = vector.shape_cast %swap3A_113 : vector<1x1x16xf32> to vector<16xf32>
      %swap3A_115 = vector.shape_cast %broadcast_in_dim3A_1 : vector<16xf32> to vector<1x1x16xf32>
      tpu.vector_store %arg8[%swap3A_110, %swap3A_111, %swap3A_112], %swap3A_115 {strides = array<i32>} : memref<1x80x128xf32, #tpu.memory_space<vmem>>, vector<1x1x16xf32>,
      %scan3A_116 = arith.constant 0 : i32
      scf.yield %scan3A_116 : i32
    }
    %scan3A_7 = arith.constant 80 : i32
    %mul3A_8 = arith.constant 640 : i32
    %mul3A_9 = arith.muli %arg1, %mul3A_8 : i32
    %add3A_10 = arith.constant 0 : i32
    %add3A_11 = arith.addi %mul3A_9, %add3A_10 : i32
    %run_scoped3A = arith.constant 0 : i32
    "tpu.region"() ({
      %run_scoped3A_59 = tpu.sem_alloc : memref<!tpu.dma_semaphore, #tpu.memory_space<semaphore_mem>>
      %dma_start3A = arith.constant 0 : i32
      %dma_start3A_60 = arith.constant 0 : i32
      %dma_start3A_61 = tpu.memref_slice %arg8[%run_scoped3A, %dma_start3A, %dma_start3A_60] : memref<1x80x128xf32, #tpu.memory_space<vmem>> -> memref<1x80x128xf32, #tpu.memory_space<vmem>>
      %dma_start3A_62 = tpu.memref_squeeze %dma_start3A_61 : memref<1x80x128xf32, #tpu.memory_space<vmem>> -> memref<80x128xf32, #tpu.memory_space<vmem>>
      %dma_start3A_63 = arith.constant 0 : i32
      %dma_start3A_64 = tpu.memref_slice %arg9[%add3A_11, %dma_start3A_63] : memref<10240x128xf32, #tpu.memory_space<vmem_shared>> -> memref<80x128xf32, #tpu.memory_space<vmem_shared>>
      %dma_start3A_65 = arith.constant 0 : i32
      %dma_start3A_66 = tpu.memref_slice %arg9[%add3A_11, %dma_start3A_65] : memref<10240x128xf32, #tpu.memory_space<vmem_shared>> -> memref<80x128xf32, #tpu.memory_space<vmem_shared>>
      %dma_start3A_67 = arith.constant 0 : i32
      %dma_start3A_68 = arith.constant 0 : i32
      %dma_start3A_69 = tpu.memref_slice %arg8[%run_scoped3A, %dma_start3A_67, %dma_start3A_68] : memref<1x80x128xf32, #tpu.memory_space<vmem>> -> memref<1x80x128xf32, #tpu.memory_space<vmem>>
      %dma_start3A_70 = tpu.memref_squeeze %dma_start3A_69 : memref<1x80x128xf32, #tpu.memory_space<vmem>> -> memref<80x128xf32, #tpu.memory_space<vmem>>
      tpu.enqueue_dma source(%dma_start3A_70 : memref<80x128xf32, #tpu.memory_space<vmem>>) target(%dma_start3A_66 : memref<80x128xf32, #tpu.memory_space<vmem_shared>>) target_semaphore(%run_scoped3A_59 : memref<!tpu.dma_semaphore, #tpu.memory_space<semaphore_mem>>)
      %dma_wait3A = arith.constant 0 : i32
      %dma_wait3A_71 = arith.constant 0 : i32
      %dma_wait3A_72 = tpu.memref_slice %arg8[%run_scoped3A, %dma_wait3A, %dma_wait3A_71] : memref<1x80x128xf32, #tpu.memory_space<vmem>> -> memref<1x80x128xf32, #tpu.memory_space<vmem>>
      %dma_wait3A_73 = tpu.memref_squeeze %dma_wait3A_72 : memref<1x80x128xf32, #tpu.memory_space<vmem>> -> memref<80x128xf32, #tpu.memory_space<vmem>>
      %dma_wait3A_74 = arith.constant 0 : i32
      %dma_wait3A_75 = tpu.memref_slice %arg9[%add3A_11, %dma_wait3A_74] : memref<10240x128xf32, #tpu.memory_space<vmem_shared>> -> memref<80x128xf32, #tpu.memory_space<vmem_shared>>
      %dma_wait3A_76 = arith.constant 0 : i32
      %dma_wait3A_77 = tpu.memref_slice %arg9[%add3A_11, %dma_wait3A_76] : memref<10240x128xf32, #tpu.memory_space<vmem_shared>> -> memref<80x128xf32, #tpu.memory_space<vmem_shared>>
      %dma_wait3A_78 = arith.constant 0 : i32
      %dma_wait3A_79 = arith.constant 0 : i32
      %dma_wait3A_80 = tpu.memref_slice %arg8[%run_scoped3A, %dma_wait3A_78, %dma_wait3A_79] : memref<1x80x128xf32, #tpu.memory_space<vmem>> -> memref<1x80x128xf32, #tpu.memory_space<vmem>>
      %dma_wait3A_81 = tpu.memref_squeeze %dma_wait3A_80 : memref<1x80x128xf32, #tpu.memory_space<vmem>> -> memref<80x128xf32, #tpu.memory_space<vmem>>
      tpu.wait_dma2 semaphore(%run_scoped3A_59 : memref<!tpu.dma_semaphore, #tpu.memory_space<semaphore_mem>>) src(%dma_wait3A_81 : memref<80x128xf32, #tpu.memory_space<vmem>>) dst(%dma_wait3A_77 : memref<80x128xf32, #tpu.memory_space<vmem_shared>>)
      tpu.yield
    }) : () -> ()
    %mul3A_12 = arith.constant 640 : i32
    %mul3A_13 = arith.muli %arg1, %mul3A_12 : i32
    %add3A_14 = arith.constant 80 : i32
    %add3A_15 = arith.addi %mul3A_13, %add3A_14 : i32
    %run_scoped3A_16 = arith.constant 0 : i32
    "tpu.region"() ({
      %run_scoped3A_59 = tpu.sem_alloc : memref<!tpu.dma_semaphore, #tpu.memory_space<semaphore_mem>>
      %dma_start3A = arith.constant 0 : i32
      %dma_start3A_60 = arith.constant 0 : i32
      %dma_start3A_61 = tpu.memref_slice %arg8[%run_scoped3A_16, %dma_start3A, %dma_start3A_60] : memref<1x80x128xf32, #tpu.memory_space<vmem>> -> memref<1x80x128xf32, #tpu.memory_space<vmem>>
      %dma_start3A_62 = tpu.memref_squeeze %dma_start3A_61 : memref<1x80x128xf32, #tpu.memory_space<vmem>> -> memref<80x128xf32, #tpu.memory_space<vmem>>
      %dma_start3A_63 = arith.constant 0 : i32
      %dma_start3A_64 = tpu.memref_slice %arg9[%add3A_15, %dma_start3A_63] : memref<10240x128xf32, #tpu.memory_space<vmem_shared>> -> memref<80x128xf32, #tpu.memory_space<vmem_shared>>
      %dma_start3A_65 = arith.constant 0 : i32
      %dma_start3A_66 = tpu.memref_slice %arg9[%add3A_15, %dma_start3A_65] : memref<10240x128xf32, #tpu.memory_space<vmem_shared>> -> memref<80x128xf32, #tpu.memory_space<vmem_shared>>
      %dma_start3A_67 = arith.constant 0 : i32
      %dma_start3A_68 = arith.constant 0 : i32
      %dma_start3A_69 = tpu.memref_slice %arg8[%run_scoped3A_16, %dma_start3A_67, %dma_start3A_68] : memref<1x80x128xf32, #tpu.memory_space<vmem>> -> memref<1x80x128xf32, #tpu.memory_space<vmem>>
      %dma_start3A_70 = tpu.memref_squeeze %dma_start3A_69 : memref<1x80x128xf32, #tpu.memory_space<vmem>> -> memref<80x128xf32, #tpu.memory_space<vmem>>
      tpu.enqueue_dma source(%dma_start3A_70 : memref<80x128xf32, #tpu.memory_space<vmem>>) target(%dma_start3A_66 : memref<80x128xf32, #tpu.memory_space<vmem_shared>>) target_semaphore(%run_scoped3A_59 : memref<!tpu.dma_semaphore, #tpu.memory_space<semaphore_mem>>)
      %dma_wait3A = arith.constant 0 : i32
      %dma_wait3A_71 = arith.constant 0 : i32
      %dma_wait3A_72 = tpu.memref_slice %arg8[%run_scoped3A_16, %dma_wait3A, %dma_wait3A_71] : memref<1x80x128xf32, #tpu.memory_space<vmem>> -> memref<1x80x128xf32, #tpu.memory_space<vmem>>
      %dma_wait3A_73 = tpu.memref_squeeze %dma_wait3A_72 : memref<1x80x128xf32, #tpu.memory_space<vmem>> -> memref<80x128xf32, #tpu.memory_space<vmem>>
      %dma_wait3A_74 = arith.constant 0 : i32
      %dma_wait3A_75 = tpu.memref_slice %arg9[%add3A_15, %dma_wait3A_74] : memref<10240x128xf32, #tpu.memory_space<vmem_shared>> -> memref<80x128xf32, #tpu.memory_space<vmem_shared>>
      %dma_wait3A_76 = arith.constant 0 : i32
      %dma_wait3A_77 = tpu.memref_slice %arg9[%add3A_15, %dma_wait3A_76] : memref<10240x128xf32, #tpu.memory_space<vmem_shared>> -> memref<80x128xf32, #tpu.memory_space<vmem_shared>>
      %dma_wait3A_78 = arith.constant 0 : i32
      %dma_wait3A_79 = arith.constant 0 : i32
      %dma_wait3A_80 = tpu.memref_slice %arg8[%run_scoped3A_16, %dma_wait3A_78, %dma_wait3A_79] : memref<1x80x128xf32, #tpu.memory_space<vmem>> -> memref<1x80x128xf32, #tpu.memory_space<vmem>>
      %dma_wait3A_81 = tpu.memref_squeeze %dma_wait3A_80 : memref<1x80x128xf32, #tpu.memory_space<vmem>> -> memref<80x128xf32, #tpu.memory_space<vmem>>
      tpu.wait_dma2 semaphore(%run_scoped3A_59 : memref<!tpu.dma_semaphore, #tpu.memory_space<semaphore_mem>>) src(%dma_wait3A_81 : memref<80x128xf32, #tpu.memory_space<vmem>>) dst(%dma_wait3A_77 : memref<80x128xf32, #tpu.memory_space<vmem_shared>>)
      tpu.yield
    }) : () -> ()
    %mul3A_17 = arith.constant 640 : i32
    %mul3A_18 = arith.muli %arg1, %mul3A_17 : i32
    %add3A_19 = arith.constant 160 : i32
    %add3A_20 = arith.addi %mul3A_18, %add3A_19 : i32
    %run_scoped3A_21 = arith.constant 0 : i32
    "tpu.region"() ({
      %run_scoped3A_59 = tpu.sem_alloc : memref<!tpu.dma_semaphore, #tpu.memory_space<semaphore_mem>>
      %dma_start3A = arith.constant 0 : i32
      %dma_start3A_60 = arith.constant 0 : i32
      %dma_start3A_61 = tpu.memref_slice %arg8[%run_scoped3A_21, %dma_start3A, %dma_start3A_60] : memref<1x80x128xf32, #tpu.memory_space<vmem>> -> memref<1x80x128xf32, #tpu.memory_space<vmem>>
      %dma_start3A_62 = tpu.memref_squeeze %dma_start3A_61 : memref<1x80x128xf32, #tpu.memory_space<vmem>> -> memref<80x128xf32, #tpu.memory_space<vmem>>
      %dma_start3A_63 = arith.constant 0 : i32
      %dma_start3A_64 = tpu.memref_slice %arg9[%add3A_20, %dma_start3A_63] : memref<10240x128xf32, #tpu.memory_space<vmem_shared>> -> memref<80x128xf32, #tpu.memory_space<vmem_shared>>
      %dma_start3A_65 = arith.constant 0 : i32
      %dma_start3A_66 = tpu.memref_slice %arg9[%add3A_20, %dma_start3A_65] : memref<10240x128xf32, #tpu.memory_space<vmem_shared>> -> memref<80x128xf32, #tpu.memory_space<vmem_shared>>
      %dma_start3A_67 = arith.constant 0 : i32
      %dma_start3A_68 = arith.constant 0 : i32
      %dma_start3A_69 = tpu.memref_slice %arg8[%run_scoped3A_21, %dma_start3A_67, %dma_start3A_68] : memref<1x80x128xf32, #tpu.memory_space<vmem>> -> memref<1x80x128xf32, #tpu.memory_space<vmem>>
      %dma_start3A_70 = tpu.memref_squeeze %dma_start3A_69 : memref<1x80x128xf32, #tpu.memory_space<vmem>> -> memref<80x128xf32, #tpu.memory_space<vmem>>
      tpu.enqueue_dma source(%dma_start3A_70 : memref<80x128xf32, #tpu.memory_space<vmem>>) target(%dma_start3A_66 : memref<80x128xf32, #tpu.memory_space<vmem_shared>>) target_semaphore(%run_scoped3A_59 : memref<!tpu.dma_semaphore, #tpu.memory_space<semaphore_mem>>)
      %dma_wait3A = arith.constant 0 : i32
      %dma_wait3A_71 = arith.constant 0 : i32
      %dma_wait3A_72 = tpu.memref_slice %arg8[%run_scoped3A_21, %dma_wait3A, %dma_wait3A_71] : memref<1x80x128xf32, #tpu.memory_space<vmem>> -> memref<1x80x128xf32, #tpu.memory_space<vmem>>
      %dma_wait3A_73 = tpu.memref_squeeze %dma_wait3A_72 : memref<1x80x128xf32, #tpu.memory_space<vmem>> -> memref<80x128xf32, #tpu.memory_space<vmem>>
      %dma_wait3A_74 = arith.constant 0 : i32
      %dma_wait3A_75 = tpu.memref_slice %arg9[%add3A_20, %dma_wait3A_74] : memref<10240x128xf32, #tpu.memory_space<vmem_shared>> -> memref<80x128xf32, #tpu.memory_space<vmem_shared>>
      %dma_wait3A_76 = arith.constant 0 : i32
      %dma_wait3A_77 = tpu.memref_slice %arg9[%add3A_20, %dma_wait3A_76] : memref<10240x128xf32, #tpu.memory_space<vmem_shared>> -> memref<80x128xf32, #tpu.memory_space<vmem_shared>>
      %dma_wait3A_78 = arith.constant 0 : i32
      %dma_wait3A_79 = arith.constant 0 : i32
      %dma_wait3A_80 = tpu.memref_slice %arg8[%run_scoped3A_21, %dma_wait3A_78, %dma_wait3A_79] : memref<1x80x128xf32, #tpu.memory_space<vmem>> -> memref<1x80x128xf32, #tpu.memory_space<vmem>>
      %dma_wait3A_81 = tpu.memref_squeeze %dma_wait3A_80 : memref<1x80x128xf32, #tpu.memory_space<vmem>> -> memref<80x128xf32, #tpu.memory_space<vmem>>
      tpu.wait_dma2 semaphore(%run_scoped3A_59 : memref<!tpu.dma_semaphore, #tpu.memory_space<semaphore_mem>>) src(%dma_wait3A_81 : memref<80x128xf32, #tpu.memory_space<vmem>>) dst(%dma_wait3A_77 : memref<80x128xf32, #tpu.memory_space<vmem_shared>>)
      tpu.yield
    }) : () -> ()
    %mul3A_22 = arith.constant 640 : i32
    %mul3A_23 = arith.muli %arg1, %mul3A_22 : i32
    %add3A_24 = arith.constant 240 : i32
    %add3A_25 = arith.addi %mul3A_23, %add3A_24 : i32
    %run_scoped3A_26 = arith.constant 0 : i32
    "tpu.region"() ({
      %run_scoped3A_59 = tpu.sem_alloc : memref<!tpu.dma_semaphore, #tpu.memory_space<semaphore_mem>>
      %dma_start3A = arith.constant 0 : i32
      %dma_start3A_60 = arith.constant 0 : i32
      %dma_start3A_61 = tpu.memref_slice %arg8[%run_scoped3A_26, %dma_start3A, %dma_start3A_60] : memref<1x80x128xf32, #tpu.memory_space<vmem>> -> memref<1x80x128xf32, #tpu.memory_space<vmem>>
      %dma_start3A_62 = tpu.memref_squeeze %dma_start3A_61 : memref<1x80x128xf32, #tpu.memory_space<vmem>> -> memref<80x128xf32, #tpu.memory_space<vmem>>
      %dma_start3A_63 = arith.constant 0 : i32
      %dma_start3A_64 = tpu.memref_slice %arg9[%add3A_25, %dma_start3A_63] : memref<10240x128xf32, #tpu.memory_space<vmem_shared>> -> memref<80x128xf32, #tpu.memory_space<vmem_shared>>
      %dma_start3A_65 = arith.constant 0 : i32
      %dma_start3A_66 = tpu.memref_slice %arg9[%add3A_25, %dma_start3A_65] : memref<10240x128xf32, #tpu.memory_space<vmem_shared>> -> memref<80x128xf32, #tpu.memory_space<vmem_shared>>
      %dma_start3A_67 = arith.constant 0 : i32
      %dma_start3A_68 = arith.constant 0 : i32
      %dma_start3A_69 = tpu.memref_slice %arg8[%run_scoped3A_26, %dma_start3A_67, %dma_start3A_68] : memref<1x80x128xf32, #tpu.memory_space<vmem>> -> memref<1x80x128xf32, #tpu.memory_space<vmem>>
      %dma_start3A_70 = tpu.memref_squeeze %dma_start3A_69 : memref<1x80x128xf32, #tpu.memory_space<vmem>> -> memref<80x128xf32, #tpu.memory_space<vmem>>
      tpu.enqueue_dma source(%dma_start3A_70 : memref<80x128xf32, #tpu.memory_space<vmem>>) target(%dma_start3A_66 : memref<80x128xf32, #tpu.memory_space<vmem_shared>>) target_semaphore(%run_scoped3A_59 : memref<!tpu.dma_semaphore, #tpu.memory_space<semaphore_mem>>)
      %dma_wait3A = arith.constant 0 : i32
      %dma_wait3A_71 = arith.constant 0 : i32
      %dma_wait3A_72 = tpu.memref_slice %arg8[%run_scoped3A_26, %dma_wait3A, %dma_wait3A_71] : memref<1x80x128xf32, #tpu.memory_space<vmem>> -> memref<1x80x128xf32, #tpu.memory_space<vmem>>
      %dma_wait3A_73 = tpu.memref_squeeze %dma_wait3A_72 : memref<1x80x128xf32, #tpu.memory_space<vmem>> -> memref<80x128xf32, #tpu.memory_space<vmem>>
      %dma_wait3A_74 = arith.constant 0 : i32
      %dma_wait3A_75 = tpu.memref_slice %arg9[%add3A_25, %dma_wait3A_74] : memref<10240x128xf32, #tpu.memory_space<vmem_shared>> -> memref<80x128xf32, #tpu.memory_space<vmem_shared>>
      %dma_wait3A_76 = arith.constant 0 : i32
      %dma_wait3A_77 = tpu.memref_slice %arg9[%add3A_25, %dma_wait3A_76] : memref<10240x128xf32, #tpu.memory_space<vmem_shared>> -> memref<80x128xf32, #tpu.memory_space<vmem_shared>>
      %dma_wait3A_78 = arith.constant 0 : i32
      %dma_wait3A_79 = arith.constant 0 : i32
      %dma_wait3A_80 = tpu.memref_slice %arg8[%run_scoped3A_26, %dma_wait3A_78, %dma_wait3A_79] : memref<1x80x128xf32, #tpu.memory_space<vmem>> -> memref<1x80x128xf32, #tpu.memory_space<vmem>>
      %dma_wait3A_81 = tpu.memref_squeeze %dma_wait3A_80 : memref<1x80x128xf32, #tpu.memory_space<vmem>> -> memref<80x128xf32, #tpu.memory_space<vmem>>
      tpu.wait_dma2 semaphore(%run_scoped3A_59 : memref<!tpu.dma_semaphore, #tpu.memory_space<semaphore_mem>>) src(%dma_wait3A_81 : memref<80x128xf32, #tpu.memory_space<vmem>>) dst(%dma_wait3A_77 : memref<80x128xf32, #tpu.memory_space<vmem_shared>>)
      tpu.yield
    }) : () -> ()
    %mul3A_27 = arith.constant 640 : i32
    %mul3A_28 = arith.muli %arg1, %mul3A_27 : i32
    %add3A_29 = arith.constant 320 : i32
    %add3A_30 = arith.addi %mul3A_28, %add3A_29 : i32
    %run_scoped3A_31 = arith.constant 0 : i32
    "tpu.region"() ({
      %run_scoped3A_59 = tpu.sem_alloc : memref<!tpu.dma_semaphore, #tpu.memory_space<semaphore_mem>>
      %dma_start3A = arith.constant 0 : i32
      %dma_start3A_60 = arith.constant 0 : i32
      %dma_start3A_61 = tpu.memref_slice %arg8[%run_scoped3A_31, %dma_start3A, %dma_start3A_60] : memref<1x80x128xf32, #tpu.memory_space<vmem>> -> memref<1x80x128xf32, #tpu.memory_space<vmem>>
      %dma_start3A_62 = tpu.memref_squeeze %dma_start3A_61 : memref<1x80x128xf32, #tpu.memory_space<vmem>> -> memref<80x128xf32, #tpu.memory_space<vmem>>
      %dma_start3A_63 = arith.constant 0 : i32
      %dma_start3A_64 = tpu.memref_slice %arg9[%add3A_30, %dma_start3A_63] : memref<10240x128xf32, #tpu.memory_space<vmem_shared>> -> memref<80x128xf32, #tpu.memory_space<vmem_shared>>
      %dma_start3A_65 = arith.constant 0 : i32
      %dma_start3A_66 = tpu.memref_slice %arg9[%add3A_30, %dma_start3A_65] : memref<10240x128xf32, #tpu.memory_space<vmem_shared>> -> memref<80x128xf32, #tpu.memory_space<vmem_shared>>
      %dma_start3A_67 = arith.constant 0 : i32
      %dma_start3A_68 = arith.constant 0 : i32
      %dma_start3A_69 = tpu.memref_slice %arg8[%run_scoped3A_31, %dma_start3A_67, %dma_start3A_68] : memref<1x80x128xf32, #tpu.memory_space<vmem>> -> memref<1x80x128xf32, #tpu.memory_space<vmem>>
      %dma_start3A_70 = tpu.memref_squeeze %dma_start3A_69 : memref<1x80x128xf32, #tpu.memory_space<vmem>> -> memref<80x128xf32, #tpu.memory_space<vmem>>
      tpu.enqueue_dma source(%dma_start3A_70 : memref<80x128xf32, #tpu.memory_space<vmem>>) target(%dma_start3A_66 : memref<80x128xf32, #tpu.memory_space<vmem_shared>>) target_semaphore(%run_scoped3A_59 : memref<!tpu.dma_semaphore, #tpu.memory_space<semaphore_mem>>)
      %dma_wait3A = arith.constant 0 : i32
      %dma_wait3A_71 = arith.constant 0 : i32
      %dma_wait3A_72 = tpu.memref_slice %arg8[%run_scoped3A_31, %dma_wait3A, %dma_wait3A_71] : memref<1x80x128xf32, #tpu.memory_space<vmem>> -> memref<1x80x128xf32, #tpu.memory_space<vmem>>
      %dma_wait3A_73 = tpu.memref_squeeze %dma_wait3A_72 : memref<1x80x128xf32, #tpu.memory_space<vmem>> -> memref<80x128xf32, #tpu.memory_space<vmem>>
      %dma_wait3A_74 = arith.constant 0 : i32
      %dma_wait3A_75 = tpu.memref_slice %arg9[%add3A_30, %dma_wait3A_74] : memref<10240x128xf32, #tpu.memory_space<vmem_shared>> -> memref<80x128xf32, #tpu.memory_space<vmem_shared>>
      %dma_wait3A_76 = arith.constant 0 : i32
      %dma_wait3A_77 = tpu.memref_slice %arg9[%add3A_30, %dma_wait3A_76] : memref<10240x128xf32, #tpu.memory_space<vmem_shared>> -> memref<80x128xf32, #tpu.memory_space<vmem_shared>>
      %dma_wait3A_78 = arith.constant 0 : i32
      %dma_wait3A_79 = arith.constant 0 : i32
      %dma_wait3A_80 = tpu.memref_slice %arg8[%run_scoped3A_31, %dma_wait3A_78, %dma_wait3A_79] : memref<1x80x128xf32, #tpu.memory_space<vmem>> -> memref<1x80x128xf32, #tpu.memory_space<vmem>>
      %dma_wait3A_81 = tpu.memref_squeeze %dma_wait3A_80 : memref<1x80x128xf32, #tpu.memory_space<vmem>> -> memref<80x128xf32, #tpu.memory_space<vmem>>
      tpu.wait_dma2 semaphore(%run_scoped3A_59 : memref<!tpu.dma_semaphore, #tpu.memory_space<semaphore_mem>>) src(%dma_wait3A_81 : memref<80x128xf32, #tpu.memory_space<vmem>>) dst(%dma_wait3A_77 : memref<80x128xf32, #tpu.memory_space<vmem_shared>>)
      tpu.yield
    }) : () -> ()
    %mul3A_32 = arith.constant 640 : i32
    %mul3A_33 = arith.muli %arg1, %mul3A_32 : i32
    %add3A_34 = arith.constant 400 : i32
    %add3A_35 = arith.addi %mul3A_33, %add3A_34 : i32
    %run_scoped3A_36 = arith.constant 0 : i32
    "tpu.region"() ({
      %run_scoped3A_59 = tpu.sem_alloc : memref<!tpu.dma_semaphore, #tpu.memory_space<semaphore_mem>>
      %dma_start3A = arith.constant 0 : i32
      %dma_start3A_60 = arith.constant 0 : i32
      %dma_start3A_61 = tpu.memref_slice %arg8[%run_scoped3A_36, %dma_start3A, %dma_start3A_60] : memref<1x80x128xf32, #tpu.memory_space<vmem>> -> memref<1x80x128xf32, #tpu.memory_space<vmem>>
      %dma_start3A_62 = tpu.memref_squeeze %dma_start3A_61 : memref<1x80x128xf32, #tpu.memory_space<vmem>> -> memref<80x128xf32, #tpu.memory_space<vmem>>
      %dma_start3A_63 = arith.constant 0 : i32
      %dma_start3A_64 = tpu.memref_slice %arg9[%add3A_35, %dma_start3A_63] : memref<10240x128xf32, #tpu.memory_space<vmem_shared>> -> memref<80x128xf32, #tpu.memory_space<vmem_shared>>
      %dma_start3A_65 = arith.constant 0 : i32
      %dma_start3A_66 = tpu.memref_slice %arg9[%add3A_35, %dma_start3A_65] : memref<10240x128xf32, #tpu.memory_space<vmem_shared>> -> memref<80x128xf32, #tpu.memory_space<vmem_shared>>
      %dma_start3A_67 = arith.constant 0 : i32
      %dma_start3A_68 = arith.constant 0 : i32
      %dma_start3A_69 = tpu.memref_slice %arg8[%run_scoped3A_36, %dma_start3A_67, %dma_start3A_68] : memref<1x80x128xf32, #tpu.memory_space<vmem>> -> memref<1x80x128xf32, #tpu.memory_space<vmem>>
      %dma_start3A_70 = tpu.memref_squeeze %dma_start3A_69 : memref<1x80x128xf32, #tpu.memory_space<vmem>> -> memref<80x128xf32, #tpu.memory_space<vmem>>
      tpu.enqueue_dma source(%dma_start3A_70 : memref<80x128xf32, #tpu.memory_space<vmem>>) target(%dma_start3A_66 : memref<80x128xf32, #tpu.memory_space<vmem_shared>>) target_semaphore(%run_scoped3A_59 : memref<!tpu.dma_semaphore, #tpu.memory_space<semaphore_mem>>)
      %dma_wait3A = arith.constant 0 : i32
      %dma_wait3A_71 = arith.constant 0 : i32
      %dma_wait3A_72 = tpu.memref_slice %arg8[%run_scoped3A_36, %dma_wait3A, %dma_wait3A_71] : memref<1x80x128xf32, #tpu.memory_space<vmem>> -> memref<1x80x128xf32, #tpu.memory_space<vmem>>
      %dma_wait3A_73 = tpu.memref_squeeze %dma_wait3A_72 : memref<1x80x128xf32, #tpu.memory_space<vmem>> -> memref<80x128xf32, #tpu.memory_space<vmem>>
      %dma_wait3A_74 = arith.constant 0 : i32
      %dma_wait3A_75 = tpu.memref_slice %arg9[%add3A_35, %dma_wait3A_74] : memref<10240x128xf32, #tpu.memory_space<vmem_shared>> -> memref<80x128xf32, #tpu.memory_space<vmem_shared>>
      %dma_wait3A_76 = arith.constant 0 : i32
      %dma_wait3A_77 = tpu.memref_slice %arg9[%add3A_35, %dma_wait3A_76] : memref<10240x128xf32, #tpu.memory_space<vmem_shared>> -> memref<80x128xf32, #tpu.memory_space<vmem_shared>>
      %dma_wait3A_78 = arith.constant 0 : i32
      %dma_wait3A_79 = arith.constant 0 : i32
      %dma_wait3A_80 = tpu.memref_slice %arg8[%run_scoped3A_36, %dma_wait3A_78, %dma_wait3A_79] : memref<1x80x128xf32, #tpu.memory_space<vmem>> -> memref<1x80x128xf32, #tpu.memory_space<vmem>>
      %dma_wait3A_81 = tpu.memref_squeeze %dma_wait3A_80 : memref<1x80x128xf32, #tpu.memory_space<vmem>> -> memref<80x128xf32, #tpu.memory_space<vmem>>
      tpu.wait_dma2 semaphore(%run_scoped3A_59 : memref<!tpu.dma_semaphore, #tpu.memory_space<semaphore_mem>>) src(%dma_wait3A_81 : memref<80x128xf32, #tpu.memory_space<vmem>>) dst(%dma_wait3A_77 : memref<80x128xf32, #tpu.memory_space<vmem_shared>>)
      tpu.yield
    }) : () -> ()
    %mul3A_37 = arith.constant 640 : i32
    %mul3A_38 = arith.muli %arg1, %mul3A_37 : i32
    %add3A_39 = arith.constant 480 : i32
    %add3A_40 = arith.addi %mul3A_38, %add3A_39 : i32
    %run_scoped3A_41 = arith.constant 0 : i32
    "tpu.region"() ({
      %run_scoped3A_59 = tpu.sem_alloc : memref<!tpu.dma_semaphore, #tpu.memory_space<semaphore_mem>>
      %dma_start3A = arith.constant 0 : i32
      %dma_start3A_60 = arith.constant 0 : i32
      %dma_start3A_61 = tpu.memref_slice %arg8[%run_scoped3A_41, %dma_start3A, %dma_start3A_60] : memref<1x80x128xf32, #tpu.memory_space<vmem>> -> memref<1x80x128xf32, #tpu.memory_space<vmem>>
      %dma_start3A_62 = tpu.memref_squeeze %dma_start3A_61 : memref<1x80x128xf32, #tpu.memory_space<vmem>> -> memref<80x128xf32, #tpu.memory_space<vmem>>
      %dma_start3A_63 = arith.constant 0 : i32
      %dma_start3A_64 = tpu.memref_slice %arg9[%add3A_40, %dma_start3A_63] : memref<10240x128xf32, #tpu.memory_space<vmem_shared>> -> memref<80x128xf32, #tpu.memory_space<vmem_shared>>
      %dma_start3A_65 = arith.constant 0 : i32
      %dma_start3A_66 = tpu.memref_slice %arg9[%add3A_40, %dma_start3A_65] : memref<10240x128xf32, #tpu.memory_space<vmem_shared>> -> memref<80x128xf32, #tpu.memory_space<vmem_shared>>
      %dma_start3A_67 = arith.constant 0 : i32
      %dma_start3A_68 = arith.constant 0 : i32
      %dma_start3A_69 = tpu.memref_slice %arg8[%run_scoped3A_41, %dma_start3A_67, %dma_start3A_68] : memref<1x80x128xf32, #tpu.memory_space<vmem>> -> memref<1x80x128xf32, #tpu.memory_space<vmem>>
      %dma_start3A_70 = tpu.memref_squeeze %dma_start3A_69 : memref<1x80x128xf32, #tpu.memory_space<vmem>> -> memref<80x128xf32, #tpu.memory_space<vmem>>
      tpu.enqueue_dma source(%dma_start3A_70 : memref<80x128xf32, #tpu.memory_space<vmem>>) target(%dma_start3A_66 : memref<80x128xf32, #tpu.memory_space<vmem_shared>>) target_semaphore(%run_scoped3A_59 : memref<!tpu.dma_semaphore, #tpu.memory_space<semaphore_mem>>)
      %dma_wait3A = arith.constant 0 : i32
      %dma_wait3A_71 = arith.constant 0 : i32
      %dma_wait3A_72 = tpu.memref_slice %arg8[%run_scoped3A_41, %dma_wait3A, %dma_wait3A_71] : memref<1x80x128xf32, #tpu.memory_space<vmem>> -> memref<1x80x128xf32, #tpu.memory_space<vmem>>
      %dma_wait3A_73 = tpu.memref_squeeze %dma_wait3A_72 : memref<1x80x128xf32, #tpu.memory_space<vmem>> -> memref<80x128xf32, #tpu.memory_space<vmem>>
      %dma_wait3A_74 = arith.constant 0 : i32
      %dma_wait3A_75 = tpu.memref_slice %arg9[%add3A_40, %dma_wait3A_74] : memref<10240x128xf32, #tpu.memory_space<vmem_shared>> -> memref<80x128xf32, #tpu.memory_space<vmem_shared>>
      %dma_wait3A_76 = arith.constant 0 : i32
      %dma_wait3A_77 = tpu.memref_slice %arg9[%add3A_40, %dma_wait3A_76] : memref<10240x128xf32, #tpu.memory_space<vmem_shared>> -> memref<80x128xf32, #tpu.memory_space<vmem_shared>>
      %dma_wait3A_78 = arith.constant 0 : i32
      %dma_wait3A_79 = arith.constant 0 : i32
      %dma_wait3A_80 = tpu.memref_slice %arg8[%run_scoped3A_41, %dma_wait3A_78, %dma_wait3A_79] : memref<1x80x128xf32, #tpu.memory_space<vmem>> -> memref<1x80x128xf32, #tpu.memory_space<vmem>>
      %dma_wait3A_81 = tpu.memref_squeeze %dma_wait3A_80 : memref<1x80x128xf32, #tpu.memory_space<vmem>> -> memref<80x128xf32, #tpu.memory_space<vmem>>
      tpu.wait_dma2 semaphore(%run_scoped3A_59 : memref<!tpu.dma_semaphore, #tpu.memory_space<semaphore_mem>>) src(%dma_wait3A_81 : memref<80x128xf32, #tpu.memory_space<vmem>>) dst(%dma_wait3A_77 : memref<80x128xf32, #tpu.memory_space<vmem_shared>>)
      tpu.yield
    }) : () -> ()
    %mul3A_42 = arith.constant 640 : i32
    %mul3A_43 = arith.muli %arg1, %mul3A_42 : i32
    %add3A_44 = arith.constant 560 : i32
    %add3A_45 = arith.addi %mul3A_43, %add3A_44 : i32
    %run_scoped3A_46 = arith.constant 0 : i32
    "tpu.region"() ({
      %run_scoped3A_59 = tpu.sem_alloc : memref<!tpu.dma_semaphore, #tpu.memory_space<semaphore_mem>>
      %dma_start3A = arith.constant 0 : i32
      %dma_start3A_60 = arith.constant 0 : i32
      %dma_start3A_61 = tpu.memref_slice %arg8[%run_scoped3A_46, %dma_start3A, %dma_start3A_60] : memref<1x80x128xf32, #tpu.memory_space<vmem>> -> memref<1x80x128xf32, #tpu.memory_space<vmem>>
      %dma_start3A_62 = tpu.memref_squeeze %dma_start3A_61 : memref<1x80x128xf32, #tpu.memory_space<vmem>> -> memref<80x128xf32, #tpu.memory_space<vmem>>
      %dma_start3A_63 = arith.constant 0 : i32
      %dma_start3A_64 = tpu.memref_slice %arg9[%add3A_45, %dma_start3A_63] : memref<10240x128xf32, #tpu.memory_space<vmem_shared>> -> memref<80x128xf32, #tpu.memory_space<vmem_shared>>
      %dma_start3A_65 = arith.constant 0 : i32
      %dma_start3A_66 = tpu.memref_slice %arg9[%add3A_45, %dma_start3A_65] : memref<10240x128xf32, #tpu.memory_space<vmem_shared>> -> memref<80x128xf32, #tpu.memory_space<vmem_shared>>
      %dma_start3A_67 = arith.constant 0 : i32
      %dma_start3A_68 = arith.constant 0 : i32
      %dma_start3A_69 = tpu.memref_slice %arg8[%run_scoped3A_46, %dma_start3A_67, %dma_start3A_68] : memref<1x80x128xf32, #tpu.memory_space<vmem>> -> memref<1x80x128xf32, #tpu.memory_space<vmem>>
      %dma_start3A_70 = tpu.memref_squeeze %dma_start3A_69 : memref<1x80x128xf32, #tpu.memory_space<vmem>> -> memref<80x128xf32, #tpu.memory_space<vmem>>
      tpu.enqueue_dma source(%dma_start3A_70 : memref<80x128xf32, #tpu.memory_space<vmem>>) target(%dma_start3A_66 : memref<80x128xf32, #tpu.memory_space<vmem_shared>>) target_semaphore(%run_scoped3A_59 : memref<!tpu.dma_semaphore, #tpu.memory_space<semaphore_mem>>)
      %dma_wait3A = arith.constant 0 : i32
      %dma_wait3A_71 = arith.constant 0 : i32
      %dma_wait3A_72 = tpu.memref_slice %arg8[%run_scoped3A_46, %dma_wait3A, %dma_wait3A_71] : memref<1x80x128xf32, #tpu.memory_space<vmem>> -> memref<1x80x128xf32, #tpu.memory_space<vmem>>
      %dma_wait3A_73 = tpu.memref_squeeze %dma_wait3A_72 : memref<1x80x128xf32, #tpu.memory_space<vmem>> -> memref<80x128xf32, #tpu.memory_space<vmem>>
      %dma_wait3A_74 = arith.constant 0 : i32
      %dma_wait3A_75 = tpu.memref_slice %arg9[%add3A_45, %dma_wait3A_74] : memref<10240x128xf32, #tpu.memory_space<vmem_shared>> -> memref<80x128xf32, #tpu.memory_space<vmem_shared>>
      %dma_wait3A_76 = arith.constant 0 : i32
      %dma_wait3A_77 = tpu.memref_slice %arg9[%add3A_45, %dma_wait3A_76] : memref<10240x128xf32, #tpu.memory_space<vmem_shared>> -> memref<80x128xf32, #tpu.memory_space<vmem_shared>>
      %dma_wait3A_78 = arith.constant 0 : i32
      %dma_wait3A_79 = arith.constant 0 : i32
      %dma_wait3A_80 = tpu.memref_slice %arg8[%run_scoped3A_46, %dma_wait3A_78, %dma_wait3A_79] : memref<1x80x128xf32, #tpu.memory_space<vmem>> -> memref<1x80x128xf32, #tpu.memory_space<vmem>>
      %dma_wait3A_81 = tpu.memref_squeeze %dma_wait3A_80 : memref<1x80x128xf32, #tpu.memory_space<vmem>> -> memref<80x128xf32, #tpu.memory_space<vmem>>
      tpu.wait_dma2 semaphore(%run_scoped3A_59 : memref<!tpu.dma_semaphore, #tpu.memory_space<semaphore_mem>>) src(%dma_wait3A_81 : memref<80x128xf32, #tpu.memory_space<vmem>>) dst(%dma_wait3A_77 : memref<80x128xf32, #tpu.memory_space<vmem_shared>>)
      tpu.yield
    }) : () -> ()
    %barrier3A = arith.constant 0 : index
    tpu.barrier barrier_id(%barrier3A)
    %scan3A_47 = arith.constant 0 : i32
    %scan3A_48 = arith.constant 0 : i32
    %scan3A_49 = arith.constant 125 : i32
    %scan3A_50 = arith.addi %scan3A_48, %scan3A_49 : i32
    %scan3A_51 = arith.constant 1 : i32
    %scan3A_52 = scf.for %scan3A_59 = %scan3A_48 to %scan3A_50 step %scan3A_51 iter_args(%scan3A_60 = %scan3A_47) -> (i32)  : i32 {
      %run_scoped3A_61 = arith.constant 0 : i32
      "tpu.region"() ({
        %run_scoped3A_103 = tpu.sem_alloc : memref<!tpu.dma_semaphore, #tpu.memory_space<semaphore_mem>>
        %dma_start3A_104 = arith.constant 0 : i32
        %dma_start3A_105 = arith.constant 0 : i32
        %dma_start3A_106 = tpu.memref_slice %arg6[%run_scoped3A_61, %dma_start3A_104, %dma_start3A_105] : memref<1x2x80xi32, #tpu.memory_space<vmem>> -> memref<1x2x80xi32, #tpu.memory_space<vmem>>
        %dma_start3A_107 = tpu.memref_squeeze %dma_start3A_106 : memref<1x2x80xi32, #tpu.memory_space<vmem>> -> memref<2x80xi32, #tpu.memory_space<vmem>>
        %dma_start3A_108 = arith.constant 0 : i32
        %dma_start3A_109 = arith.constant 0 : i32
        %dma_start3A_110 = tpu.memref_slice %arg4[%add3A, %scan3A_59, %dma_start3A_108, %dma_start3A_109] : memref<32x125x2x80xi32, #tpu.memory_space<hbm>> -> memref<1x1x2x80xi32, #tpu.memory_space<hbm>>
        %dma_start3A_111 = tpu.memref_squeeze %dma_start3A_110 : memref<1x1x2x80xi32, #tpu.memory_space<hbm>> -> memref<2x80xi32, #tpu.memory_space<hbm>>
        %dma_start3A_112 = arith.constant 0 : i32
        %dma_start3A_113 = arith.constant 0 : i32
        %dma_start3A_114 = tpu.memref_slice %arg6[%run_scoped3A_61, %dma_start3A_112, %dma_start3A_113] : memref<1x2x80xi32, #tpu.memory_space<vmem>> -> memref<1x2x80xi32, #tpu.memory_space<vmem>>
        %dma_start3A_115 = tpu.memref_squeeze %dma_start3A_114 : memref<1x2x80xi32, #tpu.memory_space<vmem>> -> memref<2x80xi32, #tpu.memory_space<vmem>>
        %dma_start3A_116 = arith.constant 0 : i32
        %dma_start3A_117 = arith.constant 0 : i32
        %dma_start3A_118 = tpu.memref_slice %arg4[%add3A, %scan3A_59, %dma_start3A_116, %dma_start3A_117] : memref<32x125x2x80xi32, #tpu.memory_space<hbm>> -> memref<1x1x2x80xi32, #tpu.memory_space<hbm>>
        %dma_start3A_119 = tpu.memref_squeeze %dma_start3A_118 : memref<1x1x2x80xi32, #tpu.memory_space<hbm>> -> memref<2x80xi32, #tpu.memory_space<hbm>>
        tpu.enqueue_dma source(%dma_start3A_119 : memref<2x80xi32, #tpu.memory_space<hbm>>) target(%dma_start3A_115 : memref<2x80xi32, #tpu.memory_space<vmem>>) target_semaphore(%run_scoped3A_103 : memref<!tpu.dma_semaphore, #tpu.memory_space<semaphore_mem>>)
        %dma_wait3A_120 = arith.constant 0 : i32
        %dma_wait3A_121 = arith.constant 0 : i32
        %dma_wait3A_122 = tpu.memref_slice %arg6[%run_scoped3A_61, %dma_wait3A_120, %dma_wait3A_121] : memref<1x2x80xi32, #tpu.memory_space<vmem>> -> memref<1x2x80xi32, #tpu.memory_space<vmem>>
        %dma_wait3A_123 = tpu.memref_squeeze %dma_wait3A_122 : memref<1x2x80xi32, #tpu.memory_space<vmem>> -> memref<2x80xi32, #tpu.memory_space<vmem>>
        %dma_wait3A_124 = arith.constant 0 : i32
        %dma_wait3A_125 = arith.constant 0 : i32
        %dma_wait3A_126 = tpu.memref_slice %arg4[%add3A, %scan3A_59, %dma_wait3A_124, %dma_wait3A_125] : memref<32x125x2x80xi32, #tpu.memory_space<hbm>> -> memref<1x1x2x80xi32, #tpu.memory_space<hbm>>
        %dma_wait3A_127 = tpu.memref_squeeze %dma_wait3A_126 : memref<1x1x2x80xi32, #tpu.memory_space<hbm>> -> memref<2x80xi32, #tpu.memory_space<hbm>>
        %dma_wait3A_128 = arith.constant 0 : i32
        %dma_wait3A_129 = arith.constant 0 : i32
        %dma_wait3A_130 = tpu.memref_slice %arg6[%run_scoped3A_61, %dma_wait3A_128, %dma_wait3A_129] : memref<1x2x80xi32, #tpu.memory_space<vmem>> -> memref<1x2x80xi32, #tpu.memory_space<vmem>>
        %dma_wait3A_131 = tpu.memref_squeeze %dma_wait3A_130 : memref<1x2x80xi32, #tpu.memory_space<vmem>> -> memref<2x80xi32, #tpu.memory_space<vmem>>
        %dma_wait3A_132 = arith.constant 0 : i32
        %dma_wait3A_133 = arith.constant 0 : i32
        %dma_wait3A_134 = tpu.memref_slice %arg4[%add3A, %scan3A_59, %dma_wait3A_132, %dma_wait3A_133] : memref<32x125x2x80xi32, #tpu.memory_space<hbm>> -> memref<1x1x2x80xi32, #tpu.memory_space<hbm>>
        %dma_wait3A_135 = tpu.memref_squeeze %dma_wait3A_134 : memref<1x1x2x80xi32, #tpu.memory_space<hbm>> -> memref<2x80xi32, #tpu.memory_space<hbm>>
        tpu.wait_dma2 semaphore(%run_scoped3A_103 : memref<!tpu.dma_semaphore, #tpu.memory_space<semaphore_mem>>) src(%dma_wait3A_135 : memref<2x80xi32, #tpu.memory_space<hbm>>) dst(%dma_wait3A_131 : memref<2x80xi32, #tpu.memory_space<vmem>>)
        tpu.yield
      }) : () -> ()
      %dma_start3A = arith.constant 0 : i32
      %dma_start3A_62 = arith.constant 0 : i32
      %dma_start3A_63 = arith.constant 0 : i32
      %dma_start3A_64 = arith.constant 0 : i32
      %dma_start3A_65 = arith.constant 0 : i32
      %dma_start3A_66 = tpu.memref_slice %arg7[%dma_start3A_63, %dma_start3A_64, %dma_start3A_65] : memref<1x80x128xf32, #tpu.memory_space<vmem>> -> memref<1x80x128xf32, #tpu.memory_space<vmem>>
      %dma_start3A_67 = tpu.memref_squeeze %dma_start3A_66 : memref<1x80x128xf32, #tpu.memory_space<vmem>> -> memref<80x128xf32, #tpu.memory_space<vmem>>
      %dma_start3A_68 = arith.constant 0 : i32
      %dma_start3A_69 = tpu.memref_slice %arg6[%dma_start3A, %dma_start3A_62, %dma_start3A_68] : memref<1x2x80xi32, #tpu.memory_space<vmem>> -> memref<1x1x80xi32, #tpu.memory_space<vmem>>
      %dma_start3A_70 = tpu.memref_squeeze %dma_start3A_69 : memref<1x1x80xi32, #tpu.memory_space<vmem>> -> memref<80xi32, #tpu.memory_space<vmem>>
      %dma_start3A_71 = arith.constant 0 : i32
      %dma_start3A_72 = arith.constant 0 : i32
      %dma_start3A_73 = tpu.memref_slice %arg2[%dma_start3A_71, %dma_start3A_72] : memref<10000x128xf32, #tpu.memory_space<hbm>> -> memref<10000x128xf32, #tpu.memory_space<hbm>>
      tpu.enqueue_indirect_dma source(%dma_start3A_73 : memref<10000x128xf32, #tpu.memory_space<hbm>>) target(%dma_start3A_67 : memref<80x128xf32, #tpu.memory_space<vmem>>) offsets(%dma_start3A_70 : memref<80xi32, #tpu.memory_space<vmem>>) semaphore(%arg10 : memref<!tpu.dma_semaphore, #tpu.memory_space<semaphore_mem>>)
      %dma_wait3A = arith.constant 0 : i32
      %dma_wait3A_74 = arith.constant 0 : i32
      %dma_wait3A_75 = arith.constant 0 : i32
      %dma_wait3A_76 = arith.constant 0 : i32
      %dma_wait3A_77 = arith.constant 0 : i32
      %dma_wait3A_78 = tpu.memref_slice %arg7[%dma_wait3A_75, %dma_wait3A_76, %dma_wait3A_77] : memref<1x80x128xf32, #tpu.memory_space<vmem>> -> memref<1x80x128xf32, #tpu.memory_space<vmem>>
      %dma_wait3A_79 = tpu.memref_squeeze %dma_wait3A_78 : memref<1x80x128xf32, #tpu.memory_space<vmem>> -> memref<80x128xf32, #tpu.memory_space<vmem>>
      %dma_wait3A_80 = arith.constant 0 : i32
      %dma_wait3A_81 = tpu.memref_slice %arg6[%dma_wait3A, %dma_wait3A_74, %dma_wait3A_80] : memref<1x2x80xi32, #tpu.memory_space<vmem>> -> memref<1x1x80xi32, #tpu.memory_space<vmem>>
      %dma_wait3A_82 = tpu.memref_squeeze %dma_wait3A_81 : memref<1x1x80xi32, #tpu.memory_space<vmem>> -> memref<80xi32, #tpu.memory_space<vmem>>
      %dma_wait3A_83 = arith.constant 0 : i32
      %dma_wait3A_84 = arith.constant 0 : i32
      %dma_wait3A_85 = tpu.memref_slice %arg2[%dma_wait3A_83, %dma_wait3A_84] : memref<10000x128xf32, #tpu.memory_space<hbm>> -> memref<10000x128xf32, #tpu.memory_space<hbm>>
      tpu.wait_indirect_dma semaphore(%arg10 : memref<!tpu.dma_semaphore, #tpu.memory_space<semaphore_mem>>) src(%dma_wait3A_85 : memref<10000x128xf32, #tpu.memory_space<hbm>>) dst(%dma_wait3A_79 : memref<80x128xf32, #tpu.memory_space<vmem>>)
      %mul3A_86 = arith.constant 10000 : i32
      %mul3A_87 = arith.muli %add3A, %mul3A_86 : i32
      %mul3A_88 = arith.constant 80 : i32
      %mul3A_89 = arith.muli %scan3A_59, %mul3A_88 : i32
      %add3A_90 = arith.addi %mul3A_87, %mul3A_89 : i32
      %run_scoped3A_91 = arith.constant 0 : i32
      "tpu.region"() ({
        %run_scoped3A_103 = tpu.sem_alloc : memref<!tpu.dma_semaphore, #tpu.memory_space<semaphore_mem>>
        %dma_start3A_104 = arith.constant 0 : i32
        %dma_start3A_105 = arith.constant 0 : i32
        %dma_start3A_106 = tpu.memref_slice %arg8[%run_scoped3A_91, %dma_start3A_104, %dma_start3A_105] : memref<1x80x128xf32, #tpu.memory_space<vmem>> -> memref<1x80x128xf32, #tpu.memory_space<vmem>>
        %dma_start3A_107 = tpu.memref_squeeze %dma_start3A_106 : memref<1x80x128xf32, #tpu.memory_space<vmem>> -> memref<80x128xf32, #tpu.memory_space<vmem>>
        %dma_start3A_108 = arith.constant 0 : i32
        %dma_start3A_109 = tpu.memref_slice %arg3[%add3A_90, %dma_start3A_108] : memref<320000x128xf32, #tpu.memory_space<hbm>> -> memref<80x128xf32, #tpu.memory_space<hbm>>
        %dma_start3A_110 = arith.constant 0 : i32
        %dma_start3A_111 = arith.constant 0 : i32
        %dma_start3A_112 = tpu.memref_slice %arg8[%run_scoped3A_91, %dma_start3A_110, %dma_start3A_111] : memref<1x80x128xf32, #tpu.memory_space<vmem>> -> memref<1x80x128xf32, #tpu.memory_space<vmem>>
        %dma_start3A_113 = tpu.memref_squeeze %dma_start3A_112 : memref<1x80x128xf32, #tpu.memory_space<vmem>> -> memref<80x128xf32, #tpu.memory_space<vmem>>
        %dma_start3A_114 = arith.constant 0 : i32
        %dma_start3A_115 = tpu.memref_slice %arg3[%add3A_90, %dma_start3A_114] : memref<320000x128xf32, #tpu.memory_space<hbm>> -> memref<80x128xf32, #tpu.memory_space<hbm>>
        tpu.enqueue_dma source(%dma_start3A_115 : memref<80x128xf32, #tpu.memory_space<hbm>>) target(%dma_start3A_113 : memref<80x128xf32, #tpu.memory_space<vmem>>) target_semaphore(%run_scoped3A_103 : memref<!tpu.dma_semaphore, #tpu.memory_space<semaphore_mem>>)
        %dma_wait3A_116 = arith.constant 0 : i32
        %dma_wait3A_117 = arith.constant 0 : i32
        %dma_wait3A_118 = tpu.memref_slice %arg8[%run_scoped3A_91, %dma_wait3A_116, %dma_wait3A_117] : memref<1x80x128xf32, #tpu.memory_space<vmem>> -> memref<1x80x128xf32, #tpu.memory_space<vmem>>
        %dma_wait3A_119 = tpu.memref_squeeze %dma_wait3A_118 : memref<1x80x128xf32, #tpu.memory_space<vmem>> -> memref<80x128xf32, #tpu.memory_space<vmem>>
        %dma_wait3A_120 = arith.constant 0 : i32
        %dma_wait3A_121 = tpu.memref_slice %arg3[%add3A_90, %dma_wait3A_120] : memref<320000x128xf32, #tpu.memory_space<hbm>> -> memref<80x128xf32, #tpu.memory_space<hbm>>
        %dma_wait3A_122 = arith.constant 0 : i32
        %dma_wait3A_123 = arith.constant 0 : i32
        %dma_wait3A_124 = tpu.memref_slice %arg8[%run_scoped3A_91, %dma_wait3A_122, %dma_wait3A_123] : memref<1x80x128xf32, #tpu.memory_space<vmem>> -> memref<1x80x128xf32, #tpu.memory_space<vmem>>
        %dma_wait3A_125 = tpu.memref_squeeze %dma_wait3A_124 : memref<1x80x128xf32, #tpu.memory_space<vmem>> -> memref<80x128xf32, #tpu.memory_space<vmem>>
        %dma_wait3A_126 = arith.constant 0 : i32
        %dma_wait3A_127 = tpu.memref_slice %arg3[%add3A_90, %dma_wait3A_126] : memref<320000x128xf32, #tpu.memory_space<hbm>> -> memref<80x128xf32, #tpu.memory_space<hbm>>
        tpu.wait_dma2 semaphore(%run_scoped3A_103 : memref<!tpu.dma_semaphore, #tpu.memory_space<semaphore_mem>>) src(%dma_wait3A_127 : memref<80x128xf32, #tpu.memory_space<hbm>>) dst(%dma_wait3A_125 : memref<80x128xf32, #tpu.memory_space<vmem>>)
        tpu.yield
      }) : () -> ()
      %scan3A_92 = arith.constant 0 : i32
      %scan3A_93 = arith.constant 0 : i32
      %scan3A_94 = arith.constant 80 : i32
      %scan3A_95 = arith.addi %scan3A_93, %scan3A_94 : i32
      %scan3A_96 = arith.constant 1 : i32
      %scan3A_97 = scf.for %scan3A_103 = %scan3A_93 to %scan3A_95 step %scan3A_96 iter_args(%scan3A_104 = %scan3A_92) -> (i32)  : i32 {
        %get3A = arith.constant 0 : i32
        %get3A_105 = arith.index_cast %get3A : i32 to index
        %get3A_106 = arith.index_cast %scan3A_103 : i32 to index
        %get3A_107 = arith.constant 0 : index
        %get3A_108 = tpu.vector_load %arg7[%get3A_105, %get3A_106, %get3A_107] {strides = array<i32>} : memref<1x80x128xf32, #tpu.memory_space<vmem>>, vector<1x1x16xf32>,
        %get3A_109 = vector.shape_cast %get3A_108 : vector<1x1x16xf32> to vector<16xf32>
        %get3A_110 = arith.constant 0 : i32
        %get3A_111 = arith.index_cast %get3A_110 : i32 to index
        %get3A_112 = arith.index_cast %scan3A_103 : i32 to index
        %get3A_113 = arith.constant 0 : index
        %get3A_114 = tpu.vector_load %arg8[%get3A_111, %get3A_112, %get3A_113] {strides = array<i32>} : memref<1x80x128xf32, #tpu.memory_space<vmem>>, vector<1x1x16xf32>,
        %get3A_115 = vector.shape_cast %get3A_114 : vector<1x1x16xf32> to vector<16xf32>
        %add3A_116 = arith.addf %get3A_109, %get3A_115 : vector<16xf32>
        %max3A = arith.constant 0.000000e+00 : f32
        %max3A_117 = vector.broadcast %max3A : f32 to vector<16xf32>
        %max3A_118 = arith.maximumf %add3A_116, %max3A_117 : vector<16xf32>
        %swap3A = arith.constant 0 : i32
        %swap3A_119 = arith.index_cast %swap3A : i32 to index
        %swap3A_120 = arith.index_cast %scan3A_103 : i32 to index
        %swap3A_121 = arith.constant 0 : index
        %swap3A_122 = tpu.vector_load %arg7[%swap3A_119, %swap3A_120, %swap3A_121] {strides = array<i32>} : memref<1x80x128xf32, #tpu.memory_space<vmem>>, vector<1x1x16xf32>,
        %swap3A_123 = vector.shape_cast %swap3A_122 : vector<1x1x16xf32> to vector<16xf32>
        %swap3A_124 = vector.shape_cast %max3A_118 : vector<16xf32> to vector<1x1x16xf32>
        tpu.vector_store %arg7[%swap3A_119, %swap3A_120, %swap3A_121], %swap3A_124 {strides = array<i32>} : memref<1x80x128xf32, #tpu.memory_space<vmem>>, vector<1x1x16xf32>,
        %get3A_125 = arith.constant 0 : i32
        %get3A_126 = arith.index_cast %get3A_125 : i32 to index
        %get3A_127 = arith.index_cast %scan3A_103 : i32 to index
        %get3A_128 = arith.constant 16 : index
        %get3A_129 = tpu.vector_load %arg7[%get3A_126, %get3A_127, %get3A_128] {strides = array<i32>} : memref<1x80x128xf32, #tpu.memory_space<vmem>>, vector<1x1x16xf32>,
        %get3A_130 = vector.shape_cast %get3A_129 : vector<1x1x16xf32> to vector<16xf32>
        %get3A_131 = arith.constant 0 : i32
        %get3A_132 = arith.index_cast %get3A_131 : i32 to index
        %get3A_133 = arith.index_cast %scan3A_103 : i32 to index
        %get3A_134 = arith.constant 16 : index
        %get3A_135 = tpu.vector_load %arg8[%get3A_132, %get3A_133, %get3A_134] {strides = array<i32>} : memref<1x80x128xf32, #tpu.memory_space<vmem>>, vector<1x1x16xf32>,
        %get3A_136 = vector.shape_cast %get3A_135 : vector<1x1x16xf32> to vector<16xf32>
        %add3A_137 = arith.addf %get3A_130, %get3A_136 : vector<16xf32>
        %max3A_138 = arith.constant 0.000000e+00 : f32
        %max3A_139 = vector.broadcast %max3A_138 : f32 to vector<16xf32>
        %max3A_140 = arith.maximumf %add3A_137, %max3A_139 : vector<16xf32>
        %swap3A_141 = arith.constant 0 : i32
        %swap3A_142 = arith.index_cast %swap3A_141 : i32 to index
        %swap3A_143 = arith.index_cast %scan3A_103 : i32 to index
        %swap3A_144 = arith.constant 16 : index
        %swap3A_145 = tpu.vector_load %arg7[%swap3A_142, %swap3A_143, %swap3A_144] {strides = array<i32>} : memref<1x80x128xf32, #tpu.memory_space<vmem>>, vector<1x1x16xf32>,
        %swap3A_146 = vector.shape_cast %swap3A_145 : vector<1x1x16xf32> to vector<16xf32>
        %swap3A_147 = vector.shape_cast %max3A_140 : vector<16xf32> to vector<1x1x16xf32>
        tpu.vector_store %arg7[%swap3A_142, %swap3A_143, %swap3A_144], %swap3A_147 {strides = array<i32>} : memref<1x80x128xf32, #tpu.memory_space<vmem>>, vector<1x1x16xf32>,
        %get3A_148 = arith.constant 0 : i32
        %get3A_149 = arith.index_cast %get3A_148 : i32 to index
        %get3A_150 = arith.index_cast %scan3A_103 : i32 to index
        %get3A_151 = arith.constant 32 : index
        %get3A_152 = tpu.vector_load %arg7[%get3A_149, %get3A_150, %get3A_151] {strides = array<i32>} : memref<1x80x128xf32, #tpu.memory_space<vmem>>, vector<1x1x16xf32>,
        %get3A_153 = vector.shape_cast %get3A_152 : vector<1x1x16xf32> to vector<16xf32>
        %get3A_154 = arith.constant 0 : i32
        %get3A_155 = arith.index_cast %get3A_154 : i32 to index
        %get3A_156 = arith.index_cast %scan3A_103 : i32 to index
        %get3A_157 = arith.constant 32 : index
        %get3A_158 = tpu.vector_load %arg8[%get3A_155, %get3A_156, %get3A_157] {strides = array<i32>} : memref<1x80x128xf32, #tpu.memory_space<vmem>>, vector<1x1x16xf32>,
        %get3A_159 = vector.shape_cast %get3A_158 : vector<1x1x16xf32> to vector<16xf32>
        %add3A_160 = arith.addf %get3A_153, %get3A_159 : vector<16xf32>
        %max3A_161 = arith.constant 0.000000e+00 : f32
        %max3A_162 = vector.broadcast %max3A_161 : f32 to vector<16xf32>
        %max3A_163 = arith.maximumf %add3A_160, %max3A_162 : vector<16xf32>
        %swap3A_164 = arith.constant 0 : i32
        %swap3A_165 = arith.index_cast %swap3A_164 : i32 to index
        %swap3A_166 = arith.index_cast %scan3A_103 : i32 to index
        %swap3A_167 = arith.constant 32 : index
        %swap3A_168 = tpu.vector_load %arg7[%swap3A_165, %swap3A_166, %swap3A_167] {strides = array<i32>} : memref<1x80x128xf32, #tpu.memory_space<vmem>>, vector<1x1x16xf32>,
        %swap3A_169 = vector.shape_cast %swap3A_168 : vector<1x1x16xf32> to vector<16xf32>
        %swap3A_170 = vector.shape_cast %max3A_163 : vector<16xf32> to vector<1x1x16xf32>
        tpu.vector_store %arg7[%swap3A_165, %swap3A_166, %swap3A_167], %swap3A_170 {strides = array<i32>} : memref<1x80x128xf32, #tpu.memory_space<vmem>>, vector<1x1x16xf32>,
        %get3A_171 = arith.constant 0 : i32
        %get3A_172 = arith.index_cast %get3A_171 : i32 to index
        %get3A_173 = arith.index_cast %scan3A_103 : i32 to index
        %get3A_174 = arith.constant 48 : index
        %get3A_175 = tpu.vector_load %arg7[%get3A_172, %get3A_173, %get3A_174] {strides = array<i32>} : memref<1x80x128xf32, #tpu.memory_space<vmem>>, vector<1x1x16xf32>,
        %get3A_176 = vector.shape_cast %get3A_175 : vector<1x1x16xf32> to vector<16xf32>
        %get3A_177 = arith.constant 0 : i32
        %get3A_178 = arith.index_cast %get3A_177 : i32 to index
        %get3A_179 = arith.index_cast %scan3A_103 : i32 to index
        %get3A_180 = arith.constant 48 : index
        %get3A_181 = tpu.vector_load %arg8[%get3A_178, %get3A_179, %get3A_180] {strides = array<i32>} : memref<1x80x128xf32, #tpu.memory_space<vmem>>, vector<1x1x16xf32>,
        %get3A_182 = vector.shape_cast %get3A_181 : vector<1x1x16xf32> to vector<16xf32>
        %add3A_183 = arith.addf %get3A_176, %get3A_182 : vector<16xf32>
        %max3A_184 = arith.constant 0.000000e+00 : f32
        %max3A_185 = vector.broadcast %max3A_184 : f32 to vector<16xf32>
        %max3A_186 = arith.maximumf %add3A_183, %max3A_185 : vector<16xf32>
        %swap3A_187 = arith.constant 0 : i32
        %swap3A_188 = arith.index_cast %swap3A_187 : i32 to index
        %swap3A_189 = arith.index_cast %scan3A_103 : i32 to index
        %swap3A_190 = arith.constant 48 : index
        %swap3A_191 = tpu.vector_load %arg7[%swap3A_188, %swap3A_189, %swap3A_190] {strides = array<i32>} : memref<1x80x128xf32, #tpu.memory_space<vmem>>, vector<1x1x16xf32>,
        %swap3A_192 = vector.shape_cast %swap3A_191 : vector<1x1x16xf32> to vector<16xf32>
        %swap3A_193 = vector.shape_cast %max3A_186 : vector<16xf32> to vector<1x1x16xf32>
        tpu.vector_store %arg7[%swap3A_188, %swap3A_189, %swap3A_190], %swap3A_193 {strides = array<i32>} : memref<1x80x128xf32, #tpu.memory_space<vmem>>, vector<1x1x16xf32>,
        %get3A_194 = arith.constant 0 : i32
        %get3A_195 = arith.index_cast %get3A_194 : i32 to index
        %get3A_196 = arith.index_cast %scan3A_103 : i32 to index
        %get3A_197 = arith.constant 64 : index
        %get3A_198 = tpu.vector_load %arg7[%get3A_195, %get3A_196, %get3A_197] {strides = array<i32>} : memref<1x80x128xf32, #tpu.memory_space<vmem>>, vector<1x1x16xf32>,
        %get3A_199 = vector.shape_cast %get3A_198 : vector<1x1x16xf32> to vector<16xf32>
        %get3A_200 = arith.constant 0 : i32
        %get3A_201 = arith.index_cast %get3A_200 : i32 to index
        %get3A_202 = arith.index_cast %scan3A_103 : i32 to index
        %get3A_203 = arith.constant 64 : index
        %get3A_204 = tpu.vector_load %arg8[%get3A_201, %get3A_202, %get3A_203] {strides = array<i32>} : memref<1x80x128xf32, #tpu.memory_space<vmem>>, vector<1x1x16xf32>,
        %get3A_205 = vector.shape_cast %get3A_204 : vector<1x1x16xf32> to vector<16xf32>
        %add3A_206 = arith.addf %get3A_199, %get3A_205 : vector<16xf32>
        %max3A_207 = arith.constant 0.000000e+00 : f32
        %max3A_208 = vector.broadcast %max3A_207 : f32 to vector<16xf32>
        %max3A_209 = arith.maximumf %add3A_206, %max3A_208 : vector<16xf32>
        %swap3A_210 = arith.constant 0 : i32
        %swap3A_211 = arith.index_cast %swap3A_210 : i32 to index
        %swap3A_212 = arith.index_cast %scan3A_103 : i32 to index
        %swap3A_213 = arith.constant 64 : index
        %swap3A_214 = tpu.vector_load %arg7[%swap3A_211, %swap3A_212, %swap3A_213] {strides = array<i32>} : memref<1x80x128xf32, #tpu.memory_space<vmem>>, vector<1x1x16xf32>,
        %swap3A_215 = vector.shape_cast %swap3A_214 : vector<1x1x16xf32> to vector<16xf32>
        %swap3A_216 = vector.shape_cast %max3A_209 : vector<16xf32> to vector<1x1x16xf32>
        tpu.vector_store %arg7[%swap3A_211, %swap3A_212, %swap3A_213], %swap3A_216 {strides = array<i32>} : memref<1x80x128xf32, #tpu.memory_space<vmem>>, vector<1x1x16xf32>,
        %get3A_217 = arith.constant 0 : i32
        %get3A_218 = arith.index_cast %get3A_217 : i32 to index
        %get3A_219 = arith.index_cast %scan3A_103 : i32 to index
        %get3A_220 = arith.constant 80 : index
        %get3A_221 = tpu.vector_load %arg7[%get3A_218, %get3A_219, %get3A_220] {strides = array<i32>} : memref<1x80x128xf32, #tpu.memory_space<vmem>>, vector<1x1x16xf32>,
        %get3A_222 = vector.shape_cast %get3A_221 : vector<1x1x16xf32> to vector<16xf32>
        %get3A_223 = arith.constant 0 : i32
        %get3A_224 = arith.index_cast %get3A_223 : i32 to index
        %get3A_225 = arith.index_cast %scan3A_103 : i32 to index
        %get3A_226 = arith.constant 80 : index
        %get3A_227 = tpu.vector_load %arg8[%get3A_224, %get3A_225, %get3A_226] {strides = array<i32>} : memref<1x80x128xf32, #tpu.memory_space<vmem>>, vector<1x1x16xf32>,
        %get3A_228 = vector.shape_cast %get3A_227 : vector<1x1x16xf32> to vector<16xf32>
        %add3A_229 = arith.addf %get3A_222, %get3A_228 : vector<16xf32>
        %max3A_230 = arith.constant 0.000000e+00 : f32
        %max3A_231 = vector.broadcast %max3A_230 : f32 to vector<16xf32>
        %max3A_232 = arith.maximumf %add3A_229, %max3A_231 : vector<16xf32>
        %swap3A_233 = arith.constant 0 : i32
        %swap3A_234 = arith.index_cast %swap3A_233 : i32 to index
        %swap3A_235 = arith.index_cast %scan3A_103 : i32 to index
        %swap3A_236 = arith.constant 80 : index
        %swap3A_237 = tpu.vector_load %arg7[%swap3A_234, %swap3A_235, %swap3A_236] {strides = array<i32>} : memref<1x80x128xf32, #tpu.memory_space<vmem>>, vector<1x1x16xf32>,
        %swap3A_238 = vector.shape_cast %swap3A_237 : vector<1x1x16xf32> to vector<16xf32>
        %swap3A_239 = vector.shape_cast %max3A_232 : vector<16xf32> to vector<1x1x16xf32>
        tpu.vector_store %arg7[%swap3A_234, %swap3A_235, %swap3A_236], %swap3A_239 {strides = array<i32>} : memref<1x80x128xf32, #tpu.memory_space<vmem>>, vector<1x1x16xf32>,
        %get3A_240 = arith.constant 0 : i32
        %get3A_241 = arith.index_cast %get3A_240 : i32 to index
        %get3A_242 = arith.index_cast %scan3A_103 : i32 to index
        %get3A_243 = arith.constant 96 : index
        %get3A_244 = tpu.vector_load %arg7[%get3A_241, %get3A_242, %get3A_243] {strides = array<i32>} : memref<1x80x128xf32, #tpu.memory_space<vmem>>, vector<1x1x16xf32>,
        %get3A_245 = vector.shape_cast %get3A_244 : vector<1x1x16xf32> to vector<16xf32>
        %get3A_246 = arith.constant 0 : i32
        %get3A_247 = arith.index_cast %get3A_246 : i32 to index
        %get3A_248 = arith.index_cast %scan3A_103 : i32 to index
        %get3A_249 = arith.constant 96 : index
        %get3A_250 = tpu.vector_load %arg8[%get3A_247, %get3A_248, %get3A_249] {strides = array<i32>} : memref<1x80x128xf32, #tpu.memory_space<vmem>>, vector<1x1x16xf32>,
        %get3A_251 = vector.shape_cast %get3A_250 : vector<1x1x16xf32> to vector<16xf32>
        %add3A_252 = arith.addf %get3A_245, %get3A_251 : vector<16xf32>
        %max3A_253 = arith.constant 0.000000e+00 : f32
        %max3A_254 = vector.broadcast %max3A_253 : f32 to vector<16xf32>
        %max3A_255 = arith.maximumf %add3A_252, %max3A_254 : vector<16xf32>
        %swap3A_256 = arith.constant 0 : i32
        %swap3A_257 = arith.index_cast %swap3A_256 : i32 to index
        %swap3A_258 = arith.index_cast %scan3A_103 : i32 to index
        %swap3A_259 = arith.constant 96 : index
        %swap3A_260 = tpu.vector_load %arg7[%swap3A_257, %swap3A_258, %swap3A_259] {strides = array<i32>} : memref<1x80x128xf32, #tpu.memory_space<vmem>>, vector<1x1x16xf32>,
        %swap3A_261 = vector.shape_cast %swap3A_260 : vector<1x1x16xf32> to vector<16xf32>
        %swap3A_262 = vector.shape_cast %max3A_255 : vector<16xf32> to vector<1x1x16xf32>
        tpu.vector_store %arg7[%swap3A_257, %swap3A_258, %swap3A_259], %swap3A_262 {strides = array<i32>} : memref<1x80x128xf32, #tpu.memory_space<vmem>>, vector<1x1x16xf32>,
        %get3A_263 = arith.constant 0 : i32
        %get3A_264 = arith.index_cast %get3A_263 : i32 to index
        %get3A_265 = arith.index_cast %scan3A_103 : i32 to index
        %get3A_266 = arith.constant 112 : index
        %get3A_267 = tpu.vector_load %arg7[%get3A_264, %get3A_265, %get3A_266] {strides = array<i32>} : memref<1x80x128xf32, #tpu.memory_space<vmem>>, vector<1x1x16xf32>,
        %get3A_268 = vector.shape_cast %get3A_267 : vector<1x1x16xf32> to vector<16xf32>
        %get3A_269 = arith.constant 0 : i32
        %get3A_270 = arith.index_cast %get3A_269 : i32 to index
        %get3A_271 = arith.index_cast %scan3A_103 : i32 to index
        %get3A_272 = arith.constant 112 : index
        %get3A_273 = tpu.vector_load %arg8[%get3A_270, %get3A_271, %get3A_272] {strides = array<i32>} : memref<1x80x128xf32, #tpu.memory_space<vmem>>, vector<1x1x16xf32>,
        %get3A_274 = vector.shape_cast %get3A_273 : vector<1x1x16xf32> to vector<16xf32>
        %add3A_275 = arith.addf %get3A_268, %get3A_274 : vector<16xf32>
        %max3A_276 = arith.constant 0.000000e+00 : f32
        %max3A_277 = vector.broadcast %max3A_276 : f32 to vector<16xf32>
        %max3A_278 = arith.maximumf %add3A_275, %max3A_277 : vector<16xf32>
        %swap3A_279 = arith.constant 0 : i32
        %swap3A_280 = arith.index_cast %swap3A_279 : i32 to index
        %swap3A_281 = arith.index_cast %scan3A_103 : i32 to index
        %swap3A_282 = arith.constant 112 : index
        %swap3A_283 = tpu.vector_load %arg7[%swap3A_280, %swap3A_281, %swap3A_282] {strides = array<i32>} : memref<1x80x128xf32, #tpu.memory_space<vmem>>, vector<1x1x16xf32>,
        %swap3A_284 = vector.shape_cast %swap3A_283 : vector<1x1x16xf32> to vector<16xf32>
        %swap3A_285 = vector.shape_cast %max3A_278 : vector<16xf32> to vector<1x1x16xf32>
        tpu.vector_store %arg7[%swap3A_280, %swap3A_281, %swap3A_282], %swap3A_285 {strides = array<i32>} : memref<1x80x128xf32, #tpu.memory_space<vmem>>, vector<1x1x16xf32>,
        %scan3A_286 = arith.constant 0 : i32
        scf.yield %scan3A_286 : i32
      }
      %scan3A_98 = arith.constant 80 : i32
      %run_scoped3A_99 = arith.constant 0 : i32
      %run_scoped3A_100 = arith.constant 0 : i32
      %run_scoped3A_101 = arith.constant 1 : i32
      "tpu.region"() ({
        %run_scoped3A_103 = tpu.sem_alloc : memref<!tpu.dma_semaphore, #tpu.memory_space<semaphore_mem>>
        %dma_start3A_104 = arith.constant 0 : i32
        %dma_start3A_105 = arith.constant 0 : i32
        %dma_start3A_106 = tpu.memref_slice %arg7[%run_scoped3A_99, %dma_start3A_104, %dma_start3A_105] : memref<1x80x128xf32, #tpu.memory_space<vmem>> -> memref<1x80x128xf32, #tpu.memory_space<vmem>>
        %dma_start3A_107 = tpu.memref_squeeze %dma_start3A_106 : memref<1x80x128xf32, #tpu.memory_space<vmem>> -> memref<80x128xf32, #tpu.memory_space<vmem>>
        %dma_start3A_108 = arith.constant 0 : i32
        %dma_start3A_109 = tpu.memref_slice %arg6[%run_scoped3A_100, %run_scoped3A_101, %dma_start3A_108] : memref<1x2x80xi32, #tpu.memory_space<vmem>> -> memref<1x1x80xi32, #tpu.memory_space<vmem>>
        %dma_start3A_110 = tpu.memref_squeeze %dma_start3A_109 : memref<1x1x80xi32, #tpu.memory_space<vmem>> -> memref<80xi32, #tpu.memory_space<vmem>>
        %dma_start3A_111 = arith.constant 0 : i32
        %dma_start3A_112 = arith.constant 0 : i32
        %dma_start3A_113 = tpu.memref_slice %arg9[%dma_start3A_111, %dma_start3A_112] : memref<10240x128xf32, #tpu.memory_space<vmem_shared>> -> memref<10240x128xf32, #tpu.memory_space<vmem_shared>>
        tpu.enqueue_indirect_dma source(%dma_start3A_107 : memref<80x128xf32, #tpu.memory_space<vmem>>) target(%dma_start3A_113 : memref<10240x128xf32, #tpu.memory_space<vmem_shared>>) offsets(%dma_start3A_110 : memref<80xi32, #tpu.memory_space<vmem>>) semaphore(%run_scoped3A_103 : memref<!tpu.dma_semaphore, #tpu.memory_space<semaphore_mem>>) {add = true}
        %dma_wait3A_114 = arith.constant 0 : i32
        %dma_wait3A_115 = arith.constant 0 : i32
        %dma_wait3A_116 = tpu.memref_slice %arg7[%run_scoped3A_99, %dma_wait3A_114, %dma_wait3A_115] : memref<1x80x128xf32, #tpu.memory_space<vmem>> -> memref<1x80x128xf32, #tpu.memory_space<vmem>>
        %dma_wait3A_117 = tpu.memref_squeeze %dma_wait3A_116 : memref<1x80x128xf32, #tpu.memory_space<vmem>> -> memref<80x128xf32, #tpu.memory_space<vmem>>
        %dma_wait3A_118 = arith.constant 0 : i32
        %dma_wait3A_119 = tpu.memref_slice %arg6[%run_scoped3A_100, %run_scoped3A_101, %dma_wait3A_118] : memref<1x2x80xi32, #tpu.memory_space<vmem>> -> memref<1x1x80xi32, #tpu.memory_space<vmem>>
        %dma_wait3A_120 = tpu.memref_squeeze %dma_wait3A_119 : memref<1x1x80xi32, #tpu.memory_space<vmem>> -> memref<80xi32, #tpu.memory_space<vmem>>
        %dma_wait3A_121 = arith.constant 0 : i32
        %dma_wait3A_122 = arith.constant 0 : i32
        %dma_wait3A_123 = tpu.memref_slice %arg9[%dma_wait3A_121, %dma_wait3A_122] : memref<10240x128xf32, #tpu.memory_space<vmem_shared>> -> memref<10240x128xf32, #tpu.memory_space<vmem_shared>>
        tpu.wait_indirect_dma semaphore(%run_scoped3A_103 : memref<!tpu.dma_semaphore, #tpu.memory_space<semaphore_mem>>) src(%dma_wait3A_117 : memref<80x128xf32, #tpu.memory_space<vmem>>) dst(%dma_wait3A_123 : memref<10240x128xf32, #tpu.memory_space<vmem_shared>>)
        tpu.yield
      }) : () -> ()
      %scan3A_102 = arith.constant 0 : i32
      scf.yield %scan3A_102 : i32
    }
    %scan3A_53 = arith.constant 125 : i32
    %barrier3A_54 = arith.constant 0 : index
    tpu.barrier barrier_id(%barrier3A_54)
    %mul3A_55 = arith.constant 640 : i32
    %mul3A_56 = arith.muli %arg1, %mul3A_55 : i32
    %mul3A_57 = arith.constant 640 : i32
    %mul3A_58 = arith.muli %arg1, %mul3A_57 : i32
    "tpu.region"() ({
      %run_scoped3A_59 = tpu.sem_alloc : memref<!tpu.dma_semaphore, #tpu.memory_space<semaphore_mem>>
      %dma_start3A = arith.constant 0 : i32
      %dma_start3A_60 = tpu.memref_slice %arg5[%arg0, %mul3A_58, %dma_start3A] : memref<2x10240x128xf32, #tpu.memory_space<hbm>> -> memref<1x640x128xf32, #tpu.memory_space<hbm>>
      %dma_start3A_61 = tpu.memref_squeeze %dma_start3A_60 : memref<1x640x128xf32, #tpu.memory_space<hbm>> -> memref<640x128xf32, #tpu.memory_space<hbm>>
      %dma_start3A_62 = arith.constant 0 : i32
      %dma_start3A_63 = tpu.memref_slice %arg9[%mul3A_56, %dma_start3A_62] : memref<10240x128xf32, #tpu.memory_space<vmem_shared>> -> memref<640x128xf32, #tpu.memory_space<vmem_shared>>
      tpu.enqueue_dma source(%dma_start3A_63 : memref<640x128xf32, #tpu.memory_space<vmem_shared>>) target(%dma_start3A_61 : memref<640x128xf32, #tpu.memory_space<hbm>>) target_semaphore(%run_scoped3A_59 : memref<!tpu.dma_semaphore, #tpu.memory_space<semaphore_mem>>)
      %dma_wait3A = arith.constant 0 : i32
      %dma_wait3A_64 = tpu.memref_slice %arg5[%arg0, %mul3A_58, %dma_wait3A] : memref<2x10240x128xf32, #tpu.memory_space<hbm>> -> memref<1x640x128xf32, #tpu.memory_space<hbm>>
      %dma_wait3A_65 = tpu.memref_squeeze %dma_wait3A_64 : memref<1x640x128xf32, #tpu.memory_space<hbm>> -> memref<640x128xf32, #tpu.memory_space<hbm>>
      %dma_wait3A_66 = arith.constant 0 : i32
      %dma_wait3A_67 = tpu.memref_slice %arg9[%mul3A_56, %dma_wait3A_66] : memref<10240x128xf32, #tpu.memory_space<vmem_shared>> -> memref<640x128xf32, #tpu.memory_space<vmem_shared>>
      tpu.wait_dma2 semaphore(%run_scoped3A_59 : memref<!tpu.dma_semaphore, #tpu.memory_space<semaphore_mem>>) src(%dma_wait3A_67 : memref<640x128xf32, #tpu.memory_space<vmem_shared>>) dst(%dma_wait3A_65 : memref<640x128xf32, #tpu.memory_space<hbm>>)
      tpu.yield
    }) : () -> ()
    return
  }
}

module attributes {stable_mosaic.version = 14 : i64} {
  func.func @body(%arg0: i32, %arg1: memref<2000x16xf32, #tpu.memory_space<vmem>>, %arg2: memref<16x128xf32, #tpu.memory_space<vmem>>, %arg3: memref<128xf32, #tpu.memory_space<vmem>>, %arg4: memref<2000x128xf32, #tpu.memory_space<vmem>>) attributes {dimension_semantics = [#tpu.dimension_semantics<arbitrary>], iteration_bounds = array<i64: 160>, scalar_prefetch = 0 : i64, scratch_operands = 0 : i64, tpu.core_type = #tpu.core_type<tc>, window_params = [{transform_indices = @transform_0, window_bounds = array<i64: 2000, 16>}, {pipeline_mode = #tpu.pipeline_mode<synchronous>, transform_indices = @transform_1, window_bounds = array<i64: 16, 128>}, {pipeline_mode = #tpu.pipeline_mode<synchronous>, transform_indices = @transform_2, window_bounds = array<i64: 128>}, {transform_indices = @transform_3, window_bounds = array<i64: 2000, 128>}]} {
    %get3A = arith.constant 0 : index
    %get3A_0 = arith.constant 0 : index
    %get3A_1 = vector.load %arg1[%get3A, %get3A_0] : memref<2000x16xf32, #tpu.memory_space<vmem>>, vector<2000x16xf32>
    %get3A_2 = arith.constant 0 : index
    %get3A_3 = arith.constant 0 : index
    %get3A_4 = vector.load %arg2[%get3A_2, %get3A_3] : memref<16x128xf32, #tpu.memory_space<vmem>>, vector<16x128xf32>
    %dot_general3A = arith.constant dense<0.000000e+00> : vector<2000x128xf32>
    %dot_general3A_5 = tpu.matmul %get3A_1, %get3A_4, %dot_general3A {dimension_numbers = #tpu.dot_dimension_numbers<[1], [0], [0], [1], [0, 0, 1, 1], [], []>, transpose_lhs_hint = false} : vector<2000x16xf32>, vector<16x128xf32>, vector<2000x128xf32> -> vector<2000x128xf32>
    %get3A_6 = arith.constant 0 : index
    %get3A_7 = vector.load %arg3[%get3A_6] : memref<128xf32, #tpu.memory_space<vmem>>, vector<128xf32>
    %broadcast_in_dim3A = vector.shape_cast %get3A_7 : vector<128xf32> to vector<1x128xf32>
    %add3A = vector.broadcast %broadcast_in_dim3A : vector<1x128xf32> to vector<2000x128xf32>
    %add3A_8 = arith.addf %dot_general3A_5, %add3A : vector<2000x128xf32>
    %swap3A = arith.constant 0 : index
    %swap3A_9 = arith.constant 0 : index
    %swap3A_10 = vector.load %arg4[%swap3A, %swap3A_9] : memref<2000x128xf32, #tpu.memory_space<vmem>>, vector<2000x128xf32>
    tpu.vector_store %arg4[%swap3A, %swap3A_9], %add3A_8 {strides = array<i32>} : memref<2000x128xf32, #tpu.memory_space<vmem>>, vector<2000x128xf32>,
    return
  }
  func.func @transform_0(%arg0: i32) -> (i32, i32) {
    %c0_i32 = arith.constant 0 : i32
    %c0_i32_0 = arith.constant 0 : i32
    return %arg0, %c0_i32 : i32, i32
  }
  func.func @transform_1(%arg0: i32) -> (i32, i32) {
    %c0_i32 = arith.constant 0 : i32
    %c0_i32_0 = arith.constant 0 : i32
    %c0_i32_1 = arith.constant 0 : i32
    return %c0_i32, %c0_i32_0 : i32, i32
  }
  func.func @transform_2(%arg0: i32) -> i32 {
    %c0_i32 = arith.constant 0 : i32
    %c0_i32_0 = arith.constant 0 : i32
    return %c0_i32 : i32
  }
  func.func @transform_3(%arg0: i32) -> (i32, i32) {
    %c0_i32 = arith.constant 0 : i32
    %c0_i32_0 = arith.constant 0 : i32
    return %arg0, %c0_i32 : i32, i32
  }
}

module attributes {stable_mosaic.version = 14 : i64} {
  func.func @body(%arg0: i32, %arg1: memref<1000x128xf32, #tpu.memory_space<vmem>>, %arg2: memref<2x1000x128xf32, #tpu.memory_space<vmem>>, %arg3: memref<1000x128xf32, #tpu.memory_space<vmem>>, %arg4: memref<128x128xf32, #tpu.memory_space<vmem>>, %arg5: memref<128xf32, #tpu.memory_space<vmem>>, %arg6: memref<128x128xf32, #tpu.memory_space<vmem>>, %arg7: memref<128xf32, #tpu.memory_space<vmem>>, %arg8: memref<1000x128xf32, #tpu.memory_space<vmem>>, %arg9: memref<1000x128xf32, #tpu.memory_space<vmem>>, %arg10: memref<1000x128xf32, #tpu.memory_space<vmem>>) attributes {dimension_semantics = [#tpu.dimension_semantics<arbitrary>], iteration_bounds = array<i64: 10>, scalar_prefetch = 0 : i64, scratch_operands = 0 : i64, tpu.core_type = #tpu.core_type<tc>, window_params = [{transform_indices = @transform_0, window_bounds = array<i64: 1000, 128>}, {transform_indices = @transform_1, window_bounds = array<i64: 2, 1000, 128>}, {transform_indices = @transform_2, window_bounds = array<i64: 1000, 128>}, {pipeline_mode = #tpu.pipeline_mode<synchronous>, transform_indices = @transform_3, window_bounds = array<i64: 128, 128>}, {pipeline_mode = #tpu.pipeline_mode<synchronous>, transform_indices = @transform_4, window_bounds = array<i64: 128>}, {pipeline_mode = #tpu.pipeline_mode<synchronous>, transform_indices = @transform_5, window_bounds = array<i64: 128, 128>}, {pipeline_mode = #tpu.pipeline_mode<synchronous>, transform_indices = @transform_6, window_bounds = array<i64: 128>}, {transform_indices = @transform_7, window_bounds = array<i64: 1000, 128>}, {transform_indices = @transform_8, window_bounds = array<i64: 1000, 128>}, {transform_indices = @transform_9, window_bounds = array<i64: 1000, 128>}]} {
    %get3A = arith.constant 0 : index
    %get3A_0 = arith.constant 0 : index
    %get3A_1 = vector.load %arg1[%get3A, %get3A_0] : memref<1000x128xf32, #tpu.memory_space<vmem>>, vector<1000x128xf32>
    %get3A_2 = arith.constant 0 : index
    %get3A_3 = arith.constant 0 : index
    %get3A_4 = arith.constant 0 : index
    %get3A_5 = vector.load %arg2[%get3A_2, %get3A_3, %get3A_4] : memref<2x1000x128xf32, #tpu.memory_space<vmem>>, vector<1x1000x128xf32>
    %get3A_6 = vector.shape_cast %get3A_5 : vector<1x1000x128xf32> to vector<1000x128xf32>
    %add3A = arith.addf %get3A_1, %get3A_6 : vector<1000x128xf32>
    %get3A_7 = arith.constant 1 : index
    %get3A_8 = arith.constant 0 : index
    %get3A_9 = arith.constant 0 : index
    %get3A_10 = vector.load %arg2[%get3A_7, %get3A_8, %get3A_9] : memref<2x1000x128xf32, #tpu.memory_space<vmem>>, vector<1x1000x128xf32>
    %get3A_11 = vector.shape_cast %get3A_10 : vector<1x1000x128xf32> to vector<1000x128xf32>
    %add3A_12 = arith.addf %add3A, %get3A_11 : vector<1000x128xf32>
    %get3A_13 = arith.constant 0 : index
    %get3A_14 = arith.constant 0 : index
    %get3A_15 = vector.load %arg4[%get3A_13, %get3A_14] : memref<128x128xf32, #tpu.memory_space<vmem>>, vector<128x128xf32>
    %dot_general3A = arith.constant dense<0.000000e+00> : vector<1000x128xf32>
    %dot_general3A_16 = tpu.matmul %add3A_12, %get3A_15, %dot_general3A {dimension_numbers = #tpu.dot_dimension_numbers<[1], [0], [0], [1], [0, 0, 1, 1], [], []>, transpose_lhs_hint = false} : vector<1000x128xf32>, vector<128x128xf32>, vector<1000x128xf32> -> vector<1000x128xf32>
    %get3A_17 = arith.constant 0 : index
    %get3A_18 = vector.load %arg5[%get3A_17] : memref<128xf32, #tpu.memory_space<vmem>>, vector<128xf32>
    %broadcast_in_dim3A = vector.shape_cast %get3A_18 : vector<128xf32> to vector<1x128xf32>
    %add3A_19 = vector.broadcast %broadcast_in_dim3A : vector<1x128xf32> to vector<1000x128xf32>
    %add3A_20 = arith.addf %dot_general3A_16, %add3A_19 : vector<1000x128xf32>
    %max3A = arith.constant 0.000000e+00 : f32
    %max3A_21 = vector.broadcast %max3A : f32 to vector<1000x128xf32>
    %max3A_22 = arith.maximumf %add3A_20, %max3A_21 : vector<1000x128xf32>
    %get3A_23 = arith.constant 0 : index
    %get3A_24 = arith.constant 0 : index
    %get3A_25 = vector.load %arg6[%get3A_23, %get3A_24] : memref<128x128xf32, #tpu.memory_space<vmem>>, vector<128x128xf32>
    %dot_general3A_26 = arith.constant dense<0.000000e+00> : vector<1000x128xf32>
    %dot_general3A_27 = tpu.matmul %max3A_22, %get3A_25, %dot_general3A_26 {dimension_numbers = #tpu.dot_dimension_numbers<[1], [0], [0], [1], [0, 0, 1, 1], [], []>, transpose_lhs_hint = false} : vector<1000x128xf32>, vector<128x128xf32>, vector<1000x128xf32> -> vector<1000x128xf32>
    %get3A_28 = arith.constant 0 : index
    %get3A_29 = vector.load %arg7[%get3A_28] : memref<128xf32, #tpu.memory_space<vmem>>, vector<128xf32>
    %broadcast_in_dim3A_30 = vector.shape_cast %get3A_29 : vector<128xf32> to vector<1x128xf32>
    %add3A_31 = vector.broadcast %broadcast_in_dim3A_30 : vector<1x128xf32> to vector<1000x128xf32>
    %add3A_32 = arith.addf %dot_general3A_27, %add3A_31 : vector<1000x128xf32>
    %swap3A = arith.constant 0 : index
    %swap3A_33 = arith.constant 0 : index
    %swap3A_34 = vector.load %arg8[%swap3A, %swap3A_33] : memref<1000x128xf32, #tpu.memory_space<vmem>>, vector<1000x128xf32>
    tpu.vector_store %arg8[%swap3A, %swap3A_33], %add3A_32 {strides = array<i32>} : memref<1000x128xf32, #tpu.memory_space<vmem>>, vector<1000x128xf32>,
    %get3A_35 = arith.constant 0 : index
    %get3A_36 = arith.constant 0 : index
    %get3A_37 = vector.load %arg1[%get3A_35, %get3A_36] : memref<1000x128xf32, #tpu.memory_space<vmem>>, vector<1000x128xf32>
    %swap3A_38 = arith.constant 0 : index
    %swap3A_39 = arith.constant 0 : index
    %swap3A_40 = vector.load %arg9[%swap3A_38, %swap3A_39] : memref<1000x128xf32, #tpu.memory_space<vmem>>, vector<1000x128xf32>
    tpu.vector_store %arg9[%swap3A_38, %swap3A_39], %get3A_37 {strides = array<i32>} : memref<1000x128xf32, #tpu.memory_space<vmem>>, vector<1000x128xf32>,
    %get3A_41 = arith.constant 0 : index
    %get3A_42 = arith.constant 0 : index
    %get3A_43 = vector.load %arg3[%get3A_41, %get3A_42] : memref<1000x128xf32, #tpu.memory_space<vmem>>, vector<1000x128xf32>
    %swap3A_44 = arith.constant 0 : index
    %swap3A_45 = arith.constant 0 : index
    %swap3A_46 = vector.load %arg10[%swap3A_44, %swap3A_45] : memref<1000x128xf32, #tpu.memory_space<vmem>>, vector<1000x128xf32>
    tpu.vector_store %arg10[%swap3A_44, %swap3A_45], %get3A_43 {strides = array<i32>} : memref<1000x128xf32, #tpu.memory_space<vmem>>, vector<1000x128xf32>,
    return
  }
  func.func @transform_0(%arg0: i32) -> (i32, i32) {
    %c0_i32 = arith.constant 0 : i32
    %c0_i32_0 = arith.constant 0 : i32
    return %arg0, %c0_i32 : i32, i32
  }
  func.func @transform_1(%arg0: i32) -> (i32, i32, i32) {
    %c0_i32 = arith.constant 0 : i32
    %c0_i32_0 = arith.constant 0 : i32
    %c0_i32_1 = arith.constant 0 : i32
    return %c0_i32, %arg0, %c0_i32_0 : i32, i32, i32
  }
  func.func @transform_2(%arg0: i32) -> (i32, i32) {
    %c0_i32 = arith.constant 0 : i32
    %c0_i32_0 = arith.constant 0 : i32
    return %arg0, %c0_i32 : i32, i32
  }
  func.func @transform_3(%arg0: i32) -> (i32, i32) {
    %c0_i32 = arith.constant 0 : i32
    %c0_i32_0 = arith.constant 0 : i32
    %c0_i32_1 = arith.constant 0 : i32
    return %c0_i32, %c0_i32_0 : i32, i32
  }
  func.func @transform_4(%arg0: i32) -> i32 {
    %c0_i32 = arith.constant 0 : i32
    %c0_i32_0 = arith.constant 0 : i32
    return %c0_i32 : i32
  }
  func.func @transform_5(%arg0: i32) -> (i32, i32) {
    %c0_i32 = arith.constant 0 : i32
    %c0_i32_0 = arith.constant 0 : i32
    %c0_i32_1 = arith.constant 0 : i32
    return %c0_i32, %c0_i32_0 : i32, i32
  }
  func.func @transform_6(%arg0: i32) -> i32 {
    %c0_i32 = arith.constant 0 : i32
    %c0_i32_0 = arith.constant 0 : i32
    return %c0_i32 : i32
  }
  func.func @transform_7(%arg0: i32) -> (i32, i32) {
    %c0_i32 = arith.constant 0 : i32
    %c0_i32_0 = arith.constant 0 : i32
    return %arg0, %c0_i32 : i32, i32
  }
  func.func @transform_8(%arg0: i32) -> (i32, i32) {
    %c0_i32 = arith.constant 0 : i32
    %c0_i32_0 = arith.constant 0 : i32
    return %arg0, %c0_i32 : i32, i32
  }
  func.func @transform_9(%arg0: i32) -> (i32, i32) {
    %c0_i32 = arith.constant 0 : i32
    %c0_i32_0 = arith.constant 0 : i32
    return %arg0, %c0_i32 : i32, i32
  }
}

module attributes {stable_mosaic.version = 14 : i64} {
  func.func @body(%arg0: i32, %arg1: memref<1000x128xf32, #tpu.memory_space<vmem>>, %arg2: memref<2x1000x128xf32, #tpu.memory_space<vmem>>, %arg3: memref<1000x128xf32, #tpu.memory_space<vmem>>, %arg4: memref<128x128xf32, #tpu.memory_space<vmem>>, %arg5: memref<128xf32, #tpu.memory_space<vmem>>, %arg6: memref<128x128xf32, #tpu.memory_space<vmem>>, %arg7: memref<128xf32, #tpu.memory_space<vmem>>, %arg8: memref<1000x128xf32, #tpu.memory_space<vmem>>, %arg9: memref<1000x128xf32, #tpu.memory_space<vmem>>, %arg10: memref<1000x128xf32, #tpu.memory_space<vmem>>) attributes {dimension_semantics = [#tpu.dimension_semantics<arbitrary>], iteration_bounds = array<i64: 10>, scalar_prefetch = 0 : i64, scratch_operands = 0 : i64, tpu.core_type = #tpu.core_type<tc>, window_params = [{transform_indices = @transform_0, window_bounds = array<i64: 1000, 128>}, {transform_indices = @transform_1, window_bounds = array<i64: 2, 1000, 128>}, {transform_indices = @transform_2, window_bounds = array<i64: 1000, 128>}, {pipeline_mode = #tpu.pipeline_mode<synchronous>, transform_indices = @transform_3, window_bounds = array<i64: 128, 128>}, {pipeline_mode = #tpu.pipeline_mode<synchronous>, transform_indices = @transform_4, window_bounds = array<i64: 128>}, {pipeline_mode = #tpu.pipeline_mode<synchronous>, transform_indices = @transform_5, window_bounds = array<i64: 128, 128>}, {pipeline_mode = #tpu.pipeline_mode<synchronous>, transform_indices = @transform_6, window_bounds = array<i64: 128>}, {transform_indices = @transform_7, window_bounds = array<i64: 1000, 128>}, {transform_indices = @transform_8, window_bounds = array<i64: 1000, 128>}, {transform_indices = @transform_9, window_bounds = array<i64: 1000, 128>}]} {
    %get3A = arith.constant 0 : index
    %get3A_0 = arith.constant 0 : index
    %get3A_1 = vector.load %arg1[%get3A, %get3A_0] : memref<1000x128xf32, #tpu.memory_space<vmem>>, vector<1000x128xf32>
    %get3A_2 = arith.constant 0 : index
    %get3A_3 = arith.constant 0 : index
    %get3A_4 = arith.constant 0 : index
    %get3A_5 = vector.load %arg2[%get3A_2, %get3A_3, %get3A_4] : memref<2x1000x128xf32, #tpu.memory_space<vmem>>, vector<1x1000x128xf32>
    %get3A_6 = vector.shape_cast %get3A_5 : vector<1x1000x128xf32> to vector<1000x128xf32>
    %add3A = arith.addf %get3A_1, %get3A_6 : vector<1000x128xf32>
    %get3A_7 = arith.constant 1 : index
    %get3A_8 = arith.constant 0 : index
    %get3A_9 = arith.constant 0 : index
    %get3A_10 = vector.load %arg2[%get3A_7, %get3A_8, %get3A_9] : memref<2x1000x128xf32, #tpu.memory_space<vmem>>, vector<1x1000x128xf32>
    %get3A_11 = vector.shape_cast %get3A_10 : vector<1x1000x128xf32> to vector<1000x128xf32>
    %add3A_12 = arith.addf %add3A, %get3A_11 : vector<1000x128xf32>
    %get3A_13 = arith.constant 0 : index
    %get3A_14 = arith.constant 0 : index
    %get3A_15 = vector.load %arg4[%get3A_13, %get3A_14] : memref<128x128xf32, #tpu.memory_space<vmem>>, vector<128x128xf32>
    %dot_general3A = arith.constant dense<0.000000e+00> : vector<1000x128xf32>
    %dot_general3A_16 = tpu.matmul %add3A_12, %get3A_15, %dot_general3A {dimension_numbers = #tpu.dot_dimension_numbers<[1], [0], [0], [1], [0, 0, 1, 1], [], []>, transpose_lhs_hint = false} : vector<1000x128xf32>, vector<128x128xf32>, vector<1000x128xf32> -> vector<1000x128xf32>
    %get3A_17 = arith.constant 0 : index
    %get3A_18 = vector.load %arg5[%get3A_17] : memref<128xf32, #tpu.memory_space<vmem>>, vector<128xf32>
    %broadcast_in_dim3A = vector.shape_cast %get3A_18 : vector<128xf32> to vector<1x128xf32>
    %add3A_19 = vector.broadcast %broadcast_in_dim3A : vector<1x128xf32> to vector<1000x128xf32>
    %add3A_20 = arith.addf %dot_general3A_16, %add3A_19 : vector<1000x128xf32>
    %max3A = arith.constant 0.000000e+00 : f32
    %max3A_21 = vector.broadcast %max3A : f32 to vector<1000x128xf32>
    %max3A_22 = arith.maximumf %add3A_20, %max3A_21 : vector<1000x128xf32>
    %get3A_23 = arith.constant 0 : index
    %get3A_24 = arith.constant 0 : index
    %get3A_25 = vector.load %arg6[%get3A_23, %get3A_24] : memref<128x128xf32, #tpu.memory_space<vmem>>, vector<128x128xf32>
    %dot_general3A_26 = arith.constant dense<0.000000e+00> : vector<1000x128xf32>
    %dot_general3A_27 = tpu.matmul %max3A_22, %get3A_25, %dot_general3A_26 {dimension_numbers = #tpu.dot_dimension_numbers<[1], [0], [0], [1], [0, 0, 1, 1], [], []>, transpose_lhs_hint = false} : vector<1000x128xf32>, vector<128x128xf32>, vector<1000x128xf32> -> vector<1000x128xf32>
    %get3A_28 = arith.constant 0 : index
    %get3A_29 = vector.load %arg7[%get3A_28] : memref<128xf32, #tpu.memory_space<vmem>>, vector<128xf32>
    %broadcast_in_dim3A_30 = vector.shape_cast %get3A_29 : vector<128xf32> to vector<1x128xf32>
    %add3A_31 = vector.broadcast %broadcast_in_dim3A_30 : vector<1x128xf32> to vector<1000x128xf32>
    %add3A_32 = arith.addf %dot_general3A_27, %add3A_31 : vector<1000x128xf32>
    %swap3A = arith.constant 0 : index
    %swap3A_33 = arith.constant 0 : index
    %swap3A_34 = vector.load %arg8[%swap3A, %swap3A_33] : memref<1000x128xf32, #tpu.memory_space<vmem>>, vector<1000x128xf32>
    tpu.vector_store %arg8[%swap3A, %swap3A_33], %add3A_32 {strides = array<i32>} : memref<1000x128xf32, #tpu.memory_space<vmem>>, vector<1000x128xf32>,
    %get3A_35 = arith.constant 0 : index
    %get3A_36 = arith.constant 0 : index
    %get3A_37 = vector.load %arg1[%get3A_35, %get3A_36] : memref<1000x128xf32, #tpu.memory_space<vmem>>, vector<1000x128xf32>
    %swap3A_38 = arith.constant 0 : index
    %swap3A_39 = arith.constant 0 : index
    %swap3A_40 = vector.load %arg9[%swap3A_38, %swap3A_39] : memref<1000x128xf32, #tpu.memory_space<vmem>>, vector<1000x128xf32>
    tpu.vector_store %arg9[%swap3A_38, %swap3A_39], %get3A_37 {strides = array<i32>} : memref<1000x128xf32, #tpu.memory_space<vmem>>, vector<1000x128xf32>,
    %get3A_41 = arith.constant 0 : index
    %get3A_42 = arith.constant 0 : index
    %get3A_43 = vector.load %arg3[%get3A_41, %get3A_42] : memref<1000x128xf32, #tpu.memory_space<vmem>>, vector<1000x128xf32>
    %swap3A_44 = arith.constant 0 : index
    %swap3A_45 = arith.constant 0 : index
    %swap3A_46 = vector.load %arg10[%swap3A_44, %swap3A_45] : memref<1000x128xf32, #tpu.memory_space<vmem>>, vector<1000x128xf32>
    tpu.vector_store %arg10[%swap3A_44, %swap3A_45], %get3A_43 {strides = array<i32>} : memref<1000x128xf32, #tpu.memory_space<vmem>>, vector<1000x128xf32>,
    return
  }
  func.func @transform_0(%arg0: i32) -> (i32, i32) {
    %c0_i32 = arith.constant 0 : i32
    %c0_i32_0 = arith.constant 0 : i32
    return %arg0, %c0_i32 : i32, i32
  }
  func.func @transform_1(%arg0: i32) -> (i32, i32, i32) {
    %c0_i32 = arith.constant 0 : i32
    %c0_i32_0 = arith.constant 0 : i32
    %c0_i32_1 = arith.constant 0 : i32
    return %c0_i32, %arg0, %c0_i32_0 : i32, i32, i32
  }
  func.func @transform_2(%arg0: i32) -> (i32, i32) {
    %c0_i32 = arith.constant 0 : i32
    %c0_i32_0 = arith.constant 0 : i32
    return %arg0, %c0_i32 : i32, i32
  }
  func.func @transform_3(%arg0: i32) -> (i32, i32) {
    %c0_i32 = arith.constant 0 : i32
    %c0_i32_0 = arith.constant 0 : i32
    %c0_i32_1 = arith.constant 0 : i32
    return %c0_i32, %c0_i32_0 : i32, i32
  }
  func.func @transform_4(%arg0: i32) -> i32 {
    %c0_i32 = arith.constant 0 : i32
    %c0_i32_0 = arith.constant 0 : i32
    return %c0_i32 : i32
  }
  func.func @transform_5(%arg0: i32) -> (i32, i32) {
    %c0_i32 = arith.constant 0 : i32
    %c0_i32_0 = arith.constant 0 : i32
    %c0_i32_1 = arith.constant 0 : i32
    return %c0_i32, %c0_i32_0 : i32, i32
  }
  func.func @transform_6(%arg0: i32) -> i32 {
    %c0_i32 = arith.constant 0 : i32
    %c0_i32_0 = arith.constant 0 : i32
    return %c0_i32 : i32
  }
  func.func @transform_7(%arg0: i32) -> (i32, i32) {
    %c0_i32 = arith.constant 0 : i32
    %c0_i32_0 = arith.constant 0 : i32
    return %arg0, %c0_i32 : i32, i32
  }
  func.func @transform_8(%arg0: i32) -> (i32, i32) {
    %c0_i32 = arith.constant 0 : i32
    %c0_i32_0 = arith.constant 0 : i32
    return %arg0, %c0_i32 : i32, i32
  }
  func.func @transform_9(%arg0: i32) -> (i32, i32) {
    %c0_i32 = arith.constant 0 : i32
    %c0_i32_0 = arith.constant 0 : i32
    return %arg0, %c0_i32 : i32, i32
  }
}

module attributes {stable_mosaic.version = 14 : i64} {
  func.func @body(%arg0: i32, %arg1: memref<1000x128xf32, #tpu.memory_space<vmem>>, %arg2: memref<2x1000x128xf32, #tpu.memory_space<vmem>>, %arg3: memref<1000x128xf32, #tpu.memory_space<vmem>>, %arg4: memref<128x128xf32, #tpu.memory_space<vmem>>, %arg5: memref<128xf32, #tpu.memory_space<vmem>>, %arg6: memref<128x128xf32, #tpu.memory_space<vmem>>, %arg7: memref<128xf32, #tpu.memory_space<vmem>>, %arg8: memref<1000x128xf32, #tpu.memory_space<vmem>>, %arg9: memref<1000x128xf32, #tpu.memory_space<vmem>>, %arg10: memref<1000x128xf32, #tpu.memory_space<vmem>>) attributes {dimension_semantics = [#tpu.dimension_semantics<arbitrary>], iteration_bounds = array<i64: 10>, scalar_prefetch = 0 : i64, scratch_operands = 0 : i64, tpu.core_type = #tpu.core_type<tc>, window_params = [{transform_indices = @transform_0, window_bounds = array<i64: 1000, 128>}, {transform_indices = @transform_1, window_bounds = array<i64: 2, 1000, 128>}, {transform_indices = @transform_2, window_bounds = array<i64: 1000, 128>}, {pipeline_mode = #tpu.pipeline_mode<synchronous>, transform_indices = @transform_3, window_bounds = array<i64: 128, 128>}, {pipeline_mode = #tpu.pipeline_mode<synchronous>, transform_indices = @transform_4, window_bounds = array<i64: 128>}, {pipeline_mode = #tpu.pipeline_mode<synchronous>, transform_indices = @transform_5, window_bounds = array<i64: 128, 128>}, {pipeline_mode = #tpu.pipeline_mode<synchronous>, transform_indices = @transform_6, window_bounds = array<i64: 128>}, {transform_indices = @transform_7, window_bounds = array<i64: 1000, 128>}, {transform_indices = @transform_8, window_bounds = array<i64: 1000, 128>}, {transform_indices = @transform_9, window_bounds = array<i64: 1000, 128>}]} {
    %get3A = arith.constant 0 : index
    %get3A_0 = arith.constant 0 : index
    %get3A_1 = vector.load %arg1[%get3A, %get3A_0] : memref<1000x128xf32, #tpu.memory_space<vmem>>, vector<1000x128xf32>
    %get3A_2 = arith.constant 0 : index
    %get3A_3 = arith.constant 0 : index
    %get3A_4 = arith.constant 0 : index
    %get3A_5 = vector.load %arg2[%get3A_2, %get3A_3, %get3A_4] : memref<2x1000x128xf32, #tpu.memory_space<vmem>>, vector<1x1000x128xf32>
    %get3A_6 = vector.shape_cast %get3A_5 : vector<1x1000x128xf32> to vector<1000x128xf32>
    %add3A = arith.addf %get3A_1, %get3A_6 : vector<1000x128xf32>
    %get3A_7 = arith.constant 1 : index
    %get3A_8 = arith.constant 0 : index
    %get3A_9 = arith.constant 0 : index
    %get3A_10 = vector.load %arg2[%get3A_7, %get3A_8, %get3A_9] : memref<2x1000x128xf32, #tpu.memory_space<vmem>>, vector<1x1000x128xf32>
    %get3A_11 = vector.shape_cast %get3A_10 : vector<1x1000x128xf32> to vector<1000x128xf32>
    %add3A_12 = arith.addf %add3A, %get3A_11 : vector<1000x128xf32>
    %get3A_13 = arith.constant 0 : index
    %get3A_14 = arith.constant 0 : index
    %get3A_15 = vector.load %arg4[%get3A_13, %get3A_14] : memref<128x128xf32, #tpu.memory_space<vmem>>, vector<128x128xf32>
    %dot_general3A = arith.constant dense<0.000000e+00> : vector<1000x128xf32>
    %dot_general3A_16 = tpu.matmul %add3A_12, %get3A_15, %dot_general3A {dimension_numbers = #tpu.dot_dimension_numbers<[1], [0], [0], [1], [0, 0, 1, 1], [], []>, transpose_lhs_hint = false} : vector<1000x128xf32>, vector<128x128xf32>, vector<1000x128xf32> -> vector<1000x128xf32>
    %get3A_17 = arith.constant 0 : index
    %get3A_18 = vector.load %arg5[%get3A_17] : memref<128xf32, #tpu.memory_space<vmem>>, vector<128xf32>
    %broadcast_in_dim3A = vector.shape_cast %get3A_18 : vector<128xf32> to vector<1x128xf32>
    %add3A_19 = vector.broadcast %broadcast_in_dim3A : vector<1x128xf32> to vector<1000x128xf32>
    %add3A_20 = arith.addf %dot_general3A_16, %add3A_19 : vector<1000x128xf32>
    %max3A = arith.constant 0.000000e+00 : f32
    %max3A_21 = vector.broadcast %max3A : f32 to vector<1000x128xf32>
    %max3A_22 = arith.maximumf %add3A_20, %max3A_21 : vector<1000x128xf32>
    %get3A_23 = arith.constant 0 : index
    %get3A_24 = arith.constant 0 : index
    %get3A_25 = vector.load %arg6[%get3A_23, %get3A_24] : memref<128x128xf32, #tpu.memory_space<vmem>>, vector<128x128xf32>
    %dot_general3A_26 = arith.constant dense<0.000000e+00> : vector<1000x128xf32>
    %dot_general3A_27 = tpu.matmul %max3A_22, %get3A_25, %dot_general3A_26 {dimension_numbers = #tpu.dot_dimension_numbers<[1], [0], [0], [1], [0, 0, 1, 1], [], []>, transpose_lhs_hint = false} : vector<1000x128xf32>, vector<128x128xf32>, vector<1000x128xf32> -> vector<1000x128xf32>
    %get3A_28 = arith.constant 0 : index
    %get3A_29 = vector.load %arg7[%get3A_28] : memref<128xf32, #tpu.memory_space<vmem>>, vector<128xf32>
    %broadcast_in_dim3A_30 = vector.shape_cast %get3A_29 : vector<128xf32> to vector<1x128xf32>
    %add3A_31 = vector.broadcast %broadcast_in_dim3A_30 : vector<1x128xf32> to vector<1000x128xf32>
    %add3A_32 = arith.addf %dot_general3A_27, %add3A_31 : vector<1000x128xf32>
    %swap3A = arith.constant 0 : index
    %swap3A_33 = arith.constant 0 : index
    %swap3A_34 = vector.load %arg8[%swap3A, %swap3A_33] : memref<1000x128xf32, #tpu.memory_space<vmem>>, vector<1000x128xf32>
    tpu.vector_store %arg8[%swap3A, %swap3A_33], %add3A_32 {strides = array<i32>} : memref<1000x128xf32, #tpu.memory_space<vmem>>, vector<1000x128xf32>,
    %get3A_35 = arith.constant 0 : index
    %get3A_36 = arith.constant 0 : index
    %get3A_37 = vector.load %arg1[%get3A_35, %get3A_36] : memref<1000x128xf32, #tpu.memory_space<vmem>>, vector<1000x128xf32>
    %swap3A_38 = arith.constant 0 : index
    %swap3A_39 = arith.constant 0 : index
    %swap3A_40 = vector.load %arg9[%swap3A_38, %swap3A_39] : memref<1000x128xf32, #tpu.memory_space<vmem>>, vector<1000x128xf32>
    tpu.vector_store %arg9[%swap3A_38, %swap3A_39], %get3A_37 {strides = array<i32>} : memref<1000x128xf32, #tpu.memory_space<vmem>>, vector<1000x128xf32>,
    %get3A_41 = arith.constant 0 : index
    %get3A_42 = arith.constant 0 : index
    %get3A_43 = vector.load %arg3[%get3A_41, %get3A_42] : memref<1000x128xf32, #tpu.memory_space<vmem>>, vector<1000x128xf32>
    %swap3A_44 = arith.constant 0 : index
    %swap3A_45 = arith.constant 0 : index
    %swap3A_46 = vector.load %arg10[%swap3A_44, %swap3A_45] : memref<1000x128xf32, #tpu.memory_space<vmem>>, vector<1000x128xf32>
    tpu.vector_store %arg10[%swap3A_44, %swap3A_45], %get3A_43 {strides = array<i32>} : memref<1000x128xf32, #tpu.memory_space<vmem>>, vector<1000x128xf32>,
    return
  }
  func.func @transform_0(%arg0: i32) -> (i32, i32) {
    %c0_i32 = arith.constant 0 : i32
    %c0_i32_0 = arith.constant 0 : i32
    return %arg0, %c0_i32 : i32, i32
  }
  func.func @transform_1(%arg0: i32) -> (i32, i32, i32) {
    %c0_i32 = arith.constant 0 : i32
    %c0_i32_0 = arith.constant 0 : i32
    %c0_i32_1 = arith.constant 0 : i32
    return %c0_i32, %arg0, %c0_i32_0 : i32, i32, i32
  }
  func.func @transform_2(%arg0: i32) -> (i32, i32) {
    %c0_i32 = arith.constant 0 : i32
    %c0_i32_0 = arith.constant 0 : i32
    return %arg0, %c0_i32 : i32, i32
  }
  func.func @transform_3(%arg0: i32) -> (i32, i32) {
    %c0_i32 = arith.constant 0 : i32
    %c0_i32_0 = arith.constant 0 : i32
    %c0_i32_1 = arith.constant 0 : i32
    return %c0_i32, %c0_i32_0 : i32, i32
  }
  func.func @transform_4(%arg0: i32) -> i32 {
    %c0_i32 = arith.constant 0 : i32
    %c0_i32_0 = arith.constant 0 : i32
    return %c0_i32 : i32
  }
  func.func @transform_5(%arg0: i32) -> (i32, i32) {
    %c0_i32 = arith.constant 0 : i32
    %c0_i32_0 = arith.constant 0 : i32
    %c0_i32_1 = arith.constant 0 : i32
    return %c0_i32, %c0_i32_0 : i32, i32
  }
  func.func @transform_6(%arg0: i32) -> i32 {
    %c0_i32 = arith.constant 0 : i32
    %c0_i32_0 = arith.constant 0 : i32
    return %c0_i32 : i32
  }
  func.func @transform_7(%arg0: i32) -> (i32, i32) {
    %c0_i32 = arith.constant 0 : i32
    %c0_i32_0 = arith.constant 0 : i32
    return %arg0, %c0_i32 : i32, i32
  }
  func.func @transform_8(%arg0: i32) -> (i32, i32) {
    %c0_i32 = arith.constant 0 : i32
    %c0_i32_0 = arith.constant 0 : i32
    return %arg0, %c0_i32 : i32, i32
  }
  func.func @transform_9(%arg0: i32) -> (i32, i32) {
    %c0_i32 = arith.constant 0 : i32
    %c0_i32_0 = arith.constant 0 : i32
    return %arg0, %c0_i32 : i32, i32
  }
}

module attributes {stable_mosaic.version = 14 : i64} {
  func.func @body(%arg0: i32, %arg1: memref<10000x128xf32, #tpu.memory_space<vmem>>, %arg2: memref<10000x128xf32, #tpu.memory_space<vmem>>, %arg3: memref<10000x128xf32, #tpu.memory_space<vmem>>, %arg4: memref<10x1x1000xi32, #tpu.memory_space<vmem>>, %arg5: memref<384x128xf32, #tpu.memory_space<vmem>>, %arg6: memref<128xf32, #tpu.memory_space<vmem>>, %arg7: memref<128x32xf32, #tpu.memory_space<vmem>>, %arg8: memref<32xf32, #tpu.memory_space<vmem>>, %arg9: memref<32xf32, #tpu.memory_space<vmem>>, %arg10: memref<32xf32, #tpu.memory_space<vmem>>, %arg11: memref<32x2xf32, #tpu.memory_space<vmem>>, %arg12: memref<2xf32, #tpu.memory_space<vmem>>, %arg13: memref<64x2xf32, #tpu.memory_space<vmem>>) attributes {dimension_semantics = [#tpu.dimension_semantics<arbitrary>], iteration_bounds = array<i64: 1>, scalar_prefetch = 0 : i64, scratch_operands = 0 : i64, tpu.core_type = #tpu.core_type<tc>, window_params = [{pipeline_mode = #tpu.pipeline_mode<synchronous>, transform_indices = @transform_0, window_bounds = array<i64: 10000, 128>}, {pipeline_mode = #tpu.pipeline_mode<synchronous>, transform_indices = @transform_1, window_bounds = array<i64: 10000, 128>}, {pipeline_mode = #tpu.pipeline_mode<synchronous>, transform_indices = @transform_2, window_bounds = array<i64: 10000, 128>}, {pipeline_mode = #tpu.pipeline_mode<synchronous>, transform_indices = @transform_3, window_bounds = array<i64: 10, 1, 1000>}, {pipeline_mode = #tpu.pipeline_mode<synchronous>, transform_indices = @transform_4, window_bounds = array<i64: 384, 128>}, {pipeline_mode = #tpu.pipeline_mode<synchronous>, transform_indices = @transform_5, window_bounds = array<i64: 128>}, {pipeline_mode = #tpu.pipeline_mode<synchronous>, transform_indices = @transform_6, window_bounds = array<i64: 128, 32>}, {pipeline_mode = #tpu.pipeline_mode<synchronous>, transform_indices = @transform_7, window_bounds = array<i64: 32>}, {pipeline_mode = #tpu.pipeline_mode<synchronous>, transform_indices = @transform_8, window_bounds = array<i64: 32>}, {pipeline_mode = #tpu.pipeline_mode<synchronous>, transform_indices = @transform_9, window_bounds = array<i64: 32>}, {pipeline_mode = #tpu.pipeline_mode<synchronous>, transform_indices = @transform_10, window_bounds = array<i64: 32, 2>}, {pipeline_mode = #tpu.pipeline_mode<synchronous>, transform_indices = @transform_11, window_bounds = array<i64: 2>}, {pipeline_mode = #tpu.pipeline_mode<synchronous>, transform_indices = @transform_12, window_bounds = array<i64: 64, 2>}]} {
    %broadcast_in_dim3A = arith.constant 0.000000e+00 : f32
    %broadcast_in_dim3A_0 = vector.broadcast %broadcast_in_dim3A : f32 to vector<64x128xf32>
    %broadcast_in_dim3A_1 = arith.constant 0.000000e+00 : f32
    %broadcast_in_dim3A_2 = vector.broadcast %broadcast_in_dim3A_1 : f32 to vector<64x128xf32>
    %broadcast_in_dim3A_3 = arith.constant 0.000000e+00 : f32
    %broadcast_in_dim3A_4 = vector.broadcast %broadcast_in_dim3A_3 : f32 to vector<64x128xf32>
    %broadcast_in_dim3A_5 = arith.constant 0.000000e+00 : f32
    %broadcast_in_dim3A_6 = vector.broadcast %broadcast_in_dim3A_5 : f32 to vector<64x128xf32>
    %get3A = arith.constant 0 : index
    %get3A_7 = arith.constant 0 : index
    %get3A_8 = arith.constant 0 : index
    %get3A_9 = vector.load %arg4[%get3A, %get3A_7, %get3A_8] : memref<10x1x1000xi32, #tpu.memory_space<vmem>>, vector<1x1x1000xi32>
    %get3A_10 = vector.shape_cast %get3A_9 : vector<1x1x1000xi32> to vector<1000xi32>
    %broadcast_in_dim3A_11 = vector.shape_cast %get3A_10 : vector<1000xi32> to vector<1000x1xi32>
    %iota3A = tpu.iota {dimensions = array<i32: 1>} : vector<1000x64xi32>
    %eq3A = vector.broadcast %broadcast_in_dim3A_11 : vector<1000x1xi32> to vector<1000x64xi32>
    %eq3A_12 = arith.cmpi eq, %eq3A, %iota3A : vector<1000x64xi32>
    %convert_element_type3A = arith.extui %eq3A_12 : vector<1000x64xi1> to vector<1000x64xi32>
    %convert_element_type3A_13 = arith.sitofp %convert_element_type3A : vector<1000x64xi32> to vector<1000x64xf32>
    %get3A_14 = arith.constant 0 : index
    %get3A_15 = arith.constant 0 : index
    %get3A_16 = vector.load %arg1[%get3A_14, %get3A_15] : memref<10000x128xf32, #tpu.memory_space<vmem>>, vector<1000x128xf32>
    %dot_general3A = arith.constant dense<0.000000e+00> : vector<64x128xf32>
    %dot_general3A_17 = tpu.matmul %convert_element_type3A_13, %get3A_16, %dot_general3A {dimension_numbers = #tpu.dot_dimension_numbers<[0], [0], [1], [1], [0, 1, 1, 1], [], []>, transpose_lhs_hint = false} : vector<1000x64xf32>, vector<1000x128xf32>, vector<64x128xf32> -> vector<64x128xf32>
    %add3A = arith.addf %broadcast_in_dim3A_0, %dot_general3A_17 : vector<64x128xf32>
    %get3A_18 = arith.constant 0 : index
    %get3A_19 = arith.constant 0 : index
    %get3A_20 = vector.load %arg2[%get3A_18, %get3A_19] : memref<10000x128xf32, #tpu.memory_space<vmem>>, vector<1000x128xf32>
    %dot_general3A_21 = arith.constant dense<0.000000e+00> : vector<64x128xf32>
    %dot_general3A_22 = tpu.matmul %convert_element_type3A_13, %get3A_20, %dot_general3A_21 {dimension_numbers = #tpu.dot_dimension_numbers<[0], [0], [1], [1], [0, 1, 1, 1], [], []>, transpose_lhs_hint = false} : vector<1000x64xf32>, vector<1000x128xf32>, vector<64x128xf32> -> vector<64x128xf32>
    %add3A_23 = arith.addf %broadcast_in_dim3A_2, %dot_general3A_22 : vector<64x128xf32>
    %get3A_24 = arith.constant 0 : index
    %get3A_25 = arith.constant 0 : index
    %get3A_26 = vector.load %arg3[%get3A_24, %get3A_25] : memref<10000x128xf32, #tpu.memory_space<vmem>>, vector<1000x128xf32>
    %dot_general3A_27 = arith.constant dense<0.000000e+00> : vector<64x128xf32>
    %dot_general3A_28 = tpu.matmul %convert_element_type3A_13, %get3A_26, %dot_general3A_27 {dimension_numbers = #tpu.dot_dimension_numbers<[0], [0], [1], [1], [0, 1, 1, 1], [], []>, transpose_lhs_hint = false} : vector<1000x64xf32>, vector<1000x128xf32>, vector<64x128xf32> -> vector<64x128xf32>
    %add3A_29 = arith.addf %broadcast_in_dim3A_4, %dot_general3A_28 : vector<64x128xf32>
    %broadcast_in_dim3A_30 = arith.constant 1.000000e+00 : f32
    %broadcast_in_dim3A_31 = vector.broadcast %broadcast_in_dim3A_30 : f32 to vector<1000x128xf32>
    %dot_general3A_32 = arith.constant dense<0.000000e+00> : vector<64x128xf32>
    %dot_general3A_33 = tpu.matmul %convert_element_type3A_13, %broadcast_in_dim3A_31, %dot_general3A_32 {dimension_numbers = #tpu.dot_dimension_numbers<[0], [0], [1], [1], [0, 1, 1, 1], [], []>, transpose_lhs_hint = false} : vector<1000x64xf32>, vector<1000x128xf32>, vector<64x128xf32> -> vector<64x128xf32>
    %add3A_34 = arith.addf %broadcast_in_dim3A_6, %dot_general3A_33 : vector<64x128xf32>
    %get3A_35 = arith.constant 1 : index
    %get3A_36 = arith.constant 0 : index
    %get3A_37 = arith.constant 0 : index
    %get3A_38 = vector.load %arg4[%get3A_35, %get3A_36, %get3A_37] : memref<10x1x1000xi32, #tpu.memory_space<vmem>>, vector<1x1x1000xi32>
    %get3A_39 = vector.shape_cast %get3A_38 : vector<1x1x1000xi32> to vector<1000xi32>
    %broadcast_in_dim3A_40 = vector.shape_cast %get3A_39 : vector<1000xi32> to vector<1000x1xi32>
    %iota3A_41 = tpu.iota {dimensions = array<i32: 1>} : vector<1000x64xi32>
    %eq3A_42 = vector.broadcast %broadcast_in_dim3A_40 : vector<1000x1xi32> to vector<1000x64xi32>
    %eq3A_43 = arith.cmpi eq, %eq3A_42, %iota3A_41 : vector<1000x64xi32>
    %convert_element_type3A_44 = arith.extui %eq3A_43 : vector<1000x64xi1> to vector<1000x64xi32>
    %convert_element_type3A_45 = arith.sitofp %convert_element_type3A_44 : vector<1000x64xi32> to vector<1000x64xf32>
    %get3A_46 = arith.constant 1000 : index
    %get3A_47 = arith.constant 0 : index
    %get3A_48 = vector.load %arg1[%get3A_46, %get3A_47] : memref<10000x128xf32, #tpu.memory_space<vmem>>, vector<1000x128xf32>
    %dot_general3A_49 = arith.constant dense<0.000000e+00> : vector<64x128xf32>
    %dot_general3A_50 = tpu.matmul %convert_element_type3A_45, %get3A_48, %dot_general3A_49 {dimension_numbers = #tpu.dot_dimension_numbers<[0], [0], [1], [1], [0, 1, 1, 1], [], []>, transpose_lhs_hint = false} : vector<1000x64xf32>, vector<1000x128xf32>, vector<64x128xf32> -> vector<64x128xf32>
    %add3A_51 = arith.addf %add3A, %dot_general3A_50 : vector<64x128xf32>
    %get3A_52 = arith.constant 1000 : index
    %get3A_53 = arith.constant 0 : index
    %get3A_54 = vector.load %arg2[%get3A_52, %get3A_53] : memref<10000x128xf32, #tpu.memory_space<vmem>>, vector<1000x128xf32>
    %dot_general3A_55 = arith.constant dense<0.000000e+00> : vector<64x128xf32>
    %dot_general3A_56 = tpu.matmul %convert_element_type3A_45, %get3A_54, %dot_general3A_55 {dimension_numbers = #tpu.dot_dimension_numbers<[0], [0], [1], [1], [0, 1, 1, 1], [], []>, transpose_lhs_hint = false} : vector<1000x64xf32>, vector<1000x128xf32>, vector<64x128xf32> -> vector<64x128xf32>
    %add3A_57 = arith.addf %add3A_23, %dot_general3A_56 : vector<64x128xf32>
    %get3A_58 = arith.constant 1000 : index
    %get3A_59 = arith.constant 0 : index
    %get3A_60 = vector.load %arg3[%get3A_58, %get3A_59] : memref<10000x128xf32, #tpu.memory_space<vmem>>, vector<1000x128xf32>
    %dot_general3A_61 = arith.constant dense<0.000000e+00> : vector<64x128xf32>
    %dot_general3A_62 = tpu.matmul %convert_element_type3A_45, %get3A_60, %dot_general3A_61 {dimension_numbers = #tpu.dot_dimension_numbers<[0], [0], [1], [1], [0, 1, 1, 1], [], []>, transpose_lhs_hint = false} : vector<1000x64xf32>, vector<1000x128xf32>, vector<64x128xf32> -> vector<64x128xf32>
    %add3A_63 = arith.addf %add3A_29, %dot_general3A_62 : vector<64x128xf32>
    %broadcast_in_dim3A_64 = arith.constant 1.000000e+00 : f32
    %broadcast_in_dim3A_65 = vector.broadcast %broadcast_in_dim3A_64 : f32 to vector<1000x128xf32>
    %dot_general3A_66 = arith.constant dense<0.000000e+00> : vector<64x128xf32>
    %dot_general3A_67 = tpu.matmul %convert_element_type3A_45, %broadcast_in_dim3A_65, %dot_general3A_66 {dimension_numbers = #tpu.dot_dimension_numbers<[0], [0], [1], [1], [0, 1, 1, 1], [], []>, transpose_lhs_hint = false} : vector<1000x64xf32>, vector<1000x128xf32>, vector<64x128xf32> -> vector<64x128xf32>
    %add3A_68 = arith.addf %add3A_34, %dot_general3A_67 : vector<64x128xf32>
    %get3A_69 = arith.constant 2 : index
    %get3A_70 = arith.constant 0 : index
    %get3A_71 = arith.constant 0 : index
    %get3A_72 = vector.load %arg4[%get3A_69, %get3A_70, %get3A_71] : memref<10x1x1000xi32, #tpu.memory_space<vmem>>, vector<1x1x1000xi32>
    %get3A_73 = vector.shape_cast %get3A_72 : vector<1x1x1000xi32> to vector<1000xi32>
    %broadcast_in_dim3A_74 = vector.shape_cast %get3A_73 : vector<1000xi32> to vector<1000x1xi32>
    %iota3A_75 = tpu.iota {dimensions = array<i32: 1>} : vector<1000x64xi32>
    %eq3A_76 = vector.broadcast %broadcast_in_dim3A_74 : vector<1000x1xi32> to vector<1000x64xi32>
    %eq3A_77 = arith.cmpi eq, %eq3A_76, %iota3A_75 : vector<1000x64xi32>
    %convert_element_type3A_78 = arith.extui %eq3A_77 : vector<1000x64xi1> to vector<1000x64xi32>
    %convert_element_type3A_79 = arith.sitofp %convert_element_type3A_78 : vector<1000x64xi32> to vector<1000x64xf32>
    %get3A_80 = arith.constant 2000 : index
    %get3A_81 = arith.constant 0 : index
    %get3A_82 = vector.load %arg1[%get3A_80, %get3A_81] : memref<10000x128xf32, #tpu.memory_space<vmem>>, vector<1000x128xf32>
    %dot_general3A_83 = arith.constant dense<0.000000e+00> : vector<64x128xf32>
    %dot_general3A_84 = tpu.matmul %convert_element_type3A_79, %get3A_82, %dot_general3A_83 {dimension_numbers = #tpu.dot_dimension_numbers<[0], [0], [1], [1], [0, 1, 1, 1], [], []>, transpose_lhs_hint = false} : vector<1000x64xf32>, vector<1000x128xf32>, vector<64x128xf32> -> vector<64x128xf32>
    %add3A_85 = arith.addf %add3A_51, %dot_general3A_84 : vector<64x128xf32>
    %get3A_86 = arith.constant 2000 : index
    %get3A_87 = arith.constant 0 : index
    %get3A_88 = vector.load %arg2[%get3A_86, %get3A_87] : memref<10000x128xf32, #tpu.memory_space<vmem>>, vector<1000x128xf32>
    %dot_general3A_89 = arith.constant dense<0.000000e+00> : vector<64x128xf32>
    %dot_general3A_90 = tpu.matmul %convert_element_type3A_79, %get3A_88, %dot_general3A_89 {dimension_numbers = #tpu.dot_dimension_numbers<[0], [0], [1], [1], [0, 1, 1, 1], [], []>, transpose_lhs_hint = false} : vector<1000x64xf32>, vector<1000x128xf32>, vector<64x128xf32> -> vector<64x128xf32>
    %add3A_91 = arith.addf %add3A_57, %dot_general3A_90 : vector<64x128xf32>
    %get3A_92 = arith.constant 2000 : index
    %get3A_93 = arith.constant 0 : index
    %get3A_94 = vector.load %arg3[%get3A_92, %get3A_93] : memref<10000x128xf32, #tpu.memory_space<vmem>>, vector<1000x128xf32>
    %dot_general3A_95 = arith.constant dense<0.000000e+00> : vector<64x128xf32>
    %dot_general3A_96 = tpu.matmul %convert_element_type3A_79, %get3A_94, %dot_general3A_95 {dimension_numbers = #tpu.dot_dimension_numbers<[0], [0], [1], [1], [0, 1, 1, 1], [], []>, transpose_lhs_hint = false} : vector<1000x64xf32>, vector<1000x128xf32>, vector<64x128xf32> -> vector<64x128xf32>
    %add3A_97 = arith.addf %add3A_63, %dot_general3A_96 : vector<64x128xf32>
    %broadcast_in_dim3A_98 = arith.constant 1.000000e+00 : f32
    %broadcast_in_dim3A_99 = vector.broadcast %broadcast_in_dim3A_98 : f32 to vector<1000x128xf32>
    %dot_general3A_100 = arith.constant dense<0.000000e+00> : vector<64x128xf32>
    %dot_general3A_101 = tpu.matmul %convert_element_type3A_79, %broadcast_in_dim3A_99, %dot_general3A_100 {dimension_numbers = #tpu.dot_dimension_numbers<[0], [0], [1], [1], [0, 1, 1, 1], [], []>, transpose_lhs_hint = false} : vector<1000x64xf32>, vector<1000x128xf32>, vector<64x128xf32> -> vector<64x128xf32>
    %add3A_102 = arith.addf %add3A_68, %dot_general3A_101 : vector<64x128xf32>
    %get3A_103 = arith.constant 3 : index
    %get3A_104 = arith.constant 0 : index
    %get3A_105 = arith.constant 0 : index
    %get3A_106 = vector.load %arg4[%get3A_103, %get3A_104, %get3A_105] : memref<10x1x1000xi32, #tpu.memory_space<vmem>>, vector<1x1x1000xi32>
    %get3A_107 = vector.shape_cast %get3A_106 : vector<1x1x1000xi32> to vector<1000xi32>
    %broadcast_in_dim3A_108 = vector.shape_cast %get3A_107 : vector<1000xi32> to vector<1000x1xi32>
    %iota3A_109 = tpu.iota {dimensions = array<i32: 1>} : vector<1000x64xi32>
    %eq3A_110 = vector.broadcast %broadcast_in_dim3A_108 : vector<1000x1xi32> to vector<1000x64xi32>
    %eq3A_111 = arith.cmpi eq, %eq3A_110, %iota3A_109 : vector<1000x64xi32>
    %convert_element_type3A_112 = arith.extui %eq3A_111 : vector<1000x64xi1> to vector<1000x64xi32>
    %convert_element_type3A_113 = arith.sitofp %convert_element_type3A_112 : vector<1000x64xi32> to vector<1000x64xf32>
    %get3A_114 = arith.constant 3000 : index
    %get3A_115 = arith.constant 0 : index
    %get3A_116 = vector.load %arg1[%get3A_114, %get3A_115] : memref<10000x128xf32, #tpu.memory_space<vmem>>, vector<1000x128xf32>
    %dot_general3A_117 = arith.constant dense<0.000000e+00> : vector<64x128xf32>
    %dot_general3A_118 = tpu.matmul %convert_element_type3A_113, %get3A_116, %dot_general3A_117 {dimension_numbers = #tpu.dot_dimension_numbers<[0], [0], [1], [1], [0, 1, 1, 1], [], []>, transpose_lhs_hint = false} : vector<1000x64xf32>, vector<1000x128xf32>, vector<64x128xf32> -> vector<64x128xf32>
    %add3A_119 = arith.addf %add3A_85, %dot_general3A_118 : vector<64x128xf32>
    %get3A_120 = arith.constant 3000 : index
    %get3A_121 = arith.constant 0 : index
    %get3A_122 = vector.load %arg2[%get3A_120, %get3A_121] : memref<10000x128xf32, #tpu.memory_space<vmem>>, vector<1000x128xf32>
    %dot_general3A_123 = arith.constant dense<0.000000e+00> : vector<64x128xf32>
    %dot_general3A_124 = tpu.matmul %convert_element_type3A_113, %get3A_122, %dot_general3A_123 {dimension_numbers = #tpu.dot_dimension_numbers<[0], [0], [1], [1], [0, 1, 1, 1], [], []>, transpose_lhs_hint = false} : vector<1000x64xf32>, vector<1000x128xf32>, vector<64x128xf32> -> vector<64x128xf32>
    %add3A_125 = arith.addf %add3A_91, %dot_general3A_124 : vector<64x128xf32>
    %get3A_126 = arith.constant 3000 : index
    %get3A_127 = arith.constant 0 : index
    %get3A_128 = vector.load %arg3[%get3A_126, %get3A_127] : memref<10000x128xf32, #tpu.memory_space<vmem>>, vector<1000x128xf32>
    %dot_general3A_129 = arith.constant dense<0.000000e+00> : vector<64x128xf32>
    %dot_general3A_130 = tpu.matmul %convert_element_type3A_113, %get3A_128, %dot_general3A_129 {dimension_numbers = #tpu.dot_dimension_numbers<[0], [0], [1], [1], [0, 1, 1, 1], [], []>, transpose_lhs_hint = false} : vector<1000x64xf32>, vector<1000x128xf32>, vector<64x128xf32> -> vector<64x128xf32>
    %add3A_131 = arith.addf %add3A_97, %dot_general3A_130 : vector<64x128xf32>
    %broadcast_in_dim3A_132 = arith.constant 1.000000e+00 : f32
    %broadcast_in_dim3A_133 = vector.broadcast %broadcast_in_dim3A_132 : f32 to vector<1000x128xf32>
    %dot_general3A_134 = arith.constant dense<0.000000e+00> : vector<64x128xf32>
    %dot_general3A_135 = tpu.matmul %convert_element_type3A_113, %broadcast_in_dim3A_133, %dot_general3A_134 {dimension_numbers = #tpu.dot_dimension_numbers<[0], [0], [1], [1], [0, 1, 1, 1], [], []>, transpose_lhs_hint = false} : vector<1000x64xf32>, vector<1000x128xf32>, vector<64x128xf32> -> vector<64x128xf32>
    %add3A_136 = arith.addf %add3A_102, %dot_general3A_135 : vector<64x128xf32>
    %get3A_137 = arith.constant 4 : index
    %get3A_138 = arith.constant 0 : index
    %get3A_139 = arith.constant 0 : index
    %get3A_140 = vector.load %arg4[%get3A_137, %get3A_138, %get3A_139] : memref<10x1x1000xi32, #tpu.memory_space<vmem>>, vector<1x1x1000xi32>
    %get3A_141 = vector.shape_cast %get3A_140 : vector<1x1x1000xi32> to vector<1000xi32>
    %broadcast_in_dim3A_142 = vector.shape_cast %get3A_141 : vector<1000xi32> to vector<1000x1xi32>
    %iota3A_143 = tpu.iota {dimensions = array<i32: 1>} : vector<1000x64xi32>
    %eq3A_144 = vector.broadcast %broadcast_in_dim3A_142 : vector<1000x1xi32> to vector<1000x64xi32>
    %eq3A_145 = arith.cmpi eq, %eq3A_144, %iota3A_143 : vector<1000x64xi32>
    %convert_element_type3A_146 = arith.extui %eq3A_145 : vector<1000x64xi1> to vector<1000x64xi32>
    %convert_element_type3A_147 = arith.sitofp %convert_element_type3A_146 : vector<1000x64xi32> to vector<1000x64xf32>
    %get3A_148 = arith.constant 4000 : index
    %get3A_149 = arith.constant 0 : index
    %get3A_150 = vector.load %arg1[%get3A_148, %get3A_149] : memref<10000x128xf32, #tpu.memory_space<vmem>>, vector<1000x128xf32>
    %dot_general3A_151 = arith.constant dense<0.000000e+00> : vector<64x128xf32>
    %dot_general3A_152 = tpu.matmul %convert_element_type3A_147, %get3A_150, %dot_general3A_151 {dimension_numbers = #tpu.dot_dimension_numbers<[0], [0], [1], [1], [0, 1, 1, 1], [], []>, transpose_lhs_hint = false} : vector<1000x64xf32>, vector<1000x128xf32>, vector<64x128xf32> -> vector<64x128xf32>
    %add3A_153 = arith.addf %add3A_119, %dot_general3A_152 : vector<64x128xf32>
    %get3A_154 = arith.constant 4000 : index
    %get3A_155 = arith.constant 0 : index
    %get3A_156 = vector.load %arg2[%get3A_154, %get3A_155] : memref<10000x128xf32, #tpu.memory_space<vmem>>, vector<1000x128xf32>
    %dot_general3A_157 = arith.constant dense<0.000000e+00> : vector<64x128xf32>
    %dot_general3A_158 = tpu.matmul %convert_element_type3A_147, %get3A_156, %dot_general3A_157 {dimension_numbers = #tpu.dot_dimension_numbers<[0], [0], [1], [1], [0, 1, 1, 1], [], []>, transpose_lhs_hint = false} : vector<1000x64xf32>, vector<1000x128xf32>, vector<64x128xf32> -> vector<64x128xf32>
    %add3A_159 = arith.addf %add3A_125, %dot_general3A_158 : vector<64x128xf32>
    %get3A_160 = arith.constant 4000 : index
    %get3A_161 = arith.constant 0 : index
    %get3A_162 = vector.load %arg3[%get3A_160, %get3A_161] : memref<10000x128xf32, #tpu.memory_space<vmem>>, vector<1000x128xf32>
    %dot_general3A_163 = arith.constant dense<0.000000e+00> : vector<64x128xf32>
    %dot_general3A_164 = tpu.matmul %convert_element_type3A_147, %get3A_162, %dot_general3A_163 {dimension_numbers = #tpu.dot_dimension_numbers<[0], [0], [1], [1], [0, 1, 1, 1], [], []>, transpose_lhs_hint = false} : vector<1000x64xf32>, vector<1000x128xf32>, vector<64x128xf32> -> vector<64x128xf32>
    %add3A_165 = arith.addf %add3A_131, %dot_general3A_164 : vector<64x128xf32>
    %broadcast_in_dim3A_166 = arith.constant 1.000000e+00 : f32
    %broadcast_in_dim3A_167 = vector.broadcast %broadcast_in_dim3A_166 : f32 to vector<1000x128xf32>
    %dot_general3A_168 = arith.constant dense<0.000000e+00> : vector<64x128xf32>
    %dot_general3A_169 = tpu.matmul %convert_element_type3A_147, %broadcast_in_dim3A_167, %dot_general3A_168 {dimension_numbers = #tpu.dot_dimension_numbers<[0], [0], [1], [1], [0, 1, 1, 1], [], []>, transpose_lhs_hint = false} : vector<1000x64xf32>, vector<1000x128xf32>, vector<64x128xf32> -> vector<64x128xf32>
    %add3A_170 = arith.addf %add3A_136, %dot_general3A_169 : vector<64x128xf32>
    %get3A_171 = arith.constant 5 : index
    %get3A_172 = arith.constant 0 : index
    %get3A_173 = arith.constant 0 : index
    %get3A_174 = vector.load %arg4[%get3A_171, %get3A_172, %get3A_173] : memref<10x1x1000xi32, #tpu.memory_space<vmem>>, vector<1x1x1000xi32>
    %get3A_175 = vector.shape_cast %get3A_174 : vector<1x1x1000xi32> to vector<1000xi32>
    %broadcast_in_dim3A_176 = vector.shape_cast %get3A_175 : vector<1000xi32> to vector<1000x1xi32>
    %iota3A_177 = tpu.iota {dimensions = array<i32: 1>} : vector<1000x64xi32>
    %eq3A_178 = vector.broadcast %broadcast_in_dim3A_176 : vector<1000x1xi32> to vector<1000x64xi32>
    %eq3A_179 = arith.cmpi eq, %eq3A_178, %iota3A_177 : vector<1000x64xi32>
    %convert_element_type3A_180 = arith.extui %eq3A_179 : vector<1000x64xi1> to vector<1000x64xi32>
    %convert_element_type3A_181 = arith.sitofp %convert_element_type3A_180 : vector<1000x64xi32> to vector<1000x64xf32>
    %get3A_182 = arith.constant 5000 : index
    %get3A_183 = arith.constant 0 : index
    %get3A_184 = vector.load %arg1[%get3A_182, %get3A_183] : memref<10000x128xf32, #tpu.memory_space<vmem>>, vector<1000x128xf32>
    %dot_general3A_185 = arith.constant dense<0.000000e+00> : vector<64x128xf32>
    %dot_general3A_186 = tpu.matmul %convert_element_type3A_181, %get3A_184, %dot_general3A_185 {dimension_numbers = #tpu.dot_dimension_numbers<[0], [0], [1], [1], [0, 1, 1, 1], [], []>, transpose_lhs_hint = false} : vector<1000x64xf32>, vector<1000x128xf32>, vector<64x128xf32> -> vector<64x128xf32>
    %add3A_187 = arith.addf %add3A_153, %dot_general3A_186 : vector<64x128xf32>
    %get3A_188 = arith.constant 5000 : index
    %get3A_189 = arith.constant 0 : index
    %get3A_190 = vector.load %arg2[%get3A_188, %get3A_189] : memref<10000x128xf32, #tpu.memory_space<vmem>>, vector<1000x128xf32>
    %dot_general3A_191 = arith.constant dense<0.000000e+00> : vector<64x128xf32>
    %dot_general3A_192 = tpu.matmul %convert_element_type3A_181, %get3A_190, %dot_general3A_191 {dimension_numbers = #tpu.dot_dimension_numbers<[0], [0], [1], [1], [0, 1, 1, 1], [], []>, transpose_lhs_hint = false} : vector<1000x64xf32>, vector<1000x128xf32>, vector<64x128xf32> -> vector<64x128xf32>
    %add3A_193 = arith.addf %add3A_159, %dot_general3A_192 : vector<64x128xf32>
    %get3A_194 = arith.constant 5000 : index
    %get3A_195 = arith.constant 0 : index
    %get3A_196 = vector.load %arg3[%get3A_194, %get3A_195] : memref<10000x128xf32, #tpu.memory_space<vmem>>, vector<1000x128xf32>
    %dot_general3A_197 = arith.constant dense<0.000000e+00> : vector<64x128xf32>
    %dot_general3A_198 = tpu.matmul %convert_element_type3A_181, %get3A_196, %dot_general3A_197 {dimension_numbers = #tpu.dot_dimension_numbers<[0], [0], [1], [1], [0, 1, 1, 1], [], []>, transpose_lhs_hint = false} : vector<1000x64xf32>, vector<1000x128xf32>, vector<64x128xf32> -> vector<64x128xf32>
    %add3A_199 = arith.addf %add3A_165, %dot_general3A_198 : vector<64x128xf32>
    %broadcast_in_dim3A_200 = arith.constant 1.000000e+00 : f32
    %broadcast_in_dim3A_201 = vector.broadcast %broadcast_in_dim3A_200 : f32 to vector<1000x128xf32>
    %dot_general3A_202 = arith.constant dense<0.000000e+00> : vector<64x128xf32>
    %dot_general3A_203 = tpu.matmul %convert_element_type3A_181, %broadcast_in_dim3A_201, %dot_general3A_202 {dimension_numbers = #tpu.dot_dimension_numbers<[0], [0], [1], [1], [0, 1, 1, 1], [], []>, transpose_lhs_hint = false} : vector<1000x64xf32>, vector<1000x128xf32>, vector<64x128xf32> -> vector<64x128xf32>
    %add3A_204 = arith.addf %add3A_170, %dot_general3A_203 : vector<64x128xf32>
    %get3A_205 = arith.constant 6 : index
    %get3A_206 = arith.constant 0 : index
    %get3A_207 = arith.constant 0 : index
    %get3A_208 = vector.load %arg4[%get3A_205, %get3A_206, %get3A_207] : memref<10x1x1000xi32, #tpu.memory_space<vmem>>, vector<1x1x1000xi32>
    %get3A_209 = vector.shape_cast %get3A_208 : vector<1x1x1000xi32> to vector<1000xi32>
    %broadcast_in_dim3A_210 = vector.shape_cast %get3A_209 : vector<1000xi32> to vector<1000x1xi32>
    %iota3A_211 = tpu.iota {dimensions = array<i32: 1>} : vector<1000x64xi32>
    %eq3A_212 = vector.broadcast %broadcast_in_dim3A_210 : vector<1000x1xi32> to vector<1000x64xi32>
    %eq3A_213 = arith.cmpi eq, %eq3A_212, %iota3A_211 : vector<1000x64xi32>
    %convert_element_type3A_214 = arith.extui %eq3A_213 : vector<1000x64xi1> to vector<1000x64xi32>
    %convert_element_type3A_215 = arith.sitofp %convert_element_type3A_214 : vector<1000x64xi32> to vector<1000x64xf32>
    %get3A_216 = arith.constant 6000 : index
    %get3A_217 = arith.constant 0 : index
    %get3A_218 = vector.load %arg1[%get3A_216, %get3A_217] : memref<10000x128xf32, #tpu.memory_space<vmem>>, vector<1000x128xf32>
    %dot_general3A_219 = arith.constant dense<0.000000e+00> : vector<64x128xf32>
    %dot_general3A_220 = tpu.matmul %convert_element_type3A_215, %get3A_218, %dot_general3A_219 {dimension_numbers = #tpu.dot_dimension_numbers<[0], [0], [1], [1], [0, 1, 1, 1], [], []>, transpose_lhs_hint = false} : vector<1000x64xf32>, vector<1000x128xf32>, vector<64x128xf32> -> vector<64x128xf32>
    %add3A_221 = arith.addf %add3A_187, %dot_general3A_220 : vector<64x128xf32>
    %get3A_222 = arith.constant 6000 : index
    %get3A_223 = arith.constant 0 : index
    %get3A_224 = vector.load %arg2[%get3A_222, %get3A_223] : memref<10000x128xf32, #tpu.memory_space<vmem>>, vector<1000x128xf32>
    %dot_general3A_225 = arith.constant dense<0.000000e+00> : vector<64x128xf32>
    %dot_general3A_226 = tpu.matmul %convert_element_type3A_215, %get3A_224, %dot_general3A_225 {dimension_numbers = #tpu.dot_dimension_numbers<[0], [0], [1], [1], [0, 1, 1, 1], [], []>, transpose_lhs_hint = false} : vector<1000x64xf32>, vector<1000x128xf32>, vector<64x128xf32> -> vector<64x128xf32>
    %add3A_227 = arith.addf %add3A_193, %dot_general3A_226 : vector<64x128xf32>
    %get3A_228 = arith.constant 6000 : index
    %get3A_229 = arith.constant 0 : index
    %get3A_230 = vector.load %arg3[%get3A_228, %get3A_229] : memref<10000x128xf32, #tpu.memory_space<vmem>>, vector<1000x128xf32>
    %dot_general3A_231 = arith.constant dense<0.000000e+00> : vector<64x128xf32>
    %dot_general3A_232 = tpu.matmul %convert_element_type3A_215, %get3A_230, %dot_general3A_231 {dimension_numbers = #tpu.dot_dimension_numbers<[0], [0], [1], [1], [0, 1, 1, 1], [], []>, transpose_lhs_hint = false} : vector<1000x64xf32>, vector<1000x128xf32>, vector<64x128xf32> -> vector<64x128xf32>
    %add3A_233 = arith.addf %add3A_199, %dot_general3A_232 : vector<64x128xf32>
    %broadcast_in_dim3A_234 = arith.constant 1.000000e+00 : f32
    %broadcast_in_dim3A_235 = vector.broadcast %broadcast_in_dim3A_234 : f32 to vector<1000x128xf32>
    %dot_general3A_236 = arith.constant dense<0.000000e+00> : vector<64x128xf32>
    %dot_general3A_237 = tpu.matmul %convert_element_type3A_215, %broadcast_in_dim3A_235, %dot_general3A_236 {dimension_numbers = #tpu.dot_dimension_numbers<[0], [0], [1], [1], [0, 1, 1, 1], [], []>, transpose_lhs_hint = false} : vector<1000x64xf32>, vector<1000x128xf32>, vector<64x128xf32> -> vector<64x128xf32>
    %add3A_238 = arith.addf %add3A_204, %dot_general3A_237 : vector<64x128xf32>
    %get3A_239 = arith.constant 7 : index
    %get3A_240 = arith.constant 0 : index
    %get3A_241 = arith.constant 0 : index
    %get3A_242 = vector.load %arg4[%get3A_239, %get3A_240, %get3A_241] : memref<10x1x1000xi32, #tpu.memory_space<vmem>>, vector<1x1x1000xi32>
    %get3A_243 = vector.shape_cast %get3A_242 : vector<1x1x1000xi32> to vector<1000xi32>
    %broadcast_in_dim3A_244 = vector.shape_cast %get3A_243 : vector<1000xi32> to vector<1000x1xi32>
    %iota3A_245 = tpu.iota {dimensions = array<i32: 1>} : vector<1000x64xi32>
    %eq3A_246 = vector.broadcast %broadcast_in_dim3A_244 : vector<1000x1xi32> to vector<1000x64xi32>
    %eq3A_247 = arith.cmpi eq, %eq3A_246, %iota3A_245 : vector<1000x64xi32>
    %convert_element_type3A_248 = arith.extui %eq3A_247 : vector<1000x64xi1> to vector<1000x64xi32>
    %convert_element_type3A_249 = arith.sitofp %convert_element_type3A_248 : vector<1000x64xi32> to vector<1000x64xf32>
    %get3A_250 = arith.constant 7000 : index
    %get3A_251 = arith.constant 0 : index
    %get3A_252 = vector.load %arg1[%get3A_250, %get3A_251] : memref<10000x128xf32, #tpu.memory_space<vmem>>, vector<1000x128xf32>
    %dot_general3A_253 = arith.constant dense<0.000000e+00> : vector<64x128xf32>
    %dot_general3A_254 = tpu.matmul %convert_element_type3A_249, %get3A_252, %dot_general3A_253 {dimension_numbers = #tpu.dot_dimension_numbers<[0], [0], [1], [1], [0, 1, 1, 1], [], []>, transpose_lhs_hint = false} : vector<1000x64xf32>, vector<1000x128xf32>, vector<64x128xf32> -> vector<64x128xf32>
    %add3A_255 = arith.addf %add3A_221, %dot_general3A_254 : vector<64x128xf32>
    %get3A_256 = arith.constant 7000 : index
    %get3A_257 = arith.constant 0 : index
    %get3A_258 = vector.load %arg2[%get3A_256, %get3A_257] : memref<10000x128xf32, #tpu.memory_space<vmem>>, vector<1000x128xf32>
    %dot_general3A_259 = arith.constant dense<0.000000e+00> : vector<64x128xf32>
    %dot_general3A_260 = tpu.matmul %convert_element_type3A_249, %get3A_258, %dot_general3A_259 {dimension_numbers = #tpu.dot_dimension_numbers<[0], [0], [1], [1], [0, 1, 1, 1], [], []>, transpose_lhs_hint = false} : vector<1000x64xf32>, vector<1000x128xf32>, vector<64x128xf32> -> vector<64x128xf32>
    %add3A_261 = arith.addf %add3A_227, %dot_general3A_260 : vector<64x128xf32>
    %get3A_262 = arith.constant 7000 : index
    %get3A_263 = arith.constant 0 : index
    %get3A_264 = vector.load %arg3[%get3A_262, %get3A_263] : memref<10000x128xf32, #tpu.memory_space<vmem>>, vector<1000x128xf32>
    %dot_general3A_265 = arith.constant dense<0.000000e+00> : vector<64x128xf32>
    %dot_general3A_266 = tpu.matmul %convert_element_type3A_249, %get3A_264, %dot_general3A_265 {dimension_numbers = #tpu.dot_dimension_numbers<[0], [0], [1], [1], [0, 1, 1, 1], [], []>, transpose_lhs_hint = false} : vector<1000x64xf32>, vector<1000x128xf32>, vector<64x128xf32> -> vector<64x128xf32>
    %add3A_267 = arith.addf %add3A_233, %dot_general3A_266 : vector<64x128xf32>
    %broadcast_in_dim3A_268 = arith.constant 1.000000e+00 : f32
    %broadcast_in_dim3A_269 = vector.broadcast %broadcast_in_dim3A_268 : f32 to vector<1000x128xf32>
    %dot_general3A_270 = arith.constant dense<0.000000e+00> : vector<64x128xf32>
    %dot_general3A_271 = tpu.matmul %convert_element_type3A_249, %broadcast_in_dim3A_269, %dot_general3A_270 {dimension_numbers = #tpu.dot_dimension_numbers<[0], [0], [1], [1], [0, 1, 1, 1], [], []>, transpose_lhs_hint = false} : vector<1000x64xf32>, vector<1000x128xf32>, vector<64x128xf32> -> vector<64x128xf32>
    %add3A_272 = arith.addf %add3A_238, %dot_general3A_271 : vector<64x128xf32>
    %get3A_273 = arith.constant 8 : index
    %get3A_274 = arith.constant 0 : index
    %get3A_275 = arith.constant 0 : index
    %get3A_276 = vector.load %arg4[%get3A_273, %get3A_274, %get3A_275] : memref<10x1x1000xi32, #tpu.memory_space<vmem>>, vector<1x1x1000xi32>
    %get3A_277 = vector.shape_cast %get3A_276 : vector<1x1x1000xi32> to vector<1000xi32>
    %broadcast_in_dim3A_278 = vector.shape_cast %get3A_277 : vector<1000xi32> to vector<1000x1xi32>
    %iota3A_279 = tpu.iota {dimensions = array<i32: 1>} : vector<1000x64xi32>
    %eq3A_280 = vector.broadcast %broadcast_in_dim3A_278 : vector<1000x1xi32> to vector<1000x64xi32>
    %eq3A_281 = arith.cmpi eq, %eq3A_280, %iota3A_279 : vector<1000x64xi32>
    %convert_element_type3A_282 = arith.extui %eq3A_281 : vector<1000x64xi1> to vector<1000x64xi32>
    %convert_element_type3A_283 = arith.sitofp %convert_element_type3A_282 : vector<1000x64xi32> to vector<1000x64xf32>
    %get3A_284 = arith.constant 8000 : index
    %get3A_285 = arith.constant 0 : index
    %get3A_286 = vector.load %arg1[%get3A_284, %get3A_285] : memref<10000x128xf32, #tpu.memory_space<vmem>>, vector<1000x128xf32>
    %dot_general3A_287 = arith.constant dense<0.000000e+00> : vector<64x128xf32>
    %dot_general3A_288 = tpu.matmul %convert_element_type3A_283, %get3A_286, %dot_general3A_287 {dimension_numbers = #tpu.dot_dimension_numbers<[0], [0], [1], [1], [0, 1, 1, 1], [], []>, transpose_lhs_hint = false} : vector<1000x64xf32>, vector<1000x128xf32>, vector<64x128xf32> -> vector<64x128xf32>
    %add3A_289 = arith.addf %add3A_255, %dot_general3A_288 : vector<64x128xf32>
    %get3A_290 = arith.constant 8000 : index
    %get3A_291 = arith.constant 0 : index
    %get3A_292 = vector.load %arg2[%get3A_290, %get3A_291] : memref<10000x128xf32, #tpu.memory_space<vmem>>, vector<1000x128xf32>
    %dot_general3A_293 = arith.constant dense<0.000000e+00> : vector<64x128xf32>
    %dot_general3A_294 = tpu.matmul %convert_element_type3A_283, %get3A_292, %dot_general3A_293 {dimension_numbers = #tpu.dot_dimension_numbers<[0], [0], [1], [1], [0, 1, 1, 1], [], []>, transpose_lhs_hint = false} : vector<1000x64xf32>, vector<1000x128xf32>, vector<64x128xf32> -> vector<64x128xf32>
    %add3A_295 = arith.addf %add3A_261, %dot_general3A_294 : vector<64x128xf32>
    %get3A_296 = arith.constant 8000 : index
    %get3A_297 = arith.constant 0 : index
    %get3A_298 = vector.load %arg3[%get3A_296, %get3A_297] : memref<10000x128xf32, #tpu.memory_space<vmem>>, vector<1000x128xf32>
    %dot_general3A_299 = arith.constant dense<0.000000e+00> : vector<64x128xf32>
    %dot_general3A_300 = tpu.matmul %convert_element_type3A_283, %get3A_298, %dot_general3A_299 {dimension_numbers = #tpu.dot_dimension_numbers<[0], [0], [1], [1], [0, 1, 1, 1], [], []>, transpose_lhs_hint = false} : vector<1000x64xf32>, vector<1000x128xf32>, vector<64x128xf32> -> vector<64x128xf32>
    %add3A_301 = arith.addf %add3A_267, %dot_general3A_300 : vector<64x128xf32>
    %broadcast_in_dim3A_302 = arith.constant 1.000000e+00 : f32
    %broadcast_in_dim3A_303 = vector.broadcast %broadcast_in_dim3A_302 : f32 to vector<1000x128xf32>
    %dot_general3A_304 = arith.constant dense<0.000000e+00> : vector<64x128xf32>
    %dot_general3A_305 = tpu.matmul %convert_element_type3A_283, %broadcast_in_dim3A_303, %dot_general3A_304 {dimension_numbers = #tpu.dot_dimension_numbers<[0], [0], [1], [1], [0, 1, 1, 1], [], []>, transpose_lhs_hint = false} : vector<1000x64xf32>, vector<1000x128xf32>, vector<64x128xf32> -> vector<64x128xf32>
    %add3A_306 = arith.addf %add3A_272, %dot_general3A_305 : vector<64x128xf32>
    %get3A_307 = arith.constant 9 : index
    %get3A_308 = arith.constant 0 : index
    %get3A_309 = arith.constant 0 : index
    %get3A_310 = vector.load %arg4[%get3A_307, %get3A_308, %get3A_309] : memref<10x1x1000xi32, #tpu.memory_space<vmem>>, vector<1x1x1000xi32>
    %get3A_311 = vector.shape_cast %get3A_310 : vector<1x1x1000xi32> to vector<1000xi32>
    %broadcast_in_dim3A_312 = vector.shape_cast %get3A_311 : vector<1000xi32> to vector<1000x1xi32>
    %iota3A_313 = tpu.iota {dimensions = array<i32: 1>} : vector<1000x64xi32>
    %eq3A_314 = vector.broadcast %broadcast_in_dim3A_312 : vector<1000x1xi32> to vector<1000x64xi32>
    %eq3A_315 = arith.cmpi eq, %eq3A_314, %iota3A_313 : vector<1000x64xi32>
    %convert_element_type3A_316 = arith.extui %eq3A_315 : vector<1000x64xi1> to vector<1000x64xi32>
    %convert_element_type3A_317 = arith.sitofp %convert_element_type3A_316 : vector<1000x64xi32> to vector<1000x64xf32>
    %get3A_318 = arith.constant 9000 : index
    %get3A_319 = arith.constant 0 : index
    %get3A_320 = vector.load %arg1[%get3A_318, %get3A_319] : memref<10000x128xf32, #tpu.memory_space<vmem>>, vector<1000x128xf32>
    %dot_general3A_321 = arith.constant dense<0.000000e+00> : vector<64x128xf32>
    %dot_general3A_322 = tpu.matmul %convert_element_type3A_317, %get3A_320, %dot_general3A_321 {dimension_numbers = #tpu.dot_dimension_numbers<[0], [0], [1], [1], [0, 1, 1, 1], [], []>, transpose_lhs_hint = false} : vector<1000x64xf32>, vector<1000x128xf32>, vector<64x128xf32> -> vector<64x128xf32>
    %add3A_323 = arith.addf %add3A_289, %dot_general3A_322 : vector<64x128xf32>
    %get3A_324 = arith.constant 9000 : index
    %get3A_325 = arith.constant 0 : index
    %get3A_326 = vector.load %arg2[%get3A_324, %get3A_325] : memref<10000x128xf32, #tpu.memory_space<vmem>>, vector<1000x128xf32>
    %dot_general3A_327 = arith.constant dense<0.000000e+00> : vector<64x128xf32>
    %dot_general3A_328 = tpu.matmul %convert_element_type3A_317, %get3A_326, %dot_general3A_327 {dimension_numbers = #tpu.dot_dimension_numbers<[0], [0], [1], [1], [0, 1, 1, 1], [], []>, transpose_lhs_hint = false} : vector<1000x64xf32>, vector<1000x128xf32>, vector<64x128xf32> -> vector<64x128xf32>
    %add3A_329 = arith.addf %add3A_295, %dot_general3A_328 : vector<64x128xf32>
    %get3A_330 = arith.constant 9000 : index
    %get3A_331 = arith.constant 0 : index
    %get3A_332 = vector.load %arg3[%get3A_330, %get3A_331] : memref<10000x128xf32, #tpu.memory_space<vmem>>, vector<1000x128xf32>
    %dot_general3A_333 = arith.constant dense<0.000000e+00> : vector<64x128xf32>
    %dot_general3A_334 = tpu.matmul %convert_element_type3A_317, %get3A_332, %dot_general3A_333 {dimension_numbers = #tpu.dot_dimension_numbers<[0], [0], [1], [1], [0, 1, 1, 1], [], []>, transpose_lhs_hint = false} : vector<1000x64xf32>, vector<1000x128xf32>, vector<64x128xf32> -> vector<64x128xf32>
    %add3A_335 = arith.addf %add3A_301, %dot_general3A_334 : vector<64x128xf32>
    %broadcast_in_dim3A_336 = arith.constant 1.000000e+00 : f32
    %broadcast_in_dim3A_337 = vector.broadcast %broadcast_in_dim3A_336 : f32 to vector<1000x128xf32>
    %dot_general3A_338 = arith.constant dense<0.000000e+00> : vector<64x128xf32>
    %dot_general3A_339 = tpu.matmul %convert_element_type3A_317, %broadcast_in_dim3A_337, %dot_general3A_338 {dimension_numbers = #tpu.dot_dimension_numbers<[0], [0], [1], [1], [0, 1, 1, 1], [], []>, transpose_lhs_hint = false} : vector<1000x64xf32>, vector<1000x128xf32>, vector<64x128xf32> -> vector<64x128xf32>
    %add3A_340 = arith.addf %add3A_306, %dot_general3A_339 : vector<64x128xf32>
    %slice3A = vector.extract_strided_slice %add3A_340 {offsets = [0, 0], sizes = [64, 1], strides = [1, 1]} : vector<64x128xf32> to vector<64x1xf32>
    %max3A = arith.constant 1.000000e+00 : f32
    %max3A_341 = vector.broadcast %max3A : f32 to vector<64x1xf32>
    %max3A_342 = arith.maximumf %slice3A, %max3A_341 : vector<64x1xf32>
    %concatenate3A = tpu.concatenate %add3A_323, %add3A_329, %add3A_335 in 1 : vector<64x128xf32>, vector<64x128xf32>, vector<64x128xf32> -> vector<64x384xf32>
    %div3A = vector.broadcast %max3A_342 : vector<64x1xf32> to vector<64x384xf32>
    %div3A_343 = arith.divf %concatenate3A, %div3A : vector<64x384xf32>
    %get3A_344 = arith.constant 0 : index
    %get3A_345 = arith.constant 0 : index
    %get3A_346 = vector.load %arg5[%get3A_344, %get3A_345] : memref<384x128xf32, #tpu.memory_space<vmem>>, vector<384x128xf32>
    %dot_general3A_347 = arith.constant dense<0.000000e+00> : vector<64x128xf32>
    %dot_general3A_348 = tpu.matmul %div3A_343, %get3A_346, %dot_general3A_347 {dimension_numbers = #tpu.dot_dimension_numbers<[1], [0], [0], [1], [0, 0, 1, 1], [], []>, transpose_lhs_hint = false} : vector<64x384xf32>, vector<384x128xf32>, vector<64x128xf32> -> vector<64x128xf32>
    %get3A_349 = arith.constant 0 : index
    %get3A_350 = vector.load %arg6[%get3A_349] : memref<128xf32, #tpu.memory_space<vmem>>, vector<128xf32>
    %broadcast_in_dim3A_351 = vector.shape_cast %get3A_350 : vector<128xf32> to vector<1x128xf32>
    %add3A_352 = vector.broadcast %broadcast_in_dim3A_351 : vector<1x128xf32> to vector<64x128xf32>
    %add3A_353 = arith.addf %dot_general3A_348, %add3A_352 : vector<64x128xf32>
    %get3A_354 = arith.constant 0 : index
    %get3A_355 = arith.constant 0 : index
    %get3A_356 = vector.load %arg7[%get3A_354, %get3A_355] : memref<128x32xf32, #tpu.memory_space<vmem>>, vector<128x32xf32>
    %dot_general3A_357 = arith.constant dense<0.000000e+00> : vector<64x32xf32>
    %dot_general3A_358 = tpu.matmul %add3A_353, %get3A_356, %dot_general3A_357 {dimension_numbers = #tpu.dot_dimension_numbers<[1], [0], [0], [1], [0, 0, 1, 1], [], []>, transpose_lhs_hint = false} : vector<64x128xf32>, vector<128x32xf32>, vector<64x32xf32> -> vector<64x32xf32>
    %get3A_359 = arith.constant 0 : index
    %get3A_360 = vector.load %arg8[%get3A_359] : memref<32xf32, #tpu.memory_space<vmem>>, vector<32xf32>
    %broadcast_in_dim3A_361 = vector.shape_cast %get3A_360 : vector<32xf32> to vector<1x32xf32>
    %add3A_362 = vector.broadcast %broadcast_in_dim3A_361 : vector<1x32xf32> to vector<64x32xf32>
    %add3A_363 = arith.addf %dot_general3A_358, %add3A_362 : vector<64x32xf32>
    %reduce_sum3A = arith.constant dense<0.000000e+00> : vector<32xf32>
    %reduce_sum3A_364 = vector.multi_reduction <add>, %add3A_363, %reduce_sum3A [0] : vector<64x32xf32> to vector<32xf32>
    %broadcast_in_dim3A_365 = vector.shape_cast %reduce_sum3A_364 : vector<32xf32> to vector<1x32xf32>
    %div3A_366 = arith.constant 6.400000e+01 : f32
    %div3A_367 = vector.broadcast %div3A_366 : f32 to vector<1x32xf32>
    %div3A_368 = arith.divf %broadcast_in_dim3A_365, %div3A_367 : vector<1x32xf32>
    %sub3A = vector.broadcast %div3A_368 : vector<1x32xf32> to vector<64x32xf32>
    %sub3A_369 = arith.subf %add3A_363, %sub3A : vector<64x32xf32>
    %integer_pow3A = arith.mulf %sub3A_369, %sub3A_369 : vector<64x32xf32>
    %reduce_sum3A_370 = arith.constant dense<0.000000e+00> : vector<32xf32>
    %reduce_sum3A_371 = vector.multi_reduction <add>, %integer_pow3A, %reduce_sum3A_370 [0] : vector<64x32xf32> to vector<32xf32>
    %broadcast_in_dim3A_372 = vector.shape_cast %reduce_sum3A_371 : vector<32xf32> to vector<1x32xf32>
    %div3A_373 = arith.constant 6.400000e+01 : f32
    %div3A_374 = vector.broadcast %div3A_373 : f32 to vector<1x32xf32>
    %div3A_375 = arith.divf %broadcast_in_dim3A_372, %div3A_374 : vector<1x32xf32>
    %sub3A_376 = vector.broadcast %div3A_368 : vector<1x32xf32> to vector<64x32xf32>
    %sub3A_377 = arith.subf %add3A_363, %sub3A_376 : vector<64x32xf32>
    %add3A_378 = arith.constant 9.99999974E-6 : f32
    %add3A_379 = vector.broadcast %add3A_378 : f32 to vector<1x32xf32>
    %add3A_380 = arith.addf %div3A_375, %add3A_379 : vector<1x32xf32>
    %sqrt3A = math.sqrt %add3A_380 : vector<1x32xf32>
    %div3A_381 = vector.broadcast %sqrt3A : vector<1x32xf32> to vector<64x32xf32>
    %div3A_382 = arith.divf %sub3A_377, %div3A_381 : vector<64x32xf32>
    %get3A_383 = arith.constant 0 : index
    %get3A_384 = vector.load %arg9[%get3A_383] : memref<32xf32, #tpu.memory_space<vmem>>, vector<32xf32>
    %broadcast_in_dim3A_385 = vector.shape_cast %get3A_384 : vector<32xf32> to vector<1x32xf32>
    %mul3A = vector.broadcast %broadcast_in_dim3A_385 : vector<1x32xf32> to vector<64x32xf32>
    %mul3A_386 = arith.mulf %div3A_382, %mul3A : vector<64x32xf32>
    %get3A_387 = arith.constant 0 : index
    %get3A_388 = vector.load %arg10[%get3A_387] : memref<32xf32, #tpu.memory_space<vmem>>, vector<32xf32>
    %broadcast_in_dim3A_389 = vector.shape_cast %get3A_388 : vector<32xf32> to vector<1x32xf32>
    %add3A_390 = vector.broadcast %broadcast_in_dim3A_389 : vector<1x32xf32> to vector<64x32xf32>
    %add3A_391 = arith.addf %mul3A_386, %add3A_390 : vector<64x32xf32>
    %ge3A = arith.constant 0.000000e+00 : f32
    %ge3A_392 = vector.broadcast %ge3A : f32 to vector<64x32xf32>
    %ge3A_393 = arith.cmpf oge, %add3A_391, %ge3A_392 : vector<64x32xf32>
    %mul3A_394 = arith.constant 0.00999999977 : f32
    %mul3A_395 = vector.broadcast %mul3A_394 : f32 to vector<64x32xf32>
    %mul3A_396 = arith.mulf %mul3A_395, %add3A_391 : vector<64x32xf32>
    %select_n3A = arith.select %ge3A_393, %add3A_391, %mul3A_396 : vector<64x32xi1>, vector<64x32xf32>
    %get3A_397 = arith.constant 0 : index
    %get3A_398 = arith.constant 0 : index
    %get3A_399 = vector.load %arg11[%get3A_397, %get3A_398] : memref<32x2xf32, #tpu.memory_space<vmem>>, vector<32x2xf32>
    %dot_general3A_400 = arith.constant dense<0.000000e+00> : vector<64x2xf32>
    %dot_general3A_401 = tpu.matmul %select_n3A, %get3A_399, %dot_general3A_400 {dimension_numbers = #tpu.dot_dimension_numbers<[1], [0], [0], [1], [0, 0, 1, 1], [], []>, transpose_lhs_hint = false} : vector<64x32xf32>, vector<32x2xf32>, vector<64x2xf32> -> vector<64x2xf32>
    %get3A_402 = arith.constant 0 : index
    %get3A_403 = vector.load %arg12[%get3A_402] : memref<2xf32, #tpu.memory_space<vmem>>, vector<2xf32>
    %broadcast_in_dim3A_404 = vector.shape_cast %get3A_403 : vector<2xf32> to vector<1x2xf32>
    %add3A_405 = vector.broadcast %broadcast_in_dim3A_404 : vector<1x2xf32> to vector<64x2xf32>
    %add3A_406 = arith.addf %dot_general3A_401, %add3A_405 : vector<64x2xf32>
    %reduce_max3A = arith.constant dense<0xFF800000> : vector<64xf32>
    %reduce_max3A_407 = vector.multi_reduction <maximumf>, %add3A_406, %reduce_max3A [1] : vector<64x2xf32> to vector<64xf32>
    %broadcast_in_dim3A_408 = vector.shape_cast %reduce_max3A_407 : vector<64xf32> to vector<64x1xf32>
    %sub3A_409 = vector.broadcast %broadcast_in_dim3A_408 : vector<64x1xf32> to vector<64x2xf32>
    %sub3A_410 = arith.subf %add3A_406, %sub3A_409 : vector<64x2xf32>
    %exp3A = math.exp %sub3A_410 : vector<64x2xf32>
    %reduce_sum3A_411 = arith.constant dense<0.000000e+00> : vector<64xf32>
    %reduce_sum3A_412 = vector.multi_reduction <add>, %exp3A, %reduce_sum3A_411 [1] : vector<64x2xf32> to vector<64xf32>
    %broadcast_in_dim3A_413 = vector.shape_cast %reduce_sum3A_412 : vector<64xf32> to vector<64x1xf32>
    %log3A = math.log %broadcast_in_dim3A_413 : vector<64x1xf32>
    %sub3A_414 = vector.broadcast %log3A : vector<64x1xf32> to vector<64x2xf32>
    %sub3A_415 = arith.subf %sub3A_410, %sub3A_414 : vector<64x2xf32>
    %swap3A = arith.constant 0 : index
    %swap3A_416 = arith.constant 0 : index
    %swap3A_417 = vector.load %arg13[%swap3A, %swap3A_416] : memref<64x2xf32, #tpu.memory_space<vmem>>, vector<64x2xf32>
    tpu.vector_store %arg13[%swap3A, %swap3A_416], %sub3A_415 {strides = array<i32>} : memref<64x2xf32, #tpu.memory_space<vmem>>, vector<64x2xf32>,
    return
  }
  func.func @transform_0(%arg0: i32) -> (i32, i32) {
    %c0_i32 = arith.constant 0 : i32
    %c0_i32_0 = arith.constant 0 : i32
    %c0_i32_1 = arith.constant 0 : i32
    return %c0_i32, %c0_i32_0 : i32, i32
  }
  func.func @transform_1(%arg0: i32) -> (i32, i32) {
    %c0_i32 = arith.constant 0 : i32
    %c0_i32_0 = arith.constant 0 : i32
    %c0_i32_1 = arith.constant 0 : i32
    return %c0_i32, %c0_i32_0 : i32, i32
  }
  func.func @transform_2(%arg0: i32) -> (i32, i32) {
    %c0_i32 = arith.constant 0 : i32
    %c0_i32_0 = arith.constant 0 : i32
    %c0_i32_1 = arith.constant 0 : i32
    return %c0_i32, %c0_i32_0 : i32, i32
  }
  func.func @transform_3(%arg0: i32) -> (i32, i32, i32) {
    %c0_i32 = arith.constant 0 : i32
    %c0_i32_0 = arith.constant 0 : i32
    %c0_i32_1 = arith.constant 0 : i32
    %c0_i32_2 = arith.constant 0 : i32
    return %c0_i32, %c0_i32_0, %c0_i32_1 : i32, i32, i32
  }
  func.func @transform_4(%arg0: i32) -> (i32, i32) {
    %c0_i32 = arith.constant 0 : i32
    %c0_i32_0 = arith.constant 0 : i32
    %c0_i32_1 = arith.constant 0 : i32
    return %c0_i32, %c0_i32_0 : i32, i32
  }
  func.func @transform_5(%arg0: i32) -> i32 {
    %c0_i32 = arith.constant 0 : i32
    %c0_i32_0 = arith.constant 0 : i32
    return %c0_i32 : i32
  }
  func.func @transform_6(%arg0: i32) -> (i32, i32) {
    %c0_i32 = arith.constant 0 : i32
    %c0_i32_0 = arith.constant 0 : i32
    %c0_i32_1 = arith.constant 0 : i32
    return %c0_i32, %c0_i32_0 : i32, i32
  }
  func.func @transform_7(%arg0: i32) -> i32 {
    %c0_i32 = arith.constant 0 : i32
    %c0_i32_0 = arith.constant 0 : i32
    return %c0_i32 : i32
  }
  func.func @transform_8(%arg0: i32) -> i32 {
    %c0_i32 = arith.constant 0 : i32
    %c0_i32_0 = arith.constant 0 : i32
    return %c0_i32 : i32
  }
  func.func @transform_9(%arg0: i32) -> i32 {
    %c0_i32 = arith.constant 0 : i32
    %c0_i32_0 = arith.constant 0 : i32
    return %c0_i32 : i32
  }
  func.func @transform_10(%arg0: i32) -> (i32, i32) {
    %c0_i32 = arith.constant 0 : i32
    %c0_i32_0 = arith.constant 0 : i32
    %c0_i32_1 = arith.constant 0 : i32
    return %c0_i32, %c0_i32_0 : i32, i32
  }
  func.func @transform_11(%arg0: i32) -> i32 {
    %c0_i32 = arith.constant 0 : i32
    %c0_i32_0 = arith.constant 0 : i32
    return %c0_i32 : i32
  }
  func.func @transform_12(%arg0: i32) -> (i32, i32) {
    %c0_i32 = arith.constant 0 : i32
    %c0_i32_0 = arith.constant 0 : i32
    %c0_i32_1 = arith.constant 0 : i32
    return %c0_i32, %c0_i32_0 : i32, i32
  }
}

</mosaic_0001>

<sc_bundles>
// kernel: kernel.13.cloned.1.call-start
scs
__scs_entry_jumppad:
0x0: {  	(pc) =	sbr.rel $0x88, $3  }
0x1: {  	(tag) =	ssettag $0x0;
	lr =	simm.s32 $0x1  }
0x2: {  	[smem:$0x3F83] =	sst lr;
	_ =	strace $0xD0000000  }
0x3: {  	_ = 	snop  }
0x4: {  	_ = 	snop  }
0x5: {  	_ = 	snop  }
0x6: {  	_ = 	snop  }
0x7: {  	_ = 	snop  }
__scs_overlays_trampoline_lowered:
0x8: {  	[smem:$0x3F92] =	sst s0  }
0x9: {  	[smem:$0x3F93] =	sst s1  }
0xa: {  	[smem:$0x3F94] =	sst s2  }
0xb: {  	[smem:$0x3F95] =	sst s3  }
0xc: {  	[smem:$0x3F96] =	sst s4  }
0xd: {  	[smem:$0x3F97] =	sst s5  }
0xe: {  	[smem:$0x3F98] =	sst s6  }
0xf: {  	[smem:$0x3F99] =	sst s7  }
0x10: {  	[smem:$0x3F9A] =	sst s8  }
0x11: {  	[smem:$0x3F9B] =	sst s9;
	s0 =	simm.s32 @!p0 $0x0  }
0x12: {  	s1 =	sld [smem:$0x3F81];
	s0 =	simm.s32 @p0 $0x1  }
0x13: {  	[smem:$0x3F9C] =	sst s0;
	s0 =	simm.s32 @!p1 $0x0  }
0x14: {  	s2 =	sld [smem:$0x3F80];
	s0 =	simm.s32 @p1 $0x1  }
0x15: {  	[smem:$0x3F9D] =	sst s0;
	s0 =	simm.s32 @!p2 $0x0  }
0x16: {  	s3 =	sld [smem:$0x3FDB];
	s0 =	simm.s32 @p2 $0x1  }
0x17: {  	s4 =	simm.s32 $0x1BF5;
	[smem:$0x3F9F] =	sst s0  }
0x18: {  	s0 =	sld [smem:$0x3F82];
	_ =	swait.ge [sflag:s4], $0x0  }
0x19: {  	s7 =	sld [smem:$0x3F83]  }
0x1a: {  	s8 =	sadd.s32 $0xFFFFE003, lr  }
0x1b: {  	s9 =	sadd.s32 $0xFFFFFEF7, lr;
	s5 =	simm.s32 $0xFFFFFFFF;
	p2 =	slt.u32 s8, $0xFFFFF086  }
0x1c: {  	p1 =	slt.u32 s9, $0xF7A;
	s5 =	simm.s32 @!p2 $0x0  }
0x1d: {  	s5 =	simm.s32 @p1 $0x1;
	p0 =	seq.s32 s7, s2  }
0x1e: {  	s7 =	smul.u32 @!p0 $0xF7A, s2;
	p2 =	seq.s32 @!p0 s5, $0x0  }
0x1f: {  	s9 =	smul.u32 $0xF7A, s1;
	s8 =	simm.s32 @!p0 $0x1BF5;
	p2 =	por !p2, p0  }
0x20: {  	[sflag:s8] =	ssyncset.s32 @!p0 $0xFFFFF086;
	s6 =	sadd.s32 @!p0 s3, s7;
	s7 =	simm.s32 @!p0 $0x108  }
0x21: {  	s3 =	sadd.s32 s3, s9;
	s6 =	sadd.s32 @!p0 $0x88, s6;
	s7 =	simm.s32 @p2 $0x1082  }
0x22: {  	[simem:s7], [sflag:s8] =	dma.local @!p0 [hbm:s6], $0xF7A  }
0x23: {  	s9 =	sor.u32 $0xD0000000, s2;
	s6 =	simm.s32 $0x108;
	_ =	swait.ge @!p0 [sflag:s8], $0x0  }
0x24: {  	s3 =	sadd.s32 $0x88, s3;
	s6 =	simm.s32 @!p1 $0x1082;
	[sflag:s4] =	ssyncset.s32 $0xFFFFF086  }
0x25: {  	[simem:s6], [sflag:s4] =	dma.local [hbm:s3], $0xF7A  }
0x26: {  	[smem:$0x3F83] =	sst s1;
	(tag) =	ssettag s2;
	_ =	strace s9  }
0x27: {  	s1 =	sld [smem:$0x3F93]  }
0x28: {  	s2 =	sld [smem:$0x3F94]  }
0x29: {  	s4 =	sld [smem:$0x3F96]  }
0x2a: {  	p0 =	seq.s32 s5, $0x0;
	s5 =	sld [smem:$0x3F97]  }
0x2b: {  	s6 =	sld [smem:$0x3F98]  }
0x2c: {  	s7 =	sld [smem:$0x3F99]  }
0x2d: {  	s3 =	simm.s32 $0x108;
	s8 =	sld [smem:$0x3F9A]  }
0x2e: {  	s3 =	simm.s32 @!p0 $0x1082;
	s9 =	sld [smem:$0x3F9B]  }
0x2f: {  	lr =	sadd.s32 s0, s3;
	s0 =	sld [smem:$0x3F92]  }
0x30: {  	s3 =	sld [smem:$0x3F95]  }
0x31: {  	[smem:$0x3F9E] =	sst s10  }
0x32: {  	s10 =	sld [smem:$0x3F9C];
	_ =	sdelay $0x3  }
0x33: {  	p0 =	seq.s32 s10, $0x1;
	s10 =	sld [smem:$0x3F9E];
	_ =	sdelay $0x3  }
0x34: {  	[smem:$0x3F9E] =	sst s10  }
0x35: {  	s10 =	sld [smem:$0x3F9D];
	_ =	sdelay $0x3  }
0x36: {  	p1 =	seq.s32 s10, $0x1;
	s10 =	sld [smem:$0x3F9E];
	_ =	sdelay $0x3  }
0x37: {  	[smem:$0x3F9E] =	sst s10  }
0x38: {  	s10 =	sld [smem:$0x3F9F]  }
0x39: {  	_ = 	snop;
	(pc) =	sbr.ind lr, $3  }
0x3a: {  	_ = 	snop  }
0x3b: {  	_ = 	snop  }
0x3c: {  	p2 =	seq.s32 s10, $0x1;
	s10 =	sld [smem:$0x3F9E]  }
0x3d: {  	_ =	shalt  }
0x3e: {  	_ =	shalt  }
0x3f: {  	_ =	shalt  }
0x40: {  	_ =	shalt  }
0x41: {  	_ =	shalt  }
0x42: {  	_ =	shalt  }
0x43: {  	_ =	shalt  }
0x44: {  	_ =	shalt  }
0x45: {  	_ =	shalt  }
0x46: {  	_ =	shalt  }
0x47: {  	_ =	shalt  }
0x48: {  	_ =	shalt  }
0x49: {  	_ =	shalt  }
0x4a: {  	_ =	shalt  }
0x4b: {  	_ =	shalt  }
0x4c: {  	_ =	shalt  }
0x4d: {  	_ =	shalt  }
0x4e: {  	_ =	shalt  }
0x4f: {  	_ =	shalt  }
0x50: {  	_ =	shalt  }
0x51: {  	_ =	shalt  }
0x52: {  	_ =	shalt  }
0x53: {  	_ =	shalt  }
0x54: {  	_ =	shalt  }
0x55: {  	_ =	shalt  }
0x56: {  	_ =	shalt  }
0x57: {  	_ =	shalt  }
0x58: {  	_ =	shalt  }
0x59: {  	_ =	shalt  }
0x5a: {  	_ =	shalt  }
0x5b: {  	_ =	shalt  }
0x5c: {  	_ =	shalt  }
0x5d: {  	_ =	shalt  }
0x5e: {  	_ =	shalt  }
0x5f: {  	_ =	shalt  }
0x60: {  	_ =	shalt  }
0x61: {  	_ =	shalt  }
0x62: {  	_ =	shalt  }
0x63: {  	_ =	shalt  }
0x64: {  	_ =	shalt  }
0x65: {  	_ =	shalt  }
0x66: {  	_ =	shalt  }
0x67: {  	_ =	shalt  }
0x68: {  	_ =	shalt  }
0x69: {  	_ =	shalt  }
0x6a: {  	_ =	shalt  }
0x6b: {  	_ =	shalt  }
0x6c: {  	_ =	shalt  }
0x6d: {  	_ =	shalt  }
0x6e: {  	_ =	shalt  }
0x6f: {  	_ =	shalt  }
0x70: {  	_ =	shalt  }
0x71: {  	_ =	shalt  }
0x72: {  	_ =	shalt  }
0x73: {  	_ =	shalt  }
0x74: {  	_ =	shalt  }
0x75: {  	_ =	shalt  }
0x76: {  	_ =	shalt  }
0x77: {  	_ =	shalt  }
0x78: {  	_ =	shalt  }
0x79: {  	_ =	shalt  }
0x7a: {  	_ =	shalt  }
0x7b: {  	_ =	shalt  }
0x7c: {  	_ =	shalt  }
0x7d: {  	_ =	shalt  }
0x7e: {  	_ =	shalt  }
0x7f: {  	_ =	shalt  }
0x80: {  	_ =	shalt  }
0x81: {  	_ =	shalt  }
0x82: {  	_ =	shalt  }
0x83: {  	_ =	shalt  }
0x84: {  	_ =	shalt  }
0x85: {  	_ =	shalt  }
0x86: {  	_ =	shalt  }
0x87: {  	_ =	shalt  }
.Lfunc_end0:
.L_simem_size_0:
called_computation_lowered:
.L_overlay_start_0:
0x88: {  	s2 =	sld [smem:$0x3FD9]  }
0x89: {  	s3 =	sld [smem:$0x3FFE];
	_ =	sdelay $0x1  }
0x8a: {  	s1 =	srdreg.scid  }
0x8b: {  	s0 =	sand.u32 $0x1, s1  }
0x8c: {  	s17 =	sshll.u32 s0, $0xA;
	s2 =	sadd.s32 s3, s2  }
0x8d: {  	s2 =	sadd.s32 s2, s17  }
0x8e: {  	[smem:$0x3FAA] =	sst s2  }
0x8f: {  	_ = 	snop  }
0x90: {  	s2 =	sld [smem:$0x3FC9];
	(tm) =	ssettm $0x1  }
0x91: {  	s18 =	sld [smem:$0x3FFB];
	_ =	sdelay $0x3  }
0x92: {  	_ =	strace s18  }
0x93: {  	s3 =	sld [smem:$0x3FFC];
	_ =	sdelay $0x3  }
0x94: {  	_ =	strace s3  }
0x95: {  	s3 =	sld [smem:$0x3FFD];
	_ =	sdelay $0x3  }
0x96: {  	_ =	strace s3  }
0x97: {  	_ =	strace $0x8FFFFFFF  }
0x98: {  	s19 =	sld [smem:$0x3FDB];
	_ =	sdelay $0x1  }
0x99: {  	s4 =	simm.s32 $_scs_section_size  }
0x9a: {  	s5 =	simm.s32 $_size__tile_overlayer_lowered;
	s6 =	simm.s32 $_tile_overlayer_lowered  }
0x9b: {  	s22 =	simm.s32 $0x1BFF;
	s21 =	sshll.u32 s6, $0x1;
	s3 =	sadd.s32 s4, s19  }
0x9c: {  	s7 =	simm.s32 $0x0;
	s20 =	sshll.u32 s5, $0x1;
	s5 =	sadd.s32 s21, s3  }
0x9d: {  	[timem:s7], [sflag:s22] =	dma.local [hbm:s5], s20  }
0x9e: {  	_ =	swait.ge [sflag:s22], s20  }
0x9f: {  	s4 =	ssub.s32 $0x0, s20;
	[sflag:s22] =	ssyncset.done $0x0  }
0xa0: {  	[sflag:s22] =	ssyncadd.s32 s4;
	_ =	sdelay $0x1  }
0xa1: {  	s23 =	simm.s32 $0x1B8B  }
0xa2: {  	_ =	swait.ge [sflag:s23], $0x1  }
0xa3: {  	[sflag:s23] =	ssyncset.done $0x0  }
0xa4: {  	s25 =	simm.s32 $0x1B8E;
	s24 =	sld [smem:$0x3FFE];
	[sflag:s23] =	ssyncadd.s32 $0xFFFFFFFF  }
0xa5: {  	s26 =	simm.s32 $execute0_lowered;
	[smem:$0x3FD2] =	sst s25  }
0xa6: {  	s5 =	sshll.u32 s26, $0x1;
	_ =	strace $0x80000046;
	[dreg:$0x1] =	wrdreg $0xFFFFFFFF  }
0xa7: {  	s28 =	simm.s32 $_size_execute0_lowered;
	s3 =	sadd.s32 s3, s5;
	[dreg:$0x0] =	wrdreg $0x0  }
0xa8: {  	s5 =	sshll.u32 s28, $0x1;
	[dreg:$0x2] =	wrdreg s3  }
0xa9: {  	[dreg:$0x3] =	wrdreg s5  }
0xaa: {  	[dreg:$0x4] =	wrdreg $0xC0  }
0xab: {  	_ =	task [dreg:s7], $0x5FFFF  }
0xac: {  	[dreg:$0x1] =	wrdreg $0xFFFFFFFF  }
0xad: {  	[dreg:$0x0] =	wrdreg $0x60  }
0xae: {  	[dreg:$0x2] =	wrdreg s2  }
0xaf: {  	[dreg:$0x3] =	wrdreg s24  }
0xb0: {  	[dreg:$0x4] =	wrdreg $0x51000  }
0xb1: {  	[dreg:$0x5] =	wrdreg $0x9  }
0xb2: {  	_ =	task.clear_ibuf [dreg:s7], $0x6FFFF;
	_ =	strace $0x90000046  }
0xb3: {  	s29 =	simm.s32 $0x9;
	_ =	strace $0x80000048  }
0xb4: {  	_ =	swait.ge [sflag:s29], $0x1  }
0xb5: {  	[sflag:s29] =	ssyncadd.s32 $0xFFFFFFFF  }
0xb6: {  	_ =	strace $0x90000048  }
0xb7: {  	_ =	sfence  }
0xb8: {  	s30 =	sld [smem:$0x0];
	_ =	sdelay $0x2  }
0xb9: {  	s31 =	sshll.u32 s1, $0xD;
	s1 =	sshrl.u32 s1, $0x2  }
0xba: {  	s3 =	sand.u32 $0x4000, s31;
	s1 =	sadd.s32 s1, s30  }
0xbb: {  	s0 =	sor.u32 s3, s0;
	s1 =	sshll.u32 s1, $0x11  }
0xbc: {  	s0 =	sor.u32 s1, s0  }
0xbd: {  	s0 =	sadd.s32 $0x8F2B, s0  }
0xbe: {  	[sflag:s0] =	ssyncadd.remote.s32 $0x1  }
0xbf: {  	_ =	sfence.sel $0xFFFF  }
0xc0: {  	[dreg:$0x0] =	wrdreg $0xFFFFFFFF;
	(pc) =	sbr.abs _section_cstart, $3  }
0xc1: {  	[dreg:$0x1] =	wrdreg $0xFFFFFFFF  }
0xc2: {  	_ =	task.clear_ibuf [dreg:s7], $0x2FFFF;
	_ =	strace $0x9FFFFFFF  }
0xc3: {  	(tm) =	ssettm $0x7FFFFFFF  }
tec
execute0_lowered:
.L_overlay_start_1:
0x0: {  	(tag) =	ssettag $0x1  }
0x1: {  	s2 =	srdreg.scid;
	s1 =	rddreg [dreg:$0x0]  }
0x2: {  	s0 =	stileid.u32;
	s7 =	rddreg [dreg:$0x1]  }
0x3: {  	s3 =	rddreg [dreg:$0x2];
	s4 =	simm.s32 $0x0;
	s18 =	simm.s32 $0x2900  }
0x4: {  	s19 =	simm.s32 $0x2;
	s20 =	simm.s32 $0x50;
	s21 =	simm.s32 $0x100  }
0x5: {  	s22 =	simm.s32 $0x1;
	s23 =	simm.s32 $0x80;
	s6 =	sand.u32 $0x1, s2  }
0x6: {  	s28 =	sshll.u32 s0, $0x1;
	s2 =	rddreg [dreg:$0x3];
	s9 =	smul.u32 $0x14000, s0  }
0x7: {  	[smem:$0x7FF] =	sst s4;
	s10 =	smul.u32 $0x50000, s0;
	s14 =	sor.u32 s6, s28  }
0x8: {  	s8 =	smul.u32 $0x140000, s6;
	_ =	strace $0x80000047;
	s29 =	ssub.s32 $0x2, s6  }
0x9: {  	s5 =	smul.u32 $0x27100, s14;
	s30 =	sshrl.u32 s10, $0x2;
	s31 =	sshrl.u32 s29, $0x1  }
0xa: {  	s14 =	smul.u32 $0x7D00, s14;
	s8 =	sadd.s32 s9, s8;
	s6 =	sadd.s32 s30, s3  }
0xb: {  	s17 =	ssub.s32 s29, s31;
	s15 =	sadd.s32 s5, s7;
	s5 =	sadd.s32 $0x4E8000, s7  }
0xc: {  	s8 =	sshrl.u32 s8, $0x3;
	s9 =	sadd.s32 $0x7800, s6;
	s10 =	sadd.s32 $0xA000, s6  }
0xd: {  	s11 =	sadd.s32 $0xC800, s6;
	s12 =	sadd.s32 $0xF000, s6;
	s13 =	sadd.s32 $0x11800, s6  }
0xe: {  	s16 =	sadd.s32 s8, s7;
	s7 =	sadd.s32 $0x2800, s6;
	s8 =	sadd.s32 $0x5000, s6  }
0xf: {  	v0 =	vimm.f32 $0.0e+00;
	s17 =	smax.u32 s17, $0x1;
	s15 =	sadd.s32 $0x507400, s15;
	s16 =	sadd.s32 $0x9E9400, s16  }
.LBB2_1:
0x10: {  	s24 =	simm.s32 $0x0;
	s25 =	simm.s32 $0x200  }
.LBB2_2:
0x11: {  	p0 =	sne.s32 s25, $0x9E00;
	[tilespmem:s24+$0x2970] =	vst v0  }
0x12: {  	[tilespmem:s24+$0x2900] =	vst v0  }
0x13: {  	[tilespmem:s24+$0x2910] =	vst v0  }
.Ltmp0:
0x14: {  	[tilespmem:s24+$0x2920] =	vst v0;
	(pc) =	sbr.rel @p0 .LBB2_2-.Ltmp0, $4  }
0x15: {  	[tilespmem:s24+$0x2930] =	vst v0  }
0x16: {  	[tilespmem:s24+$0x2940] =	vst v0  }
0x17: {  	[tilespmem:s24+$0x2950] =	vst v0  }
0x18: {  	[tilespmem:s24+$0x2960] =	vst v0;
	s24 =	sshra.s32 s25, $0x2;
	s25 =	sadd.s32 $0x200, s25  }
0x19: {  	[tilespmem:s24+$0x2970] =	vst v0  }
0x1a: {  	[tilespmem:s24+$0x2900] =	vst v0  }
0x1b: {  	[tilespmem:s24+$0x2910] =	vst v0  }
0x1c: {  	[tilespmem:s24+$0x2920] =	vst v0  }
0x1d: {  	[tilespmem:s24+$0x2930] =	vst v0  }
0x1e: {  	[tilespmem:s24+$0x2940] =	vst v0  }
0x1f: {  	[tilespmem:s24+$0x2950] =	vst v0  }
0x20: {  	[tilespmem:s24+$0x2960] =	vst v0  }
0x21: {  	[spmem:s6] =	stream.linear.scatter [tilespmem:s18], [sflag:$0x2], $0x2800, $0x38;
	[tilespmem:$0x19100] =	vst v63  }
0x22: {  	_ =	swait.ge [sflag:s19], $0x2800  }
0x23: {  	[sflag:s19] =	ssyncset.done $0x0  }
0x24: {  	[sflag:s19] =	ssyncadd.s32 $0xFFFFD800  }
0x25: {  	[spmem:s7] =	stream.linear.scatter [tilespmem:s18], [sflag:$0x2], $0x2800, $0x38;
	[tilespmem:$0x19100] =	vst v63  }
0x26: {  	_ =	swait.ge [sflag:s19], $0x2800  }
0x27: {  	[sflag:s19] =	ssyncset.done $0x0  }
0x28: {  	[sflag:s19] =	ssyncadd.s32 $0xFFFFD800  }
0x29: {  	[spmem:s8] =	stream.linear.scatter [tilespmem:s18], [sflag:$0x2], $0x2800, $0x38;
	[tilespmem:$0x19100] =	vst v63  }
0x2a: {  	_ =	swait.ge [sflag:s19], $0x2800  }
0x2b: {  	[sflag:s19] =	ssyncset.done $0x0  }
0x2c: {  	[sflag:s19] =	ssyncadd.s32 $0xFFFFD800  }
0x2d: {  	[spmem:s9] =	stream.linear.scatter [tilespmem:s18], [sflag:$0x2], $0x2800, $0x38;
	[tilespmem:$0x19100] =	vst v63  }
0x2e: {  	_ =	swait.ge [sflag:s19], $0x2800  }
0x2f: {  	[sflag:s19] =	ssyncset.done $0x0  }
0x30: {  	[sflag:s19] =	ssyncadd.s32 $0xFFFFD800  }
0x31: {  	[spmem:s10] =	stream.linear.scatter [tilespmem:s18], [sflag:$0x2], $0x2800, $0x38;
	[tilespmem:$0x19100] =	vst v63  }
0x32: {  	_ =	swait.ge [sflag:s19], $0x2800  }
0x33: {  	[sflag:s19] =	ssyncset.done $0x0  }
0x34: {  	[sflag:s19] =	ssyncadd.s32 $0xFFFFD800  }
0x35: {  	[spmem:s11] =	stream.linear.scatter [tilespmem:s18], [sflag:$0x2], $0x2800, $0x38;
	[tilespmem:$0x19100] =	vst v63  }
0x36: {  	_ =	swait.ge [sflag:s19], $0x2800  }
0x37: {  	[sflag:s19] =	ssyncset.done $0x0  }
0x38: {  	[sflag:s19] =	ssyncadd.s32 $0xFFFFD800  }
0x39: {  	[spmem:s12] =	stream.linear.scatter [tilespmem:s18], [sflag:$0x2], $0x2800, $0x38;
	[tilespmem:$0x19100] =	vst v63  }
0x3a: {  	_ =	swait.ge [sflag:s19], $0x2800  }
0x3b: {  	[sflag:s19] =	ssyncset.done $0x0  }
0x3c: {  	[sflag:s19] =	ssyncadd.s32 $0xFFFFD800  }
0x3d: {  	[spmem:s13] =	stream.linear.scatter [tilespmem:s18], [sflag:$0x2], $0x2800, $0x38;
	[tilespmem:$0x19100] =	vst v63  }
0x3e: {  	_ =	swait.ge [sflag:s19], $0x2800  }
0x3f: {  	[sflag:s19] =	ssyncset.done $0x0  }
0x40: {  	[sflag:s19] =	ssyncadd.s32 $0xFFFFD800  }
0x41: {  	s24 =	simm.s32 $0x0;
	s25 =	simm.s32 $0x0;
	[bflag:$0x0] =	sbarrier.arrive $0xFFFF  }
.LBB2_4:
0x42: {  	s26 =	sshll.u32 s25, $0x8  }
0x43: {  	s26 =	sadd.s32 s14, s26  }
0x44: {  	s26 =	sshrl.u32 s26, $0x3  }
0x45: {  	s26 =	sadd.s32 s5, s26  }
0x46: {  	[tilespmem:s24], [sflag:$0x2] =	stream.linear.gather [hbm4b:s26+s24], $0x100, $0x38;
	[tilespmem:$0x19100] =	vst v63  }
0x47: {  	_ =	swait.ge [sflag:s19], $0x100  }
0x48: {  	[sflag:s19] =	ssyncset.done $0x0  }
0x49: {  	[sflag:s19] =	ssyncadd.s32 $0xFFFFFF00  }
0x4a: {  	[tilespmem:s21], [sflag:$0x1] =	stream.indirect.gather [hbm4b:s1+s20], $0x80, s24, s20, $0xb8;
	[tilespmem:$0x19100] =	vst v63  }
0x4b: {  	s31 =	smul.u32 $0x500, s25;
	_ =	swait.ge [sflag:s22], $0x2800  }
0x4c: {  	[sflag:s22] =	ssyncset.done $0x0  }
0x4d: {  	s26 =	sadd.s32 s15, s31;
	[sflag:s22] =	ssyncadd.s32 $0xFFFFD800  }
0x4e: {  	[tilespmem:s18], [sflag:$0x2] =	stream.linear.gather [hbm4b:s26+s24], $0x2800, $0x38;
	[tilespmem:$0x19100] =	vst v63  }
0x4f: {  	_ =	swait.ge [sflag:s19], $0x2800  }
0x50: {  	[sflag:s19] =	ssyncset.done $0x0  }
0x51: {  	s26 =	simm.s32 $0x0;
	[sflag:s19] =	ssyncadd.s32 $0xFFFFD800  }
0x52: {  	v7 =	vld [tilespmem:s26+$0x2900]  }
0x53: {  	v12 =	vld [tilespmem:s26+$0x2910]  }
0x54: {  	v6 =	vld [tilespmem:s26+$0x2920]  }
0x55: {  	v5 =	vld [tilespmem:s26+$0x2930]  }
0x56: {  	v4 =	vld [tilespmem:s26+$0x2940]  }
0x57: {  	v3 =	vld [tilespmem:s26+$0x2950]  }
0x58: {  	v2 =	vld [tilespmem:s26+$0x2960]  }
0x59: {  	v1 =	vld [tilespmem:s26+$0x2970]  }
0x5a: {  	v13 =	vld [tilespmem:s26+$0x100]  }
0x5b: {  	v14 =	vld [tilespmem:s26+$0x110]  }
0x5c: {  	v11 =	vld [tilespmem:s26+$0x120]  }
0x5d: {  	v10 =	vld [tilespmem:s26+$0x130]  }
0x5e: {  	v9 =	vld [tilespmem:s26+$0x140]  }
0x5f: {  	v8 =	vld [tilespmem:s26+$0x150];
	v13 =	vadd.f32 v7, v13  }
0x60: {  	s28 =	simm.s32 $0x200;
	v12 =	vadd.f32 v12, v14;
	v7 =	vld [tilespmem:s26+$0x160]  }
.LBB2_5:
0x61: {  	s29 =	sshra.s32 s28, $0x2;
	p0 =	sne.s32 s28, $0x9E00;
	v13 =	vmax.f32 v13, $0.0e+00;
	v6 =	vadd.f32 v6, v11;
	v11 =	vld [tilespmem:s26+$0x170]  }
0x62: {  	v14 =	vld [tilespmem:s29+$0x2900];
	[tilespmem:s26+$0x100] =	vst v13;
	v12 =	vmax.f32 v12, $0.0e+00;
	v5 =	vadd.f32 v5, v10  }
0x63: {  	v15 =	vld [tilespmem:s29+$0x2910];
	[tilespmem:s26+$0x110] =	vst v12;
	v10 =	vmax.f32 v6, $0.0e+00;
	v4 =	vadd.f32 v4, v9  }
0x64: {  	v6 =	vld [tilespmem:s29+$0x2920];
	[tilespmem:s26+$0x120] =	vst v10;
	v9 =	vmax.f32 v5, $0.0e+00;
	v3 =	vadd.f32 v3, v8  }
0x65: {  	v5 =	vld [tilespmem:s29+$0x2930];
	[tilespmem:s26+$0x130] =	vst v9;
	v8 =	vmax.f32 v4, $0.0e+00;
	v2 =	vadd.f32 v2, v7  }
0x66: {  	v4 =	vld [tilespmem:s29+$0x2940];
	[tilespmem:s26+$0x140] =	vst v8;
	v7 =	vmax.f32 v3, $0.0e+00;
	v1 =	vadd.f32 v1, v11  }
0x67: {  	v3 =	vld [tilespmem:s29+$0x2950];
	[tilespmem:s26+$0x150] =	vst v7;
	v7 =	vmax.f32 v2, $0.0e+00  }
0x68: {  	v2 =	vld [tilespmem:s29+$0x2960];
	[tilespmem:s26+$0x160] =	vst v7;
	v7 =	vmax.f32 v1, $0.0e+00  }
0x69: {  	v1 =	vld [tilespmem:s29+$0x2970];
	[tilespmem:s26+$0x170] =	vst v7;
	s26 =	smov.u32 s29  }
0x6a: {  	v7 =	vld [tilespmem:s26+$0x100]  }
0x6b: {  	v12 =	vld [tilespmem:s26+$0x110]  }
.Ltmp1:
0x6c: {  	v11 =	vld [tilespmem:s26+$0x120];
	(pc) =	sbr.rel @p0 .LBB2_5-.Ltmp1, $4  }
0x6d: {  	v10 =	vld [tilespmem:s26+$0x130]  }
0x6e: {  	v9 =	vld [tilespmem:s26+$0x140]  }
0x6f: {  	v13 =	vadd.f32 v14, v7;
	v8 =	vld [tilespmem:s26+$0x150]  }
0x70: {  	s28 =	sadd.s32 $0x200, s28;
	v12 =	vadd.f32 v15, v12;
	v7 =	vld [tilespmem:s26+$0x160]  }
0x71: {  	v13 =	vmax.f32 v13, $0.0e+00;
	v6 =	vadd.f32 v6, v11;
	v63 =	vld [tilespmem:s26+$0x170]  }
0x72: {  	[tilespmem:s26+$0x100] =	vst v13;
	v12 =	vmax.f32 v12, $0.0e+00;
	v5 =	vadd.f32 v5, v10  }
0x73: {  	[tilespmem:s26+$0x110] =	vst v12;
	v6 =	vmax.f32 v6, $0.0e+00;
	v4 =	vadd.f32 v4, v9  }
0x74: {  	[tilespmem:s26+$0x120] =	vst v6;
	v5 =	vmax.f32 v5, $0.0e+00;
	v3 =	vadd.f32 v3, v8  }
0x75: {  	[tilespmem:s26+$0x130] =	vst v5;
	v4 =	vmax.f32 v4, $0.0e+00;
	v2 =	vadd.f32 v2, v7  }
0x76: {  	[tilespmem:s26+$0x140] =	vst v4;
	v3 =	vmax.f32 v3, $0.0e+00;
	v1 =	vadd.f32 v1, v63  }
0x77: {  	s25 =	sadd.s32 $0x1, s25;
	[tilespmem:s26+$0x150] =	vst v3;
	v2 =	vmax.f32 v2, $0.0e+00  }
0x78: {  	p0 =	sne.s32 s25, $0x7D;
	[tilespmem:s26+$0x160] =	vst v2;
	v1 =	vmax.f32 v1, $0.0e+00  }
.Ltmp2:
0x79: {  	[tilespmem:s26+$0x170] =	vst v1;
	(pc) =	sbr.rel @p0 .LBB2_4-.Ltmp2, $4  }
0x7a: {  	[spmem:s3] =	stream.indirect.scatter.add.f32 [tilespmem:s21], [sflag:$0x2], $0x80, s23, s20, $0xb8;
	[tilespmem:$0x19100] =	vst v63  }
0x7b: {  	_ =	swait.ge [sflag:s19], $0x2800  }
0x7c: {  	[sflag:s19] =	ssyncset.done $0x0  }
0x7d: {  	[sflag:s19] =	ssyncadd.s32 $0xFFFFD800  }
0x7e: {  	s4 =	sadd.s32 $0x1, s4  }
0x7f: {  	s24 =	sshll.u32 s0, $0x6;
	[bflag:$0x0] =	sbarrier.arrive $0xFFFF;
	p0 =	sne.s32 s4, s17  }
.Ltmp3:
0x80: {  	s25 =	sshrl.u32 s6, $0x3;
	s24 =	sor.u32 $0x1C02, s24;
	(pc) =	sbr.rel @p0 .LBB2_1-.Ltmp3, $4  }
0x81: {  	[hbm:s16], [sflag:s24] =	dma.local [spmem:s25], $0x2800  }
0x82: {  	_ =	swait.ge [sflag:s19], $0x2800  }
0x83: {  	[sflag:s19] =	ssyncset.done $0x0  }
0x84: {  	[sflag:s19] =	ssyncadd.s32 $0xFFFFD800  }
0x85: {  	_ =	sfence.sel $0x180000  }
0x86: {  	[bflag:$0x0] =	sbarrier.arrive $0xFFFF  }
0x87: {  	p0 =	sne.s32 s0, $0x0;
	_ =	strace $0x90000047  }
0x88: {  	s0 =	sadd.s32 @!p0 $0x100000, s2;
	[bflag:$0x2] =	sbarrier.arrive $0xFFFF  }
0x89: {  	[sflag:s0] =	ssyncadd.tile.s32 @!p0 $0x1;
	_ =	shalt  }
.Lfunc_end2:
_tile_overlayer_lowered:
.L_overlay_start_2:
0x8a: {  	(tag) =	ssettag $0x2  }
0x8b: {  	s0 =	rddreg [dreg:$0x0];
	s2 =	stileid.u32  }
0x8c: {  	s1 =	rddreg [dreg:$0x1];
	p0 =	sne.s32 s2, $0x0  }
0x8d: {  	s3 =	rddreg [dreg:$0x2];
	[bflag:$0x3] =	sbarrier.arrive $0xFFFF;
	s2 =	simm.s32 @!p0 $0x1C02  }
0x8e: {  	[timem:s3], [sflag:s2] =	dma.local @!p0 [hbm:s0], s1  }
0x8f: {  	s0 =	simm.s32 @!p0 $0x2  }
0x90: {  	_ =	swait.ge @!p0 [sflag:s0], s1  }
0x91: {  	s1 =	ssub.s32 @!p0 $0x0, s1;
	[sflag:s0] =	ssyncset.done @!p0 $0x0  }
0x92: {  	[sflag:s0] =	ssyncadd.s32 @!p0 s1  }
0x93: {  	[bflag:$0x3] =	sbarrier.arrive $0xFFFF  }
0x94: {  	_ =	shalt  }

// kernel: kernel.16.cloned.1.call-start
scs
__scs_entry_jumppad:
0x0: {  	(pc) =	sbr.rel $0x88, $3  }
0x1: {  	(tag) =	ssettag $0x0;
	lr =	simm.s32 $0x1  }
0x2: {  	[smem:$0x3F83] =	sst lr;
	_ =	strace $0xD0000000  }
0x3: {  	_ = 	snop  }
0x4: {  	_ = 	snop  }
0x5: {  	_ = 	snop  }
0x6: {  	_ = 	snop  }
0x7: {  	_ = 	snop  }
__scs_overlays_trampoline_lowered:
0x8: {  	[smem:$0x3F92] =	sst s0  }
0x9: {  	[smem:$0x3F93] =	sst s1  }
0xa: {  	[smem:$0x3F94] =	sst s2  }
0xb: {  	[smem:$0x3F95] =	sst s3  }
0xc: {  	[smem:$0x3F96] =	sst s4  }
0xd: {  	[smem:$0x3F97] =	sst s5  }
0xe: {  	[smem:$0x3F98] =	sst s6  }
0xf: {  	[smem:$0x3F99] =	sst s7  }
0x10: {  	[smem:$0x3F9A] =	sst s8  }
0x11: {  	[smem:$0x3F9B] =	sst s9;
	s0 =	simm.s32 @!p0 $0x0  }
0x12: {  	s1 =	sld [smem:$0x3F81];
	s0 =	simm.s32 @p0 $0x1  }
0x13: {  	[smem:$0x3F9C] =	sst s0;
	s0 =	simm.s32 @!p1 $0x0  }
0x14: {  	s2 =	sld [smem:$0x3F80];
	s0 =	simm.s32 @p1 $0x1  }
0x15: {  	[smem:$0x3F9D] =	sst s0;
	s0 =	simm.s32 @!p2 $0x0  }
0x16: {  	s3 =	sld [smem:$0x3FDB];
	s0 =	simm.s32 @p2 $0x1  }
0x17: {  	s4 =	simm.s32 $0x1BF5;
	[smem:$0x3F9F] =	sst s0  }
0x18: {  	s0 =	sld [smem:$0x3F82];
	_ =	swait.ge [sflag:s4], $0x0  }
0x19: {  	s7 =	sld [smem:$0x3F83]  }
0x1a: {  	s8 =	sadd.s32 $0xFFFFE003, lr  }
0x1b: {  	s9 =	sadd.s32 $0xFFFFFEF7, lr;
	s5 =	simm.s32 $0xFFFFFFFF;
	p2 =	slt.u32 s8, $0xFFFFF086  }
0x1c: {  	p1 =	slt.u32 s9, $0xF7A;
	s5 =	simm.s32 @!p2 $0x0  }
0x1d: {  	s5 =	simm.s32 @p1 $0x1;
	p0 =	seq.s32 s7, s2  }
0x1e: {  	s7 =	smul.u32 @!p0 $0xF7A, s2;
	p2 =	seq.s32 @!p0 s5, $0x0  }
0x1f: {  	s9 =	smul.u32 $0xF7A, s1;
	s8 =	simm.s32 @!p0 $0x1BF5;
	p2 =	por !p2, p0  }
0x20: {  	[sflag:s8] =	ssyncset.s32 @!p0 $0xFFFFF086;
	s6 =	sadd.s32 @!p0 s3, s7;
	s7 =	simm.s32 @!p0 $0x108  }
0x21: {  	s3 =	sadd.s32 s3, s9;
	s6 =	sadd.s32 @!p0 $0x88, s6;
	s7 =	simm.s32 @p2 $0x1082  }
0x22: {  	[simem:s7], [sflag:s8] =	dma.local @!p0 [hbm:s6], $0xF7A  }
0x23: {  	s9 =	sor.u32 $0xD0000000, s2;
	s6 =	simm.s32 $0x108;
	_ =	swait.ge @!p0 [sflag:s8], $0x0  }
0x24: {  	s3 =	sadd.s32 $0x88, s3;
	s6 =	simm.s32 @!p1 $0x1082;
	[sflag:s4] =	ssyncset.s32 $0xFFFFF086  }
0x25: {  	[simem:s6], [sflag:s4] =	dma.local [hbm:s3], $0xF7A  }
0x26: {  	[smem:$0x3F83] =	sst s1;
	(tag) =	ssettag s2;
	_ =	strace s9  }
0x27: {  	s1 =	sld [smem:$0x3F93]  }
0x28: {  	s2 =	sld [smem:$0x3F94]  }
0x29: {  	s4 =	sld [smem:$0x3F96]  }
0x2a: {  	p0 =	seq.s32 s5, $0x0;
	s5 =	sld [smem:$0x3F97]  }
0x2b: {  	s6 =	sld [smem:$0x3F98]  }
0x2c: {  	s7 =	sld [smem:$0x3F99]  }
0x2d: {  	s3 =	simm.s32 $0x108;
	s8 =	sld [smem:$0x3F9A]  }
0x2e: {  	s3 =	simm.s32 @!p0 $0x1082;
	s9 =	sld [smem:$0x3F9B]  }
0x2f: {  	lr =	sadd.s32 s0, s3;
	s0 =	sld [smem:$0x3F92]  }
0x30: {  	s3 =	sld [smem:$0x3F95]  }
0x31: {  	[smem:$0x3F9E] =	sst s10  }
0x32: {  	s10 =	sld [smem:$0x3F9C];
	_ =	sdelay $0x3  }
0x33: {  	p0 =	seq.s32 s10, $0x1;
	s10 =	sld [smem:$0x3F9E];
	_ =	sdelay $0x3  }
0x34: {  	[smem:$0x3F9E] =	sst s10  }
0x35: {  	s10 =	sld [smem:$0x3F9D];
	_ =	sdelay $0x3  }
0x36: {  	p1 =	seq.s32 s10, $0x1;
	s10 =	sld [smem:$0x3F9E];
	_ =	sdelay $0x3  }
0x37: {  	[smem:$0x3F9E] =	sst s10  }
0x38: {  	s10 =	sld [smem:$0x3F9F]  }
0x39: {  	_ = 	snop;
	(pc) =	sbr.ind lr, $3  }
0x3a: {  	_ = 	snop  }
0x3b: {  	_ = 	snop  }
0x3c: {  	p2 =	seq.s32 s10, $0x1;
	s10 =	sld [smem:$0x3F9E]  }
0x3d: {  	_ =	shalt  }
0x3e: {  	_ =	shalt  }
0x3f: {  	_ =	shalt  }
0x40: {  	_ =	shalt  }
0x41: {  	_ =	shalt  }
0x42: {  	_ =	shalt  }
0x43: {  	_ =	shalt  }
0x44: {  	_ =	shalt  }
0x45: {  	_ =	shalt  }
0x46: {  	_ =	shalt  }
0x47: {  	_ =	shalt  }
0x48: {  	_ =	shalt  }
0x49: {  	_ =	shalt  }
0x4a: {  	_ =	shalt  }
0x4b: {  	_ =	shalt  }
0x4c: {  	_ =	shalt  }
0x4d: {  	_ =	shalt  }
0x4e: {  	_ =	shalt  }
0x4f: {  	_ =	shalt  }
0x50: {  	_ =	shalt  }
0x51: {  	_ =	shalt  }
0x52: {  	_ =	shalt  }
0x53: {  	_ =	shalt  }
0x54: {  	_ =	shalt  }
0x55: {  	_ =	shalt  }
0x56: {  	_ =	shalt  }
0x57: {  	_ =	shalt  }
0x58: {  	_ =	shalt  }
0x59: {  	_ =	shalt  }
0x5a: {  	_ =	shalt  }
0x5b: {  	_ =	shalt  }
0x5c: {  	_ =	shalt  }
0x5d: {  	_ =	shalt  }
0x5e: {  	_ =	shalt  }
0x5f: {  	_ =	shalt  }
0x60: {  	_ =	shalt  }
0x61: {  	_ =	shalt  }
0x62: {  	_ =	shalt  }
0x63: {  	_ =	shalt  }
0x64: {  	_ =	shalt  }
0x65: {  	_ =	shalt  }
0x66: {  	_ =	shalt  }
0x67: {  	_ =	shalt  }
0x68: {  	_ =	shalt  }
0x69: {  	_ =	shalt  }
0x6a: {  	_ =	shalt  }
0x6b: {  	_ =	shalt  }
0x6c: {  	_ =	shalt  }
0x6d: {  	_ =	shalt  }
0x6e: {  	_ =	shalt  }
0x6f: {  	_ =	shalt  }
0x70: {  	_ =	shalt  }
0x71: {  	_ =	shalt  }
0x72: {  	_ =	shalt  }
0x73: {  	_ =	shalt  }
0x74: {  	_ =	shalt  }
0x75: {  	_ =	shalt  }
0x76: {  	_ =	shalt  }
0x77: {  	_ =	shalt  }
0x78: {  	_ =	shalt  }
0x79: {  	_ =	shalt  }
0x7a: {  	_ =	shalt  }
0x7b: {  	_ =	shalt  }
0x7c: {  	_ =	shalt  }
0x7d: {  	_ =	shalt  }
0x7e: {  	_ =	shalt  }
0x7f: {  	_ =	shalt  }
0x80: {  	_ =	shalt  }
0x81: {  	_ =	shalt  }
0x82: {  	_ =	shalt  }
0x83: {  	_ =	shalt  }
0x84: {  	_ =	shalt  }
0x85: {  	_ =	shalt  }
0x86: {  	_ =	shalt  }
0x87: {  	_ =	shalt  }
.Lfunc_end0:
.L_simem_size_0:
called_computation.1_lowered:
.L_overlay_start_0:
0x88: {  	s2 =	sld [smem:$0x3FD9]  }
0x89: {  	s3 =	sld [smem:$0x3FFE];
	_ =	sdelay $0x1  }
0x8a: {  	s1 =	srdreg.scid  }
0x8b: {  	s0 =	sand.u32 $0x1, s1  }
0x8c: {  	s16 =	sshll.u32 s0, $0xA;
	s2 =	sadd.s32 s3, s2  }
0x8d: {  	s2 =	sadd.s32 s2, s16  }
0x8e: {  	[smem:$0x3FAA] =	sst s2  }
0x8f: {  	_ = 	snop  }
0x90: {  	(tm) =	ssettm $0x1  }
0x91: {  	s17 =	sld [smem:$0x3FFB];
	_ =	sdelay $0x3  }
0x92: {  	_ =	strace s17  }
0x93: {  	s2 =	sld [smem:$0x3FFC];
	_ =	sdelay $0x3  }
0x94: {  	_ =	strace s2  }
0x95: {  	s2 =	sld [smem:$0x3FFD];
	_ =	sdelay $0x3  }
0x96: {  	_ =	strace s2  }
0x97: {  	_ =	strace $0x8FFFFFFF  }
0x98: {  	s18 =	sld [smem:$0x3FDB];
	_ =	sdelay $0x1  }
0x99: {  	s19 =	simm.s32 $_scs_section_size  }
0x9a: {  	s4 =	simm.s32 $_size__tile_overlayer_lowered;
	s5 =	simm.s32 $_tile_overlayer_lowered  }
0x9b: {  	s22 =	simm.s32 $0x1BFF;
	s21 =	sshll.u32 s5, $0x1;
	s2 =	sadd.s32 s19, s18  }
0x9c: {  	s6 =	simm.s32 $0x0;
	s20 =	sshll.u32 s4, $0x1;
	s4 =	sadd.s32 s21, s2  }
0x9d: {  	[timem:s6], [sflag:s22] =	dma.local [hbm:s4], s20  }
0x9e: {  	_ =	swait.ge [sflag:s22], s20  }
0x9f: {  	s3 =	ssub.s32 $0x0, s20;
	[sflag:s22] =	ssyncset.done $0x0  }
0xa0: {  	[sflag:s22] =	ssyncadd.s32 s3;
	_ =	sdelay $0x1  }
0xa1: {  	s23 =	simm.s32 $0x1B8B  }
0xa2: {  	_ =	swait.ge [sflag:s23], $0x1  }
0xa3: {  	[sflag:s23] =	ssyncset.done $0x0  }
0xa4: {  	s25 =	simm.s32 $0x1B8E;
	s24 =	sld [smem:$0x3FFE];
	[sflag:s23] =	ssyncadd.s32 $0xFFFFFFFF  }
0xa5: {  	s26 =	simm.s32 $execute0_lowered;
	[smem:$0x3FD2] =	sst s25  }
0xa6: {  	s4 =	sshll.u32 s26, $0x1;
	_ =	strace $0x80000049;
	[dreg:$0x1] =	wrdreg $0xFFFFFFFF  }
0xa7: {  	s28 =	simm.s32 $_size_execute0_lowered;
	s2 =	sadd.s32 s2, s4;
	[dreg:$0x0] =	wrdreg $0x0  }
0xa8: {  	s4 =	sshll.u32 s28, $0x1;
	[dreg:$0x2] =	wrdreg s2  }
0xa9: {  	[dreg:$0x3] =	wrdreg s4  }
0xaa: {  	[dreg:$0x4] =	wrdreg $0xC0  }
0xab: {  	_ =	task [dreg:s6], $0x5FFFF  }
0xac: {  	[dreg:$0x1] =	wrdreg $0xFFFFFFFF  }
0xad: {  	[dreg:$0x0] =	wrdreg $0x60  }
0xae: {  	[dreg:$0x2] =	wrdreg s24  }
0xaf: {  	[dreg:$0x3] =	wrdreg $0x51000  }
0xb0: {  	[dreg:$0x4] =	wrdreg $0x9  }
0xb1: {  	_ =	task.clear_ibuf [dreg:s6], $0x5FFFF;
	_ =	strace $0x90000049  }
0xb2: {  	s29 =	simm.s32 $0x9;
	_ =	strace $0x8000004B  }
0xb3: {  	_ =	swait.ge [sflag:s29], $0x1  }
0xb4: {  	[sflag:s29] =	ssyncadd.s32 $0xFFFFFFFF  }
0xb5: {  	_ =	strace $0x9000004B  }
0xb6: {  	_ =	sfence  }
0xb7: {  	s30 =	sld [smem:$0x0];
	_ =	sdelay $0x2  }
0xb8: {  	s31 =	sshll.u32 s1, $0xD;
	s1 =	sshrl.u32 s1, $0x2  }
0xb9: {  	s3 =	sand.u32 $0x4000, s31;
	s1 =	sadd.s32 s1, s30  }
0xba: {  	s0 =	sor.u32 s3, s0;
	s1 =	sshll.u32 s1, $0x11  }
0xbb: {  	s0 =	sor.u32 s1, s0  }
0xbc: {  	s0 =	sadd.s32 $0x8F2B, s0  }
0xbd: {  	[sflag:s0] =	ssyncadd.remote.s32 $0x1  }
0xbe: {  	_ =	sfence.sel $0xFFFF  }
0xbf: {  	[dreg:$0x0] =	wrdreg $0xFFFFFFFF;
	(pc) =	sbr.abs _section_cstart, $3  }
0xc0: {  	[dreg:$0x1] =	wrdreg $0xFFFFFFFF  }
0xc1: {  	_ =	task.clear_ibuf [dreg:s6], $0x2FFFF;
	_ =	strace $0x9FFFFFFF  }
0xc2: {  	(tm) =	ssettm $0x7FFFFFFF  }
0xc3: {  	_ =	shalt  }
tec
execute0_lowered:
.L_overlay_start_1:
0x0: {  	(tag) =	ssettag $0x1  }
0x1: {  	s1 =	srdreg.scid;
	s6 =	rddreg [dreg:$0x0]  }
0x2: {  	s0 =	stileid.u32;
	s2 =	rddreg [dreg:$0x1]  }
0x3: {  	s3 =	simm.s32 $0x0;
	s18 =	simm.s32 $0x2900;
	s19 =	simm.s32 $0x2  }
0x4: {  	s20 =	simm.s32 $0x50;
	s21 =	simm.s32 $0x100;
	s22 =	simm.s32 $0x1  }
0x5: {  	s23 =	simm.s32 $0x80;
	s7 =	sand.u32 $0x1, s1;
	s1 =	rddreg [dreg:$0x2]  }
0x6: {  	s29 =	sshll.u32 s0, $0x1;
	[smem:$0x7FF] =	sst s3;
	s9 =	smul.u32 $0x14000, s0  }
0x7: {  	s4 =	sadd.s32 $0x507400, s6;
	s10 =	smul.u32 $0x50000, s0;
	s14 =	sor.u32 s7, s29  }
0x8: {  	s8 =	smul.u32 $0x140000, s7;
	_ =	strace $0x8000004A;
	s7 =	ssub.s32 $0x2, s7  }
0x9: {  	s5 =	smul.u32 $0x27100, s14;
	s30 =	sshrl.u32 s10, $0x2;
	s31 =	sshrl.u32 s7, $0x1  }
0xa: {  	s14 =	smul.u32 $0x7D00, s14;
	s8 =	sadd.s32 s9, s8;
	s17 =	ssub.s32 s7, s31  }
0xb: {  	s15 =	sadd.s32 s5, s6;
	s5 =	sadd.s32 $0x4E8000, s6;
	s8 =	sshrl.u32 s8, $0x3  }
0xc: {  	s17 =	smax.u32 s17, $0x1;
	s16 =	sadd.s32 s8, s6;
	s6 =	sadd.s32 s30, s2  }
0xd: {  	s15 =	sadd.s32 $0xA39400, s15;
	s7 =	sadd.s32 $0x2800, s6;
	s8 =	sadd.s32 $0x5000, s6  }
0xe: {  	s9 =	sadd.s32 $0x7800, s6;
	s10 =	sadd.s32 $0xA000, s6;
	s11 =	sadd.s32 $0xC800, s6  }
0xf: {  	v0 =	vimm.f32 $0.0e+00;
	s12 =	sadd.s32 $0xF000, s6;
	s13 =	sadd.s32 $0x11800, s6;
	s16 =	sadd.s32 $0x52E600, s16  }
.LBB2_1:
0x10: {  	s24 =	simm.s32 $0x0;
	s25 =	simm.s32 $0x200  }
.LBB2_2:
0x11: {  	p0 =	sne.s32 s25, $0x9E00;
	[tilespmem:s24+$0x2970] =	vst v0  }
0x12: {  	[tilespmem:s24+$0x2900] =	vst v0  }
0x13: {  	[tilespmem:s24+$0x2910] =	vst v0  }
.Ltmp0:
0x14: {  	[tilespmem:s24+$0x2920] =	vst v0;
	(pc) =	sbr.rel @p0 .LBB2_2-.Ltmp0, $4  }
0x15: {  	[tilespmem:s24+$0x2930] =	vst v0  }
0x16: {  	[tilespmem:s24+$0x2940] =	vst v0  }
0x17: {  	[tilespmem:s24+$0x2950] =	vst v0  }
0x18: {  	[tilespmem:s24+$0x2960] =	vst v0;
	s24 =	sshra.s32 s25, $0x2;
	s25 =	sadd.s32 $0x200, s25  }
0x19: {  	[tilespmem:s24+$0x2970] =	vst v0  }
0x1a: {  	[tilespmem:s24+$0x2900] =	vst v0  }
0x1b: {  	[tilespmem:s24+$0x2910] =	vst v0  }
0x1c: {  	[tilespmem:s24+$0x2920] =	vst v0  }
0x1d: {  	[tilespmem:s24+$0x2930] =	vst v0  }
0x1e: {  	[tilespmem:s24+$0x2940] =	vst v0  }
0x1f: {  	[tilespmem:s24+$0x2950] =	vst v0  }
0x20: {  	[tilespmem:s24+$0x2960] =	vst v0  }
0x21: {  	[spmem:s6] =	stream.linear.scatter [tilespmem:s18], [sflag:$0x2], $0x2800, $0x38;
	[tilespmem:$0x19100] =	vst v63  }
0x22: {  	_ =	swait.ge [sflag:s19], $0x2800  }
0x23: {  	[sflag:s19] =	ssyncset.done $0x0  }
0x24: {  	[sflag:s19] =	ssyncadd.s32 $0xFFFFD800  }
0x25: {  	[spmem:s7] =	stream.linear.scatter [tilespmem:s18], [sflag:$0x2], $0x2800, $0x38;
	[tilespmem:$0x19100] =	vst v63  }
0x26: {  	_ =	swait.ge [sflag:s19], $0x2800  }
0x27: {  	[sflag:s19] =	ssyncset.done $0x0  }
0x28: {  	[sflag:s19] =	ssyncadd.s32 $0xFFFFD800  }
0x29: {  	[spmem:s8] =	stream.linear.scatter [tilespmem:s18], [sflag:$0x2], $0x2800, $0x38;
	[tilespmem:$0x19100] =	vst v63  }
0x2a: {  	_ =	swait.ge [sflag:s19], $0x2800  }
0x2b: {  	[sflag:s19] =	ssyncset.done $0x0  }
0x2c: {  	[sflag:s19] =	ssyncadd.s32 $0xFFFFD800  }
0x2d: {  	[spmem:s9] =	stream.linear.scatter [tilespmem:s18], [sflag:$0x2], $0x2800, $0x38;
	[tilespmem:$0x19100] =	vst v63  }
0x2e: {  	_ =	swait.ge [sflag:s19], $0x2800  }
0x2f: {  	[sflag:s19] =	ssyncset.done $0x0  }
0x30: {  	[sflag:s19] =	ssyncadd.s32 $0xFFFFD800  }
0x31: {  	[spmem:s10] =	stream.linear.scatter [tilespmem:s18], [sflag:$0x2], $0x2800, $0x38;
	[tilespmem:$0x19100] =	vst v63  }
0x32: {  	_ =	swait.ge [sflag:s19], $0x2800  }
0x33: {  	[sflag:s19] =	ssyncset.done $0x0  }
0x34: {  	[sflag:s19] =	ssyncadd.s32 $0xFFFFD800  }
0x35: {  	[spmem:s11] =	stream.linear.scatter [tilespmem:s18], [sflag:$0x2], $0x2800, $0x38;
	[tilespmem:$0x19100] =	vst v63  }
0x36: {  	_ =	swait.ge [sflag:s19], $0x2800  }
0x37: {  	[sflag:s19] =	ssyncset.done $0x0  }
0x38: {  	[sflag:s19] =	ssyncadd.s32 $0xFFFFD800  }
0x39: {  	[spmem:s12] =	stream.linear.scatter [tilespmem:s18], [sflag:$0x2], $0x2800, $0x38;
	[tilespmem:$0x19100] =	vst v63  }
0x3a: {  	_ =	swait.ge [sflag:s19], $0x2800  }
0x3b: {  	[sflag:s19] =	ssyncset.done $0x0  }
0x3c: {  	[sflag:s19] =	ssyncadd.s32 $0xFFFFD800  }
0x3d: {  	[spmem:s13] =	stream.linear.scatter [tilespmem:s18], [sflag:$0x2], $0x2800, $0x38;
	[tilespmem:$0x19100] =	vst v63  }
0x3e: {  	_ =	swait.ge [sflag:s19], $0x2800  }
0x3f: {  	[sflag:s19] =	ssyncset.done $0x0  }
0x40: {  	[sflag:s19] =	ssyncadd.s32 $0xFFFFD800  }
0x41: {  	s24 =	simm.s32 $0x0;
	s25 =	simm.s32 $0x0;
	[bflag:$0x0] =	sbarrier.arrive $0xFFFF  }
.LBB2_4:
0x42: {  	s26 =	sshll.u32 s25, $0x8  }
0x43: {  	s26 =	sadd.s32 s14, s26  }
0x44: {  	s26 =	sshrl.u32 s26, $0x3  }
0x45: {  	s26 =	sadd.s32 s5, s26  }
0x46: {  	[tilespmem:s24], [sflag:$0x2] =	stream.linear.gather [hbm4b:s26+s24], $0x100, $0x38;
	[tilespmem:$0x19100] =	vst v63  }
0x47: {  	_ =	swait.ge [sflag:s19], $0x100  }
0x48: {  	[sflag:s19] =	ssyncset.done $0x0  }
0x49: {  	[sflag:s19] =	ssyncadd.s32 $0xFFFFFF00  }
0x4a: {  	[tilespmem:s21], [sflag:$0x1] =	stream.indirect.gather [hbm4b:s4+s20], $0x80, s24, s20, $0xb8;
	[tilespmem:$0x19100] =	vst v63  }
0x4b: {  	s31 =	smul.u32 $0x500, s25;
	_ =	swait.ge [sflag:s22], $0x2800  }
0x4c: {  	[sflag:s22] =	ssyncset.done $0x0  }
0x4d: {  	s26 =	sadd.s32 s15, s31;
	[sflag:s22] =	ssyncadd.s32 $0xFFFFD800  }
0x4e: {  	[tilespmem:s18], [sflag:$0x2] =	stream.linear.gather [hbm4b:s26+s24], $0x2800, $0x38;
	[tilespmem:$0x19100] =	vst v63  }
0x4f: {  	_ =	swait.ge [sflag:s19], $0x2800  }
0x50: {  	[sflag:s19] =	ssyncset.done $0x0  }
0x51: {  	s26 =	simm.s32 $0x0;
	[sflag:s19] =	ssyncadd.s32 $0xFFFFD800  }
0x52: {  	v7 =	vld [tilespmem:s26+$0x2900]  }
0x53: {  	v12 =	vld [tilespmem:s26+$0x2910]  }
0x54: {  	v6 =	vld [tilespmem:s26+$0x2920]  }
0x55: {  	v5 =	vld [tilespmem:s26+$0x2930]  }
0x56: {  	v4 =	vld [tilespmem:s26+$0x2940]  }
0x57: {  	v3 =	vld [tilespmem:s26+$0x2950]  }
0x58: {  	v2 =	vld [tilespmem:s26+$0x2960]  }
0x59: {  	v1 =	vld [tilespmem:s26+$0x2970]  }
0x5a: {  	v13 =	vld [tilespmem:s26+$0x100]  }
0x5b: {  	v14 =	vld [tilespmem:s26+$0x110]  }
0x5c: {  	v11 =	vld [tilespmem:s26+$0x120]  }
0x5d: {  	v10 =	vld [tilespmem:s26+$0x130]  }
0x5e: {  	v9 =	vld [tilespmem:s26+$0x140]  }
0x5f: {  	v8 =	vld [tilespmem:s26+$0x150];
	v13 =	vadd.f32 v7, v13  }
0x60: {  	s28 =	simm.s32 $0x200;
	v12 =	vadd.f32 v12, v14;
	v7 =	vld [tilespmem:s26+$0x160]  }
.LBB2_5:
0x61: {  	s29 =	sshra.s32 s28, $0x2;
	p0 =	sne.s32 s28, $0x9E00;
	v13 =	vmax.f32 v13, $0.0e+00;
	v6 =	vadd.f32 v6, v11;
	v11 =	vld [tilespmem:s26+$0x170]  }
0x62: {  	v14 =	vld [tilespmem:s29+$0x2900];
	[tilespmem:s26+$0x100] =	vst v13;
	v12 =	vmax.f32 v12, $0.0e+00;
	v5 =	vadd.f32 v5, v10  }
0x63: {  	v15 =	vld [tilespmem:s29+$0x2910];
	[tilespmem:s26+$0x110] =	vst v12;
	v10 =	vmax.f32 v6, $0.0e+00;
	v4 =	vadd.f32 v4, v9  }
0x64: {  	v6 =	vld [tilespmem:s29+$0x2920];
	[tilespmem:s26+$0x120] =	vst v10;
	v9 =	vmax.f32 v5, $0.0e+00;
	v3 =	vadd.f32 v3, v8  }
0x65: {  	v5 =	vld [tilespmem:s29+$0x2930];
	[tilespmem:s26+$0x130] =	vst v9;
	v8 =	vmax.f32 v4, $0.0e+00;
	v2 =	vadd.f32 v2, v7  }
0x66: {  	v4 =	vld [tilespmem:s29+$0x2940];
	[tilespmem:s26+$0x140] =	vst v8;
	v7 =	vmax.f32 v3, $0.0e+00;
	v1 =	vadd.f32 v1, v11  }
0x67: {  	v3 =	vld [tilespmem:s29+$0x2950];
	[tilespmem:s26+$0x150] =	vst v7;
	v7 =	vmax.f32 v2, $0.0e+00  }
0x68: {  	v2 =	vld [tilespmem:s29+$0x2960];
	[tilespmem:s26+$0x160] =	vst v7;
	v7 =	vmax.f32 v1, $0.0e+00  }
0x69: {  	v1 =	vld [tilespmem:s29+$0x2970];
	[tilespmem:s26+$0x170] =	vst v7;
	s26 =	smov.u32 s29  }
0x6a: {  	v7 =	vld [tilespmem:s26+$0x100]  }
0x6b: {  	v12 =	vld [tilespmem:s26+$0x110]  }
.Ltmp1:
0x6c: {  	v11 =	vld [tilespmem:s26+$0x120];
	(pc) =	sbr.rel @p0 .LBB2_5-.Ltmp1, $4  }
0x6d: {  	v10 =	vld [tilespmem:s26+$0x130]  }
0x6e: {  	v9 =	vld [tilespmem:s26+$0x140]  }
0x6f: {  	v13 =	vadd.f32 v14, v7;
	v8 =	vld [tilespmem:s26+$0x150]  }
0x70: {  	s28 =	sadd.s32 $0x200, s28;
	v12 =	vadd.f32 v15, v12;
	v7 =	vld [tilespmem:s26+$0x160]  }
0x71: {  	v13 =	vmax.f32 v13, $0.0e+00;
	v6 =	vadd.f32 v6, v11;
	v63 =	vld [tilespmem:s26+$0x170]  }
0x72: {  	[tilespmem:s26+$0x100] =	vst v13;
	v12 =	vmax.f32 v12, $0.0e+00;
	v5 =	vadd.f32 v5, v10  }
0x73: {  	[tilespmem:s26+$0x110] =	vst v12;
	v6 =	vmax.f32 v6, $0.0e+00;
	v4 =	vadd.f32 v4, v9  }
0x74: {  	[tilespmem:s26+$0x120] =	vst v6;
	v5 =	vmax.f32 v5, $0.0e+00;
	v3 =	vadd.f32 v3, v8  }
0x75: {  	[tilespmem:s26+$0x130] =	vst v5;
	v4 =	vmax.f32 v4, $0.0e+00;
	v2 =	vadd.f32 v2, v7  }
0x76: {  	[tilespmem:s26+$0x140] =	vst v4;
	v3 =	vmax.f32 v3, $0.0e+00;
	v1 =	vadd.f32 v1, v63  }
0x77: {  	s25 =	sadd.s32 $0x1, s25;
	[tilespmem:s26+$0x150] =	vst v3;
	v2 =	vmax.f32 v2, $0.0e+00  }
0x78: {  	p0 =	sne.s32 s25, $0x7D;
	[tilespmem:s26+$0x160] =	vst v2;
	v1 =	vmax.f32 v1, $0.0e+00  }
.Ltmp2:
0x79: {  	[tilespmem:s26+$0x170] =	vst v1;
	(pc) =	sbr.rel @p0 .LBB2_4-.Ltmp2, $4  }
0x7a: {  	[spmem:s2] =	stream.indirect.scatter.add.f32 [tilespmem:s21], [sflag:$0x2], $0x80, s23, s20, $0xb8;
	[tilespmem:$0x19100] =	vst v63  }
0x7b: {  	_ =	swait.ge [sflag:s19], $0x2800  }
0x7c: {  	[sflag:s19] =	ssyncset.done $0x0  }
0x7d: {  	[sflag:s19] =	ssyncadd.s32 $0xFFFFD800  }
0x7e: {  	s3 =	sadd.s32 $0x1, s3  }
0x7f: {  	s24 =	sshll.u32 s0, $0x6;
	[bflag:$0x0] =	sbarrier.arrive $0xFFFF;
	p0 =	sne.s32 s3, s17  }
.Ltmp3:
0x80: {  	s25 =	sshrl.u32 s6, $0x3;
	s24 =	sor.u32 $0x1C02, s24;
	(pc) =	sbr.rel @p0 .LBB2_1-.Ltmp3, $4  }
0x81: {  	[hbm:s16], [sflag:s24] =	dma.local [spmem:s25], $0x2800  }
0x82: {  	_ =	swait.ge [sflag:s19], $0x2800  }
0x83: {  	[sflag:s19] =	ssyncset.done $0x0  }
0x84: {  	[sflag:s19] =	ssyncadd.s32 $0xFFFFD800  }
0x85: {  	_ =	sfence.sel $0x180000  }
0x86: {  	[bflag:$0x0] =	sbarrier.arrive $0xFFFF  }
0x87: {  	p0 =	sne.s32 s0, $0x0;
	_ =	strace $0x9000004A  }
0x88: {  	s0 =	sadd.s32 @!p0 $0x100000, s1;
	[bflag:$0x2] =	sbarrier.arrive $0xFFFF  }
0x89: {  	[sflag:s0] =	ssyncadd.tile.s32 @!p0 $0x1;
	_ =	shalt  }
.Lfunc_end2:
_tile_overlayer_lowered:
.L_overlay_start_2:
0x8a: {  	(tag) =	ssettag $0x2  }
0x8b: {  	s0 =	rddreg [dreg:$0x0];
	s2 =	stileid.u32  }
0x8c: {  	s1 =	rddreg [dreg:$0x1];
	p0 =	sne.s32 s2, $0x0  }
0x8d: {  	s3 =	rddreg [dreg:$0x2];
	[bflag:$0x3] =	sbarrier.arrive $0xFFFF;
	s2 =	simm.s32 @!p0 $0x1C02  }
0x8e: {  	[timem:s3], [sflag:s2] =	dma.local @!p0 [hbm:s0], s1  }
0x8f: {  	s0 =	simm.s32 @!p0 $0x2  }
0x90: {  	_ =	swait.ge @!p0 [sflag:s0], s1  }
0x91: {  	s1 =	ssub.s32 @!p0 $0x0, s1;
	[sflag:s0] =	ssyncset.done @!p0 $0x0  }
0x92: {  	[sflag:s0] =	ssyncadd.s32 @!p0 s1  }
0x93: {  	[bflag:$0x3] =	sbarrier.arrive $0xFFFF  }
0x94: {  	_ =	shalt  }

// kernel: kernel.19.cloned.1.call-start
scs
__scs_entry_jumppad:
0x0: {  	(pc) =	sbr.rel $0x88, $3  }
0x1: {  	(tag) =	ssettag $0x0;
	lr =	simm.s32 $0x1  }
0x2: {  	[smem:$0x3F83] =	sst lr;
	_ =	strace $0xD0000000  }
0x3: {  	_ = 	snop  }
0x4: {  	_ = 	snop  }
0x5: {  	_ = 	snop  }
0x6: {  	_ = 	snop  }
0x7: {  	_ = 	snop  }
__scs_overlays_trampoline_lowered:
0x8: {  	[smem:$0x3F92] =	sst s0  }
0x9: {  	[smem:$0x3F93] =	sst s1  }
0xa: {  	[smem:$0x3F94] =	sst s2  }
0xb: {  	[smem:$0x3F95] =	sst s3  }
0xc: {  	[smem:$0x3F96] =	sst s4  }
0xd: {  	[smem:$0x3F97] =	sst s5  }
0xe: {  	[smem:$0x3F98] =	sst s6  }
0xf: {  	[smem:$0x3F99] =	sst s7  }
0x10: {  	[smem:$0x3F9A] =	sst s8  }
0x11: {  	[smem:$0x3F9B] =	sst s9;
	s0 =	simm.s32 @!p0 $0x0  }
0x12: {  	s1 =	sld [smem:$0x3F81];
	s0 =	simm.s32 @p0 $0x1  }
0x13: {  	[smem:$0x3F9C] =	sst s0;
	s0 =	simm.s32 @!p1 $0x0  }
0x14: {  	s2 =	sld [smem:$0x3F80];
	s0 =	simm.s32 @p1 $0x1  }
0x15: {  	[smem:$0x3F9D] =	sst s0;
	s0 =	simm.s32 @!p2 $0x0  }
0x16: {  	s3 =	sld [smem:$0x3FDB];
	s0 =	simm.s32 @p2 $0x1  }
0x17: {  	s4 =	simm.s32 $0x1BF5;
	[smem:$0x3F9F] =	sst s0  }
0x18: {  	s0 =	sld [smem:$0x3F82];
	_ =	swait.ge [sflag:s4], $0x0  }
0x19: {  	s7 =	sld [smem:$0x3F83]  }
0x1a: {  	s8 =	sadd.s32 $0xFFFFE003, lr  }
0x1b: {  	s9 =	sadd.s32 $0xFFFFFEF7, lr;
	s5 =	simm.s32 $0xFFFFFFFF;
	p2 =	slt.u32 s8, $0xFFFFF086  }
0x1c: {  	p1 =	slt.u32 s9, $0xF7A;
	s5 =	simm.s32 @!p2 $0x0  }
0x1d: {  	s5 =	simm.s32 @p1 $0x1;
	p0 =	seq.s32 s7, s2  }
0x1e: {  	s7 =	smul.u32 @!p0 $0xF7A, s2;
	p2 =	seq.s32 @!p0 s5, $0x0  }
0x1f: {  	s9 =	smul.u32 $0xF7A, s1;
	s8 =	simm.s32 @!p0 $0x1BF5;
	p2 =	por !p2, p0  }
0x20: {  	[sflag:s8] =	ssyncset.s32 @!p0 $0xFFFFF086;
	s6 =	sadd.s32 @!p0 s3, s7;
	s7 =	simm.s32 @!p0 $0x108  }
0x21: {  	s3 =	sadd.s32 s3, s9;
	s6 =	sadd.s32 @!p0 $0x88, s6;
	s7 =	simm.s32 @p2 $0x1082  }
0x22: {  	[simem:s7], [sflag:s8] =	dma.local @!p0 [hbm:s6], $0xF7A  }
0x23: {  	s9 =	sor.u32 $0xD0000000, s2;
	s6 =	simm.s32 $0x108;
	_ =	swait.ge @!p0 [sflag:s8], $0x0  }
0x24: {  	s3 =	sadd.s32 $0x88, s3;
	s6 =	simm.s32 @!p1 $0x1082;
	[sflag:s4] =	ssyncset.s32 $0xFFFFF086  }
0x25: {  	[simem:s6], [sflag:s4] =	dma.local [hbm:s3], $0xF7A  }
0x26: {  	[smem:$0x3F83] =	sst s1;
	(tag) =	ssettag s2;
	_ =	strace s9  }
0x27: {  	s1 =	sld [smem:$0x3F93]  }
0x28: {  	s2 =	sld [smem:$0x3F94]  }
0x29: {  	s4 =	sld [smem:$0x3F96]  }
0x2a: {  	p0 =	seq.s32 s5, $0x0;
	s5 =	sld [smem:$0x3F97]  }
0x2b: {  	s6 =	sld [smem:$0x3F98]  }
0x2c: {  	s7 =	sld [smem:$0x3F99]  }
0x2d: {  	s3 =	simm.s32 $0x108;
	s8 =	sld [smem:$0x3F9A]  }
0x2e: {  	s3 =	simm.s32 @!p0 $0x1082;
	s9 =	sld [smem:$0x3F9B]  }
0x2f: {  	lr =	sadd.s32 s0, s3;
	s0 =	sld [smem:$0x3F92]  }
0x30: {  	s3 =	sld [smem:$0x3F95]  }
0x31: {  	[smem:$0x3F9E] =	sst s10  }
0x32: {  	s10 =	sld [smem:$0x3F9C];
	_ =	sdelay $0x3  }
0x33: {  	p0 =	seq.s32 s10, $0x1;
	s10 =	sld [smem:$0x3F9E];
	_ =	sdelay $0x3  }
0x34: {  	[smem:$0x3F9E] =	sst s10  }
0x35: {  	s10 =	sld [smem:$0x3F9D];
	_ =	sdelay $0x3  }
0x36: {  	p1 =	seq.s32 s10, $0x1;
	s10 =	sld [smem:$0x3F9E];
	_ =	sdelay $0x3  }
0x37: {  	[smem:$0x3F9E] =	sst s10  }
0x38: {  	s10 =	sld [smem:$0x3F9F]  }
0x39: {  	_ = 	snop;
	(pc) =	sbr.ind lr, $3  }
0x3a: {  	_ = 	snop  }
0x3b: {  	_ = 	snop  }
0x3c: {  	p2 =	seq.s32 s10, $0x1;
	s10 =	sld [smem:$0x3F9E]  }
0x3d: {  	_ =	shalt  }
0x3e: {  	_ =	shalt  }
0x3f: {  	_ =	shalt  }
0x40: {  	_ =	shalt  }
0x41: {  	_ =	shalt  }
0x42: {  	_ =	shalt  }
0x43: {  	_ =	shalt  }
0x44: {  	_ =	shalt  }
0x45: {  	_ =	shalt  }
0x46: {  	_ =	shalt  }
0x47: {  	_ =	shalt  }
0x48: {  	_ =	shalt  }
0x49: {  	_ =	shalt  }
0x4a: {  	_ =	shalt  }
0x4b: {  	_ =	shalt  }
0x4c: {  	_ =	shalt  }
0x4d: {  	_ =	shalt  }
0x4e: {  	_ =	shalt  }
0x4f: {  	_ =	shalt  }
0x50: {  	_ =	shalt  }
0x51: {  	_ =	shalt  }
0x52: {  	_ =	shalt  }
0x53: {  	_ =	shalt  }
0x54: {  	_ =	shalt  }
0x55: {  	_ =	shalt  }
0x56: {  	_ =	shalt  }
0x57: {  	_ =	shalt  }
0x58: {  	_ =	shalt  }
0x59: {  	_ =	shalt  }
0x5a: {  	_ =	shalt  }
0x5b: {  	_ =	shalt  }
0x5c: {  	_ =	shalt  }
0x5d: {  	_ =	shalt  }
0x5e: {  	_ =	shalt  }
0x5f: {  	_ =	shalt  }
0x60: {  	_ =	shalt  }
0x61: {  	_ =	shalt  }
0x62: {  	_ =	shalt  }
0x63: {  	_ =	shalt  }
0x64: {  	_ =	shalt  }
0x65: {  	_ =	shalt  }
0x66: {  	_ =	shalt  }
0x67: {  	_ =	shalt  }
0x68: {  	_ =	shalt  }
0x69: {  	_ =	shalt  }
0x6a: {  	_ =	shalt  }
0x6b: {  	_ =	shalt  }
0x6c: {  	_ =	shalt  }
0x6d: {  	_ =	shalt  }
0x6e: {  	_ =	shalt  }
0x6f: {  	_ =	shalt  }
0x70: {  	_ =	shalt  }
0x71: {  	_ =	shalt  }
0x72: {  	_ =	shalt  }
0x73: {  	_ =	shalt  }
0x74: {  	_ =	shalt  }
0x75: {  	_ =	shalt  }
0x76: {  	_ =	shalt  }
0x77: {  	_ =	shalt  }
0x78: {  	_ =	shalt  }
0x79: {  	_ =	shalt  }
0x7a: {  	_ =	shalt  }
0x7b: {  	_ =	shalt  }
0x7c: {  	_ =	shalt  }
0x7d: {  	_ =	shalt  }
0x7e: {  	_ =	shalt  }
0x7f: {  	_ =	shalt  }
0x80: {  	_ =	shalt  }
0x81: {  	_ =	shalt  }
0x82: {  	_ =	shalt  }
0x83: {  	_ =	shalt  }
0x84: {  	_ =	shalt  }
0x85: {  	_ =	shalt  }
0x86: {  	_ =	shalt  }
0x87: {  	_ =	shalt  }
.Lfunc_end0:
.L_simem_size_0:
called_computation.2_lowered:
.L_overlay_start_0:
0x88: {  	s2 =	sld [smem:$0x3FD9]  }
0x89: {  	s3 =	sld [smem:$0x3FFE];
	_ =	sdelay $0x1  }
0x8a: {  	s1 =	srdreg.scid  }
0x8b: {  	s0 =	sand.u32 $0x1, s1  }
0x8c: {  	s16 =	sshll.u32 s0, $0xA;
	s2 =	sadd.s32 s3, s2  }
0x8d: {  	s2 =	sadd.s32 s2, s16  }
0x8e: {  	[smem:$0x3FAA] =	sst s2  }
0x8f: {  	_ = 	snop  }
0x90: {  	(tm) =	ssettm $0x1  }
0x91: {  	s17 =	sld [smem:$0x3FFB];
	_ =	sdelay $0x3  }
0x92: {  	_ =	strace s17  }
0x93: {  	s2 =	sld [smem:$0x3FFC];
	_ =	sdelay $0x3  }
0x94: {  	_ =	strace s2  }
0x95: {  	s2 =	sld [smem:$0x3FFD];
	_ =	sdelay $0x3  }
0x96: {  	_ =	strace s2  }
0x97: {  	_ =	strace $0x8FFFFFFF  }
0x98: {  	s18 =	sld [smem:$0x3FDB];
	_ =	sdelay $0x1  }
0x99: {  	s19 =	simm.s32 $_scs_section_size  }
0x9a: {  	s4 =	simm.s32 $_size__tile_overlayer_lowered;
	s5 =	simm.s32 $_tile_overlayer_lowered  }
0x9b: {  	s22 =	simm.s32 $0x1BFF;
	s21 =	sshll.u32 s5, $0x1;
	s2 =	sadd.s32 s19, s18  }
0x9c: {  	s6 =	simm.s32 $0x0;
	s20 =	sshll.u32 s4, $0x1;
	s4 =	sadd.s32 s21, s2  }
0x9d: {  	[timem:s6], [sflag:s22] =	dma.local [hbm:s4], s20  }
0x9e: {  	_ =	swait.ge [sflag:s22], s20  }
0x9f: {  	s3 =	ssub.s32 $0x0, s20;
	[sflag:s22] =	ssyncset.done $0x0  }
0xa0: {  	[sflag:s22] =	ssyncadd.s32 s3;
	_ =	sdelay $0x1  }
0xa1: {  	s23 =	simm.s32 $0x1B8B  }
0xa2: {  	_ =	swait.ge [sflag:s23], $0x1  }
0xa3: {  	[sflag:s23] =	ssyncset.done $0x0  }
0xa4: {  	s25 =	simm.s32 $0x1B8E;
	s24 =	sld [smem:$0x3FFE];
	[sflag:s23] =	ssyncadd.s32 $0xFFFFFFFF  }
0xa5: {  	s26 =	simm.s32 $execute0_lowered;
	[smem:$0x3FD2] =	sst s25  }
0xa6: {  	s4 =	sshll.u32 s26, $0x1;
	_ =	strace $0x8000004C;
	[dreg:$0x1] =	wrdreg $0xFFFFFFFF  }
0xa7: {  	s28 =	simm.s32 $_size_execute0_lowered;
	s2 =	sadd.s32 s2, s4;
	[dreg:$0x0] =	wrdreg $0x0  }
0xa8: {  	s4 =	sshll.u32 s28, $0x1;
	[dreg:$0x2] =	wrdreg s2  }
0xa9: {  	[dreg:$0x3] =	wrdreg s4  }
0xaa: {  	[dreg:$0x4] =	wrdreg $0xC0  }
0xab: {  	_ =	task [dreg:s6], $0x5FFFF  }
0xac: {  	[dreg:$0x1] =	wrdreg $0xFFFFFFFF  }
0xad: {  	[dreg:$0x0] =	wrdreg $0x60  }
0xae: {  	[dreg:$0x2] =	wrdreg s24  }
0xaf: {  	[dreg:$0x3] =	wrdreg $0x51000  }
0xb0: {  	[dreg:$0x4] =	wrdreg $0x9  }
0xb1: {  	_ =	task.clear_ibuf [dreg:s6], $0x5FFFF;
	_ =	strace $0x9000004C  }
0xb2: {  	s29 =	simm.s32 $0x9;
	_ =	strace $0x8000004E  }
0xb3: {  	_ =	swait.ge [sflag:s29], $0x1  }
0xb4: {  	[sflag:s29] =	ssyncadd.s32 $0xFFFFFFFF  }
0xb5: {  	_ =	strace $0x9000004E  }
0xb6: {  	_ =	sfence  }
0xb7: {  	s30 =	sld [smem:$0x0];
	_ =	sdelay $0x2  }
0xb8: {  	s31 =	sshll.u32 s1, $0xD;
	s1 =	sshrl.u32 s1, $0x2  }
0xb9: {  	s3 =	sand.u32 $0x4000, s31;
	s1 =	sadd.s32 s1, s30  }
0xba: {  	s0 =	sor.u32 s3, s0;
	s1 =	sshll.u32 s1, $0x11  }
0xbb: {  	s0 =	sor.u32 s1, s0  }
0xbc: {  	s0 =	sadd.s32 $0x8F2B, s0  }
0xbd: {  	[sflag:s0] =	ssyncadd.remote.s32 $0x1  }
0xbe: {  	_ =	sfence.sel $0xFFFF  }
0xbf: {  	[dreg:$0x0] =	wrdreg $0xFFFFFFFF;
	(pc) =	sbr.abs _section_cstart, $3  }
0xc0: {  	[dreg:$0x1] =	wrdreg $0xFFFFFFFF  }
0xc1: {  	_ =	task.clear_ibuf [dreg:s6], $0x2FFFF;
	_ =	strace $0x9FFFFFFF  }
0xc2: {  	(tm) =	ssettm $0x7FFFFFFF  }
0xc3: {  	_ =	shalt  }
tec
execute0_lowered:
.L_overlay_start_1:
0x0: {  	(tag) =	ssettag $0x1  }
0x1: {  	s1 =	srdreg.scid;
	s7 =	rddreg [dreg:$0x0]  }
0x2: {  	s0 =	stileid.u32;
	s2 =	rddreg [dreg:$0x1]  }
0x3: {  	s3 =	simm.s32 $0x0;
	s18 =	simm.s32 $0x2900;
	s19 =	simm.s32 $0x2  }
0x4: {  	s20 =	simm.s32 $0x50;
	s21 =	simm.s32 $0x100;
	s22 =	simm.s32 $0x1  }
0x5: {  	s23 =	simm.s32 $0x80;
	s6 =	sand.u32 $0x1, s1;
	s1 =	rddreg [dreg:$0x2]  }
0x6: {  	s28 =	sshll.u32 s0, $0x1;
	[smem:$0x7FF] =	sst s3;
	s9 =	smul.u32 $0x14000, s0  }
0x7: {  	s4 =	sadd.s32 $0x6000, s7;
	s10 =	smul.u32 $0x50000, s0;
	s14 =	sor.u32 s6, s28  }
0x8: {  	s8 =	smul.u32 $0x140000, s6;
	_ =	strace $0x8000004D;
	s29 =	ssub.s32 $0x2, s6  }
0x9: {  	s5 =	smul.u32 $0x27100, s14;
	s30 =	sshrl.u32 s10, $0x2;
	s31 =	sshrl.u32 s29, $0x1  }
0xa: {  	s14 =	smul.u32 $0x7D00, s14;
	s8 =	sadd.s32 s9, s8;
	s6 =	sadd.s32 s30, s2  }
0xb: {  	s17 =	ssub.s32 s29, s31;
	s15 =	sadd.s32 s5, s7;
	s5 =	sadd.s32 $0x4E8000, s7  }
0xc: {  	s8 =	sshrl.u32 s8, $0x3;
	s9 =	sadd.s32 $0x7800, s6;
	s10 =	sadd.s32 $0xA000, s6  }
0xd: {  	s11 =	sadd.s32 $0xC800, s6;
	s12 =	sadd.s32 $0xF000, s6;
	s13 =	sadd.s32 $0x11800, s6  }
0xe: {  	s17 =	smax.u32 s17, $0x1;
	s16 =	sadd.s32 s8, s7;
	s7 =	sadd.s32 $0x2800, s6  }
0xf: {  	v0 =	vimm.f32 $0.0e+00;
	s8 =	sadd.s32 $0x5000, s6;
	s15 =	sadd.s32 $0xF1B400, s15;
	s16 =	sadd.s32 $0x54400, s16  }
.LBB2_1:
0x10: {  	s24 =	simm.s32 $0x0;
	s25 =	simm.s32 $0x200  }
.LBB2_2:
0x11: {  	p0 =	sne.s32 s25, $0x9E00;
	[tilespmem:s24+$0x2970] =	vst v0  }
0x12: {  	[tilespmem:s24+$0x2900] =	vst v0  }
0x13: {  	[tilespmem:s24+$0x2910] =	vst v0  }
.Ltmp0:
0x14: {  	[tilespmem:s24+$0x2920] =	vst v0;
	(pc) =	sbr.rel @p0 .LBB2_2-.Ltmp0, $4  }
0x15: {  	[tilespmem:s24+$0x2930] =	vst v0  }
0x16: {  	[tilespmem:s24+$0x2940] =	vst v0  }
0x17: {  	[tilespmem:s24+$0x2950] =	vst v0  }
0x18: {  	[tilespmem:s24+$0x2960] =	vst v0;
	s24 =	sshra.s32 s25, $0x2;
	s25 =	sadd.s32 $0x200, s25  }
0x19: {  	[tilespmem:s24+$0x2970] =	vst v0  }
0x1a: {  	[tilespmem:s24+$0x2900] =	vst v0  }
0x1b: {  	[tilespmem:s24+$0x2910] =	vst v0  }
0x1c: {  	[tilespmem:s24+$0x2920] =	vst v0  }
0x1d: {  	[tilespmem:s24+$0x2930] =	vst v0  }
0x1e: {  	[tilespmem:s24+$0x2940] =	vst v0  }
0x1f: {  	[tilespmem:s24+$0x2950] =	vst v0  }
0x20: {  	[tilespmem:s24+$0x2960] =	vst v0  }
0x21: {  	[spmem:s6] =	stream.linear.scatter [tilespmem:s18], [sflag:$0x2], $0x2800, $0x38;
	[tilespmem:$0x19100] =	vst v63  }
0x22: {  	_ =	swait.ge [sflag:s19], $0x2800  }
0x23: {  	[sflag:s19] =	ssyncset.done $0x0  }
0x24: {  	[sflag:s19] =	ssyncadd.s32 $0xFFFFD800  }
0x25: {  	[spmem:s7] =	stream.linear.scatter [tilespmem:s18], [sflag:$0x2], $0x2800, $0x38;
	[tilespmem:$0x19100] =	vst v63  }
0x26: {  	_ =	swait.ge [sflag:s19], $0x2800  }
0x27: {  	[sflag:s19] =	ssyncset.done $0x0  }
0x28: {  	[sflag:s19] =	ssyncadd.s32 $0xFFFFD800  }
0x29: {  	[spmem:s8] =	stream.linear.scatter [tilespmem:s18], [sflag:$0x2], $0x2800, $0x38;
	[tilespmem:$0x19100] =	vst v63  }
0x2a: {  	_ =	swait.ge [sflag:s19], $0x2800  }
0x2b: {  	[sflag:s19] =	ssyncset.done $0x0  }
0x2c: {  	[sflag:s19] =	ssyncadd.s32 $0xFFFFD800  }
0x2d: {  	[spmem:s9] =	stream.linear.scatter [tilespmem:s18], [sflag:$0x2], $0x2800, $0x38;
	[tilespmem:$0x19100] =	vst v63  }
0x2e: {  	_ =	swait.ge [sflag:s19], $0x2800  }
0x2f: {  	[sflag:s19] =	ssyncset.done $0x0  }
0x30: {  	[sflag:s19] =	ssyncadd.s32 $0xFFFFD800  }
0x31: {  	[spmem:s10] =	stream.linear.scatter [tilespmem:s18], [sflag:$0x2], $0x2800, $0x38;
	[tilespmem:$0x19100] =	vst v63  }
0x32: {  	_ =	swait.ge [sflag:s19], $0x2800  }
0x33: {  	[sflag:s19] =	ssyncset.done $0x0  }
0x34: {  	[sflag:s19] =	ssyncadd.s32 $0xFFFFD800  }
0x35: {  	[spmem:s11] =	stream.linear.scatter [tilespmem:s18], [sflag:$0x2], $0x2800, $0x38;
	[tilespmem:$0x19100] =	vst v63  }
0x36: {  	_ =	swait.ge [sflag:s19], $0x2800  }
0x37: {  	[sflag:s19] =	ssyncset.done $0x0  }
0x38: {  	[sflag:s19] =	ssyncadd.s32 $0xFFFFD800  }
0x39: {  	[spmem:s12] =	stream.linear.scatter [tilespmem:s18], [sflag:$0x2], $0x2800, $0x38;
	[tilespmem:$0x19100] =	vst v63  }
0x3a: {  	_ =	swait.ge [sflag:s19], $0x2800  }
0x3b: {  	[sflag:s19] =	ssyncset.done $0x0  }
0x3c: {  	[sflag:s19] =	ssyncadd.s32 $0xFFFFD800  }
0x3d: {  	[spmem:s13] =	stream.linear.scatter [tilespmem:s18], [sflag:$0x2], $0x2800, $0x38;
	[tilespmem:$0x19100] =	vst v63  }
0x3e: {  	_ =	swait.ge [sflag:s19], $0x2800  }
0x3f: {  	[sflag:s19] =	ssyncset.done $0x0  }
0x40: {  	[sflag:s19] =	ssyncadd.s32 $0xFFFFD800  }
0x41: {  	s24 =	simm.s32 $0x0;
	s25 =	simm.s32 $0x0;
	[bflag:$0x0] =	sbarrier.arrive $0xFFFF  }
.LBB2_4:
0x42: {  	s26 =	sshll.u32 s25, $0x8  }
0x43: {  	s26 =	sadd.s32 s14, s26  }
0x44: {  	s26 =	sshrl.u32 s26, $0x3  }
0x45: {  	s26 =	sadd.s32 s5, s26  }
0x46: {  	[tilespmem:s24], [sflag:$0x2] =	stream.linear.gather [hbm4b:s26+s24], $0x100, $0x38;
	[tilespmem:$0x19100] =	vst v63  }
0x47: {  	_ =	swait.ge [sflag:s19], $0x100  }
0x48: {  	[sflag:s19] =	ssyncset.done $0x0  }
0x49: {  	[sflag:s19] =	ssyncadd.s32 $0xFFFFFF00  }
0x4a: {  	[tilespmem:s21], [sflag:$0x1] =	stream.indirect.gather [hbm4b:s4+s20], $0x80, s24, s20, $0xb8;
	[tilespmem:$0x19100] =	vst v63  }
0x4b: {  	s31 =	smul.u32 $0x500, s25;
	_ =	swait.ge [sflag:s22], $0x2800  }
0x4c: {  	[sflag:s22] =	ssyncset.done $0x0  }
0x4d: {  	s26 =	sadd.s32 s15, s31;
	[sflag:s22] =	ssyncadd.s32 $0xFFFFD800  }
0x4e: {  	[tilespmem:s18], [sflag:$0x2] =	stream.linear.gather [hbm4b:s26+s24], $0x2800, $0x38;
	[tilespmem:$0x19100] =	vst v63  }
0x4f: {  	_ =	swait.ge [sflag:s19], $0x2800  }
0x50: {  	[sflag:s19] =	ssyncset.done $0x0  }
0x51: {  	s26 =	simm.s32 $0x0;
	[sflag:s19] =	ssyncadd.s32 $0xFFFFD800  }
0x52: {  	v7 =	vld [tilespmem:s26+$0x2900]  }
0x53: {  	v12 =	vld [tilespmem:s26+$0x2910]  }
0x54: {  	v6 =	vld [tilespmem:s26+$0x2920]  }
0x55: {  	v5 =	vld [tilespmem:s26+$0x2930]  }
0x56: {  	v4 =	vld [tilespmem:s26+$0x2940]  }
0x57: {  	v3 =	vld [tilespmem:s26+$0x2950]  }
0x58: {  	v2 =	vld [tilespmem:s26+$0x2960]  }
0x59: {  	v1 =	vld [tilespmem:s26+$0x2970]  }
0x5a: {  	v13 =	vld [tilespmem:s26+$0x100]  }
0x5b: {  	v14 =	vld [tilespmem:s26+$0x110]  }
0x5c: {  	v11 =	vld [tilespmem:s26+$0x120]  }
0x5d: {  	v10 =	vld [tilespmem:s26+$0x130]  }
0x5e: {  	v9 =	vld [tilespmem:s26+$0x140]  }
0x5f: {  	v8 =	vld [tilespmem:s26+$0x150];
	v13 =	vadd.f32 v7, v13  }
0x60: {  	s28 =	simm.s32 $0x200;
	v12 =	vadd.f32 v12, v14;
	v7 =	vld [tilespmem:s26+$0x160]  }
.LBB2_5:
0x61: {  	s29 =	sshra.s32 s28, $0x2;
	p0 =	sne.s32 s28, $0x9E00;
	v13 =	vmax.f32 v13, $0.0e+00;
	v6 =	vadd.f32 v6, v11;
	v11 =	vld [tilespmem:s26+$0x170]  }
0x62: {  	v14 =	vld [tilespmem:s29+$0x2900];
	[tilespmem:s26+$0x100] =	vst v13;
	v12 =	vmax.f32 v12, $0.0e+00;
	v5 =	vadd.f32 v5, v10  }
0x63: {  	v15 =	vld [tilespmem:s29+$0x2910];
	[tilespmem:s26+$0x110] =	vst v12;
	v10 =	vmax.f32 v6, $0.0e+00;
	v4 =	vadd.f32 v4, v9  }
0x64: {  	v6 =	vld [tilespmem:s29+$0x2920];
	[tilespmem:s26+$0x120] =	vst v10;
	v9 =	vmax.f32 v5, $0.0e+00;
	v3 =	vadd.f32 v3, v8  }
0x65: {  	v5 =	vld [tilespmem:s29+$0x2930];
	[tilespmem:s26+$0x130] =	vst v9;
	v8 =	vmax.f32 v4, $0.0e+00;
	v2 =	vadd.f32 v2, v7  }
0x66: {  	v4 =	vld [tilespmem:s29+$0x2940];
	[tilespmem:s26+$0x140] =	vst v8;
	v7 =	vmax.f32 v3, $0.0e+00;
	v1 =	vadd.f32 v1, v11  }
0x67: {  	v3 =	vld [tilespmem:s29+$0x2950];
	[tilespmem:s26+$0x150] =	vst v7;
	v7 =	vmax.f32 v2, $0.0e+00  }
0x68: {  	v2 =	vld [tilespmem:s29+$0x2960];
	[tilespmem:s26+$0x160] =	vst v7;
	v7 =	vmax.f32 v1, $0.0e+00  }
0x69: {  	v1 =	vld [tilespmem:s29+$0x2970];
	[tilespmem:s26+$0x170] =	vst v7;
	s26 =	smov.u32 s29  }
0x6a: {  	v7 =	vld [tilespmem:s26+$0x100]  }
0x6b: {  	v12 =	vld [tilespmem:s26+$0x110]  }
.Ltmp1:
0x6c: {  	v11 =	vld [tilespmem:s26+$0x120];
	(pc) =	sbr.rel @p0 .LBB2_5-.Ltmp1, $4  }
0x6d: {  	v10 =	vld [tilespmem:s26+$0x130]  }
0x6e: {  	v9 =	vld [tilespmem:s26+$0x140]  }
0x6f: {  	v13 =	vadd.f32 v14, v7;
	v8 =	vld [tilespmem:s26+$0x150]  }
0x70: {  	s28 =	sadd.s32 $0x200, s28;
	v12 =	vadd.f32 v15, v12;
	v7 =	vld [tilespmem:s26+$0x160]  }
0x71: {  	v13 =	vmax.f32 v13, $0.0e+00;
	v6 =	vadd.f32 v6, v11;
	v63 =	vld [tilespmem:s26+$0x170]  }
0x72: {  	[tilespmem:s26+$0x100] =	vst v13;
	v12 =	vmax.f32 v12, $0.0e+00;
	v5 =	vadd.f32 v5, v10  }
0x73: {  	[tilespmem:s26+$0x110] =	vst v12;
	v6 =	vmax.f32 v6, $0.0e+00;
	v4 =	vadd.f32 v4, v9  }
0x74: {  	[tilespmem:s26+$0x120] =	vst v6;
	v5 =	vmax.f32 v5, $0.0e+00;
	v3 =	vadd.f32 v3, v8  }
0x75: {  	[tilespmem:s26+$0x130] =	vst v5;
	v4 =	vmax.f32 v4, $0.0e+00;
	v2 =	vadd.f32 v2, v7  }
0x76: {  	[tilespmem:s26+$0x140] =	vst v4;
	v3 =	vmax.f32 v3, $0.0e+00;
	v1 =	vadd.f32 v1, v63  }
0x77: {  	s25 =	sadd.s32 $0x1, s25;
	[tilespmem:s26+$0x150] =	vst v3;
	v2 =	vmax.f32 v2, $0.0e+00  }
0x78: {  	p0 =	sne.s32 s25, $0x7D;
	[tilespmem:s26+$0x160] =	vst v2;
	v1 =	vmax.f32 v1, $0.0e+00  }
.Ltmp2:
0x79: {  	[tilespmem:s26+$0x170] =	vst v1;
	(pc) =	sbr.rel @p0 .LBB2_4-.Ltmp2, $4  }
0x7a: {  	[spmem:s2] =	stream.indirect.scatter.add.f32 [tilespmem:s21], [sflag:$0x2], $0x80, s23, s20, $0xb8;
	[tilespmem:$0x19100] =	vst v63  }
0x7b: {  	_ =	swait.ge [sflag:s19], $0x2800  }
0x7c: {  	[sflag:s19] =	ssyncset.done $0x0  }
0x7d: {  	[sflag:s19] =	ssyncadd.s32 $0xFFFFD800  }
0x7e: {  	s3 =	sadd.s32 $0x1, s3  }
0x7f: {  	s24 =	sshll.u32 s0, $0x6;
	[bflag:$0x0] =	sbarrier.arrive $0xFFFF;
	p0 =	sne.s32 s3, s17  }
.Ltmp3:
0x80: {  	s25 =	sshrl.u32 s6, $0x3;
	s24 =	sor.u32 $0x1C02, s24;
	(pc) =	sbr.rel @p0 .LBB2_1-.Ltmp3, $4  }
0x81: {  	[hbm:s16], [sflag:s24] =	dma.local [spmem:s25], $0x2800  }
0x82: {  	_ =	swait.ge [sflag:s19], $0x2800  }
0x83: {  	[sflag:s19] =	ssyncset.done $0x0  }
0x84: {  	[sflag:s19] =	ssyncadd.s32 $0xFFFFD800  }
0x85: {  	_ =	sfence.sel $0x180000  }
0x86: {  	[bflag:$0x0] =	sbarrier.arrive $0xFFFF  }
0x87: {  	p0 =	sne.s32 s0, $0x0;
	_ =	strace $0x9000004D  }
0x88: {  	s0 =	sadd.s32 @!p0 $0x100000, s1;
	[bflag:$0x2] =	sbarrier.arrive $0xFFFF  }
0x89: {  	[sflag:s0] =	ssyncadd.tile.s32 @!p0 $0x1;
	_ =	shalt  }
.Lfunc_end2:
_tile_overlayer_lowered:
.L_overlay_start_2:
0x8a: {  	(tag) =	ssettag $0x2  }
0x8b: {  	s0 =	rddreg [dreg:$0x0];
	s2 =	stileid.u32  }
0x8c: {  	s1 =	rddreg [dreg:$0x1];
	p0 =	sne.s32 s2, $0x0  }
0x8d: {  	s3 =	rddreg [dreg:$0x2];
	[bflag:$0x3] =	sbarrier.arrive $0xFFFF;
	s2 =	simm.s32 @!p0 $0x1C02  }
0x8e: {  	[timem:s3], [sflag:s2] =	dma.local @!p0 [hbm:s0], s1  }
0x8f: {  	s0 =	simm.s32 @!p0 $0x2  }
0x90: {  	_ =	swait.ge @!p0 [sflag:s0], s1  }
0x91: {  	s1 =	ssub.s32 @!p0 $0x0, s1;
	[sflag:s0] =	ssyncset.done @!p0 $0x0  }
0x92: {  	[sflag:s0] =	ssyncadd.s32 @!p0 s1  }
0x93: {  	[bflag:$0x3] =	sbarrier.arrive $0xFFFF  }
0x94: {  	_ =	shalt  }

// kernel: kernel.22.cloned.1.call-start
scs
__scs_entry_jumppad:
0x0: {  	(pc) =	sbr.rel $0x88, $3  }
0x1: {  	(tag) =	ssettag $0x0;
	lr =	simm.s32 $0x1  }
0x2: {  	[smem:$0x3F83] =	sst lr;
	_ =	strace $0xD0000000  }
0x3: {  	_ = 	snop  }
0x4: {  	_ = 	snop  }
0x5: {  	_ = 	snop  }
0x6: {  	_ = 	snop  }
0x7: {  	_ = 	snop  }
__scs_overlays_trampoline_lowered:
0x8: {  	[smem:$0x3F92] =	sst s0  }
0x9: {  	[smem:$0x3F93] =	sst s1  }
0xa: {  	[smem:$0x3F94] =	sst s2  }
0xb: {  	[smem:$0x3F95] =	sst s3  }
0xc: {  	[smem:$0x3F96] =	sst s4  }
0xd: {  	[smem:$0x3F97] =	sst s5  }
0xe: {  	[smem:$0x3F98] =	sst s6  }
0xf: {  	[smem:$0x3F99] =	sst s7  }
0x10: {  	[smem:$0x3F9A] =	sst s8  }
0x11: {  	[smem:$0x3F9B] =	sst s9;
	s0 =	simm.s32 @!p0 $0x0  }
0x12: {  	s1 =	sld [smem:$0x3F81];
	s0 =	simm.s32 @p0 $0x1  }
0x13: {  	[smem:$0x3F9C] =	sst s0;
	s0 =	simm.s32 @!p1 $0x0  }
0x14: {  	s2 =	sld [smem:$0x3F80];
	s0 =	simm.s32 @p1 $0x1  }
0x15: {  	[smem:$0x3F9D] =	sst s0;
	s0 =	simm.s32 @!p2 $0x0  }
0x16: {  	s3 =	sld [smem:$0x3FDB];
	s0 =	simm.s32 @p2 $0x1  }
0x17: {  	s4 =	simm.s32 $0x1BF5;
	[smem:$0x3F9F] =	sst s0  }
0x18: {  	s0 =	sld [smem:$0x3F82];
	_ =	swait.ge [sflag:s4], $0x0  }
0x19: {  	s7 =	sld [smem:$0x3F83]  }
0x1a: {  	s8 =	sadd.s32 $0xFFFFE003, lr  }
0x1b: {  	s9 =	sadd.s32 $0xFFFFFEF7, lr;
	s5 =	simm.s32 $0xFFFFFFFF;
	p2 =	slt.u32 s8, $0xFFFFF086  }
0x1c: {  	p1 =	slt.u32 s9, $0xF7A;
	s5 =	simm.s32 @!p2 $0x0  }
0x1d: {  	s5 =	simm.s32 @p1 $0x1;
	p0 =	seq.s32 s7, s2  }
0x1e: {  	s7 =	smul.u32 @!p0 $0xF7A, s2;
	p2 =	seq.s32 @!p0 s5, $0x0  }
0x1f: {  	s9 =	smul.u32 $0xF7A, s1;
	s8 =	simm.s32 @!p0 $0x1BF5;
	p2 =	por !p2, p0  }
0x20: {  	[sflag:s8] =	ssyncset.s32 @!p0 $0xFFFFF086;
	s6 =	sadd.s32 @!p0 s3, s7;
	s7 =	simm.s32 @!p0 $0x108  }
0x21: {  	s3 =	sadd.s32 s3, s9;
	s6 =	sadd.s32 @!p0 $0x88, s6;
	s7 =	simm.s32 @p2 $0x1082  }
0x22: {  	[simem:s7], [sflag:s8] =	dma.local @!p0 [hbm:s6], $0xF7A  }
0x23: {  	s9 =	sor.u32 $0xD0000000, s2;
	s6 =	simm.s32 $0x108;
	_ =	swait.ge @!p0 [sflag:s8], $0x0  }
0x24: {  	s3 =	sadd.s32 $0x88, s3;
	s6 =	simm.s32 @!p1 $0x1082;
	[sflag:s4] =	ssyncset.s32 $0xFFFFF086  }
0x25: {  	[simem:s6], [sflag:s4] =	dma.local [hbm:s3], $0xF7A  }
0x26: {  	[smem:$0x3F83] =	sst s1;
	(tag) =	ssettag s2;
	_ =	strace s9  }
0x27: {  	s1 =	sld [smem:$0x3F93]  }
0x28: {  	s2 =	sld [smem:$0x3F94]  }
0x29: {  	s4 =	sld [smem:$0x3F96]  }
0x2a: {  	p0 =	seq.s32 s5, $0x0;
	s5 =	sld [smem:$0x3F97]  }
0x2b: {  	s6 =	sld [smem:$0x3F98]  }
0x2c: {  	s7 =	sld [smem:$0x3F99]  }
0x2d: {  	s3 =	simm.s32 $0x108;
	s8 =	sld [smem:$0x3F9A]  }
0x2e: {  	s3 =	simm.s32 @!p0 $0x1082;
	s9 =	sld [smem:$0x3F9B]  }
0x2f: {  	lr =	sadd.s32 s0, s3;
	s0 =	sld [smem:$0x3F92]  }
0x30: {  	s3 =	sld [smem:$0x3F95]  }
0x31: {  	[smem:$0x3F9E] =	sst s10  }
0x32: {  	s10 =	sld [smem:$0x3F9C];
	_ =	sdelay $0x3  }
0x33: {  	p0 =	seq.s32 s10, $0x1;
	s10 =	sld [smem:$0x3F9E];
	_ =	sdelay $0x3  }
0x34: {  	[smem:$0x3F9E] =	sst s10  }
0x35: {  	s10 =	sld [smem:$0x3F9D];
	_ =	sdelay $0x3  }
0x36: {  	p1 =	seq.s32 s10, $0x1;
	s10 =	sld [smem:$0x3F9E];
	_ =	sdelay $0x3  }
0x37: {  	[smem:$0x3F9E] =	sst s10  }
0x38: {  	s10 =	sld [smem:$0x3F9F]  }
0x39: {  	_ = 	snop;
	(pc) =	sbr.ind lr, $3  }
0x3a: {  	_ = 	snop  }
0x3b: {  	_ = 	snop  }
0x3c: {  	p2 =	seq.s32 s10, $0x1;
	s10 =	sld [smem:$0x3F9E]  }
0x3d: {  	_ =	shalt  }
0x3e: {  	_ =	shalt  }
0x3f: {  	_ =	shalt  }
0x40: {  	_ =	shalt  }
0x41: {  	_ =	shalt  }
0x42: {  	_ =	shalt  }
0x43: {  	_ =	shalt  }
0x44: {  	_ =	shalt  }
0x45: {  	_ =	shalt  }
0x46: {  	_ =	shalt  }
0x47: {  	_ =	shalt  }
0x48: {  	_ =	shalt  }
0x49: {  	_ =	shalt  }
0x4a: {  	_ =	shalt  }
0x4b: {  	_ =	shalt  }
0x4c: {  	_ =	shalt  }
0x4d: {  	_ =	shalt  }
0x4e: {  	_ =	shalt  }
0x4f: {  	_ =	shalt  }
0x50: {  	_ =	shalt  }
0x51: {  	_ =	shalt  }
0x52: {  	_ =	shalt  }
0x53: {  	_ =	shalt  }
0x54: {  	_ =	shalt  }
0x55: {  	_ =	shalt  }
0x56: {  	_ =	shalt  }
0x57: {  	_ =	shalt  }
0x58: {  	_ =	shalt  }
0x59: {  	_ =	shalt  }
0x5a: {  	_ =	shalt  }
0x5b: {  	_ =	shalt  }
0x5c: {  	_ =	shalt  }
0x5d: {  	_ =	shalt  }
0x5e: {  	_ =	shalt  }
0x5f: {  	_ =	shalt  }
0x60: {  	_ =	shalt  }
0x61: {  	_ =	shalt  }
0x62: {  	_ =	shalt  }
0x63: {  	_ =	shalt  }
0x64: {  	_ =	shalt  }
0x65: {  	_ =	shalt  }
0x66: {  	_ =	shalt  }
0x67: {  	_ =	shalt  }
0x68: {  	_ =	shalt  }
0x69: {  	_ =	shalt  }
0x6a: {  	_ =	shalt  }
0x6b: {  	_ =	shalt  }
0x6c: {  	_ =	shalt  }
0x6d: {  	_ =	shalt  }
0x6e: {  	_ =	shalt  }
0x6f: {  	_ =	shalt  }
0x70: {  	_ =	shalt  }
0x71: {  	_ =	shalt  }
0x72: {  	_ =	shalt  }
0x73: {  	_ =	shalt  }
0x74: {  	_ =	shalt  }
0x75: {  	_ =	shalt  }
0x76: {  	_ =	shalt  }
0x77: {  	_ =	shalt  }
0x78: {  	_ =	shalt  }
0x79: {  	_ =	shalt  }
0x7a: {  	_ =	shalt  }
0x7b: {  	_ =	shalt  }
0x7c: {  	_ =	shalt  }
0x7d: {  	_ =	shalt  }
0x7e: {  	_ =	shalt  }
0x7f: {  	_ =	shalt  }
0x80: {  	_ =	shalt  }
0x81: {  	_ =	shalt  }
0x82: {  	_ =	shalt  }
0x83: {  	_ =	shalt  }
0x84: {  	_ =	shalt  }
0x85: {  	_ =	shalt  }
0x86: {  	_ =	shalt  }
0x87: {  	_ =	shalt  }
.Lfunc_end0:
.L_simem_size_0:
called_computation.3_lowered:
.L_overlay_start_0:
0x88: {  	s2 =	sld [smem:$0x3FD9]  }
0x89: {  	s3 =	sld [smem:$0x3FFE];
	_ =	sdelay $0x1  }
0x8a: {  	s1 =	srdreg.scid  }
0x8b: {  	s0 =	sand.u32 $0x1, s1  }
0x8c: {  	s16 =	sshll.u32 s0, $0xA;
	s2 =	sadd.s32 s3, s2  }
0x8d: {  	s2 =	sadd.s32 s2, s16  }
0x8e: {  	[smem:$0x3FAA] =	sst s2  }
0x8f: {  	_ = 	snop  }
0x90: {  	(tm) =	ssettm $0x1  }
0x91: {  	s17 =	sld [smem:$0x3FFB];
	_ =	sdelay $0x3  }
0x92: {  	_ =	strace s17  }
0x93: {  	s2 =	sld [smem:$0x3FFC];
	_ =	sdelay $0x3  }
0x94: {  	_ =	strace s2  }
0x95: {  	s2 =	sld [smem:$0x3FFD];
	_ =	sdelay $0x3  }
0x96: {  	_ =	strace s2  }
0x97: {  	_ =	strace $0x8FFFFFFF  }
0x98: {  	s18 =	sld [smem:$0x3FDB];
	_ =	sdelay $0x1  }
0x99: {  	s19 =	simm.s32 $_scs_section_size  }
0x9a: {  	s4 =	simm.s32 $_size__tile_overlayer_lowered;
	s5 =	simm.s32 $_tile_overlayer_lowered  }
0x9b: {  	s22 =	simm.s32 $0x1BFF;
	s21 =	sshll.u32 s5, $0x1;
	s2 =	sadd.s32 s19, s18  }
0x9c: {  	s6 =	simm.s32 $0x0;
	s20 =	sshll.u32 s4, $0x1;
	s4 =	sadd.s32 s21, s2  }
0x9d: {  	[timem:s6], [sflag:s22] =	dma.local [hbm:s4], s20  }
0x9e: {  	_ =	swait.ge [sflag:s22], s20  }
0x9f: {  	s3 =	ssub.s32 $0x0, s20;
	[sflag:s22] =	ssyncset.done $0x0  }
0xa0: {  	[sflag:s22] =	ssyncadd.s32 s3;
	_ =	sdelay $0x1  }
0xa1: {  	s23 =	simm.s32 $0x1B8B  }
0xa2: {  	_ =	swait.ge [sflag:s23], $0x1  }
0xa3: {  	[sflag:s23] =	ssyncset.done $0x0  }
0xa4: {  	s25 =	simm.s32 $0x1B8E;
	s24 =	sld [smem:$0x3FFE];
	[sflag:s23] =	ssyncadd.s32 $0xFFFFFFFF  }
0xa5: {  	s26 =	simm.s32 $execute0_lowered;
	[smem:$0x3FD2] =	sst s25  }
0xa6: {  	s4 =	sshll.u32 s26, $0x1;
	_ =	strace $0x8000004F;
	[dreg:$0x1] =	wrdreg $0xFFFFFFFF  }
0xa7: {  	s28 =	simm.s32 $_size_execute0_lowered;
	s2 =	sadd.s32 s2, s4;
	[dreg:$0x0] =	wrdreg $0x0  }
0xa8: {  	s4 =	sshll.u32 s28, $0x1;
	[dreg:$0x2] =	wrdreg s2  }
0xa9: {  	[dreg:$0x3] =	wrdreg s4  }
0xaa: {  	[dreg:$0x4] =	wrdreg $0xC0  }
0xab: {  	_ =	task [dreg:s6], $0x5FFFF  }
0xac: {  	[dreg:$0x1] =	wrdreg $0xFFFFFFFF  }
0xad: {  	[dreg:$0x0] =	wrdreg $0x60  }
0xae: {  	[dreg:$0x2] =	wrdreg s24  }
0xaf: {  	[dreg:$0x3] =	wrdreg $0x9  }
0xb0: {  	_ =	task.clear_ibuf [dreg:s6], $0x4FFFF;
	_ =	strace $0x9000004F  }
0xb1: {  	s29 =	simm.s32 $0x9;
	_ =	strace $0x80000051  }
0xb2: {  	_ =	swait.ge [sflag:s29], $0x1  }
0xb3: {  	[sflag:s29] =	ssyncadd.s32 $0xFFFFFFFF  }
0xb4: {  	_ =	strace $0x90000051  }
0xb5: {  	_ =	sfence  }
0xb6: {  	s30 =	sld [smem:$0x0];
	_ =	sdelay $0x2  }
0xb7: {  	s31 =	sshll.u32 s1, $0xD;
	s1 =	sshrl.u32 s1, $0x2  }
0xb8: {  	s3 =	sand.u32 $0x4000, s31;
	s1 =	sadd.s32 s1, s30  }
0xb9: {  	s0 =	sor.u32 s3, s0;
	s1 =	sshll.u32 s1, $0x11  }
0xba: {  	s0 =	sor.u32 s1, s0  }
0xbb: {  	s0 =	sadd.s32 $0x8F2B, s0  }
0xbc: {  	[sflag:s0] =	ssyncadd.remote.s32 $0x1  }
0xbd: {  	_ =	sfence.sel $0xFFFF  }
0xbe: {  	[dreg:$0x0] =	wrdreg $0xFFFFFFFF;
	(pc) =	sbr.abs _section_cstart, $3  }
0xbf: {  	[dreg:$0x1] =	wrdreg $0xFFFFFFFF  }
0xc0: {  	_ =	task.clear_ibuf [dreg:s6], $0x2FFFF;
	_ =	strace $0x9FFFFFFF  }
0xc1: {  	(tm) =	ssettm $0x7FFFFFFF  }
tec
execute0_lowered:
.L_overlay_start_1:
0x0: {  	(tag) =	ssettag $0x1  }
0x1: {  	s1 =	srdreg.scid  }
0x2: {  	s1 =	sand.u32 $0x1, s1  }
0x3: {  	p0 =	seq.s32 s1, $0x1  }
.Ltmp0:
0x4: {  	_ = 	snop;
	(pc) =	sbr.rel @p0 .LBB2_2-.Ltmp0, $4  }
0x5: {  	_ = 	snop  }
0x6: {  	s2 =	rddreg [dreg:$0x0];
	s3 =	simm.s32 $0x0  }
0x7: {  	[smem:$0x7FF] =	sst s3  }
0x8: {  	s0 =	rddreg [dreg:$0x1];
	_ =	strace $0x80000050;
	s1 =	stileid.u32  }
0x9: {  	s5 =	smul.u32 $0x2700, s1  }
0xa: {  	s11 =	sadd.s32 $0x6000, s2  }
0xb: {  	s4 =	sadd.s32 s11, s5  }
0xc: {  	[tilespmem:s3], [sflag:$0x1] =	stream.linear.gather [hbm4b:s4+s3], $0x3400, $0x38;
	[tilespmem:$0x3400] =	vst v63  }
0xd: {  	s4 =	simm.s32 $0x1  }
0xe: {  	_ =	swait.ge [sflag:s4], $0x3400  }
0xf: {  	s12 =	sadd.s32 $0x7B600, s2;
	[sflag:s4] =	ssyncset.done $0x0  }
0x10: {  	s6 =	sadd.s32 s12, s5;
	[sflag:s4] =	ssyncadd.s32 $0xFFFFCC00  }
0x11: {  	[hbm4b:s6+s3] =	stream.linear.scatter [tilespmem:s3], [sflag:$0x1], $0x3400, $0x38;
	[tilespmem:$0x3400] =	vst v63  }
0x12: {  	_ =	swait.ge [sflag:s4], $0x3400  }
0x13: {  	s6 =	sadd.s32 $0x680, s5;
	[sflag:s4] =	ssyncset.done $0x0  }
0x14: {  	s7 =	sadd.s32 s11, s6;
	[sflag:s4] =	ssyncadd.s32 $0xFFFFCC00  }
0x15: {  	[tilespmem:s3], [sflag:$0x1] =	stream.linear.gather [hbm4b:s7+s3], $0x3400, $0x38;
	[tilespmem:$0x3400] =	vst v63  }
0x16: {  	_ =	swait.ge [sflag:s4], $0x3400  }
0x17: {  	[sflag:s4] =	ssyncset.done $0x0  }
0x18: {  	s17 =	sadd.s32 s12, s6;
	[sflag:s4] =	ssyncadd.s32 $0xFFFFCC00  }
0x19: {  	[hbm4b:s17+s3] =	stream.linear.scatter [tilespmem:s3], [sflag:$0x1], $0x3400, $0x38;
	[tilespmem:$0x3400] =	vst v63  }
0x1a: {  	_ =	swait.ge [sflag:s4], $0x3400  }
0x1b: {  	s7 =	sadd.s32 $0xD00, s5;
	[sflag:s4] =	ssyncset.done $0x0  }
0x1c: {  	s8 =	sadd.s32 s11, s7;
	[sflag:s4] =	ssyncadd.s32 $0xFFFFCC00  }
0x1d: {  	[tilespmem:s3], [sflag:$0x1] =	stream.linear.gather [hbm4b:s8+s3], $0x3400, $0x38;
	[tilespmem:$0x3400] =	vst v63  }
0x1e: {  	_ =	swait.ge [sflag:s4], $0x3400  }
0x1f: {  	[sflag:s4] =	ssyncset.done $0x0  }
0x20: {  	s18 =	sadd.s32 s12, s7;
	[sflag:s4] =	ssyncadd.s32 $0xFFFFCC00  }
0x21: {  	[hbm4b:s18+s3] =	stream.linear.scatter [tilespmem:s3], [sflag:$0x1], $0x3400, $0x38;
	[tilespmem:$0x3400] =	vst v63  }
0x22: {  	_ =	swait.ge [sflag:s4], $0x3400  }
0x23: {  	s8 =	sadd.s32 $0x1380, s5;
	[sflag:s4] =	ssyncset.done $0x0  }
0x24: {  	s9 =	sadd.s32 s11, s8;
	[sflag:s4] =	ssyncadd.s32 $0xFFFFCC00  }
0x25: {  	[tilespmem:s3], [sflag:$0x1] =	stream.linear.gather [hbm4b:s9+s3], $0x3400, $0x38;
	[tilespmem:$0x3400] =	vst v63  }
0x26: {  	_ =	swait.ge [sflag:s4], $0x3400  }
0x27: {  	[sflag:s4] =	ssyncset.done $0x0  }
0x28: {  	s19 =	sadd.s32 s12, s8;
	[sflag:s4] =	ssyncadd.s32 $0xFFFFCC00  }
0x29: {  	[hbm4b:s19+s3] =	stream.linear.scatter [tilespmem:s3], [sflag:$0x1], $0x3400, $0x38;
	[tilespmem:$0x3400] =	vst v63  }
0x2a: {  	_ =	swait.ge [sflag:s4], $0x3400  }
0x2b: {  	s9 =	sadd.s32 $0x1A00, s5;
	[sflag:s4] =	ssyncset.done $0x0  }
0x2c: {  	s10 =	sadd.s32 s11, s9;
	[sflag:s4] =	ssyncadd.s32 $0xFFFFCC00  }
0x2d: {  	[tilespmem:s3], [sflag:$0x1] =	stream.linear.gather [hbm4b:s10+s3], $0x3400, $0x38;
	[tilespmem:$0x3400] =	vst v63  }
0x2e: {  	_ =	swait.ge [sflag:s4], $0x3400  }
0x2f: {  	[sflag:s4] =	ssyncset.done $0x0  }
0x30: {  	s20 =	sadd.s32 s12, s9;
	[sflag:s4] =	ssyncadd.s32 $0xFFFFCC00  }
0x31: {  	[hbm4b:s20+s3] =	stream.linear.scatter [tilespmem:s3], [sflag:$0x1], $0x3400, $0x38;
	[tilespmem:$0x3400] =	vst v63  }
0x32: {  	_ =	swait.ge [sflag:s4], $0x3400  }
0x33: {  	s10 =	sadd.s32 $0x2080, s5;
	[sflag:s4] =	ssyncset.done $0x0  }
0x34: {  	s11 =	sadd.s32 s11, s10;
	[sflag:s4] =	ssyncadd.s32 $0xFFFFCC00  }
0x35: {  	[tilespmem:s3], [sflag:$0x1] =	stream.linear.gather [hbm4b:s11+s3], $0x3400, $0x38;
	[tilespmem:$0x3400] =	vst v63  }
0x36: {  	_ =	swait.ge [sflag:s4], $0x3400  }
0x37: {  	[sflag:s4] =	ssyncset.done $0x0  }
0x38: {  	s21 =	sadd.s32 s12, s10;
	[sflag:s4] =	ssyncadd.s32 $0xFFFFCC00  }
0x39: {  	[hbm4b:s21+s3] =	stream.linear.scatter [tilespmem:s3], [sflag:$0x1], $0x3400, $0x38;
	[tilespmem:$0x3400] =	vst v63  }
0x3a: {  	_ =	swait.ge [sflag:s4], $0x3400  }
0x3b: {  	p0 =	sne.s32 s1, $0xF;
	[sflag:s4] =	ssyncset.done $0x0  }
0x3c: {  	s12 =	simm.s32 @!p0 $0x0;
	s11 =	sadd.s32 $0x2D000, s2;
	[sflag:s4] =	ssyncadd.s32 $0xFFFFCC00  }
0x3d: {  	[tilespmem:s12], [sflag:$0x1] =	stream.linear.gather @!p0 [hbm4b:s11+s12], $0x800, $0x38;
	[tilespmem:$0x3400] =	vst v63  }
0x3e: {  	s11 =	simm.s32 @!p0 $0x1  }
0x3f: {  	_ =	swait.ge @!p0 [sflag:s11], $0x800  }
0x40: {  	[sflag:s11] =	ssyncset.done @!p0 $0x0  }
0x41: {  	s13 =	sadd.s32 $0xA2600, s2;
	[sflag:s11] =	ssyncadd.s32 @!p0 $0xFFFFF800  }
0x42: {  	[hbm4b:s13+s12] =	stream.linear.scatter @!p0 [tilespmem:s12], [sflag:$0x1], $0x800, $0x38;
	[tilespmem:$0x3400] =	vst v63  }
0x43: {  	_ =	swait.ge @!p0 [sflag:s11], $0x800  }
0x44: {  	s22 =	sadd.s32 $0x54400, s2;
	[sflag:s11] =	ssyncset.done @!p0 $0x0  }
0x45: {  	s14 =	sadd.s32 s22, s5;
	[sflag:s11] =	ssyncadd.s32 @!p0 $0xFFFFF800  }
0x46: {  	[tilespmem:s3], [sflag:$0x1] =	stream.linear.gather [hbm4b:s14+s3], $0x3400, $0x38;
	[tilespmem:$0x3400] =	vst v63  }
0x47: {  	_ =	swait.ge [sflag:s4], $0x3400  }
0x48: {  	s23 =	sadd.s32 $0xA2800, s2;
	[sflag:s4] =	ssyncset.done $0x0  }
0x49: {  	s15 =	sadd.s32 s23, s5;
	[sflag:s4] =	ssyncadd.s32 $0xFFFFCC00  }
0x4a: {  	[hbm4b:s15+s3] =	stream.linear.scatter [tilespmem:s3], [sflag:$0x1], $0x3400, $0x38;
	[tilespmem:$0x3400] =	vst v63  }
0x4b: {  	_ =	swait.ge [sflag:s4], $0x3400  }
0x4c: {  	[sflag:s4] =	ssyncset.done $0x0  }
0x4d: {  	s24 =	sadd.s32 s22, s6;
	[sflag:s4] =	ssyncadd.s32 $0xFFFFCC00  }
0x4e: {  	[tilespmem:s3], [sflag:$0x1] =	stream.linear.gather [hbm4b:s24+s3], $0x3400, $0x38;
	[tilespmem:$0x3400] =	vst v63  }
0x4f: {  	_ =	swait.ge [sflag:s4], $0x3400  }
0x50: {  	[sflag:s4] =	ssyncset.done $0x0  }
0x51: {  	s25 =	sadd.s32 s23, s6;
	[sflag:s4] =	ssyncadd.s32 $0xFFFFCC00  }
0x52: {  	[hbm4b:s25+s3] =	stream.linear.scatter [tilespmem:s3], [sflag:$0x1], $0x3400, $0x38;
	[tilespmem:$0x3400] =	vst v63  }
0x53: {  	_ =	swait.ge [sflag:s4], $0x3400  }
0x54: {  	[sflag:s4] =	ssyncset.done $0x0  }
0x55: {  	s26 =	sadd.s32 s22, s7;
	[sflag:s4] =	ssyncadd.s32 $0xFFFFCC00  }
0x56: {  	[tilespmem:s3], [sflag:$0x1] =	stream.linear.gather [hbm4b:s26+s3], $0x3400, $0x38;
	[tilespmem:$0x3400] =	vst v63  }
0x57: {  	_ =	swait.ge [sflag:s4], $0x3400  }
0x58: {  	[sflag:s4] =	ssyncset.done $0x0  }
0x59: {  	s28 =	sadd.s32 s23, s7;
	[sflag:s4] =	ssyncadd.s32 $0xFFFFCC00  }
0x5a: {  	[hbm4b:s28+s3] =	stream.linear.scatter [tilespmem:s3], [sflag:$0x1], $0x3400, $0x38;
	[tilespmem:$0x3400] =	vst v63  }
0x5b: {  	_ =	swait.ge [sflag:s4], $0x3400  }
0x5c: {  	[sflag:s4] =	ssyncset.done $0x0  }
0x5d: {  	s29 =	sadd.s32 s22, s8;
	[sflag:s4] =	ssyncadd.s32 $0xFFFFCC00  }
0x5e: {  	[tilespmem:s3], [sflag:$0x1] =	stream.linear.gather [hbm4b:s29+s3], $0x3400, $0x38;
	[tilespmem:$0x3400] =	vst v63  }
0x5f: {  	_ =	swait.ge [sflag:s4], $0x3400  }
0x60: {  	[sflag:s4] =	ssyncset.done $0x0  }
0x61: {  	s30 =	sadd.s32 s23, s8;
	[sflag:s4] =	ssyncadd.s32 $0xFFFFCC00  }
0x62: {  	[hbm4b:s30+s3] =	stream.linear.scatter [tilespmem:s3], [sflag:$0x1], $0x3400, $0x38;
	[tilespmem:$0x3400] =	vst v63  }
0x63: {  	_ =	swait.ge [sflag:s4], $0x3400  }
0x64: {  	[sflag:s4] =	ssyncset.done $0x0  }
0x65: {  	s31 =	sadd.s32 s22, s9;
	[sflag:s4] =	ssyncadd.s32 $0xFFFFCC00  }
0x66: {  	[tilespmem:s3], [sflag:$0x1] =	stream.linear.gather [hbm4b:s31+s3], $0x3400, $0x38;
	[tilespmem:$0x3400] =	vst v63  }
0x67: {  	_ =	swait.ge [sflag:s4], $0x3400  }
0x68: {  	[sflag:s4] =	ssyncset.done $0x0  }
0x69: {  	s16 =	sadd.s32 s23, s9;
	[sflag:s4] =	ssyncadd.s32 $0xFFFFCC00  }
0x6a: {  	[hbm4b:s16+s3] =	stream.linear.scatter [tilespmem:s3], [sflag:$0x1], $0x3400, $0x38;
	[tilespmem:$0x3400] =	vst v63  }
0x6b: {  	_ =	swait.ge [sflag:s4], $0x3400  }
0x6c: {  	[sflag:s4] =	ssyncset.done $0x0  }
0x6d: {  	s13 =	sadd.s32 s22, s10;
	[sflag:s4] =	ssyncadd.s32 $0xFFFFCC00  }
0x6e: {  	[tilespmem:s3], [sflag:$0x1] =	stream.linear.gather [hbm4b:s13+s3], $0x3400, $0x38;
	[tilespmem:$0x3400] =	vst v63  }
0x6f: {  	_ =	swait.ge [sflag:s4], $0x3400  }
0x70: {  	[sflag:s4] =	ssyncset.done $0x0  }
0x71: {  	s17 =	sadd.s32 s23, s10;
	[sflag:s4] =	ssyncadd.s32 $0xFFFFCC00  }
0x72: {  	[hbm4b:s17+s3] =	stream.linear.scatter [tilespmem:s3], [sflag:$0x1], $0x3400, $0x38;
	[tilespmem:$0x3400] =	vst v63  }
0x73: {  	_ =	swait.ge [sflag:s4], $0x3400  }
0x74: {  	[sflag:s4] =	ssyncset.done $0x0  }
0x75: {  	s13 =	sadd.s32 $0x7B400, s2;
	[sflag:s4] =	ssyncadd.s32 $0xFFFFCC00  }
0x76: {  	[tilespmem:s12], [sflag:$0x1] =	stream.linear.gather @!p0 [hbm4b:s13+s12], $0x800, $0x38;
	[tilespmem:$0x3400] =	vst v63  }
0x77: {  	_ =	swait.ge @!p0 [sflag:s11], $0x800  }
0x78: {  	[sflag:s11] =	ssyncset.done @!p0 $0x0  }
0x79: {  	s13 =	sadd.s32 $0xC9800, s2;
	[sflag:s11] =	ssyncadd.s32 @!p0 $0xFFFFF800  }
0x7a: {  	[hbm4b:s13+s12] =	stream.linear.scatter @!p0 [tilespmem:s12], [sflag:$0x1], $0x800, $0x38;
	[tilespmem:$0x3400] =	vst v63  }
0x7b: {  	_ =	swait.ge @!p0 [sflag:s11], $0x800  }
0x7c: {  	s18 =	sadd.s32 $0x2D200, s2;
	[sflag:s11] =	ssyncset.done @!p0 $0x0  }
0x7d: {  	s19 =	sadd.s32 s18, s5;
	[sflag:s11] =	ssyncadd.s32 @!p0 $0xFFFFF800  }
0x7e: {  	[tilespmem:s3], [sflag:$0x1] =	stream.linear.gather [hbm4b:s19+s3], $0x3400, $0x38;
	[tilespmem:$0x3400] =	vst v63  }
0x7f: {  	_ =	swait.ge [sflag:s4], $0x3400  }
0x80: {  	s20 =	sadd.s32 $0xC9A00, s2;
	[sflag:s4] =	ssyncset.done $0x0  }
0x81: {  	s5 =	sadd.s32 s20, s5;
	[sflag:s4] =	ssyncadd.s32 $0xFFFFCC00  }
0x82: {  	[hbm4b:s5+s3] =	stream.linear.scatter [tilespmem:s3], [sflag:$0x1], $0x3400, $0x38;
	[tilespmem:$0x3400] =	vst v63  }
0x83: {  	_ =	swait.ge [sflag:s4], $0x3400  }
0x84: {  	[sflag:s4] =	ssyncset.done $0x0  }
0x85: {  	s21 =	sadd.s32 s18, s6;
	[sflag:s4] =	ssyncadd.s32 $0xFFFFCC00  }
0x86: {  	[tilespmem:s3], [sflag:$0x1] =	stream.linear.gather [hbm4b:s21+s3], $0x3400, $0x38;
	[tilespmem:$0x3400] =	vst v63  }
0x87: {  	_ =	swait.ge [sflag:s4], $0x3400  }
0x88: {  	[sflag:s4] =	ssyncset.done $0x0  }
0x89: {  	s22 =	sadd.s32 s20, s6;
	[sflag:s4] =	ssyncadd.s32 $0xFFFFCC00  }
0x8a: {  	[hbm4b:s22+s3] =	stream.linear.scatter [tilespmem:s3], [sflag:$0x1], $0x3400, $0x38;
	[tilespmem:$0x3400] =	vst v63  }
0x8b: {  	_ =	swait.ge [sflag:s4], $0x3400  }
0x8c: {  	[sflag:s4] =	ssyncset.done $0x0  }
0x8d: {  	s23 =	sadd.s32 s18, s7;
	[sflag:s4] =	ssyncadd.s32 $0xFFFFCC00  }
0x8e: {  	[tilespmem:s3], [sflag:$0x1] =	stream.linear.gather [hbm4b:s23+s3], $0x3400, $0x38;
	[tilespmem:$0x3400] =	vst v63  }
0x8f: {  	_ =	swait.ge [sflag:s4], $0x3400  }
0x90: {  	[sflag:s4] =	ssyncset.done $0x0  }
0x91: {  	s24 =	sadd.s32 s20, s7;
	[sflag:s4] =	ssyncadd.s32 $0xFFFFCC00  }
0x92: {  	[hbm4b:s24+s3] =	stream.linear.scatter [tilespmem:s3], [sflag:$0x1], $0x3400, $0x38;
	[tilespmem:$0x3400] =	vst v63  }
0x93: {  	_ =	swait.ge [sflag:s4], $0x3400  }
0x94: {  	[sflag:s4] =	ssyncset.done $0x0  }
0x95: {  	s25 =	sadd.s32 s18, s8;
	[sflag:s4] =	ssyncadd.s32 $0xFFFFCC00  }
0x96: {  	[tilespmem:s3], [sflag:$0x1] =	stream.linear.gather [hbm4b:s25+s3], $0x3400, $0x38;
	[tilespmem:$0x3400] =	vst v63  }
0x97: {  	_ =	swait.ge [sflag:s4], $0x3400  }
0x98: {  	[sflag:s4] =	ssyncset.done $0x0  }
0x99: {  	s26 =	sadd.s32 s20, s8;
	[sflag:s4] =	ssyncadd.s32 $0xFFFFCC00  }
0x9a: {  	[hbm4b:s26+s3] =	stream.linear.scatter [tilespmem:s3], [sflag:$0x1], $0x3400, $0x38;
	[tilespmem:$0x3400] =	vst v63  }
0x9b: {  	_ =	swait.ge [sflag:s4], $0x3400  }
0x9c: {  	[sflag:s4] =	ssyncset.done $0x0  }
0x9d: {  	s28 =	sadd.s32 s18, s9;
	[sflag:s4] =	ssyncadd.s32 $0xFFFFCC00  }
0x9e: {  	[tilespmem:s3], [sflag:$0x1] =	stream.linear.gather [hbm4b:s28+s3], $0x3400, $0x38;
	[tilespmem:$0x3400] =	vst v63  }
0x9f: {  	_ =	swait.ge [sflag:s4], $0x3400  }
0xa0: {  	[sflag:s4] =	ssyncset.done $0x0  }
0xa1: {  	s29 =	sadd.s32 s20, s9;
	[sflag:s4] =	ssyncadd.s32 $0xFFFFCC00  }
0xa2: {  	[hbm4b:s29+s3] =	stream.linear.scatter [tilespmem:s3], [sflag:$0x1], $0x3400, $0x38;
	[tilespmem:$0x3400] =	vst v63  }
0xa3: {  	_ =	swait.ge [sflag:s4], $0x3400  }
0xa4: {  	[sflag:s4] =	ssyncset.done $0x0  }
0xa5: {  	s30 =	sadd.s32 s18, s10;
	[sflag:s4] =	ssyncadd.s32 $0xFFFFCC00  }
0xa6: {  	[tilespmem:s3], [sflag:$0x1] =	stream.linear.gather [hbm4b:s30+s3], $0x3400, $0x38;
	[tilespmem:$0x3400] =	vst v63  }
0xa7: {  	_ =	swait.ge [sflag:s4], $0x3400  }
0xa8: {  	[sflag:s4] =	ssyncset.done $0x0  }
0xa9: {  	s31 =	sadd.s32 s20, s10;
	[sflag:s4] =	ssyncadd.s32 $0xFFFFCC00  }
0xaa: {  	[hbm4b:s31+s3] =	stream.linear.scatter [tilespmem:s3], [sflag:$0x1], $0x3400, $0x38;
	[tilespmem:$0x3400] =	vst v63  }
0xab: {  	_ =	swait.ge [sflag:s4], $0x3400  }
0xac: {  	[sflag:s4] =	ssyncset.done $0x0  }
0xad: {  	s3 =	sadd.s32 $0x54200, s2;
	[sflag:s4] =	ssyncadd.s32 $0xFFFFCC00  }
0xae: {  	[tilespmem:s12], [sflag:$0x1] =	stream.linear.gather @!p0 [hbm4b:s3+s12], $0x800, $0x38;
	[tilespmem:$0x3400] =	vst v63  }
0xaf: {  	_ =	swait.ge @!p0 [sflag:s11], $0x800  }
0xb0: {  	[sflag:s11] =	ssyncset.done @!p0 $0x0  }
0xb1: {  	s2 =	sadd.s32 $0xF0A00, s2;
	[sflag:s11] =	ssyncadd.s32 @!p0 $0xFFFFF800  }
0xb2: {  	[hbm4b:s2+s12] =	stream.linear.scatter @!p0 [tilespmem:s12], [sflag:$0x1], $0x800, $0x38;
	[tilespmem:$0x3400] =	vst v63  }
0xb3: {  	_ =	swait.ge @!p0 [sflag:s11], $0x800  }
0xb4: {  	[sflag:s11] =	ssyncset.done @!p0 $0x0  }
0xb5: {  	[sflag:s11] =	ssyncadd.s32 @!p0 $0xFFFFF800  }
.LBB2_2:
0xb6: {  	_ =	sfence.sel $0x180000  }
0xb7: {  	[bflag:$0x0] =	sbarrier.arrive $0xFFFF  }
0xb8: {  	p0 =	sne.s32 s1, $0x0;
	_ =	strace $0x90000050  }
0xb9: {  	s0 =	sadd.s32 @!p0 $0x100000, s0;
	[bflag:$0x2] =	sbarrier.arrive $0xFFFF  }
0xba: {  	[sflag:s0] =	ssyncadd.tile.s32 @!p0 $0x1;
	_ =	shalt  }
.Lfunc_end2:
_tile_overlayer_lowered:
.L_overlay_start_2:
0xbb: {  	(tag) =	ssettag $0x2  }
0xbc: {  	s0 =	rddreg [dreg:$0x0];
	s2 =	stileid.u32  }
0xbd: {  	s1 =	rddreg [dreg:$0x1];
	p0 =	sne.s32 s2, $0x0  }
0xbe: {  	s3 =	rddreg [dreg:$0x2];
	[bflag:$0x3] =	sbarrier.arrive $0xFFFF;
	s2 =	simm.s32 @!p0 $0x1C01  }
0xbf: {  	[timem:s3], [sflag:s2] =	dma.local @!p0 [hbm:s0], s1  }
0xc0: {  	s0 =	simm.s32 @!p0 $0x1  }
0xc1: {  	_ =	swait.ge @!p0 [sflag:s0], s1  }
0xc2: {  	s1 =	ssub.s32 @!p0 $0x0, s1;
	[sflag:s0] =	ssyncset.done @!p0 $0x0  }
0xc3: {  	[sflag:s0] =	ssyncadd.s32 @!p0 s1  }
0xc4: {  	[bflag:$0x3] =	sbarrier.arrive $0xFFFF  }
0xc5: {  	_ =	shalt  }

</sc_bundles>
